<compile_context>
chip_gen: v7x
topology: tpu7x:2x2x1
jax: 0.10.2.dev20260603
libtpu: 0.0.44.dev20260713+nightly
codegen_flags: <defaults>
</compile_context>

<pallas_src>
import jax
import jax.numpy as jnp
from jax import lax
from jax.experimental import pallas as pl
from jax.experimental.pallas import tpu as pltpu
from jax.experimental.pallas import tpu_sc as plsc

TOPK = 8
EPS = 1e-20
T_BLK = 128
TGT = 2048
BATCH = 4
SRC = 4096
ROWS = TGT * BATCH

_NC, _NS = 2, 16
_NW = _NC * _NS
_ROWS_PER_TILE = ROWS // _NW
_GROUPS_PER_TILE = _ROWS_PER_TILE // 16


def _topk_body(attn_ref, selT_ref, maskT_ref, negidx_ref, keys_ref, spm_ref):
    @pl.when(pl.program_id(0) == 0)
    def _():
        spm_ref[...] = selT_ref[0] * maskT_ref[0]

    negidx = negidx_ref[...]
    m1 = None
    for c in range(SRC // 128):
        ac = attn_ref[:, :, c * 128:(c + 1) * 128]
        bits = jax.lax.bitcast_convert_type(ac, jnp.int32)
        keyc = (bits | jnp.int32(4095)) + negidx[:, :, c * 128:(c + 1) * 128]
        kf = jax.lax.bitcast_convert_type(keyc, jnp.float32)
        if c == 0:
            m1 = kf
        else:
            m1 = jnp.maximum(m1, kf)

    for r in range(TOPK):
        m = jnp.max(m1, axis=2, keepdims=True)
        keys_ref[:, :, r:r + 1] = m
        if r < TOPK - 1:
            m1 = jnp.where(m1 == m, -jnp.inf, m1)


def _sc_gather_body(keys_hbm, spm_hbm, out_hbm, keys_v, spm_v, out_v):
    wid = lax.axis_index("s") * _NC + lax.axis_index("c")
    t_per_tile = _ROWS_PER_TILE // BATCH
    base_row = wid * _ROWS_PER_TILE
    pltpu.sync_copy(keys_hbm.at[pl.ds(wid * t_per_tile, t_per_tile)], keys_v)
    pltpu.sync_copy(spm_hbm, spm_v)
    iota = lax.broadcasted_iota(jnp.int32, (16,), 0)
    for g in range(_GROUPS_PER_TILE):
        lr = iota + (g * 16)
        tvec = lax.shift_right_logical(lr, 2)
        bvec = lr & jnp.int32(BATCH - 1)
        acc = jnp.zeros((16,), jnp.float32)
        for k in range(TOPK):
            kf = plsc.load_gather(keys_v, [tvec, bvec, jnp.full((16,), k, jnp.int32)])
            ki = plsc.bitcast(kf, jnp.int32)
            pos = jnp.int32(SRC - 1) - (ki & jnp.int32(SRC - 1))
            val = plsc.bitcast(ki & jnp.int32(-4096), jnp.float32)
            spv = plsc.load_gather(spm_v, [bvec, pos])
            acc = acc + val * spv
        out_v[pl.ds(g * 16, 16)] = acc * (1.0 / TOPK)
    pltpu.sync_copy(out_v, out_hbm.at[pl.ds(base_row, _ROWS_PER_TILE)])


def _finalize_body(mean_ref, dec_ref, raw_ref, norm_ref):
    m = mean_ref[...]
    d = dec_ref[...]
    loss = -jnp.log(m + EPS) * d
    colsum = jnp.sum(loss, axis=0, keepdims=True)
    dmean = jnp.mean(d, axis=0, keepdims=True)
    raw_ref[...] = jnp.sum(colsum, axis=1, keepdims=True)
    norm_ref[...] = jnp.sum(colsum / dmean, axis=1, keepdims=True)


def kernel(sel_probs, sel_mask, norescale_attns, dec_mask, normalize_by_length):
    selT = sel_probs.T[None]
    maskT = sel_mask.T[None]
    negidx = -jax.lax.broadcasted_iota(jnp.int32, (1, 1, SRC), 2)

    keys8, spm = pl.pallas_call(
        _topk_body,
        grid=(TGT // T_BLK,),
        in_specs=[
            pl.BlockSpec((T_BLK, BATCH, SRC), lambda i: (i, 0, 0)),
            pl.BlockSpec((1, BATCH, SRC), lambda i: (0, 0, 0)),
            pl.BlockSpec((1, BATCH, SRC), lambda i: (0, 0, 0)),
            pl.BlockSpec((1, 1, SRC), lambda i: (0, 0, 0)),
        ],
        out_specs=[
            pl.BlockSpec((T_BLK, BATCH, TOPK), lambda i: (i, 0, 0)),
            pl.BlockSpec((BATCH, SRC), lambda i: (0, 0)),
        ],
        out_shape=[
            jax.ShapeDtypeStruct((TGT, BATCH, TOPK), jnp.float32),
            jax.ShapeDtypeStruct((BATCH, SRC), jnp.float32),
        ],
    )(norescale_attns, selT, maskT, negidx)

    sc_gather = pl.kernel(
        _sc_gather_body,
        out_type=jax.ShapeDtypeStruct((ROWS,), jnp.float32),
        scratch_types=[
            pltpu.VMEM((TGT // _NW, BATCH, TOPK), jnp.float32),
            pltpu.VMEM((BATCH, SRC), jnp.float32),
            pltpu.VMEM((_ROWS_PER_TILE,), jnp.float32),
        ],
        mesh=plsc.VectorSubcoreMesh(core_axis_name="c", subcore_axis_name="s"),
        compiler_params=pltpu.CompilerParams(needs_layout_passes=False),
    )
    mean8 = sc_gather(keys8, spm).reshape(TGT, BATCH)

    raw, norm = pl.pallas_call(
        _finalize_body,
        in_specs=[
            pl.BlockSpec((TGT, BATCH), lambda: (0, 0)),
            pl.BlockSpec((TGT, BATCH), lambda: (0, 0)),
        ],
        out_specs=[
            pl.BlockSpec((1, 1), lambda: (0, 0)),
            pl.BlockSpec((1, 1), lambda: (0, 0)),
        ],
        out_shape=[
            jax.ShapeDtypeStruct((1, 1), jnp.float32),
            jax.ShapeDtypeStruct((1, 1), jnp.float32),
        ],
    )(mean8, dec_mask)

    return jnp.where(normalize_by_length != 0, norm[0, 0], raw[0, 0])

# --- scband reference (transcript-rebuilt; emitter-appended) ---
"""Pipeline reference for scband-e2-eloss-compute-44478681317942 (READ-ONLY COPY).

The authoritative reference and input builder live on the scoring server;
editing this copy changes nothing except your own understanding.
"""

import jax, jax.numpy as jnp
import numpy as np

TOP_K = 8
EPS = 1e-20


def setup_inputs(seed: int = 0) -> dict:
    key = jax.random.key(seed)
    k1, k2 = jax.random.split(key)
    src_len, tgt_len, batch = 4096, 2048, 4
    sel_probs = jax.random.uniform(k1, (src_len, batch), dtype=jnp.float32)
    sel_mask = jnp.ones((src_len, batch), dtype=jnp.float32)
    norescale_attns = jax.random.uniform(k2, (tgt_len, batch, src_len), dtype=jnp.float32)
    dec_mask = jnp.ones((tgt_len, batch), dtype=jnp.float32)
    return {
        "sel_probs": sel_probs,
        "sel_mask": sel_mask,
        "norescale_attns": norescale_attns,
        "dec_mask": dec_mask,
        "normalize_by_length": 1,
    }


def reference(sel_probs, sel_mask, norescale_attns, dec_mask, normalize_by_length):
    # sel_probs: [src_len, batch]; mask then transpose -> [batch, src_len]
    sp = (sel_probs * sel_mask).T
    # top-k over src_len for every decode step: [tgt_len, batch, top_k]
    attn_topk, attn_topk_id = jax.lax.top_k(norescale_attns, TOP_K)
    # gather the selector probs at the attention top-k positions
    sel_topk = jnp.take_along_axis(sp[None, :, :], attn_topk_id, axis=2)
    # per-step loss: -log(mean_k(attn_topk * sel_topk) + eps), masked by dec_mask
    loss_one_step = jnp.mean(attn_topk * sel_topk, axis=2)
    loss_one_step = -jnp.log(loss_one_step + EPS)
    loss_one_step = loss_one_step * dec_mask
    losses = jnp.sum(loss_one_step, axis=0)  # sum over tgt_len -> [batch]
    loss = jnp.where(
        normalize_by_length != 0,
        jnp.sum(losses / jnp.mean(dec_mask, axis=0)),
        jnp.sum(losses),
    )
    return loss

if __name__ == "__main__":
    import jax
    _d = setup_inputs()
    print(jax.jit(kernel)(*tuple(_d.values())))

</pallas_src>

<mosaic_0001>
#map = affine_map<(d0, d1) -> (0, 0, 0)>
#map1 = affine_map<(d0, d1) -> (0, 0)>
#map2 = affine_map<(d0, d1) -> (0)>
module attributes {stable_mosaic.version = 14 : i64} {
  func.func @_sc_gather_body(%arg0: i32, %arg1: i32, %arg2: memref<2048x4x8xf32, #tpu.memory_space<hbm>>, %arg3: memref<4x4096xf32, #tpu.memory_space<hbm>>, %arg4: memref<8192xf32, #tpu.memory_space<hbm>>, %arg5: memref<64x4x8xf32, #tpu.memory_space<vmem>>, %arg6: memref<4x4096xf32, #tpu.memory_space<vmem>>, %arg7: memref<256xf32, #tpu.memory_space<vmem>>) attributes {dimension_semantics = [#tpu.dimension_semantics<core_parallel>, #tpu.dimension_semantics<subcore_parallel>], iteration_bounds = array<i64: 2, 16>, scalar_prefetch = 0 : i64, scratch_operands = 3 : i64, tpu.core_type = #tpu.core_type<sc_vector_subcore>, window_params = [{transform_indices = #map}, {transform_indices = #map1}, {transform_indices = #map2}]} {
    %mul3A = arith.constant 2 : i32
    %mul3A_0 = arith.muli %arg1, %mul3A : i32
    %add3A = arith.addi %mul3A_0, %arg0 : i32
    %mul3A_1 = arith.constant 256 : i32
    %mul3A_2 = arith.muli %add3A, %mul3A_1 : i32
    %mul3A_3 = arith.constant 64 : i32
    %mul3A_4 = arith.muli %add3A, %mul3A_3 : i32
    "tpu.region"() ({
      %run_scoped3A = tpu.sem_alloc : memref<!tpu.dma_semaphore, #tpu.memory_space<semaphore_mem>>
      %dma_start3A = arith.constant 0 : i32
      %dma_start3A_2430 = arith.constant 0 : i32
      %dma_start3A_2431 = tpu.memref_slice %arg2[%mul3A_4, %dma_start3A, %dma_start3A_2430] : memref<2048x4x8xf32, #tpu.memory_space<hbm>> -> memref<64x4x8xf32, #tpu.memory_space<hbm>>
      %dma_start3A_2432 = arith.constant 0 : i32
      %dma_start3A_2433 = arith.constant 0 : i32
      %dma_start3A_2434 = tpu.memref_slice %arg2[%mul3A_4, %dma_start3A_2432, %dma_start3A_2433] : memref<2048x4x8xf32, #tpu.memory_space<hbm>> -> memref<64x4x8xf32, #tpu.memory_space<hbm>>
      tpu.enqueue_dma source(%dma_start3A_2434 : memref<64x4x8xf32, #tpu.memory_space<hbm>>) target(%arg5 : memref<64x4x8xf32, #tpu.memory_space<vmem>>) target_semaphore(%run_scoped3A : memref<!tpu.dma_semaphore, #tpu.memory_space<semaphore_mem>>)
      %dma_wait3A = arith.constant 0 : i32
      %dma_wait3A_2435 = arith.constant 0 : i32
      %dma_wait3A_2436 = tpu.memref_slice %arg2[%mul3A_4, %dma_wait3A, %dma_wait3A_2435] : memref<2048x4x8xf32, #tpu.memory_space<hbm>> -> memref<64x4x8xf32, #tpu.memory_space<hbm>>
      %dma_wait3A_2437 = arith.constant 0 : i32
      %dma_wait3A_2438 = arith.constant 0 : i32
      %dma_wait3A_2439 = tpu.memref_slice %arg2[%mul3A_4, %dma_wait3A_2437, %dma_wait3A_2438] : memref<2048x4x8xf32, #tpu.memory_space<hbm>> -> memref<64x4x8xf32, #tpu.memory_space<hbm>>
      tpu.wait_dma2 semaphore(%run_scoped3A : memref<!tpu.dma_semaphore, #tpu.memory_space<semaphore_mem>>) src(%dma_wait3A_2439 : memref<64x4x8xf32, #tpu.memory_space<hbm>>) dst(%arg5 : memref<64x4x8xf32, #tpu.memory_space<vmem>>)
      tpu.yield
    }) : () -> ()
    "tpu.region"() ({
      %run_scoped3A = tpu.sem_alloc : memref<!tpu.dma_semaphore, #tpu.memory_space<semaphore_mem>>
      tpu.enqueue_dma source(%arg3 : memref<4x4096xf32, #tpu.memory_space<hbm>>) target(%arg6 : memref<4x4096xf32, #tpu.memory_space<vmem>>) target_semaphore(%run_scoped3A : memref<!tpu.dma_semaphore, #tpu.memory_space<semaphore_mem>>)
      tpu.wait_dma2 semaphore(%run_scoped3A : memref<!tpu.dma_semaphore, #tpu.memory_space<semaphore_mem>>) src(%arg3 : memref<4x4096xf32, #tpu.memory_space<hbm>>) dst(%arg6 : memref<4x4096xf32, #tpu.memory_space<vmem>>)
      tpu.yield
    }) : () -> ()
    %iota3A = tpu.iota {dimensions = array<i32: 0>} : vector<16xi32>
    %add3A_5 = arith.constant 0 : i32
    %add3A_6 = vector.broadcast %add3A_5 : i32 to vector<16xi32>
    %add3A_7 = arith.addi %iota3A, %add3A_6 : vector<16xi32>
    %shift_right_logical3A = arith.constant 2 : i32
    %shift_right_logical3A_8 = vector.broadcast %shift_right_logical3A : i32 to vector<16xi32>
    %shift_right_logical3A_9 = arith.shrui %add3A_7, %shift_right_logical3A_8 : vector<16xi32>
    %and3A = arith.constant 3 : i32
    %and3A_10 = vector.broadcast %and3A : i32 to vector<16xi32>
    %and3A_11 = arith.andi %add3A_7, %and3A_10 : vector<16xi32>
    %broadcast_in_dim3A = arith.constant 0.000000e+00 : f32
    %broadcast_in_dim3A_12 = vector.broadcast %broadcast_in_dim3A : f32 to vector<16xf32>
    %broadcast_in_dim3A_13 = arith.constant 0 : i32
    %broadcast_in_dim3A_14 = vector.broadcast %broadcast_in_dim3A_13 : i32 to vector<16xi32>
    %gather3A = tpu.vector_load_idx %arg5[%shift_right_logical3A_9, %and3A_11, %broadcast_in_dim3A_14] : memref<64x4x8xf32, #tpu.memory_space<vmem>>[vector<16xi32>, vector<16xi32>, vector<16xi32>], vector<16xf32>,
    %bitcast3A = vector.bitcast %gather3A : vector<16xf32> to vector<16xi32>
    %and3A_15 = arith.constant 4095 : i32
    %and3A_16 = vector.broadcast %and3A_15 : i32 to vector<16xi32>
    %and3A_17 = arith.andi %bitcast3A, %and3A_16 : vector<16xi32>
    %sub3A = arith.constant 4095 : i32
    %sub3A_18 = vector.broadcast %sub3A : i32 to vector<16xi32>
    %sub3A_19 = arith.subi %sub3A_18, %and3A_17 : vector<16xi32>
    %and3A_20 = arith.constant -4096 : i32
    %and3A_21 = vector.broadcast %and3A_20 : i32 to vector<16xi32>
    %and3A_22 = arith.andi %bitcast3A, %and3A_21 : vector<16xi32>
    %bitcast3A_23 = vector.bitcast %and3A_22 : vector<16xi32> to vector<16xf32>
    %gather3A_24 = tpu.vector_load_idx %arg6[%and3A_11, %sub3A_19] : memref<4x4096xf32, #tpu.memory_space<vmem>>[vector<16xi32>, vector<16xi32>], vector<16xf32>,
    %mul3A_25 = arith.mulf %bitcast3A_23, %gather3A_24 : vector<16xf32>
    %add3A_26 = arith.addf %broadcast_in_dim3A_12, %mul3A_25 : vector<16xf32>
    %broadcast_in_dim3A_27 = arith.constant 1 : i32
    %broadcast_in_dim3A_28 = vector.broadcast %broadcast_in_dim3A_27 : i32 to vector<16xi32>
    %gather3A_29 = tpu.vector_load_idx %arg5[%shift_right_logical3A_9, %and3A_11, %broadcast_in_dim3A_28] : memref<64x4x8xf32, #tpu.memory_space<vmem>>[vector<16xi32>, vector<16xi32>, vector<16xi32>], vector<16xf32>,
    %bitcast3A_30 = vector.bitcast %gather3A_29 : vector<16xf32> to vector<16xi32>
    %and3A_31 = arith.constant 4095 : i32
    %and3A_32 = vector.broadcast %and3A_31 : i32 to vector<16xi32>
    %and3A_33 = arith.andi %bitcast3A_30, %and3A_32 : vector<16xi32>
    %sub3A_34 = arith.constant 4095 : i32
    %sub3A_35 = vector.broadcast %sub3A_34 : i32 to vector<16xi32>
    %sub3A_36 = arith.subi %sub3A_35, %and3A_33 : vector<16xi32>
    %and3A_37 = arith.constant -4096 : i32
    %and3A_38 = vector.broadcast %and3A_37 : i32 to vector<16xi32>
    %and3A_39 = arith.andi %bitcast3A_30, %and3A_38 : vector<16xi32>
    %bitcast3A_40 = vector.bitcast %and3A_39 : vector<16xi32> to vector<16xf32>
    %gather3A_41 = tpu.vector_load_idx %arg6[%and3A_11, %sub3A_36] : memref<4x4096xf32, #tpu.memory_space<vmem>>[vector<16xi32>, vector<16xi32>], vector<16xf32>,
    %mul3A_42 = arith.mulf %bitcast3A_40, %gather3A_41 : vector<16xf32>
    %add3A_43 = arith.addf %add3A_26, %mul3A_42 : vector<16xf32>
    %broadcast_in_dim3A_44 = arith.constant 2 : i32
    %broadcast_in_dim3A_45 = vector.broadcast %broadcast_in_dim3A_44 : i32 to vector<16xi32>
    %gather3A_46 = tpu.vector_load_idx %arg5[%shift_right_logical3A_9, %and3A_11, %broadcast_in_dim3A_45] : memref<64x4x8xf32, #tpu.memory_space<vmem>>[vector<16xi32>, vector<16xi32>, vector<16xi32>], vector<16xf32>,
    %bitcast3A_47 = vector.bitcast %gather3A_46 : vector<16xf32> to vector<16xi32>
    %and3A_48 = arith.constant 4095 : i32
    %and3A_49 = vector.broadcast %and3A_48 : i32 to vector<16xi32>
    %and3A_50 = arith.andi %bitcast3A_47, %and3A_49 : vector<16xi32>
    %sub3A_51 = arith.constant 4095 : i32
    %sub3A_52 = vector.broadcast %sub3A_51 : i32 to vector<16xi32>
    %sub3A_53 = arith.subi %sub3A_52, %and3A_50 : vector<16xi32>
    %and3A_54 = arith.constant -4096 : i32
    %and3A_55 = vector.broadcast %and3A_54 : i32 to vector<16xi32>
    %and3A_56 = arith.andi %bitcast3A_47, %and3A_55 : vector<16xi32>
    %bitcast3A_57 = vector.bitcast %and3A_56 : vector<16xi32> to vector<16xf32>
    %gather3A_58 = tpu.vector_load_idx %arg6[%and3A_11, %sub3A_53] : memref<4x4096xf32, #tpu.memory_space<vmem>>[vector<16xi32>, vector<16xi32>], vector<16xf32>,
    %mul3A_59 = arith.mulf %bitcast3A_57, %gather3A_58 : vector<16xf32>
    %add3A_60 = arith.addf %add3A_43, %mul3A_59 : vector<16xf32>
    %broadcast_in_dim3A_61 = arith.constant 3 : i32
    %broadcast_in_dim3A_62 = vector.broadcast %broadcast_in_dim3A_61 : i32 to vector<16xi32>
    %gather3A_63 = tpu.vector_load_idx %arg5[%shift_right_logical3A_9, %and3A_11, %broadcast_in_dim3A_62] : memref<64x4x8xf32, #tpu.memory_space<vmem>>[vector<16xi32>, vector<16xi32>, vector<16xi32>], vector<16xf32>,
    %bitcast3A_64 = vector.bitcast %gather3A_63 : vector<16xf32> to vector<16xi32>
    %and3A_65 = arith.constant 4095 : i32
    %and3A_66 = vector.broadcast %and3A_65 : i32 to vector<16xi32>
    %and3A_67 = arith.andi %bitcast3A_64, %and3A_66 : vector<16xi32>
    %sub3A_68 = arith.constant 4095 : i32
    %sub3A_69 = vector.broadcast %sub3A_68 : i32 to vector<16xi32>
    %sub3A_70 = arith.subi %sub3A_69, %and3A_67 : vector<16xi32>
    %and3A_71 = arith.constant -4096 : i32
    %and3A_72 = vector.broadcast %and3A_71 : i32 to vector<16xi32>
    %and3A_73 = arith.andi %bitcast3A_64, %and3A_72 : vector<16xi32>
    %bitcast3A_74 = vector.bitcast %and3A_73 : vector<16xi32> to vector<16xf32>
    %gather3A_75 = tpu.vector_load_idx %arg6[%and3A_11, %sub3A_70] : memref<4x4096xf32, #tpu.memory_space<vmem>>[vector<16xi32>, vector<16xi32>], vector<16xf32>,
    %mul3A_76 = arith.mulf %bitcast3A_74, %gather3A_75 : vector<16xf32>
    %add3A_77 = arith.addf %add3A_60, %mul3A_76 : vector<16xf32>
    %broadcast_in_dim3A_78 = arith.constant 4 : i32
    %broadcast_in_dim3A_79 = vector.broadcast %broadcast_in_dim3A_78 : i32 to vector<16xi32>
    %gather3A_80 = tpu.vector_load_idx %arg5[%shift_right_logical3A_9, %and3A_11, %broadcast_in_dim3A_79] : memref<64x4x8xf32, #tpu.memory_space<vmem>>[vector<16xi32>, vector<16xi32>, vector<16xi32>], vector<16xf32>,
    %bitcast3A_81 = vector.bitcast %gather3A_80 : vector<16xf32> to vector<16xi32>
    %and3A_82 = arith.constant 4095 : i32
    %and3A_83 = vector.broadcast %and3A_82 : i32 to vector<16xi32>
    %and3A_84 = arith.andi %bitcast3A_81, %and3A_83 : vector<16xi32>
    %sub3A_85 = arith.constant 4095 : i32
    %sub3A_86 = vector.broadcast %sub3A_85 : i32 to vector<16xi32>
    %sub3A_87 = arith.subi %sub3A_86, %and3A_84 : vector<16xi32>
    %and3A_88 = arith.constant -4096 : i32
    %and3A_89 = vector.broadcast %and3A_88 : i32 to vector<16xi32>
    %and3A_90 = arith.andi %bitcast3A_81, %and3A_89 : vector<16xi32>
    %bitcast3A_91 = vector.bitcast %and3A_90 : vector<16xi32> to vector<16xf32>
    %gather3A_92 = tpu.vector_load_idx %arg6[%and3A_11, %sub3A_87] : memref<4x4096xf32, #tpu.memory_space<vmem>>[vector<16xi32>, vector<16xi32>], vector<16xf32>,
    %mul3A_93 = arith.mulf %bitcast3A_91, %gather3A_92 : vector<16xf32>
    %add3A_94 = arith.addf %add3A_77, %mul3A_93 : vector<16xf32>
    %broadcast_in_dim3A_95 = arith.constant 5 : i32
    %broadcast_in_dim3A_96 = vector.broadcast %broadcast_in_dim3A_95 : i32 to vector<16xi32>
    %gather3A_97 = tpu.vector_load_idx %arg5[%shift_right_logical3A_9, %and3A_11, %broadcast_in_dim3A_96] : memref<64x4x8xf32, #tpu.memory_space<vmem>>[vector<16xi32>, vector<16xi32>, vector<16xi32>], vector<16xf32>,
    %bitcast3A_98 = vector.bitcast %gather3A_97 : vector<16xf32> to vector<16xi32>
    %and3A_99 = arith.constant 4095 : i32
    %and3A_100 = vector.broadcast %and3A_99 : i32 to vector<16xi32>
    %and3A_101 = arith.andi %bitcast3A_98, %and3A_100 : vector<16xi32>
    %sub3A_102 = arith.constant 4095 : i32
    %sub3A_103 = vector.broadcast %sub3A_102 : i32 to vector<16xi32>
    %sub3A_104 = arith.subi %sub3A_103, %and3A_101 : vector<16xi32>
    %and3A_105 = arith.constant -4096 : i32
    %and3A_106 = vector.broadcast %and3A_105 : i32 to vector<16xi32>
    %and3A_107 = arith.andi %bitcast3A_98, %and3A_106 : vector<16xi32>
    %bitcast3A_108 = vector.bitcast %and3A_107 : vector<16xi32> to vector<16xf32>
    %gather3A_109 = tpu.vector_load_idx %arg6[%and3A_11, %sub3A_104] : memref<4x4096xf32, #tpu.memory_space<vmem>>[vector<16xi32>, vector<16xi32>], vector<16xf32>,
    %mul3A_110 = arith.mulf %bitcast3A_108, %gather3A_109 : vector<16xf32>
    %add3A_111 = arith.addf %add3A_94, %mul3A_110 : vector<16xf32>
    %broadcast_in_dim3A_112 = arith.constant 6 : i32
    %broadcast_in_dim3A_113 = vector.broadcast %broadcast_in_dim3A_112 : i32 to vector<16xi32>
    %gather3A_114 = tpu.vector_load_idx %arg5[%shift_right_logical3A_9, %and3A_11, %broadcast_in_dim3A_113] : memref<64x4x8xf32, #tpu.memory_space<vmem>>[vector<16xi32>, vector<16xi32>, vector<16xi32>], vector<16xf32>,
    %bitcast3A_115 = vector.bitcast %gather3A_114 : vector<16xf32> to vector<16xi32>
    %and3A_116 = arith.constant 4095 : i32
    %and3A_117 = vector.broadcast %and3A_116 : i32 to vector<16xi32>
    %and3A_118 = arith.andi %bitcast3A_115, %and3A_117 : vector<16xi32>
    %sub3A_119 = arith.constant 4095 : i32
    %sub3A_120 = vector.broadcast %sub3A_119 : i32 to vector<16xi32>
    %sub3A_121 = arith.subi %sub3A_120, %and3A_118 : vector<16xi32>
    %and3A_122 = arith.constant -4096 : i32
    %and3A_123 = vector.broadcast %and3A_122 : i32 to vector<16xi32>
    %and3A_124 = arith.andi %bitcast3A_115, %and3A_123 : vector<16xi32>
    %bitcast3A_125 = vector.bitcast %and3A_124 : vector<16xi32> to vector<16xf32>
    %gather3A_126 = tpu.vector_load_idx %arg6[%and3A_11, %sub3A_121] : memref<4x4096xf32, #tpu.memory_space<vmem>>[vector<16xi32>, vector<16xi32>], vector<16xf32>,
    %mul3A_127 = arith.mulf %bitcast3A_125, %gather3A_126 : vector<16xf32>
    %add3A_128 = arith.addf %add3A_111, %mul3A_127 : vector<16xf32>
    %broadcast_in_dim3A_129 = arith.constant 7 : i32
    %broadcast_in_dim3A_130 = vector.broadcast %broadcast_in_dim3A_129 : i32 to vector<16xi32>
    %gather3A_131 = tpu.vector_load_idx %arg5[%shift_right_logical3A_9, %and3A_11, %broadcast_in_dim3A_130] : memref<64x4x8xf32, #tpu.memory_space<vmem>>[vector<16xi32>, vector<16xi32>, vector<16xi32>], vector<16xf32>,
    %bitcast3A_132 = vector.bitcast %gather3A_131 : vector<16xf32> to vector<16xi32>
    %and3A_133 = arith.constant 4095 : i32
    %and3A_134 = vector.broadcast %and3A_133 : i32 to vector<16xi32>
    %and3A_135 = arith.andi %bitcast3A_132, %and3A_134 : vector<16xi32>
    %sub3A_136 = arith.constant 4095 : i32
    %sub3A_137 = vector.broadcast %sub3A_136 : i32 to vector<16xi32>
    %sub3A_138 = arith.subi %sub3A_137, %and3A_135 : vector<16xi32>
    %and3A_139 = arith.constant -4096 : i32
    %and3A_140 = vector.broadcast %and3A_139 : i32 to vector<16xi32>
    %and3A_141 = arith.andi %bitcast3A_132, %and3A_140 : vector<16xi32>
    %bitcast3A_142 = vector.bitcast %and3A_141 : vector<16xi32> to vector<16xf32>
    %gather3A_143 = tpu.vector_load_idx %arg6[%and3A_11, %sub3A_138] : memref<4x4096xf32, #tpu.memory_space<vmem>>[vector<16xi32>, vector<16xi32>], vector<16xf32>,
    %mul3A_144 = arith.mulf %bitcast3A_142, %gather3A_143 : vector<16xf32>
    %add3A_145 = arith.addf %add3A_128, %mul3A_144 : vector<16xf32>
    %mul3A_146 = arith.constant 1.250000e-01 : f32
    %mul3A_147 = vector.broadcast %mul3A_146 : f32 to vector<16xf32>
    %mul3A_148 = arith.mulf %add3A_145, %mul3A_147 : vector<16xf32>
    %swap3A = arith.constant 0 : index
    %swap3A_149 = tpu.vector_load %arg7[%swap3A] {strides = array<i32>} : memref<256xf32, #tpu.memory_space<vmem>>, vector<16xf32>,
    tpu.vector_store %arg7[%swap3A], %mul3A_148 {strides = array<i32>} : memref<256xf32, #tpu.memory_space<vmem>>, vector<16xf32>,
    %add3A_150 = arith.constant 16 : i32
    %add3A_151 = vector.broadcast %add3A_150 : i32 to vector<16xi32>
    %add3A_152 = arith.addi %iota3A, %add3A_151 : vector<16xi32>
    %shift_right_logical3A_153 = arith.constant 2 : i32
    %shift_right_logical3A_154 = vector.broadcast %shift_right_logical3A_153 : i32 to vector<16xi32>
    %shift_right_logical3A_155 = arith.shrui %add3A_152, %shift_right_logical3A_154 : vector<16xi32>
    %and3A_156 = arith.constant 3 : i32
    %and3A_157 = vector.broadcast %and3A_156 : i32 to vector<16xi32>
    %and3A_158 = arith.andi %add3A_152, %and3A_157 : vector<16xi32>
    %broadcast_in_dim3A_159 = arith.constant 0.000000e+00 : f32
    %broadcast_in_dim3A_160 = vector.broadcast %broadcast_in_dim3A_159 : f32 to vector<16xf32>
    %broadcast_in_dim3A_161 = arith.constant 0 : i32
    %broadcast_in_dim3A_162 = vector.broadcast %broadcast_in_dim3A_161 : i32 to vector<16xi32>
    %gather3A_163 = tpu.vector_load_idx %arg5[%shift_right_logical3A_155, %and3A_158, %broadcast_in_dim3A_162] : memref<64x4x8xf32, #tpu.memory_space<vmem>>[vector<16xi32>, vector<16xi32>, vector<16xi32>], vector<16xf32>,
    %bitcast3A_164 = vector.bitcast %gather3A_163 : vector<16xf32> to vector<16xi32>
    %and3A_165 = arith.constant 4095 : i32
    %and3A_166 = vector.broadcast %and3A_165 : i32 to vector<16xi32>
    %and3A_167 = arith.andi %bitcast3A_164, %and3A_166 : vector<16xi32>
    %sub3A_168 = arith.constant 4095 : i32
    %sub3A_169 = vector.broadcast %sub3A_168 : i32 to vector<16xi32>
    %sub3A_170 = arith.subi %sub3A_169, %and3A_167 : vector<16xi32>
    %and3A_171 = arith.constant -4096 : i32
    %and3A_172 = vector.broadcast %and3A_171 : i32 to vector<16xi32>
    %and3A_173 = arith.andi %bitcast3A_164, %and3A_172 : vector<16xi32>
    %bitcast3A_174 = vector.bitcast %and3A_173 : vector<16xi32> to vector<16xf32>
    %gather3A_175 = tpu.vector_load_idx %arg6[%and3A_158, %sub3A_170] : memref<4x4096xf32, #tpu.memory_space<vmem>>[vector<16xi32>, vector<16xi32>], vector<16xf32>,
    %mul3A_176 = arith.mulf %bitcast3A_174, %gather3A_175 : vector<16xf32>
    %add3A_177 = arith.addf %broadcast_in_dim3A_160, %mul3A_176 : vector<16xf32>
    %broadcast_in_dim3A_178 = arith.constant 1 : i32
    %broadcast_in_dim3A_179 = vector.broadcast %broadcast_in_dim3A_178 : i32 to vector<16xi32>
    %gather3A_180 = tpu.vector_load_idx %arg5[%shift_right_logical3A_155, %and3A_158, %broadcast_in_dim3A_179] : memref<64x4x8xf32, #tpu.memory_space<vmem>>[vector<16xi32>, vector<16xi32>, vector<16xi32>], vector<16xf32>,
    %bitcast3A_181 = vector.bitcast %gather3A_180 : vector<16xf32> to vector<16xi32>
    %and3A_182 = arith.constant 4095 : i32
    %and3A_183 = vector.broadcast %and3A_182 : i32 to vector<16xi32>
    %and3A_184 = arith.andi %bitcast3A_181, %and3A_183 : vector<16xi32>
    %sub3A_185 = arith.constant 4095 : i32
    %sub3A_186 = vector.broadcast %sub3A_185 : i32 to vector<16xi32>
    %sub3A_187 = arith.subi %sub3A_186, %and3A_184 : vector<16xi32>
    %and3A_188 = arith.constant -4096 : i32
    %and3A_189 = vector.broadcast %and3A_188 : i32 to vector<16xi32>
    %and3A_190 = arith.andi %bitcast3A_181, %and3A_189 : vector<16xi32>
    %bitcast3A_191 = vector.bitcast %and3A_190 : vector<16xi32> to vector<16xf32>
    %gather3A_192 = tpu.vector_load_idx %arg6[%and3A_158, %sub3A_187] : memref<4x4096xf32, #tpu.memory_space<vmem>>[vector<16xi32>, vector<16xi32>], vector<16xf32>,
    %mul3A_193 = arith.mulf %bitcast3A_191, %gather3A_192 : vector<16xf32>
    %add3A_194 = arith.addf %add3A_177, %mul3A_193 : vector<16xf32>
    %broadcast_in_dim3A_195 = arith.constant 2 : i32
    %broadcast_in_dim3A_196 = vector.broadcast %broadcast_in_dim3A_195 : i32 to vector<16xi32>
    %gather3A_197 = tpu.vector_load_idx %arg5[%shift_right_logical3A_155, %and3A_158, %broadcast_in_dim3A_196] : memref<64x4x8xf32, #tpu.memory_space<vmem>>[vector<16xi32>, vector<16xi32>, vector<16xi32>], vector<16xf32>,
    %bitcast3A_198 = vector.bitcast %gather3A_197 : vector<16xf32> to vector<16xi32>
    %and3A_199 = arith.constant 4095 : i32
    %and3A_200 = vector.broadcast %and3A_199 : i32 to vector<16xi32>
    %and3A_201 = arith.andi %bitcast3A_198, %and3A_200 : vector<16xi32>
    %sub3A_202 = arith.constant 4095 : i32
    %sub3A_203 = vector.broadcast %sub3A_202 : i32 to vector<16xi32>
    %sub3A_204 = arith.subi %sub3A_203, %and3A_201 : vector<16xi32>
    %and3A_205 = arith.constant -4096 : i32
    %and3A_206 = vector.broadcast %and3A_205 : i32 to vector<16xi32>
    %and3A_207 = arith.andi %bitcast3A_198, %and3A_206 : vector<16xi32>
    %bitcast3A_208 = vector.bitcast %and3A_207 : vector<16xi32> to vector<16xf32>
    %gather3A_209 = tpu.vector_load_idx %arg6[%and3A_158, %sub3A_204] : memref<4x4096xf32, #tpu.memory_space<vmem>>[vector<16xi32>, vector<16xi32>], vector<16xf32>,
    %mul3A_210 = arith.mulf %bitcast3A_208, %gather3A_209 : vector<16xf32>
    %add3A_211 = arith.addf %add3A_194, %mul3A_210 : vector<16xf32>
    %broadcast_in_dim3A_212 = arith.constant 3 : i32
    %broadcast_in_dim3A_213 = vector.broadcast %broadcast_in_dim3A_212 : i32 to vector<16xi32>
    %gather3A_214 = tpu.vector_load_idx %arg5[%shift_right_logical3A_155, %and3A_158, %broadcast_in_dim3A_213] : memref<64x4x8xf32, #tpu.memory_space<vmem>>[vector<16xi32>, vector<16xi32>, vector<16xi32>], vector<16xf32>,
    %bitcast3A_215 = vector.bitcast %gather3A_214 : vector<16xf32> to vector<16xi32>
    %and3A_216 = arith.constant 4095 : i32
    %and3A_217 = vector.broadcast %and3A_216 : i32 to vector<16xi32>
    %and3A_218 = arith.andi %bitcast3A_215, %and3A_217 : vector<16xi32>
    %sub3A_219 = arith.constant 4095 : i32
    %sub3A_220 = vector.broadcast %sub3A_219 : i32 to vector<16xi32>
    %sub3A_221 = arith.subi %sub3A_220, %and3A_218 : vector<16xi32>
    %and3A_222 = arith.constant -4096 : i32
    %and3A_223 = vector.broadcast %and3A_222 : i32 to vector<16xi32>
    %and3A_224 = arith.andi %bitcast3A_215, %and3A_223 : vector<16xi32>
    %bitcast3A_225 = vector.bitcast %and3A_224 : vector<16xi32> to vector<16xf32>
    %gather3A_226 = tpu.vector_load_idx %arg6[%and3A_158, %sub3A_221] : memref<4x4096xf32, #tpu.memory_space<vmem>>[vector<16xi32>, vector<16xi32>], vector<16xf32>,
    %mul3A_227 = arith.mulf %bitcast3A_225, %gather3A_226 : vector<16xf32>
    %add3A_228 = arith.addf %add3A_211, %mul3A_227 : vector<16xf32>
    %broadcast_in_dim3A_229 = arith.constant 4 : i32
    %broadcast_in_dim3A_230 = vector.broadcast %broadcast_in_dim3A_229 : i32 to vector<16xi32>
    %gather3A_231 = tpu.vector_load_idx %arg5[%shift_right_logical3A_155, %and3A_158, %broadcast_in_dim3A_230] : memref<64x4x8xf32, #tpu.memory_space<vmem>>[vector<16xi32>, vector<16xi32>, vector<16xi32>], vector<16xf32>,
    %bitcast3A_232 = vector.bitcast %gather3A_231 : vector<16xf32> to vector<16xi32>
    %and3A_233 = arith.constant 4095 : i32
    %and3A_234 = vector.broadcast %and3A_233 : i32 to vector<16xi32>
    %and3A_235 = arith.andi %bitcast3A_232, %and3A_234 : vector<16xi32>
    %sub3A_236 = arith.constant 4095 : i32
    %sub3A_237 = vector.broadcast %sub3A_236 : i32 to vector<16xi32>
    %sub3A_238 = arith.subi %sub3A_237, %and3A_235 : vector<16xi32>
    %and3A_239 = arith.constant -4096 : i32
    %and3A_240 = vector.broadcast %and3A_239 : i32 to vector<16xi32>
    %and3A_241 = arith.andi %bitcast3A_232, %and3A_240 : vector<16xi32>
    %bitcast3A_242 = vector.bitcast %and3A_241 : vector<16xi32> to vector<16xf32>
    %gather3A_243 = tpu.vector_load_idx %arg6[%and3A_158, %sub3A_238] : memref<4x4096xf32, #tpu.memory_space<vmem>>[vector<16xi32>, vector<16xi32>], vector<16xf32>,
    %mul3A_244 = arith.mulf %bitcast3A_242, %gather3A_243 : vector<16xf32>
    %add3A_245 = arith.addf %add3A_228, %mul3A_244 : vector<16xf32>
    %broadcast_in_dim3A_246 = arith.constant 5 : i32
    %broadcast_in_dim3A_247 = vector.broadcast %broadcast_in_dim3A_246 : i32 to vector<16xi32>
    %gather3A_248 = tpu.vector_load_idx %arg5[%shift_right_logical3A_155, %and3A_158, %broadcast_in_dim3A_247] : memref<64x4x8xf32, #tpu.memory_space<vmem>>[vector<16xi32>, vector<16xi32>, vector<16xi32>], vector<16xf32>,
    %bitcast3A_249 = vector.bitcast %gather3A_248 : vector<16xf32> to vector<16xi32>
    %and3A_250 = arith.constant 4095 : i32
    %and3A_251 = vector.broadcast %and3A_250 : i32 to vector<16xi32>
    %and3A_252 = arith.andi %bitcast3A_249, %and3A_251 : vector<16xi32>
    %sub3A_253 = arith.constant 4095 : i32
    %sub3A_254 = vector.broadcast %sub3A_253 : i32 to vector<16xi32>
    %sub3A_255 = arith.subi %sub3A_254, %and3A_252 : vector<16xi32>
    %and3A_256 = arith.constant -4096 : i32
    %and3A_257 = vector.broadcast %and3A_256 : i32 to vector<16xi32>
    %and3A_258 = arith.andi %bitcast3A_249, %and3A_257 : vector<16xi32>
    %bitcast3A_259 = vector.bitcast %and3A_258 : vector<16xi32> to vector<16xf32>
    %gather3A_260 = tpu.vector_load_idx %arg6[%and3A_158, %sub3A_255] : memref<4x4096xf32, #tpu.memory_space<vmem>>[vector<16xi32>, vector<16xi32>], vector<16xf32>,
    %mul3A_261 = arith.mulf %bitcast3A_259, %gather3A_260 : vector<16xf32>
    %add3A_262 = arith.addf %add3A_245, %mul3A_261 : vector<16xf32>
    %broadcast_in_dim3A_263 = arith.constant 6 : i32
    %broadcast_in_dim3A_264 = vector.broadcast %broadcast_in_dim3A_263 : i32 to vector<16xi32>
    %gather3A_265 = tpu.vector_load_idx %arg5[%shift_right_logical3A_155, %and3A_158, %broadcast_in_dim3A_264] : memref<64x4x8xf32, #tpu.memory_space<vmem>>[vector<16xi32>, vector<16xi32>, vector<16xi32>], vector<16xf32>,
    %bitcast3A_266 = vector.bitcast %gather3A_265 : vector<16xf32> to vector<16xi32>
    %and3A_267 = arith.constant 4095 : i32
    %and3A_268 = vector.broadcast %and3A_267 : i32 to vector<16xi32>
    %and3A_269 = arith.andi %bitcast3A_266, %and3A_268 : vector<16xi32>
    %sub3A_270 = arith.constant 4095 : i32
    %sub3A_271 = vector.broadcast %sub3A_270 : i32 to vector<16xi32>
    %sub3A_272 = arith.subi %sub3A_271, %and3A_269 : vector<16xi32>
    %and3A_273 = arith.constant -4096 : i32
    %and3A_274 = vector.broadcast %and3A_273 : i32 to vector<16xi32>
    %and3A_275 = arith.andi %bitcast3A_266, %and3A_274 : vector<16xi32>
    %bitcast3A_276 = vector.bitcast %and3A_275 : vector<16xi32> to vector<16xf32>
    %gather3A_277 = tpu.vector_load_idx %arg6[%and3A_158, %sub3A_272] : memref<4x4096xf32, #tpu.memory_space<vmem>>[vector<16xi32>, vector<16xi32>], vector<16xf32>,
    %mul3A_278 = arith.mulf %bitcast3A_276, %gather3A_277 : vector<16xf32>
    %add3A_279 = arith.addf %add3A_262, %mul3A_278 : vector<16xf32>
    %broadcast_in_dim3A_280 = arith.constant 7 : i32
    %broadcast_in_dim3A_281 = vector.broadcast %broadcast_in_dim3A_280 : i32 to vector<16xi32>
    %gather3A_282 = tpu.vector_load_idx %arg5[%shift_right_logical3A_155, %and3A_158, %broadcast_in_dim3A_281] : memref<64x4x8xf32, #tpu.memory_space<vmem>>[vector<16xi32>, vector<16xi32>, vector<16xi32>], vector<16xf32>,
    %bitcast3A_283 = vector.bitcast %gather3A_282 : vector<16xf32> to vector<16xi32>
    %and3A_284 = arith.constant 4095 : i32
    %and3A_285 = vector.broadcast %and3A_284 : i32 to vector<16xi32>
    %and3A_286 = arith.andi %bitcast3A_283, %and3A_285 : vector<16xi32>
    %sub3A_287 = arith.constant 4095 : i32
    %sub3A_288 = vector.broadcast %sub3A_287 : i32 to vector<16xi32>
    %sub3A_289 = arith.subi %sub3A_288, %and3A_286 : vector<16xi32>
    %and3A_290 = arith.constant -4096 : i32
    %and3A_291 = vector.broadcast %and3A_290 : i32 to vector<16xi32>
    %and3A_292 = arith.andi %bitcast3A_283, %and3A_291 : vector<16xi32>
    %bitcast3A_293 = vector.bitcast %and3A_292 : vector<16xi32> to vector<16xf32>
    %gather3A_294 = tpu.vector_load_idx %arg6[%and3A_158, %sub3A_289] : memref<4x4096xf32, #tpu.memory_space<vmem>>[vector<16xi32>, vector<16xi32>], vector<16xf32>,
    %mul3A_295 = arith.mulf %bitcast3A_293, %gather3A_294 : vector<16xf32>
    %add3A_296 = arith.addf %add3A_279, %mul3A_295 : vector<16xf32>
    %mul3A_297 = arith.constant 1.250000e-01 : f32
    %mul3A_298 = vector.broadcast %mul3A_297 : f32 to vector<16xf32>
    %mul3A_299 = arith.mulf %add3A_296, %mul3A_298 : vector<16xf32>
    %swap3A_300 = arith.constant 16 : index
    %swap3A_301 = tpu.vector_load %arg7[%swap3A_300] {strides = array<i32>} : memref<256xf32, #tpu.memory_space<vmem>>, vector<16xf32>,
    tpu.vector_store %arg7[%swap3A_300], %mul3A_299 {strides = array<i32>} : memref<256xf32, #tpu.memory_space<vmem>>, vector<16xf32>,
    %add3A_302 = arith.constant 32 : i32
    %add3A_303 = vector.broadcast %add3A_302 : i32 to vector<16xi32>
    %add3A_304 = arith.addi %iota3A, %add3A_303 : vector<16xi32>
    %shift_right_logical3A_305 = arith.constant 2 : i32
    %shift_right_logical3A_306 = vector.broadcast %shift_right_logical3A_305 : i32 to vector<16xi32>
    %shift_right_logical3A_307 = arith.shrui %add3A_304, %shift_right_logical3A_306 : vector<16xi32>
    %and3A_308 = arith.constant 3 : i32
    %and3A_309 = vector.broadcast %and3A_308 : i32 to vector<16xi32>
    %and3A_310 = arith.andi %add3A_304, %and3A_309 : vector<16xi32>
    %broadcast_in_dim3A_311 = arith.constant 0.000000e+00 : f32
    %broadcast_in_dim3A_312 = vector.broadcast %broadcast_in_dim3A_311 : f32 to vector<16xf32>
    %broadcast_in_dim3A_313 = arith.constant 0 : i32
    %broadcast_in_dim3A_314 = vector.broadcast %broadcast_in_dim3A_313 : i32 to vector<16xi32>
    %gather3A_315 = tpu.vector_load_idx %arg5[%shift_right_logical3A_307, %and3A_310, %broadcast_in_dim3A_314] : memref<64x4x8xf32, #tpu.memory_space<vmem>>[vector<16xi32>, vector<16xi32>, vector<16xi32>], vector<16xf32>,
    %bitcast3A_316 = vector.bitcast %gather3A_315 : vector<16xf32> to vector<16xi32>
    %and3A_317 = arith.constant 4095 : i32
    %and3A_318 = vector.broadcast %and3A_317 : i32 to vector<16xi32>
    %and3A_319 = arith.andi %bitcast3A_316, %and3A_318 : vector<16xi32>
    %sub3A_320 = arith.constant 4095 : i32
    %sub3A_321 = vector.broadcast %sub3A_320 : i32 to vector<16xi32>
    %sub3A_322 = arith.subi %sub3A_321, %and3A_319 : vector<16xi32>
    %and3A_323 = arith.constant -4096 : i32
    %and3A_324 = vector.broadcast %and3A_323 : i32 to vector<16xi32>
    %and3A_325 = arith.andi %bitcast3A_316, %and3A_324 : vector<16xi32>
    %bitcast3A_326 = vector.bitcast %and3A_325 : vector<16xi32> to vector<16xf32>
    %gather3A_327 = tpu.vector_load_idx %arg6[%and3A_310, %sub3A_322] : memref<4x4096xf32, #tpu.memory_space<vmem>>[vector<16xi32>, vector<16xi32>], vector<16xf32>,
    %mul3A_328 = arith.mulf %bitcast3A_326, %gather3A_327 : vector<16xf32>
    %add3A_329 = arith.addf %broadcast_in_dim3A_312, %mul3A_328 : vector<16xf32>
    %broadcast_in_dim3A_330 = arith.constant 1 : i32
    %broadcast_in_dim3A_331 = vector.broadcast %broadcast_in_dim3A_330 : i32 to vector<16xi32>
    %gather3A_332 = tpu.vector_load_idx %arg5[%shift_right_logical3A_307, %and3A_310, %broadcast_in_dim3A_331] : memref<64x4x8xf32, #tpu.memory_space<vmem>>[vector<16xi32>, vector<16xi32>, vector<16xi32>], vector<16xf32>,
    %bitcast3A_333 = vector.bitcast %gather3A_332 : vector<16xf32> to vector<16xi32>
    %and3A_334 = arith.constant 4095 : i32
    %and3A_335 = vector.broadcast %and3A_334 : i32 to vector<16xi32>
    %and3A_336 = arith.andi %bitcast3A_333, %and3A_335 : vector<16xi32>
    %sub3A_337 = arith.constant 4095 : i32
    %sub3A_338 = vector.broadcast %sub3A_337 : i32 to vector<16xi32>
    %sub3A_339 = arith.subi %sub3A_338, %and3A_336 : vector<16xi32>
    %and3A_340 = arith.constant -4096 : i32
    %and3A_341 = vector.broadcast %and3A_340 : i32 to vector<16xi32>
    %and3A_342 = arith.andi %bitcast3A_333, %and3A_341 : vector<16xi32>
    %bitcast3A_343 = vector.bitcast %and3A_342 : vector<16xi32> to vector<16xf32>
    %gather3A_344 = tpu.vector_load_idx %arg6[%and3A_310, %sub3A_339] : memref<4x4096xf32, #tpu.memory_space<vmem>>[vector<16xi32>, vector<16xi32>], vector<16xf32>,
    %mul3A_345 = arith.mulf %bitcast3A_343, %gather3A_344 : vector<16xf32>
    %add3A_346 = arith.addf %add3A_329, %mul3A_345 : vector<16xf32>
    %broadcast_in_dim3A_347 = arith.constant 2 : i32
    %broadcast_in_dim3A_348 = vector.broadcast %broadcast_in_dim3A_347 : i32 to vector<16xi32>
    %gather3A_349 = tpu.vector_load_idx %arg5[%shift_right_logical3A_307, %and3A_310, %broadcast_in_dim3A_348] : memref<64x4x8xf32, #tpu.memory_space<vmem>>[vector<16xi32>, vector<16xi32>, vector<16xi32>], vector<16xf32>,
    %bitcast3A_350 = vector.bitcast %gather3A_349 : vector<16xf32> to vector<16xi32>
    %and3A_351 = arith.constant 4095 : i32
    %and3A_352 = vector.broadcast %and3A_351 : i32 to vector<16xi32>
    %and3A_353 = arith.andi %bitcast3A_350, %and3A_352 : vector<16xi32>
    %sub3A_354 = arith.constant 4095 : i32
    %sub3A_355 = vector.broadcast %sub3A_354 : i32 to vector<16xi32>
    %sub3A_356 = arith.subi %sub3A_355, %and3A_353 : vector<16xi32>
    %and3A_357 = arith.constant -4096 : i32
    %and3A_358 = vector.broadcast %and3A_357 : i32 to vector<16xi32>
    %and3A_359 = arith.andi %bitcast3A_350, %and3A_358 : vector<16xi32>
    %bitcast3A_360 = vector.bitcast %and3A_359 : vector<16xi32> to vector<16xf32>
    %gather3A_361 = tpu.vector_load_idx %arg6[%and3A_310, %sub3A_356] : memref<4x4096xf32, #tpu.memory_space<vmem>>[vector<16xi32>, vector<16xi32>], vector<16xf32>,
    %mul3A_362 = arith.mulf %bitcast3A_360, %gather3A_361 : vector<16xf32>
    %add3A_363 = arith.addf %add3A_346, %mul3A_362 : vector<16xf32>
    %broadcast_in_dim3A_364 = arith.constant 3 : i32
    %broadcast_in_dim3A_365 = vector.broadcast %broadcast_in_dim3A_364 : i32 to vector<16xi32>
    %gather3A_366 = tpu.vector_load_idx %arg5[%shift_right_logical3A_307, %and3A_310, %broadcast_in_dim3A_365] : memref<64x4x8xf32, #tpu.memory_space<vmem>>[vector<16xi32>, vector<16xi32>, vector<16xi32>], vector<16xf32>,
    %bitcast3A_367 = vector.bitcast %gather3A_366 : vector<16xf32> to vector<16xi32>
    %and3A_368 = arith.constant 4095 : i32
    %and3A_369 = vector.broadcast %and3A_368 : i32 to vector<16xi32>
    %and3A_370 = arith.andi %bitcast3A_367, %and3A_369 : vector<16xi32>
    %sub3A_371 = arith.constant 4095 : i32
    %sub3A_372 = vector.broadcast %sub3A_371 : i32 to vector<16xi32>
    %sub3A_373 = arith.subi %sub3A_372, %and3A_370 : vector<16xi32>
    %and3A_374 = arith.constant -4096 : i32
    %and3A_375 = vector.broadcast %and3A_374 : i32 to vector<16xi32>
    %and3A_376 = arith.andi %bitcast3A_367, %and3A_375 : vector<16xi32>
    %bitcast3A_377 = vector.bitcast %and3A_376 : vector<16xi32> to vector<16xf32>
    %gather3A_378 = tpu.vector_load_idx %arg6[%and3A_310, %sub3A_373] : memref<4x4096xf32, #tpu.memory_space<vmem>>[vector<16xi32>, vector<16xi32>], vector<16xf32>,
    %mul3A_379 = arith.mulf %bitcast3A_377, %gather3A_378 : vector<16xf32>
    %add3A_380 = arith.addf %add3A_363, %mul3A_379 : vector<16xf32>
    %broadcast_in_dim3A_381 = arith.constant 4 : i32
    %broadcast_in_dim3A_382 = vector.broadcast %broadcast_in_dim3A_381 : i32 to vector<16xi32>
    %gather3A_383 = tpu.vector_load_idx %arg5[%shift_right_logical3A_307, %and3A_310, %broadcast_in_dim3A_382] : memref<64x4x8xf32, #tpu.memory_space<vmem>>[vector<16xi32>, vector<16xi32>, vector<16xi32>], vector<16xf32>,
    %bitcast3A_384 = vector.bitcast %gather3A_383 : vector<16xf32> to vector<16xi32>
    %and3A_385 = arith.constant 4095 : i32
    %and3A_386 = vector.broadcast %and3A_385 : i32 to vector<16xi32>
    %and3A_387 = arith.andi %bitcast3A_384, %and3A_386 : vector<16xi32>
    %sub3A_388 = arith.constant 4095 : i32
    %sub3A_389 = vector.broadcast %sub3A_388 : i32 to vector<16xi32>
    %sub3A_390 = arith.subi %sub3A_389, %and3A_387 : vector<16xi32>
    %and3A_391 = arith.constant -4096 : i32
    %and3A_392 = vector.broadcast %and3A_391 : i32 to vector<16xi32>
    %and3A_393 = arith.andi %bitcast3A_384, %and3A_392 : vector<16xi32>
    %bitcast3A_394 = vector.bitcast %and3A_393 : vector<16xi32> to vector<16xf32>
    %gather3A_395 = tpu.vector_load_idx %arg6[%and3A_310, %sub3A_390] : memref<4x4096xf32, #tpu.memory_space<vmem>>[vector<16xi32>, vector<16xi32>], vector<16xf32>,
    %mul3A_396 = arith.mulf %bitcast3A_394, %gather3A_395 : vector<16xf32>
    %add3A_397 = arith.addf %add3A_380, %mul3A_396 : vector<16xf32>
    %broadcast_in_dim3A_398 = arith.constant 5 : i32
    %broadcast_in_dim3A_399 = vector.broadcast %broadcast_in_dim3A_398 : i32 to vector<16xi32>
    %gather3A_400 = tpu.vector_load_idx %arg5[%shift_right_logical3A_307, %and3A_310, %broadcast_in_dim3A_399] : memref<64x4x8xf32, #tpu.memory_space<vmem>>[vector<16xi32>, vector<16xi32>, vector<16xi32>], vector<16xf32>,
    %bitcast3A_401 = vector.bitcast %gather3A_400 : vector<16xf32> to vector<16xi32>
    %and3A_402 = arith.constant 4095 : i32
    %and3A_403 = vector.broadcast %and3A_402 : i32 to vector<16xi32>
    %and3A_404 = arith.andi %bitcast3A_401, %and3A_403 : vector<16xi32>
    %sub3A_405 = arith.constant 4095 : i32
    %sub3A_406 = vector.broadcast %sub3A_405 : i32 to vector<16xi32>
    %sub3A_407 = arith.subi %sub3A_406, %and3A_404 : vector<16xi32>
    %and3A_408 = arith.constant -4096 : i32
    %and3A_409 = vector.broadcast %and3A_408 : i32 to vector<16xi32>
    %and3A_410 = arith.andi %bitcast3A_401, %and3A_409 : vector<16xi32>
    %bitcast3A_411 = vector.bitcast %and3A_410 : vector<16xi32> to vector<16xf32>
    %gather3A_412 = tpu.vector_load_idx %arg6[%and3A_310, %sub3A_407] : memref<4x4096xf32, #tpu.memory_space<vmem>>[vector<16xi32>, vector<16xi32>], vector<16xf32>,
    %mul3A_413 = arith.mulf %bitcast3A_411, %gather3A_412 : vector<16xf32>
    %add3A_414 = arith.addf %add3A_397, %mul3A_413 : vector<16xf32>
    %broadcast_in_dim3A_415 = arith.constant 6 : i32
    %broadcast_in_dim3A_416 = vector.broadcast %broadcast_in_dim3A_415 : i32 to vector<16xi32>
    %gather3A_417 = tpu.vector_load_idx %arg5[%shift_right_logical3A_307, %and3A_310, %broadcast_in_dim3A_416] : memref<64x4x8xf32, #tpu.memory_space<vmem>>[vector<16xi32>, vector<16xi32>, vector<16xi32>], vector<16xf32>,
    %bitcast3A_418 = vector.bitcast %gather3A_417 : vector<16xf32> to vector<16xi32>
    %and3A_419 = arith.constant 4095 : i32
    %and3A_420 = vector.broadcast %and3A_419 : i32 to vector<16xi32>
    %and3A_421 = arith.andi %bitcast3A_418, %and3A_420 : vector<16xi32>
    %sub3A_422 = arith.constant 4095 : i32
    %sub3A_423 = vector.broadcast %sub3A_422 : i32 to vector<16xi32>
    %sub3A_424 = arith.subi %sub3A_423, %and3A_421 : vector<16xi32>
    %and3A_425 = arith.constant -4096 : i32
    %and3A_426 = vector.broadcast %and3A_425 : i32 to vector<16xi32>
    %and3A_427 = arith.andi %bitcast3A_418, %and3A_426 : vector<16xi32>
    %bitcast3A_428 = vector.bitcast %and3A_427 : vector<16xi32> to vector<16xf32>
    %gather3A_429 = tpu.vector_load_idx %arg6[%and3A_310, %sub3A_424] : memref<4x4096xf32, #tpu.memory_space<vmem>>[vector<16xi32>, vector<16xi32>], vector<16xf32>,
    %mul3A_430 = arith.mulf %bitcast3A_428, %gather3A_429 : vector<16xf32>
    %add3A_431 = arith.addf %add3A_414, %mul3A_430 : vector<16xf32>
    %broadcast_in_dim3A_432 = arith.constant 7 : i32
    %broadcast_in_dim3A_433 = vector.broadcast %broadcast_in_dim3A_432 : i32 to vector<16xi32>
    %gather3A_434 = tpu.vector_load_idx %arg5[%shift_right_logical3A_307, %and3A_310, %broadcast_in_dim3A_433] : memref<64x4x8xf32, #tpu.memory_space<vmem>>[vector<16xi32>, vector<16xi32>, vector<16xi32>], vector<16xf32>,
    %bitcast3A_435 = vector.bitcast %gather3A_434 : vector<16xf32> to vector<16xi32>
    %and3A_436 = arith.constant 4095 : i32
    %and3A_437 = vector.broadcast %and3A_436 : i32 to vector<16xi32>
    %and3A_438 = arith.andi %bitcast3A_435, %and3A_437 : vector<16xi32>
    %sub3A_439 = arith.constant 4095 : i32
    %sub3A_440 = vector.broadcast %sub3A_439 : i32 to vector<16xi32>
    %sub3A_441 = arith.subi %sub3A_440, %and3A_438 : vector<16xi32>
    %and3A_442 = arith.constant -4096 : i32
    %and3A_443 = vector.broadcast %and3A_442 : i32 to vector<16xi32>
    %and3A_444 = arith.andi %bitcast3A_435, %and3A_443 : vector<16xi32>
    %bitcast3A_445 = vector.bitcast %and3A_444 : vector<16xi32> to vector<16xf32>
    %gather3A_446 = tpu.vector_load_idx %arg6[%and3A_310, %sub3A_441] : memref<4x4096xf32, #tpu.memory_space<vmem>>[vector<16xi32>, vector<16xi32>], vector<16xf32>,
    %mul3A_447 = arith.mulf %bitcast3A_445, %gather3A_446 : vector<16xf32>
    %add3A_448 = arith.addf %add3A_431, %mul3A_447 : vector<16xf32>
    %mul3A_449 = arith.constant 1.250000e-01 : f32
    %mul3A_450 = vector.broadcast %mul3A_449 : f32 to vector<16xf32>
    %mul3A_451 = arith.mulf %add3A_448, %mul3A_450 : vector<16xf32>
    %swap3A_452 = arith.constant 32 : index
    %swap3A_453 = tpu.vector_load %arg7[%swap3A_452] {strides = array<i32>} : memref<256xf32, #tpu.memory_space<vmem>>, vector<16xf32>,
    tpu.vector_store %arg7[%swap3A_452], %mul3A_451 {strides = array<i32>} : memref<256xf32, #tpu.memory_space<vmem>>, vector<16xf32>,
    %add3A_454 = arith.constant 48 : i32
    %add3A_455 = vector.broadcast %add3A_454 : i32 to vector<16xi32>
    %add3A_456 = arith.addi %iota3A, %add3A_455 : vector<16xi32>
    %shift_right_logical3A_457 = arith.constant 2 : i32
    %shift_right_logical3A_458 = vector.broadcast %shift_right_logical3A_457 : i32 to vector<16xi32>
    %shift_right_logical3A_459 = arith.shrui %add3A_456, %shift_right_logical3A_458 : vector<16xi32>
    %and3A_460 = arith.constant 3 : i32
    %and3A_461 = vector.broadcast %and3A_460 : i32 to vector<16xi32>
    %and3A_462 = arith.andi %add3A_456, %and3A_461 : vector<16xi32>
    %broadcast_in_dim3A_463 = arith.constant 0.000000e+00 : f32
    %broadcast_in_dim3A_464 = vector.broadcast %broadcast_in_dim3A_463 : f32 to vector<16xf32>
    %broadcast_in_dim3A_465 = arith.constant 0 : i32
    %broadcast_in_dim3A_466 = vector.broadcast %broadcast_in_dim3A_465 : i32 to vector<16xi32>
    %gather3A_467 = tpu.vector_load_idx %arg5[%shift_right_logical3A_459, %and3A_462, %broadcast_in_dim3A_466] : memref<64x4x8xf32, #tpu.memory_space<vmem>>[vector<16xi32>, vector<16xi32>, vector<16xi32>], vector<16xf32>,
    %bitcast3A_468 = vector.bitcast %gather3A_467 : vector<16xf32> to vector<16xi32>
    %and3A_469 = arith.constant 4095 : i32
    %and3A_470 = vector.broadcast %and3A_469 : i32 to vector<16xi32>
    %and3A_471 = arith.andi %bitcast3A_468, %and3A_470 : vector<16xi32>
    %sub3A_472 = arith.constant 4095 : i32
    %sub3A_473 = vector.broadcast %sub3A_472 : i32 to vector<16xi32>
    %sub3A_474 = arith.subi %sub3A_473, %and3A_471 : vector<16xi32>
    %and3A_475 = arith.constant -4096 : i32
    %and3A_476 = vector.broadcast %and3A_475 : i32 to vector<16xi32>
    %and3A_477 = arith.andi %bitcast3A_468, %and3A_476 : vector<16xi32>
    %bitcast3A_478 = vector.bitcast %and3A_477 : vector<16xi32> to vector<16xf32>
    %gather3A_479 = tpu.vector_load_idx %arg6[%and3A_462, %sub3A_474] : memref<4x4096xf32, #tpu.memory_space<vmem>>[vector<16xi32>, vector<16xi32>], vector<16xf32>,
    %mul3A_480 = arith.mulf %bitcast3A_478, %gather3A_479 : vector<16xf32>
    %add3A_481 = arith.addf %broadcast_in_dim3A_464, %mul3A_480 : vector<16xf32>
    %broadcast_in_dim3A_482 = arith.constant 1 : i32
    %broadcast_in_dim3A_483 = vector.broadcast %broadcast_in_dim3A_482 : i32 to vector<16xi32>
    %gather3A_484 = tpu.vector_load_idx %arg5[%shift_right_logical3A_459, %and3A_462, %broadcast_in_dim3A_483] : memref<64x4x8xf32, #tpu.memory_space<vmem>>[vector<16xi32>, vector<16xi32>, vector<16xi32>], vector<16xf32>,
    %bitcast3A_485 = vector.bitcast %gather3A_484 : vector<16xf32> to vector<16xi32>
    %and3A_486 = arith.constant 4095 : i32
    %and3A_487 = vector.broadcast %and3A_486 : i32 to vector<16xi32>
    %and3A_488 = arith.andi %bitcast3A_485, %and3A_487 : vector<16xi32>
    %sub3A_489 = arith.constant 4095 : i32
    %sub3A_490 = vector.broadcast %sub3A_489 : i32 to vector<16xi32>
    %sub3A_491 = arith.subi %sub3A_490, %and3A_488 : vector<16xi32>
    %and3A_492 = arith.constant -4096 : i32
    %and3A_493 = vector.broadcast %and3A_492 : i32 to vector<16xi32>
    %and3A_494 = arith.andi %bitcast3A_485, %and3A_493 : vector<16xi32>
    %bitcast3A_495 = vector.bitcast %and3A_494 : vector<16xi32> to vector<16xf32>
    %gather3A_496 = tpu.vector_load_idx %arg6[%and3A_462, %sub3A_491] : memref<4x4096xf32, #tpu.memory_space<vmem>>[vector<16xi32>, vector<16xi32>], vector<16xf32>,
    %mul3A_497 = arith.mulf %bitcast3A_495, %gather3A_496 : vector<16xf32>
    %add3A_498 = arith.addf %add3A_481, %mul3A_497 : vector<16xf32>
    %broadcast_in_dim3A_499 = arith.constant 2 : i32
    %broadcast_in_dim3A_500 = vector.broadcast %broadcast_in_dim3A_499 : i32 to vector<16xi32>
    %gather3A_501 = tpu.vector_load_idx %arg5[%shift_right_logical3A_459, %and3A_462, %broadcast_in_dim3A_500] : memref<64x4x8xf32, #tpu.memory_space<vmem>>[vector<16xi32>, vector<16xi32>, vector<16xi32>], vector<16xf32>,
    %bitcast3A_502 = vector.bitcast %gather3A_501 : vector<16xf32> to vector<16xi32>
    %and3A_503 = arith.constant 4095 : i32
    %and3A_504 = vector.broadcast %and3A_503 : i32 to vector<16xi32>
    %and3A_505 = arith.andi %bitcast3A_502, %and3A_504 : vector<16xi32>
    %sub3A_506 = arith.constant 4095 : i32
    %sub3A_507 = vector.broadcast %sub3A_506 : i32 to vector<16xi32>
    %sub3A_508 = arith.subi %sub3A_507, %and3A_505 : vector<16xi32>
    %and3A_509 = arith.constant -4096 : i32
    %and3A_510 = vector.broadcast %and3A_509 : i32 to vector<16xi32>
    %and3A_511 = arith.andi %bitcast3A_502, %and3A_510 : vector<16xi32>
    %bitcast3A_512 = vector.bitcast %and3A_511 : vector<16xi32> to vector<16xf32>
    %gather3A_513 = tpu.vector_load_idx %arg6[%and3A_462, %sub3A_508] : memref<4x4096xf32, #tpu.memory_space<vmem>>[vector<16xi32>, vector<16xi32>], vector<16xf32>,
    %mul3A_514 = arith.mulf %bitcast3A_512, %gather3A_513 : vector<16xf32>
    %add3A_515 = arith.addf %add3A_498, %mul3A_514 : vector<16xf32>
    %broadcast_in_dim3A_516 = arith.constant 3 : i32
    %broadcast_in_dim3A_517 = vector.broadcast %broadcast_in_dim3A_516 : i32 to vector<16xi32>
    %gather3A_518 = tpu.vector_load_idx %arg5[%shift_right_logical3A_459, %and3A_462, %broadcast_in_dim3A_517] : memref<64x4x8xf32, #tpu.memory_space<vmem>>[vector<16xi32>, vector<16xi32>, vector<16xi32>], vector<16xf32>,
    %bitcast3A_519 = vector.bitcast %gather3A_518 : vector<16xf32> to vector<16xi32>
    %and3A_520 = arith.constant 4095 : i32
    %and3A_521 = vector.broadcast %and3A_520 : i32 to vector<16xi32>
    %and3A_522 = arith.andi %bitcast3A_519, %and3A_521 : vector<16xi32>
    %sub3A_523 = arith.constant 4095 : i32
    %sub3A_524 = vector.broadcast %sub3A_523 : i32 to vector<16xi32>
    %sub3A_525 = arith.subi %sub3A_524, %and3A_522 : vector<16xi32>
    %and3A_526 = arith.constant -4096 : i32
    %and3A_527 = vector.broadcast %and3A_526 : i32 to vector<16xi32>
    %and3A_528 = arith.andi %bitcast3A_519, %and3A_527 : vector<16xi32>
    %bitcast3A_529 = vector.bitcast %and3A_528 : vector<16xi32> to vector<16xf32>
    %gather3A_530 = tpu.vector_load_idx %arg6[%and3A_462, %sub3A_525] : memref<4x4096xf32, #tpu.memory_space<vmem>>[vector<16xi32>, vector<16xi32>], vector<16xf32>,
    %mul3A_531 = arith.mulf %bitcast3A_529, %gather3A_530 : vector<16xf32>
    %add3A_532 = arith.addf %add3A_515, %mul3A_531 : vector<16xf32>
    %broadcast_in_dim3A_533 = arith.constant 4 : i32
    %broadcast_in_dim3A_534 = vector.broadcast %broadcast_in_dim3A_533 : i32 to vector<16xi32>
    %gather3A_535 = tpu.vector_load_idx %arg5[%shift_right_logical3A_459, %and3A_462, %broadcast_in_dim3A_534] : memref<64x4x8xf32, #tpu.memory_space<vmem>>[vector<16xi32>, vector<16xi32>, vector<16xi32>], vector<16xf32>,
    %bitcast3A_536 = vector.bitcast %gather3A_535 : vector<16xf32> to vector<16xi32>
    %and3A_537 = arith.constant 4095 : i32
    %and3A_538 = vector.broadcast %and3A_537 : i32 to vector<16xi32>
    %and3A_539 = arith.andi %bitcast3A_536, %and3A_538 : vector<16xi32>
    %sub3A_540 = arith.constant 4095 : i32
    %sub3A_541 = vector.broadcast %sub3A_540 : i32 to vector<16xi32>
    %sub3A_542 = arith.subi %sub3A_541, %and3A_539 : vector<16xi32>
    %and3A_543 = arith.constant -4096 : i32
    %and3A_544 = vector.broadcast %and3A_543 : i32 to vector<16xi32>
    %and3A_545 = arith.andi %bitcast3A_536, %and3A_544 : vector<16xi32>
    %bitcast3A_546 = vector.bitcast %and3A_545 : vector<16xi32> to vector<16xf32>
    %gather3A_547 = tpu.vector_load_idx %arg6[%and3A_462, %sub3A_542] : memref<4x4096xf32, #tpu.memory_space<vmem>>[vector<16xi32>, vector<16xi32>], vector<16xf32>,
    %mul3A_548 = arith.mulf %bitcast3A_546, %gather3A_547 : vector<16xf32>
    %add3A_549 = arith.addf %add3A_532, %mul3A_548 : vector<16xf32>
    %broadcast_in_dim3A_550 = arith.constant 5 : i32
    %broadcast_in_dim3A_551 = vector.broadcast %broadcast_in_dim3A_550 : i32 to vector<16xi32>
    %gather3A_552 = tpu.vector_load_idx %arg5[%shift_right_logical3A_459, %and3A_462, %broadcast_in_dim3A_551] : memref<64x4x8xf32, #tpu.memory_space<vmem>>[vector<16xi32>, vector<16xi32>, vector<16xi32>], vector<16xf32>,
    %bitcast3A_553 = vector.bitcast %gather3A_552 : vector<16xf32> to vector<16xi32>
    %and3A_554 = arith.constant 4095 : i32
    %and3A_555 = vector.broadcast %and3A_554 : i32 to vector<16xi32>
    %and3A_556 = arith.andi %bitcast3A_553, %and3A_555 : vector<16xi32>
    %sub3A_557 = arith.constant 4095 : i32
    %sub3A_558 = vector.broadcast %sub3A_557 : i32 to vector<16xi32>
    %sub3A_559 = arith.subi %sub3A_558, %and3A_556 : vector<16xi32>
    %and3A_560 = arith.constant -4096 : i32
    %and3A_561 = vector.broadcast %and3A_560 : i32 to vector<16xi32>
    %and3A_562 = arith.andi %bitcast3A_553, %and3A_561 : vector<16xi32>
    %bitcast3A_563 = vector.bitcast %and3A_562 : vector<16xi32> to vector<16xf32>
    %gather3A_564 = tpu.vector_load_idx %arg6[%and3A_462, %sub3A_559] : memref<4x4096xf32, #tpu.memory_space<vmem>>[vector<16xi32>, vector<16xi32>], vector<16xf32>,
    %mul3A_565 = arith.mulf %bitcast3A_563, %gather3A_564 : vector<16xf32>
    %add3A_566 = arith.addf %add3A_549, %mul3A_565 : vector<16xf32>
    %broadcast_in_dim3A_567 = arith.constant 6 : i32
    %broadcast_in_dim3A_568 = vector.broadcast %broadcast_in_dim3A_567 : i32 to vector<16xi32>
    %gather3A_569 = tpu.vector_load_idx %arg5[%shift_right_logical3A_459, %and3A_462, %broadcast_in_dim3A_568] : memref<64x4x8xf32, #tpu.memory_space<vmem>>[vector<16xi32>, vector<16xi32>, vector<16xi32>], vector<16xf32>,
    %bitcast3A_570 = vector.bitcast %gather3A_569 : vector<16xf32> to vector<16xi32>
    %and3A_571 = arith.constant 4095 : i32
    %and3A_572 = vector.broadcast %and3A_571 : i32 to vector<16xi32>
    %and3A_573 = arith.andi %bitcast3A_570, %and3A_572 : vector<16xi32>
    %sub3A_574 = arith.constant 4095 : i32
    %sub3A_575 = vector.broadcast %sub3A_574 : i32 to vector<16xi32>
    %sub3A_576 = arith.subi %sub3A_575, %and3A_573 : vector<16xi32>
    %and3A_577 = arith.constant -4096 : i32
    %and3A_578 = vector.broadcast %and3A_577 : i32 to vector<16xi32>
    %and3A_579 = arith.andi %bitcast3A_570, %and3A_578 : vector<16xi32>
    %bitcast3A_580 = vector.bitcast %and3A_579 : vector<16xi32> to vector<16xf32>
    %gather3A_581 = tpu.vector_load_idx %arg6[%and3A_462, %sub3A_576] : memref<4x4096xf32, #tpu.memory_space<vmem>>[vector<16xi32>, vector<16xi32>], vector<16xf32>,
    %mul3A_582 = arith.mulf %bitcast3A_580, %gather3A_581 : vector<16xf32>
    %add3A_583 = arith.addf %add3A_566, %mul3A_582 : vector<16xf32>
    %broadcast_in_dim3A_584 = arith.constant 7 : i32
    %broadcast_in_dim3A_585 = vector.broadcast %broadcast_in_dim3A_584 : i32 to vector<16xi32>
    %gather3A_586 = tpu.vector_load_idx %arg5[%shift_right_logical3A_459, %and3A_462, %broadcast_in_dim3A_585] : memref<64x4x8xf32, #tpu.memory_space<vmem>>[vector<16xi32>, vector<16xi32>, vector<16xi32>], vector<16xf32>,
    %bitcast3A_587 = vector.bitcast %gather3A_586 : vector<16xf32> to vector<16xi32>
    %and3A_588 = arith.constant 4095 : i32
    %and3A_589 = vector.broadcast %and3A_588 : i32 to vector<16xi32>
    %and3A_590 = arith.andi %bitcast3A_587, %and3A_589 : vector<16xi32>
    %sub3A_591 = arith.constant 4095 : i32
    %sub3A_592 = vector.broadcast %sub3A_591 : i32 to vector<16xi32>
    %sub3A_593 = arith.subi %sub3A_592, %and3A_590 : vector<16xi32>
    %and3A_594 = arith.constant -4096 : i32
    %and3A_595 = vector.broadcast %and3A_594 : i32 to vector<16xi32>
    %and3A_596 = arith.andi %bitcast3A_587, %and3A_595 : vector<16xi32>
    %bitcast3A_597 = vector.bitcast %and3A_596 : vector<16xi32> to vector<16xf32>
    %gather3A_598 = tpu.vector_load_idx %arg6[%and3A_462, %sub3A_593] : memref<4x4096xf32, #tpu.memory_space<vmem>>[vector<16xi32>, vector<16xi32>], vector<16xf32>,
    %mul3A_599 = arith.mulf %bitcast3A_597, %gather3A_598 : vector<16xf32>
    %add3A_600 = arith.addf %add3A_583, %mul3A_599 : vector<16xf32>
    %mul3A_601 = arith.constant 1.250000e-01 : f32
    %mul3A_602 = vector.broadcast %mul3A_601 : f32 to vector<16xf32>
    %mul3A_603 = arith.mulf %add3A_600, %mul3A_602 : vector<16xf32>
    %swap3A_604 = arith.constant 48 : index
    %swap3A_605 = tpu.vector_load %arg7[%swap3A_604] {strides = array<i32>} : memref<256xf32, #tpu.memory_space<vmem>>, vector<16xf32>,
    tpu.vector_store %arg7[%swap3A_604], %mul3A_603 {strides = array<i32>} : memref<256xf32, #tpu.memory_space<vmem>>, vector<16xf32>,
    %add3A_606 = arith.constant 64 : i32
    %add3A_607 = vector.broadcast %add3A_606 : i32 to vector<16xi32>
    %add3A_608 = arith.addi %iota3A, %add3A_607 : vector<16xi32>
    %shift_right_logical3A_609 = arith.constant 2 : i32
    %shift_right_logical3A_610 = vector.broadcast %shift_right_logical3A_609 : i32 to vector<16xi32>
    %shift_right_logical3A_611 = arith.shrui %add3A_608, %shift_right_logical3A_610 : vector<16xi32>
    %and3A_612 = arith.constant 3 : i32
    %and3A_613 = vector.broadcast %and3A_612 : i32 to vector<16xi32>
    %and3A_614 = arith.andi %add3A_608, %and3A_613 : vector<16xi32>
    %broadcast_in_dim3A_615 = arith.constant 0.000000e+00 : f32
    %broadcast_in_dim3A_616 = vector.broadcast %broadcast_in_dim3A_615 : f32 to vector<16xf32>
    %broadcast_in_dim3A_617 = arith.constant 0 : i32
    %broadcast_in_dim3A_618 = vector.broadcast %broadcast_in_dim3A_617 : i32 to vector<16xi32>
    %gather3A_619 = tpu.vector_load_idx %arg5[%shift_right_logical3A_611, %and3A_614, %broadcast_in_dim3A_618] : memref<64x4x8xf32, #tpu.memory_space<vmem>>[vector<16xi32>, vector<16xi32>, vector<16xi32>], vector<16xf32>,
    %bitcast3A_620 = vector.bitcast %gather3A_619 : vector<16xf32> to vector<16xi32>
    %and3A_621 = arith.constant 4095 : i32
    %and3A_622 = vector.broadcast %and3A_621 : i32 to vector<16xi32>
    %and3A_623 = arith.andi %bitcast3A_620, %and3A_622 : vector<16xi32>
    %sub3A_624 = arith.constant 4095 : i32
    %sub3A_625 = vector.broadcast %sub3A_624 : i32 to vector<16xi32>
    %sub3A_626 = arith.subi %sub3A_625, %and3A_623 : vector<16xi32>
    %and3A_627 = arith.constant -4096 : i32
    %and3A_628 = vector.broadcast %and3A_627 : i32 to vector<16xi32>
    %and3A_629 = arith.andi %bitcast3A_620, %and3A_628 : vector<16xi32>
    %bitcast3A_630 = vector.bitcast %and3A_629 : vector<16xi32> to vector<16xf32>
    %gather3A_631 = tpu.vector_load_idx %arg6[%and3A_614, %sub3A_626] : memref<4x4096xf32, #tpu.memory_space<vmem>>[vector<16xi32>, vector<16xi32>], vector<16xf32>,
    %mul3A_632 = arith.mulf %bitcast3A_630, %gather3A_631 : vector<16xf32>
    %add3A_633 = arith.addf %broadcast_in_dim3A_616, %mul3A_632 : vector<16xf32>
    %broadcast_in_dim3A_634 = arith.constant 1 : i32
    %broadcast_in_dim3A_635 = vector.broadcast %broadcast_in_dim3A_634 : i32 to vector<16xi32>
    %gather3A_636 = tpu.vector_load_idx %arg5[%shift_right_logical3A_611, %and3A_614, %broadcast_in_dim3A_635] : memref<64x4x8xf32, #tpu.memory_space<vmem>>[vector<16xi32>, vector<16xi32>, vector<16xi32>], vector<16xf32>,
    %bitcast3A_637 = vector.bitcast %gather3A_636 : vector<16xf32> to vector<16xi32>
    %and3A_638 = arith.constant 4095 : i32
    %and3A_639 = vector.broadcast %and3A_638 : i32 to vector<16xi32>
    %and3A_640 = arith.andi %bitcast3A_637, %and3A_639 : vector<16xi32>
    %sub3A_641 = arith.constant 4095 : i32
    %sub3A_642 = vector.broadcast %sub3A_641 : i32 to vector<16xi32>
    %sub3A_643 = arith.subi %sub3A_642, %and3A_640 : vector<16xi32>
    %and3A_644 = arith.constant -4096 : i32
    %and3A_645 = vector.broadcast %and3A_644 : i32 to vector<16xi32>
    %and3A_646 = arith.andi %bitcast3A_637, %and3A_645 : vector<16xi32>
    %bitcast3A_647 = vector.bitcast %and3A_646 : vector<16xi32> to vector<16xf32>
    %gather3A_648 = tpu.vector_load_idx %arg6[%and3A_614, %sub3A_643] : memref<4x4096xf32, #tpu.memory_space<vmem>>[vector<16xi32>, vector<16xi32>], vector<16xf32>,
    %mul3A_649 = arith.mulf %bitcast3A_647, %gather3A_648 : vector<16xf32>
    %add3A_650 = arith.addf %add3A_633, %mul3A_649 : vector<16xf32>
    %broadcast_in_dim3A_651 = arith.constant 2 : i32
    %broadcast_in_dim3A_652 = vector.broadcast %broadcast_in_dim3A_651 : i32 to vector<16xi32>
    %gather3A_653 = tpu.vector_load_idx %arg5[%shift_right_logical3A_611, %and3A_614, %broadcast_in_dim3A_652] : memref<64x4x8xf32, #tpu.memory_space<vmem>>[vector<16xi32>, vector<16xi32>, vector<16xi32>], vector<16xf32>,
    %bitcast3A_654 = vector.bitcast %gather3A_653 : vector<16xf32> to vector<16xi32>
    %and3A_655 = arith.constant 4095 : i32
    %and3A_656 = vector.broadcast %and3A_655 : i32 to vector<16xi32>
    %and3A_657 = arith.andi %bitcast3A_654, %and3A_656 : vector<16xi32>
    %sub3A_658 = arith.constant 4095 : i32
    %sub3A_659 = vector.broadcast %sub3A_658 : i32 to vector<16xi32>
    %sub3A_660 = arith.subi %sub3A_659, %and3A_657 : vector<16xi32>
    %and3A_661 = arith.constant -4096 : i32
    %and3A_662 = vector.broadcast %and3A_661 : i32 to vector<16xi32>
    %and3A_663 = arith.andi %bitcast3A_654, %and3A_662 : vector<16xi32>
    %bitcast3A_664 = vector.bitcast %and3A_663 : vector<16xi32> to vector<16xf32>
    %gather3A_665 = tpu.vector_load_idx %arg6[%and3A_614, %sub3A_660] : memref<4x4096xf32, #tpu.memory_space<vmem>>[vector<16xi32>, vector<16xi32>], vector<16xf32>,
    %mul3A_666 = arith.mulf %bitcast3A_664, %gather3A_665 : vector<16xf32>
    %add3A_667 = arith.addf %add3A_650, %mul3A_666 : vector<16xf32>
    %broadcast_in_dim3A_668 = arith.constant 3 : i32
    %broadcast_in_dim3A_669 = vector.broadcast %broadcast_in_dim3A_668 : i32 to vector<16xi32>
    %gather3A_670 = tpu.vector_load_idx %arg5[%shift_right_logical3A_611, %and3A_614, %broadcast_in_dim3A_669] : memref<64x4x8xf32, #tpu.memory_space<vmem>>[vector<16xi32>, vector<16xi32>, vector<16xi32>], vector<16xf32>,
    %bitcast3A_671 = vector.bitcast %gather3A_670 : vector<16xf32> to vector<16xi32>
    %and3A_672 = arith.constant 4095 : i32
    %and3A_673 = vector.broadcast %and3A_672 : i32 to vector<16xi32>
    %and3A_674 = arith.andi %bitcast3A_671, %and3A_673 : vector<16xi32>
    %sub3A_675 = arith.constant 4095 : i32
    %sub3A_676 = vector.broadcast %sub3A_675 : i32 to vector<16xi32>
    %sub3A_677 = arith.subi %sub3A_676, %and3A_674 : vector<16xi32>
    %and3A_678 = arith.constant -4096 : i32
    %and3A_679 = vector.broadcast %and3A_678 : i32 to vector<16xi32>
    %and3A_680 = arith.andi %bitcast3A_671, %and3A_679 : vector<16xi32>
    %bitcast3A_681 = vector.bitcast %and3A_680 : vector<16xi32> to vector<16xf32>
    %gather3A_682 = tpu.vector_load_idx %arg6[%and3A_614, %sub3A_677] : memref<4x4096xf32, #tpu.memory_space<vmem>>[vector<16xi32>, vector<16xi32>], vector<16xf32>,
    %mul3A_683 = arith.mulf %bitcast3A_681, %gather3A_682 : vector<16xf32>
    %add3A_684 = arith.addf %add3A_667, %mul3A_683 : vector<16xf32>
    %broadcast_in_dim3A_685 = arith.constant 4 : i32
    %broadcast_in_dim3A_686 = vector.broadcast %broadcast_in_dim3A_685 : i32 to vector<16xi32>
    %gather3A_687 = tpu.vector_load_idx %arg5[%shift_right_logical3A_611, %and3A_614, %broadcast_in_dim3A_686] : memref<64x4x8xf32, #tpu.memory_space<vmem>>[vector<16xi32>, vector<16xi32>, vector<16xi32>], vector<16xf32>,
    %bitcast3A_688 = vector.bitcast %gather3A_687 : vector<16xf32> to vector<16xi32>
    %and3A_689 = arith.constant 4095 : i32
    %and3A_690 = vector.broadcast %and3A_689 : i32 to vector<16xi32>
    %and3A_691 = arith.andi %bitcast3A_688, %and3A_690 : vector<16xi32>
    %sub3A_692 = arith.constant 4095 : i32
    %sub3A_693 = vector.broadcast %sub3A_692 : i32 to vector<16xi32>
    %sub3A_694 = arith.subi %sub3A_693, %and3A_691 : vector<16xi32>
    %and3A_695 = arith.constant -4096 : i32
    %and3A_696 = vector.broadcast %and3A_695 : i32 to vector<16xi32>
    %and3A_697 = arith.andi %bitcast3A_688, %and3A_696 : vector<16xi32>
    %bitcast3A_698 = vector.bitcast %and3A_697 : vector<16xi32> to vector<16xf32>
    %gather3A_699 = tpu.vector_load_idx %arg6[%and3A_614, %sub3A_694] : memref<4x4096xf32, #tpu.memory_space<vmem>>[vector<16xi32>, vector<16xi32>], vector<16xf32>,
    %mul3A_700 = arith.mulf %bitcast3A_698, %gather3A_699 : vector<16xf32>
    %add3A_701 = arith.addf %add3A_684, %mul3A_700 : vector<16xf32>
    %broadcast_in_dim3A_702 = arith.constant 5 : i32
    %broadcast_in_dim3A_703 = vector.broadcast %broadcast_in_dim3A_702 : i32 to vector<16xi32>
    %gather3A_704 = tpu.vector_load_idx %arg5[%shift_right_logical3A_611, %and3A_614, %broadcast_in_dim3A_703] : memref<64x4x8xf32, #tpu.memory_space<vmem>>[vector<16xi32>, vector<16xi32>, vector<16xi32>], vector<16xf32>,
    %bitcast3A_705 = vector.bitcast %gather3A_704 : vector<16xf32> to vector<16xi32>
    %and3A_706 = arith.constant 4095 : i32
    %and3A_707 = vector.broadcast %and3A_706 : i32 to vector<16xi32>
    %and3A_708 = arith.andi %bitcast3A_705, %and3A_707 : vector<16xi32>
    %sub3A_709 = arith.constant 4095 : i32
    %sub3A_710 = vector.broadcast %sub3A_709 : i32 to vector<16xi32>
    %sub3A_711 = arith.subi %sub3A_710, %and3A_708 : vector<16xi32>
    %and3A_712 = arith.constant -4096 : i32
    %and3A_713 = vector.broadcast %and3A_712 : i32 to vector<16xi32>
    %and3A_714 = arith.andi %bitcast3A_705, %and3A_713 : vector<16xi32>
    %bitcast3A_715 = vector.bitcast %and3A_714 : vector<16xi32> to vector<16xf32>
    %gather3A_716 = tpu.vector_load_idx %arg6[%and3A_614, %sub3A_711] : memref<4x4096xf32, #tpu.memory_space<vmem>>[vector<16xi32>, vector<16xi32>], vector<16xf32>,
    %mul3A_717 = arith.mulf %bitcast3A_715, %gather3A_716 : vector<16xf32>
    %add3A_718 = arith.addf %add3A_701, %mul3A_717 : vector<16xf32>
    %broadcast_in_dim3A_719 = arith.constant 6 : i32
    %broadcast_in_dim3A_720 = vector.broadcast %broadcast_in_dim3A_719 : i32 to vector<16xi32>
    %gather3A_721 = tpu.vector_load_idx %arg5[%shift_right_logical3A_611, %and3A_614, %broadcast_in_dim3A_720] : memref<64x4x8xf32, #tpu.memory_space<vmem>>[vector<16xi32>, vector<16xi32>, vector<16xi32>], vector<16xf32>,
    %bitcast3A_722 = vector.bitcast %gather3A_721 : vector<16xf32> to vector<16xi32>
    %and3A_723 = arith.constant 4095 : i32
    %and3A_724 = vector.broadcast %and3A_723 : i32 to vector<16xi32>
    %and3A_725 = arith.andi %bitcast3A_722, %and3A_724 : vector<16xi32>
    %sub3A_726 = arith.constant 4095 : i32
    %sub3A_727 = vector.broadcast %sub3A_726 : i32 to vector<16xi32>
    %sub3A_728 = arith.subi %sub3A_727, %and3A_725 : vector<16xi32>
    %and3A_729 = arith.constant -4096 : i32
    %and3A_730 = vector.broadcast %and3A_729 : i32 to vector<16xi32>
    %and3A_731 = arith.andi %bitcast3A_722, %and3A_730 : vector<16xi32>
    %bitcast3A_732 = vector.bitcast %and3A_731 : vector<16xi32> to vector<16xf32>
    %gather3A_733 = tpu.vector_load_idx %arg6[%and3A_614, %sub3A_728] : memref<4x4096xf32, #tpu.memory_space<vmem>>[vector<16xi32>, vector<16xi32>], vector<16xf32>,
    %mul3A_734 = arith.mulf %bitcast3A_732, %gather3A_733 : vector<16xf32>
    %add3A_735 = arith.addf %add3A_718, %mul3A_734 : vector<16xf32>
    %broadcast_in_dim3A_736 = arith.constant 7 : i32
    %broadcast_in_dim3A_737 = vector.broadcast %broadcast_in_dim3A_736 : i32 to vector<16xi32>
    %gather3A_738 = tpu.vector_load_idx %arg5[%shift_right_logical3A_611, %and3A_614, %broadcast_in_dim3A_737] : memref<64x4x8xf32, #tpu.memory_space<vmem>>[vector<16xi32>, vector<16xi32>, vector<16xi32>], vector<16xf32>,
    %bitcast3A_739 = vector.bitcast %gather3A_738 : vector<16xf32> to vector<16xi32>
    %and3A_740 = arith.constant 4095 : i32
    %and3A_741 = vector.broadcast %and3A_740 : i32 to vector<16xi32>
    %and3A_742 = arith.andi %bitcast3A_739, %and3A_741 : vector<16xi32>
    %sub3A_743 = arith.constant 4095 : i32
    %sub3A_744 = vector.broadcast %sub3A_743 : i32 to vector<16xi32>
    %sub3A_745 = arith.subi %sub3A_744, %and3A_742 : vector<16xi32>
    %and3A_746 = arith.constant -4096 : i32
    %and3A_747 = vector.broadcast %and3A_746 : i32 to vector<16xi32>
    %and3A_748 = arith.andi %bitcast3A_739, %and3A_747 : vector<16xi32>
    %bitcast3A_749 = vector.bitcast %and3A_748 : vector<16xi32> to vector<16xf32>
    %gather3A_750 = tpu.vector_load_idx %arg6[%and3A_614, %sub3A_745] : memref<4x4096xf32, #tpu.memory_space<vmem>>[vector<16xi32>, vector<16xi32>], vector<16xf32>,
    %mul3A_751 = arith.mulf %bitcast3A_749, %gather3A_750 : vector<16xf32>
    %add3A_752 = arith.addf %add3A_735, %mul3A_751 : vector<16xf32>
    %mul3A_753 = arith.constant 1.250000e-01 : f32
    %mul3A_754 = vector.broadcast %mul3A_753 : f32 to vector<16xf32>
    %mul3A_755 = arith.mulf %add3A_752, %mul3A_754 : vector<16xf32>
    %swap3A_756 = arith.constant 64 : index
    %swap3A_757 = tpu.vector_load %arg7[%swap3A_756] {strides = array<i32>} : memref<256xf32, #tpu.memory_space<vmem>>, vector<16xf32>,
    tpu.vector_store %arg7[%swap3A_756], %mul3A_755 {strides = array<i32>} : memref<256xf32, #tpu.memory_space<vmem>>, vector<16xf32>,
    %add3A_758 = arith.constant 80 : i32
    %add3A_759 = vector.broadcast %add3A_758 : i32 to vector<16xi32>
    %add3A_760 = arith.addi %iota3A, %add3A_759 : vector<16xi32>
    %shift_right_logical3A_761 = arith.constant 2 : i32
    %shift_right_logical3A_762 = vector.broadcast %shift_right_logical3A_761 : i32 to vector<16xi32>
    %shift_right_logical3A_763 = arith.shrui %add3A_760, %shift_right_logical3A_762 : vector<16xi32>
    %and3A_764 = arith.constant 3 : i32
    %and3A_765 = vector.broadcast %and3A_764 : i32 to vector<16xi32>
    %and3A_766 = arith.andi %add3A_760, %and3A_765 : vector<16xi32>
    %broadcast_in_dim3A_767 = arith.constant 0.000000e+00 : f32
    %broadcast_in_dim3A_768 = vector.broadcast %broadcast_in_dim3A_767 : f32 to vector<16xf32>
    %broadcast_in_dim3A_769 = arith.constant 0 : i32
    %broadcast_in_dim3A_770 = vector.broadcast %broadcast_in_dim3A_769 : i32 to vector<16xi32>
    %gather3A_771 = tpu.vector_load_idx %arg5[%shift_right_logical3A_763, %and3A_766, %broadcast_in_dim3A_770] : memref<64x4x8xf32, #tpu.memory_space<vmem>>[vector<16xi32>, vector<16xi32>, vector<16xi32>], vector<16xf32>,
    %bitcast3A_772 = vector.bitcast %gather3A_771 : vector<16xf32> to vector<16xi32>
    %and3A_773 = arith.constant 4095 : i32
    %and3A_774 = vector.broadcast %and3A_773 : i32 to vector<16xi32>
    %and3A_775 = arith.andi %bitcast3A_772, %and3A_774 : vector<16xi32>
    %sub3A_776 = arith.constant 4095 : i32
    %sub3A_777 = vector.broadcast %sub3A_776 : i32 to vector<16xi32>
    %sub3A_778 = arith.subi %sub3A_777, %and3A_775 : vector<16xi32>
    %and3A_779 = arith.constant -4096 : i32
    %and3A_780 = vector.broadcast %and3A_779 : i32 to vector<16xi32>
    %and3A_781 = arith.andi %bitcast3A_772, %and3A_780 : vector<16xi32>
    %bitcast3A_782 = vector.bitcast %and3A_781 : vector<16xi32> to vector<16xf32>
    %gather3A_783 = tpu.vector_load_idx %arg6[%and3A_766, %sub3A_778] : memref<4x4096xf32, #tpu.memory_space<vmem>>[vector<16xi32>, vector<16xi32>], vector<16xf32>,
    %mul3A_784 = arith.mulf %bitcast3A_782, %gather3A_783 : vector<16xf32>
    %add3A_785 = arith.addf %broadcast_in_dim3A_768, %mul3A_784 : vector<16xf32>
    %broadcast_in_dim3A_786 = arith.constant 1 : i32
    %broadcast_in_dim3A_787 = vector.broadcast %broadcast_in_dim3A_786 : i32 to vector<16xi32>
    %gather3A_788 = tpu.vector_load_idx %arg5[%shift_right_logical3A_763, %and3A_766, %broadcast_in_dim3A_787] : memref<64x4x8xf32, #tpu.memory_space<vmem>>[vector<16xi32>, vector<16xi32>, vector<16xi32>], vector<16xf32>,
    %bitcast3A_789 = vector.bitcast %gather3A_788 : vector<16xf32> to vector<16xi32>
    %and3A_790 = arith.constant 4095 : i32
    %and3A_791 = vector.broadcast %and3A_790 : i32 to vector<16xi32>
    %and3A_792 = arith.andi %bitcast3A_789, %and3A_791 : vector<16xi32>
    %sub3A_793 = arith.constant 4095 : i32
    %sub3A_794 = vector.broadcast %sub3A_793 : i32 to vector<16xi32>
    %sub3A_795 = arith.subi %sub3A_794, %and3A_792 : vector<16xi32>
    %and3A_796 = arith.constant -4096 : i32
    %and3A_797 = vector.broadcast %and3A_796 : i32 to vector<16xi32>
    %and3A_798 = arith.andi %bitcast3A_789, %and3A_797 : vector<16xi32>
    %bitcast3A_799 = vector.bitcast %and3A_798 : vector<16xi32> to vector<16xf32>
    %gather3A_800 = tpu.vector_load_idx %arg6[%and3A_766, %sub3A_795] : memref<4x4096xf32, #tpu.memory_space<vmem>>[vector<16xi32>, vector<16xi32>], vector<16xf32>,
    %mul3A_801 = arith.mulf %bitcast3A_799, %gather3A_800 : vector<16xf32>
    %add3A_802 = arith.addf %add3A_785, %mul3A_801 : vector<16xf32>
    %broadcast_in_dim3A_803 = arith.constant 2 : i32
    %broadcast_in_dim3A_804 = vector.broadcast %broadcast_in_dim3A_803 : i32 to vector<16xi32>
    %gather3A_805 = tpu.vector_load_idx %arg5[%shift_right_logical3A_763, %and3A_766, %broadcast_in_dim3A_804] : memref<64x4x8xf32, #tpu.memory_space<vmem>>[vector<16xi32>, vector<16xi32>, vector<16xi32>], vector<16xf32>,
    %bitcast3A_806 = vector.bitcast %gather3A_805 : vector<16xf32> to vector<16xi32>
    %and3A_807 = arith.constant 4095 : i32
    %and3A_808 = vector.broadcast %and3A_807 : i32 to vector<16xi32>
    %and3A_809 = arith.andi %bitcast3A_806, %and3A_808 : vector<16xi32>
    %sub3A_810 = arith.constant 4095 : i32
    %sub3A_811 = vector.broadcast %sub3A_810 : i32 to vector<16xi32>
    %sub3A_812 = arith.subi %sub3A_811, %and3A_809 : vector<16xi32>
    %and3A_813 = arith.constant -4096 : i32
    %and3A_814 = vector.broadcast %and3A_813 : i32 to vector<16xi32>
    %and3A_815 = arith.andi %bitcast3A_806, %and3A_814 : vector<16xi32>
    %bitcast3A_816 = vector.bitcast %and3A_815 : vector<16xi32> to vector<16xf32>
    %gather3A_817 = tpu.vector_load_idx %arg6[%and3A_766, %sub3A_812] : memref<4x4096xf32, #tpu.memory_space<vmem>>[vector<16xi32>, vector<16xi32>], vector<16xf32>,
    %mul3A_818 = arith.mulf %bitcast3A_816, %gather3A_817 : vector<16xf32>
    %add3A_819 = arith.addf %add3A_802, %mul3A_818 : vector<16xf32>
    %broadcast_in_dim3A_820 = arith.constant 3 : i32
    %broadcast_in_dim3A_821 = vector.broadcast %broadcast_in_dim3A_820 : i32 to vector<16xi32>
    %gather3A_822 = tpu.vector_load_idx %arg5[%shift_right_logical3A_763, %and3A_766, %broadcast_in_dim3A_821] : memref<64x4x8xf32, #tpu.memory_space<vmem>>[vector<16xi32>, vector<16xi32>, vector<16xi32>], vector<16xf32>,
    %bitcast3A_823 = vector.bitcast %gather3A_822 : vector<16xf32> to vector<16xi32>
    %and3A_824 = arith.constant 4095 : i32
    %and3A_825 = vector.broadcast %and3A_824 : i32 to vector<16xi32>
    %and3A_826 = arith.andi %bitcast3A_823, %and3A_825 : vector<16xi32>
    %sub3A_827 = arith.constant 4095 : i32
    %sub3A_828 = vector.broadcast %sub3A_827 : i32 to vector<16xi32>
    %sub3A_829 = arith.subi %sub3A_828, %and3A_826 : vector<16xi32>
    %and3A_830 = arith.constant -4096 : i32
    %and3A_831 = vector.broadcast %and3A_830 : i32 to vector<16xi32>
    %and3A_832 = arith.andi %bitcast3A_823, %and3A_831 : vector<16xi32>
    %bitcast3A_833 = vector.bitcast %and3A_832 : vector<16xi32> to vector<16xf32>
    %gather3A_834 = tpu.vector_load_idx %arg6[%and3A_766, %sub3A_829] : memref<4x4096xf32, #tpu.memory_space<vmem>>[vector<16xi32>, vector<16xi32>], vector<16xf32>,
    %mul3A_835 = arith.mulf %bitcast3A_833, %gather3A_834 : vector<16xf32>
    %add3A_836 = arith.addf %add3A_819, %mul3A_835 : vector<16xf32>
    %broadcast_in_dim3A_837 = arith.constant 4 : i32
    %broadcast_in_dim3A_838 = vector.broadcast %broadcast_in_dim3A_837 : i32 to vector<16xi32>
    %gather3A_839 = tpu.vector_load_idx %arg5[%shift_right_logical3A_763, %and3A_766, %broadcast_in_dim3A_838] : memref<64x4x8xf32, #tpu.memory_space<vmem>>[vector<16xi32>, vector<16xi32>, vector<16xi32>], vector<16xf32>,
    %bitcast3A_840 = vector.bitcast %gather3A_839 : vector<16xf32> to vector<16xi32>
    %and3A_841 = arith.constant 4095 : i32
    %and3A_842 = vector.broadcast %and3A_841 : i32 to vector<16xi32>
    %and3A_843 = arith.andi %bitcast3A_840, %and3A_842 : vector<16xi32>
    %sub3A_844 = arith.constant 4095 : i32
    %sub3A_845 = vector.broadcast %sub3A_844 : i32 to vector<16xi32>
    %sub3A_846 = arith.subi %sub3A_845, %and3A_843 : vector<16xi32>
    %and3A_847 = arith.constant -4096 : i32
    %and3A_848 = vector.broadcast %and3A_847 : i32 to vector<16xi32>
    %and3A_849 = arith.andi %bitcast3A_840, %and3A_848 : vector<16xi32>
    %bitcast3A_850 = vector.bitcast %and3A_849 : vector<16xi32> to vector<16xf32>
    %gather3A_851 = tpu.vector_load_idx %arg6[%and3A_766, %sub3A_846] : memref<4x4096xf32, #tpu.memory_space<vmem>>[vector<16xi32>, vector<16xi32>], vector<16xf32>,
    %mul3A_852 = arith.mulf %bitcast3A_850, %gather3A_851 : vector<16xf32>
    %add3A_853 = arith.addf %add3A_836, %mul3A_852 : vector<16xf32>
    %broadcast_in_dim3A_854 = arith.constant 5 : i32
    %broadcast_in_dim3A_855 = vector.broadcast %broadcast_in_dim3A_854 : i32 to vector<16xi32>
    %gather3A_856 = tpu.vector_load_idx %arg5[%shift_right_logical3A_763, %and3A_766, %broadcast_in_dim3A_855] : memref<64x4x8xf32, #tpu.memory_space<vmem>>[vector<16xi32>, vector<16xi32>, vector<16xi32>], vector<16xf32>,
    %bitcast3A_857 = vector.bitcast %gather3A_856 : vector<16xf32> to vector<16xi32>
    %and3A_858 = arith.constant 4095 : i32
    %and3A_859 = vector.broadcast %and3A_858 : i32 to vector<16xi32>
    %and3A_860 = arith.andi %bitcast3A_857, %and3A_859 : vector<16xi32>
    %sub3A_861 = arith.constant 4095 : i32
    %sub3A_862 = vector.broadcast %sub3A_861 : i32 to vector<16xi32>
    %sub3A_863 = arith.subi %sub3A_862, %and3A_860 : vector<16xi32>
    %and3A_864 = arith.constant -4096 : i32
    %and3A_865 = vector.broadcast %and3A_864 : i32 to vector<16xi32>
    %and3A_866 = arith.andi %bitcast3A_857, %and3A_865 : vector<16xi32>
    %bitcast3A_867 = vector.bitcast %and3A_866 : vector<16xi32> to vector<16xf32>
    %gather3A_868 = tpu.vector_load_idx %arg6[%and3A_766, %sub3A_863] : memref<4x4096xf32, #tpu.memory_space<vmem>>[vector<16xi32>, vector<16xi32>], vector<16xf32>,
    %mul3A_869 = arith.mulf %bitcast3A_867, %gather3A_868 : vector<16xf32>
    %add3A_870 = arith.addf %add3A_853, %mul3A_869 : vector<16xf32>
    %broadcast_in_dim3A_871 = arith.constant 6 : i32
    %broadcast_in_dim3A_872 = vector.broadcast %broadcast_in_dim3A_871 : i32 to vector<16xi32>
    %gather3A_873 = tpu.vector_load_idx %arg5[%shift_right_logical3A_763, %and3A_766, %broadcast_in_dim3A_872] : memref<64x4x8xf32, #tpu.memory_space<vmem>>[vector<16xi32>, vector<16xi32>, vector<16xi32>], vector<16xf32>,
    %bitcast3A_874 = vector.bitcast %gather3A_873 : vector<16xf32> to vector<16xi32>
    %and3A_875 = arith.constant 4095 : i32
    %and3A_876 = vector.broadcast %and3A_875 : i32 to vector<16xi32>
    %and3A_877 = arith.andi %bitcast3A_874, %and3A_876 : vector<16xi32>
    %sub3A_878 = arith.constant 4095 : i32
    %sub3A_879 = vector.broadcast %sub3A_878 : i32 to vector<16xi32>
    %sub3A_880 = arith.subi %sub3A_879, %and3A_877 : vector<16xi32>
    %and3A_881 = arith.constant -4096 : i32
    %and3A_882 = vector.broadcast %and3A_881 : i32 to vector<16xi32>
    %and3A_883 = arith.andi %bitcast3A_874, %and3A_882 : vector<16xi32>
    %bitcast3A_884 = vector.bitcast %and3A_883 : vector<16xi32> to vector<16xf32>
    %gather3A_885 = tpu.vector_load_idx %arg6[%and3A_766, %sub3A_880] : memref<4x4096xf32, #tpu.memory_space<vmem>>[vector<16xi32>, vector<16xi32>], vector<16xf32>,
    %mul3A_886 = arith.mulf %bitcast3A_884, %gather3A_885 : vector<16xf32>
    %add3A_887 = arith.addf %add3A_870, %mul3A_886 : vector<16xf32>
    %broadcast_in_dim3A_888 = arith.constant 7 : i32
    %broadcast_in_dim3A_889 = vector.broadcast %broadcast_in_dim3A_888 : i32 to vector<16xi32>
    %gather3A_890 = tpu.vector_load_idx %arg5[%shift_right_logical3A_763, %and3A_766, %broadcast_in_dim3A_889] : memref<64x4x8xf32, #tpu.memory_space<vmem>>[vector<16xi32>, vector<16xi32>, vector<16xi32>], vector<16xf32>,
    %bitcast3A_891 = vector.bitcast %gather3A_890 : vector<16xf32> to vector<16xi32>
    %and3A_892 = arith.constant 4095 : i32
    %and3A_893 = vector.broadcast %and3A_892 : i32 to vector<16xi32>
    %and3A_894 = arith.andi %bitcast3A_891, %and3A_893 : vector<16xi32>
    %sub3A_895 = arith.constant 4095 : i32
    %sub3A_896 = vector.broadcast %sub3A_895 : i32 to vector<16xi32>
    %sub3A_897 = arith.subi %sub3A_896, %and3A_894 : vector<16xi32>
    %and3A_898 = arith.constant -4096 : i32
    %and3A_899 = vector.broadcast %and3A_898 : i32 to vector<16xi32>
    %and3A_900 = arith.andi %bitcast3A_891, %and3A_899 : vector<16xi32>
    %bitcast3A_901 = vector.bitcast %and3A_900 : vector<16xi32> to vector<16xf32>
    %gather3A_902 = tpu.vector_load_idx %arg6[%and3A_766, %sub3A_897] : memref<4x4096xf32, #tpu.memory_space<vmem>>[vector<16xi32>, vector<16xi32>], vector<16xf32>,
    %mul3A_903 = arith.mulf %bitcast3A_901, %gather3A_902 : vector<16xf32>
    %add3A_904 = arith.addf %add3A_887, %mul3A_903 : vector<16xf32>
    %mul3A_905 = arith.constant 1.250000e-01 : f32
    %mul3A_906 = vector.broadcast %mul3A_905 : f32 to vector<16xf32>
    %mul3A_907 = arith.mulf %add3A_904, %mul3A_906 : vector<16xf32>
    %swap3A_908 = arith.constant 80 : index
    %swap3A_909 = tpu.vector_load %arg7[%swap3A_908] {strides = array<i32>} : memref<256xf32, #tpu.memory_space<vmem>>, vector<16xf32>,
    tpu.vector_store %arg7[%swap3A_908], %mul3A_907 {strides = array<i32>} : memref<256xf32, #tpu.memory_space<vmem>>, vector<16xf32>,
    %add3A_910 = arith.constant 96 : i32
    %add3A_911 = vector.broadcast %add3A_910 : i32 to vector<16xi32>
    %add3A_912 = arith.addi %iota3A, %add3A_911 : vector<16xi32>
    %shift_right_logical3A_913 = arith.constant 2 : i32
    %shift_right_logical3A_914 = vector.broadcast %shift_right_logical3A_913 : i32 to vector<16xi32>
    %shift_right_logical3A_915 = arith.shrui %add3A_912, %shift_right_logical3A_914 : vector<16xi32>
    %and3A_916 = arith.constant 3 : i32
    %and3A_917 = vector.broadcast %and3A_916 : i32 to vector<16xi32>
    %and3A_918 = arith.andi %add3A_912, %and3A_917 : vector<16xi32>
    %broadcast_in_dim3A_919 = arith.constant 0.000000e+00 : f32
    %broadcast_in_dim3A_920 = vector.broadcast %broadcast_in_dim3A_919 : f32 to vector<16xf32>
    %broadcast_in_dim3A_921 = arith.constant 0 : i32
    %broadcast_in_dim3A_922 = vector.broadcast %broadcast_in_dim3A_921 : i32 to vector<16xi32>
    %gather3A_923 = tpu.vector_load_idx %arg5[%shift_right_logical3A_915, %and3A_918, %broadcast_in_dim3A_922] : memref<64x4x8xf32, #tpu.memory_space<vmem>>[vector<16xi32>, vector<16xi32>, vector<16xi32>], vector<16xf32>,
    %bitcast3A_924 = vector.bitcast %gather3A_923 : vector<16xf32> to vector<16xi32>
    %and3A_925 = arith.constant 4095 : i32
    %and3A_926 = vector.broadcast %and3A_925 : i32 to vector<16xi32>
    %and3A_927 = arith.andi %bitcast3A_924, %and3A_926 : vector<16xi32>
    %sub3A_928 = arith.constant 4095 : i32
    %sub3A_929 = vector.broadcast %sub3A_928 : i32 to vector<16xi32>
    %sub3A_930 = arith.subi %sub3A_929, %and3A_927 : vector<16xi32>
    %and3A_931 = arith.constant -4096 : i32
    %and3A_932 = vector.broadcast %and3A_931 : i32 to vector<16xi32>
    %and3A_933 = arith.andi %bitcast3A_924, %and3A_932 : vector<16xi32>
    %bitcast3A_934 = vector.bitcast %and3A_933 : vector<16xi32> to vector<16xf32>
    %gather3A_935 = tpu.vector_load_idx %arg6[%and3A_918, %sub3A_930] : memref<4x4096xf32, #tpu.memory_space<vmem>>[vector<16xi32>, vector<16xi32>], vector<16xf32>,
    %mul3A_936 = arith.mulf %bitcast3A_934, %gather3A_935 : vector<16xf32>
    %add3A_937 = arith.addf %broadcast_in_dim3A_920, %mul3A_936 : vector<16xf32>
    %broadcast_in_dim3A_938 = arith.constant 1 : i32
    %broadcast_in_dim3A_939 = vector.broadcast %broadcast_in_dim3A_938 : i32 to vector<16xi32>
    %gather3A_940 = tpu.vector_load_idx %arg5[%shift_right_logical3A_915, %and3A_918, %broadcast_in_dim3A_939] : memref<64x4x8xf32, #tpu.memory_space<vmem>>[vector<16xi32>, vector<16xi32>, vector<16xi32>], vector<16xf32>,
    %bitcast3A_941 = vector.bitcast %gather3A_940 : vector<16xf32> to vector<16xi32>
    %and3A_942 = arith.constant 4095 : i32
    %and3A_943 = vector.broadcast %and3A_942 : i32 to vector<16xi32>
    %and3A_944 = arith.andi %bitcast3A_941, %and3A_943 : vector<16xi32>
    %sub3A_945 = arith.constant 4095 : i32
    %sub3A_946 = vector.broadcast %sub3A_945 : i32 to vector<16xi32>
    %sub3A_947 = arith.subi %sub3A_946, %and3A_944 : vector<16xi32>
    %and3A_948 = arith.constant -4096 : i32
    %and3A_949 = vector.broadcast %and3A_948 : i32 to vector<16xi32>
    %and3A_950 = arith.andi %bitcast3A_941, %and3A_949 : vector<16xi32>
    %bitcast3A_951 = vector.bitcast %and3A_950 : vector<16xi32> to vector<16xf32>
    %gather3A_952 = tpu.vector_load_idx %arg6[%and3A_918, %sub3A_947] : memref<4x4096xf32, #tpu.memory_space<vmem>>[vector<16xi32>, vector<16xi32>], vector<16xf32>,
    %mul3A_953 = arith.mulf %bitcast3A_951, %gather3A_952 : vector<16xf32>
    %add3A_954 = arith.addf %add3A_937, %mul3A_953 : vector<16xf32>
    %broadcast_in_dim3A_955 = arith.constant 2 : i32
    %broadcast_in_dim3A_956 = vector.broadcast %broadcast_in_dim3A_955 : i32 to vector<16xi32>
    %gather3A_957 = tpu.vector_load_idx %arg5[%shift_right_logical3A_915, %and3A_918, %broadcast_in_dim3A_956] : memref<64x4x8xf32, #tpu.memory_space<vmem>>[vector<16xi32>, vector<16xi32>, vector<16xi32>], vector<16xf32>,
    %bitcast3A_958 = vector.bitcast %gather3A_957 : vector<16xf32> to vector<16xi32>
    %and3A_959 = arith.constant 4095 : i32
    %and3A_960 = vector.broadcast %and3A_959 : i32 to vector<16xi32>
    %and3A_961 = arith.andi %bitcast3A_958, %and3A_960 : vector<16xi32>
    %sub3A_962 = arith.constant 4095 : i32
    %sub3A_963 = vector.broadcast %sub3A_962 : i32 to vector<16xi32>
    %sub3A_964 = arith.subi %sub3A_963, %and3A_961 : vector<16xi32>
    %and3A_965 = arith.constant -4096 : i32
    %and3A_966 = vector.broadcast %and3A_965 : i32 to vector<16xi32>
    %and3A_967 = arith.andi %bitcast3A_958, %and3A_966 : vector<16xi32>
    %bitcast3A_968 = vector.bitcast %and3A_967 : vector<16xi32> to vector<16xf32>
    %gather3A_969 = tpu.vector_load_idx %arg6[%and3A_918, %sub3A_964] : memref<4x4096xf32, #tpu.memory_space<vmem>>[vector<16xi32>, vector<16xi32>], vector<16xf32>,
    %mul3A_970 = arith.mulf %bitcast3A_968, %gather3A_969 : vector<16xf32>
    %add3A_971 = arith.addf %add3A_954, %mul3A_970 : vector<16xf32>
    %broadcast_in_dim3A_972 = arith.constant 3 : i32
    %broadcast_in_dim3A_973 = vector.broadcast %broadcast_in_dim3A_972 : i32 to vector<16xi32>
    %gather3A_974 = tpu.vector_load_idx %arg5[%shift_right_logical3A_915, %and3A_918, %broadcast_in_dim3A_973] : memref<64x4x8xf32, #tpu.memory_space<vmem>>[vector<16xi32>, vector<16xi32>, vector<16xi32>], vector<16xf32>,
    %bitcast3A_975 = vector.bitcast %gather3A_974 : vector<16xf32> to vector<16xi32>
    %and3A_976 = arith.constant 4095 : i32
    %and3A_977 = vector.broadcast %and3A_976 : i32 to vector<16xi32>
    %and3A_978 = arith.andi %bitcast3A_975, %and3A_977 : vector<16xi32>
    %sub3A_979 = arith.constant 4095 : i32
    %sub3A_980 = vector.broadcast %sub3A_979 : i32 to vector<16xi32>
    %sub3A_981 = arith.subi %sub3A_980, %and3A_978 : vector<16xi32>
    %and3A_982 = arith.constant -4096 : i32
    %and3A_983 = vector.broadcast %and3A_982 : i32 to vector<16xi32>
    %and3A_984 = arith.andi %bitcast3A_975, %and3A_983 : vector<16xi32>
    %bitcast3A_985 = vector.bitcast %and3A_984 : vector<16xi32> to vector<16xf32>
    %gather3A_986 = tpu.vector_load_idx %arg6[%and3A_918, %sub3A_981] : memref<4x4096xf32, #tpu.memory_space<vmem>>[vector<16xi32>, vector<16xi32>], vector<16xf32>,
    %mul3A_987 = arith.mulf %bitcast3A_985, %gather3A_986 : vector<16xf32>
    %add3A_988 = arith.addf %add3A_971, %mul3A_987 : vector<16xf32>
    %broadcast_in_dim3A_989 = arith.constant 4 : i32
    %broadcast_in_dim3A_990 = vector.broadcast %broadcast_in_dim3A_989 : i32 to vector<16xi32>
    %gather3A_991 = tpu.vector_load_idx %arg5[%shift_right_logical3A_915, %and3A_918, %broadcast_in_dim3A_990] : memref<64x4x8xf32, #tpu.memory_space<vmem>>[vector<16xi32>, vector<16xi32>, vector<16xi32>], vector<16xf32>,
    %bitcast3A_992 = vector.bitcast %gather3A_991 : vector<16xf32> to vector<16xi32>
    %and3A_993 = arith.constant 4095 : i32
    %and3A_994 = vector.broadcast %and3A_993 : i32 to vector<16xi32>
    %and3A_995 = arith.andi %bitcast3A_992, %and3A_994 : vector<16xi32>
    %sub3A_996 = arith.constant 4095 : i32
    %sub3A_997 = vector.broadcast %sub3A_996 : i32 to vector<16xi32>
    %sub3A_998 = arith.subi %sub3A_997, %and3A_995 : vector<16xi32>
    %and3A_999 = arith.constant -4096 : i32
    %and3A_1000 = vector.broadcast %and3A_999 : i32 to vector<16xi32>
    %and3A_1001 = arith.andi %bitcast3A_992, %and3A_1000 : vector<16xi32>
    %bitcast3A_1002 = vector.bitcast %and3A_1001 : vector<16xi32> to vector<16xf32>
    %gather3A_1003 = tpu.vector_load_idx %arg6[%and3A_918, %sub3A_998] : memref<4x4096xf32, #tpu.memory_space<vmem>>[vector<16xi32>, vector<16xi32>], vector<16xf32>,
    %mul3A_1004 = arith.mulf %bitcast3A_1002, %gather3A_1003 : vector<16xf32>
    %add3A_1005 = arith.addf %add3A_988, %mul3A_1004 : vector<16xf32>
    %broadcast_in_dim3A_1006 = arith.constant 5 : i32
    %broadcast_in_dim3A_1007 = vector.broadcast %broadcast_in_dim3A_1006 : i32 to vector<16xi32>
    %gather3A_1008 = tpu.vector_load_idx %arg5[%shift_right_logical3A_915, %and3A_918, %broadcast_in_dim3A_1007] : memref<64x4x8xf32, #tpu.memory_space<vmem>>[vector<16xi32>, vector<16xi32>, vector<16xi32>], vector<16xf32>,
    %bitcast3A_1009 = vector.bitcast %gather3A_1008 : vector<16xf32> to vector<16xi32>
    %and3A_1010 = arith.constant 4095 : i32
    %and3A_1011 = vector.broadcast %and3A_1010 : i32 to vector<16xi32>
    %and3A_1012 = arith.andi %bitcast3A_1009, %and3A_1011 : vector<16xi32>
    %sub3A_1013 = arith.constant 4095 : i32
    %sub3A_1014 = vector.broadcast %sub3A_1013 : i32 to vector<16xi32>
    %sub3A_1015 = arith.subi %sub3A_1014, %and3A_1012 : vector<16xi32>
    %and3A_1016 = arith.constant -4096 : i32
    %and3A_1017 = vector.broadcast %and3A_1016 : i32 to vector<16xi32>
    %and3A_1018 = arith.andi %bitcast3A_1009, %and3A_1017 : vector<16xi32>
    %bitcast3A_1019 = vector.bitcast %and3A_1018 : vector<16xi32> to vector<16xf32>
    %gather3A_1020 = tpu.vector_load_idx %arg6[%and3A_918, %sub3A_1015] : memref<4x4096xf32, #tpu.memory_space<vmem>>[vector<16xi32>, vector<16xi32>], vector<16xf32>,
    %mul3A_1021 = arith.mulf %bitcast3A_1019, %gather3A_1020 : vector<16xf32>
    %add3A_1022 = arith.addf %add3A_1005, %mul3A_1021 : vector<16xf32>
    %broadcast_in_dim3A_1023 = arith.constant 6 : i32
    %broadcast_in_dim3A_1024 = vector.broadcast %broadcast_in_dim3A_1023 : i32 to vector<16xi32>
    %gather3A_1025 = tpu.vector_load_idx %arg5[%shift_right_logical3A_915, %and3A_918, %broadcast_in_dim3A_1024] : memref<64x4x8xf32, #tpu.memory_space<vmem>>[vector<16xi32>, vector<16xi32>, vector<16xi32>], vector<16xf32>,
    %bitcast3A_1026 = vector.bitcast %gather3A_1025 : vector<16xf32> to vector<16xi32>
    %and3A_1027 = arith.constant 4095 : i32
    %and3A_1028 = vector.broadcast %and3A_1027 : i32 to vector<16xi32>
    %and3A_1029 = arith.andi %bitcast3A_1026, %and3A_1028 : vector<16xi32>
    %sub3A_1030 = arith.constant 4095 : i32
    %sub3A_1031 = vector.broadcast %sub3A_1030 : i32 to vector<16xi32>
    %sub3A_1032 = arith.subi %sub3A_1031, %and3A_1029 : vector<16xi32>
    %and3A_1033 = arith.constant -4096 : i32
    %and3A_1034 = vector.broadcast %and3A_1033 : i32 to vector<16xi32>
    %and3A_1035 = arith.andi %bitcast3A_1026, %and3A_1034 : vector<16xi32>
    %bitcast3A_1036 = vector.bitcast %and3A_1035 : vector<16xi32> to vector<16xf32>
    %gather3A_1037 = tpu.vector_load_idx %arg6[%and3A_918, %sub3A_1032] : memref<4x4096xf32, #tpu.memory_space<vmem>>[vector<16xi32>, vector<16xi32>], vector<16xf32>,
    %mul3A_1038 = arith.mulf %bitcast3A_1036, %gather3A_1037 : vector<16xf32>
    %add3A_1039 = arith.addf %add3A_1022, %mul3A_1038 : vector<16xf32>
    %broadcast_in_dim3A_1040 = arith.constant 7 : i32
    %broadcast_in_dim3A_1041 = vector.broadcast %broadcast_in_dim3A_1040 : i32 to vector<16xi32>
    %gather3A_1042 = tpu.vector_load_idx %arg5[%shift_right_logical3A_915, %and3A_918, %broadcast_in_dim3A_1041] : memref<64x4x8xf32, #tpu.memory_space<vmem>>[vector<16xi32>, vector<16xi32>, vector<16xi32>], vector<16xf32>,
    %bitcast3A_1043 = vector.bitcast %gather3A_1042 : vector<16xf32> to vector<16xi32>
    %and3A_1044 = arith.constant 4095 : i32
    %and3A_1045 = vector.broadcast %and3A_1044 : i32 to vector<16xi32>
    %and3A_1046 = arith.andi %bitcast3A_1043, %and3A_1045 : vector<16xi32>
    %sub3A_1047 = arith.constant 4095 : i32
    %sub3A_1048 = vector.broadcast %sub3A_1047 : i32 to vector<16xi32>
    %sub3A_1049 = arith.subi %sub3A_1048, %and3A_1046 : vector<16xi32>
    %and3A_1050 = arith.constant -4096 : i32
    %and3A_1051 = vector.broadcast %and3A_1050 : i32 to vector<16xi32>
    %and3A_1052 = arith.andi %bitcast3A_1043, %and3A_1051 : vector<16xi32>
    %bitcast3A_1053 = vector.bitcast %and3A_1052 : vector<16xi32> to vector<16xf32>
    %gather3A_1054 = tpu.vector_load_idx %arg6[%and3A_918, %sub3A_1049] : memref<4x4096xf32, #tpu.memory_space<vmem>>[vector<16xi32>, vector<16xi32>], vector<16xf32>,
    %mul3A_1055 = arith.mulf %bitcast3A_1053, %gather3A_1054 : vector<16xf32>
    %add3A_1056 = arith.addf %add3A_1039, %mul3A_1055 : vector<16xf32>
    %mul3A_1057 = arith.constant 1.250000e-01 : f32
    %mul3A_1058 = vector.broadcast %mul3A_1057 : f32 to vector<16xf32>
    %mul3A_1059 = arith.mulf %add3A_1056, %mul3A_1058 : vector<16xf32>
    %swap3A_1060 = arith.constant 96 : index
    %swap3A_1061 = tpu.vector_load %arg7[%swap3A_1060] {strides = array<i32>} : memref<256xf32, #tpu.memory_space<vmem>>, vector<16xf32>,
    tpu.vector_store %arg7[%swap3A_1060], %mul3A_1059 {strides = array<i32>} : memref<256xf32, #tpu.memory_space<vmem>>, vector<16xf32>,
    %add3A_1062 = arith.constant 112 : i32
    %add3A_1063 = vector.broadcast %add3A_1062 : i32 to vector<16xi32>
    %add3A_1064 = arith.addi %iota3A, %add3A_1063 : vector<16xi32>
    %shift_right_logical3A_1065 = arith.constant 2 : i32
    %shift_right_logical3A_1066 = vector.broadcast %shift_right_logical3A_1065 : i32 to vector<16xi32>
    %shift_right_logical3A_1067 = arith.shrui %add3A_1064, %shift_right_logical3A_1066 : vector<16xi32>
    %and3A_1068 = arith.constant 3 : i32
    %and3A_1069 = vector.broadcast %and3A_1068 : i32 to vector<16xi32>
    %and3A_1070 = arith.andi %add3A_1064, %and3A_1069 : vector<16xi32>
    %broadcast_in_dim3A_1071 = arith.constant 0.000000e+00 : f32
    %broadcast_in_dim3A_1072 = vector.broadcast %broadcast_in_dim3A_1071 : f32 to vector<16xf32>
    %broadcast_in_dim3A_1073 = arith.constant 0 : i32
    %broadcast_in_dim3A_1074 = vector.broadcast %broadcast_in_dim3A_1073 : i32 to vector<16xi32>
    %gather3A_1075 = tpu.vector_load_idx %arg5[%shift_right_logical3A_1067, %and3A_1070, %broadcast_in_dim3A_1074] : memref<64x4x8xf32, #tpu.memory_space<vmem>>[vector<16xi32>, vector<16xi32>, vector<16xi32>], vector<16xf32>,
    %bitcast3A_1076 = vector.bitcast %gather3A_1075 : vector<16xf32> to vector<16xi32>
    %and3A_1077 = arith.constant 4095 : i32
    %and3A_1078 = vector.broadcast %and3A_1077 : i32 to vector<16xi32>
    %and3A_1079 = arith.andi %bitcast3A_1076, %and3A_1078 : vector<16xi32>
    %sub3A_1080 = arith.constant 4095 : i32
    %sub3A_1081 = vector.broadcast %sub3A_1080 : i32 to vector<16xi32>
    %sub3A_1082 = arith.subi %sub3A_1081, %and3A_1079 : vector<16xi32>
    %and3A_1083 = arith.constant -4096 : i32
    %and3A_1084 = vector.broadcast %and3A_1083 : i32 to vector<16xi32>
    %and3A_1085 = arith.andi %bitcast3A_1076, %and3A_1084 : vector<16xi32>
    %bitcast3A_1086 = vector.bitcast %and3A_1085 : vector<16xi32> to vector<16xf32>
    %gather3A_1087 = tpu.vector_load_idx %arg6[%and3A_1070, %sub3A_1082] : memref<4x4096xf32, #tpu.memory_space<vmem>>[vector<16xi32>, vector<16xi32>], vector<16xf32>,
    %mul3A_1088 = arith.mulf %bitcast3A_1086, %gather3A_1087 : vector<16xf32>
    %add3A_1089 = arith.addf %broadcast_in_dim3A_1072, %mul3A_1088 : vector<16xf32>
    %broadcast_in_dim3A_1090 = arith.constant 1 : i32
    %broadcast_in_dim3A_1091 = vector.broadcast %broadcast_in_dim3A_1090 : i32 to vector<16xi32>
    %gather3A_1092 = tpu.vector_load_idx %arg5[%shift_right_logical3A_1067, %and3A_1070, %broadcast_in_dim3A_1091] : memref<64x4x8xf32, #tpu.memory_space<vmem>>[vector<16xi32>, vector<16xi32>, vector<16xi32>], vector<16xf32>,
    %bitcast3A_1093 = vector.bitcast %gather3A_1092 : vector<16xf32> to vector<16xi32>
    %and3A_1094 = arith.constant 4095 : i32
    %and3A_1095 = vector.broadcast %and3A_1094 : i32 to vector<16xi32>
    %and3A_1096 = arith.andi %bitcast3A_1093, %and3A_1095 : vector<16xi32>
    %sub3A_1097 = arith.constant 4095 : i32
    %sub3A_1098 = vector.broadcast %sub3A_1097 : i32 to vector<16xi32>
    %sub3A_1099 = arith.subi %sub3A_1098, %and3A_1096 : vector<16xi32>
    %and3A_1100 = arith.constant -4096 : i32
    %and3A_1101 = vector.broadcast %and3A_1100 : i32 to vector<16xi32>
    %and3A_1102 = arith.andi %bitcast3A_1093, %and3A_1101 : vector<16xi32>
    %bitcast3A_1103 = vector.bitcast %and3A_1102 : vector<16xi32> to vector<16xf32>
    %gather3A_1104 = tpu.vector_load_idx %arg6[%and3A_1070, %sub3A_1099] : memref<4x4096xf32, #tpu.memory_space<vmem>>[vector<16xi32>, vector<16xi32>], vector<16xf32>,
    %mul3A_1105 = arith.mulf %bitcast3A_1103, %gather3A_1104 : vector<16xf32>
    %add3A_1106 = arith.addf %add3A_1089, %mul3A_1105 : vector<16xf32>
    %broadcast_in_dim3A_1107 = arith.constant 2 : i32
    %broadcast_in_dim3A_1108 = vector.broadcast %broadcast_in_dim3A_1107 : i32 to vector<16xi32>
    %gather3A_1109 = tpu.vector_load_idx %arg5[%shift_right_logical3A_1067, %and3A_1070, %broadcast_in_dim3A_1108] : memref<64x4x8xf32, #tpu.memory_space<vmem>>[vector<16xi32>, vector<16xi32>, vector<16xi32>], vector<16xf32>,
    %bitcast3A_1110 = vector.bitcast %gather3A_1109 : vector<16xf32> to vector<16xi32>
    %and3A_1111 = arith.constant 4095 : i32
    %and3A_1112 = vector.broadcast %and3A_1111 : i32 to vector<16xi32>
    %and3A_1113 = arith.andi %bitcast3A_1110, %and3A_1112 : vector<16xi32>
    %sub3A_1114 = arith.constant 4095 : i32
    %sub3A_1115 = vector.broadcast %sub3A_1114 : i32 to vector<16xi32>
    %sub3A_1116 = arith.subi %sub3A_1115, %and3A_1113 : vector<16xi32>
    %and3A_1117 = arith.constant -4096 : i32
    %and3A_1118 = vector.broadcast %and3A_1117 : i32 to vector<16xi32>
    %and3A_1119 = arith.andi %bitcast3A_1110, %and3A_1118 : vector<16xi32>
    %bitcast3A_1120 = vector.bitcast %and3A_1119 : vector<16xi32> to vector<16xf32>
    %gather3A_1121 = tpu.vector_load_idx %arg6[%and3A_1070, %sub3A_1116] : memref<4x4096xf32, #tpu.memory_space<vmem>>[vector<16xi32>, vector<16xi32>], vector<16xf32>,
    %mul3A_1122 = arith.mulf %bitcast3A_1120, %gather3A_1121 : vector<16xf32>
    %add3A_1123 = arith.addf %add3A_1106, %mul3A_1122 : vector<16xf32>
    %broadcast_in_dim3A_1124 = arith.constant 3 : i32
    %broadcast_in_dim3A_1125 = vector.broadcast %broadcast_in_dim3A_1124 : i32 to vector<16xi32>
    %gather3A_1126 = tpu.vector_load_idx %arg5[%shift_right_logical3A_1067, %and3A_1070, %broadcast_in_dim3A_1125] : memref<64x4x8xf32, #tpu.memory_space<vmem>>[vector<16xi32>, vector<16xi32>, vector<16xi32>], vector<16xf32>,
    %bitcast3A_1127 = vector.bitcast %gather3A_1126 : vector<16xf32> to vector<16xi32>
    %and3A_1128 = arith.constant 4095 : i32
    %and3A_1129 = vector.broadcast %and3A_1128 : i32 to vector<16xi32>
    %and3A_1130 = arith.andi %bitcast3A_1127, %and3A_1129 : vector<16xi32>
    %sub3A_1131 = arith.constant 4095 : i32
    %sub3A_1132 = vector.broadcast %sub3A_1131 : i32 to vector<16xi32>
    %sub3A_1133 = arith.subi %sub3A_1132, %and3A_1130 : vector<16xi32>
    %and3A_1134 = arith.constant -4096 : i32
    %and3A_1135 = vector.broadcast %and3A_1134 : i32 to vector<16xi32>
    %and3A_1136 = arith.andi %bitcast3A_1127, %and3A_1135 : vector<16xi32>
    %bitcast3A_1137 = vector.bitcast %and3A_1136 : vector<16xi32> to vector<16xf32>
    %gather3A_1138 = tpu.vector_load_idx %arg6[%and3A_1070, %sub3A_1133] : memref<4x4096xf32, #tpu.memory_space<vmem>>[vector<16xi32>, vector<16xi32>], vector<16xf32>,
    %mul3A_1139 = arith.mulf %bitcast3A_1137, %gather3A_1138 : vector<16xf32>
    %add3A_1140 = arith.addf %add3A_1123, %mul3A_1139 : vector<16xf32>
    %broadcast_in_dim3A_1141 = arith.constant 4 : i32
    %broadcast_in_dim3A_1142 = vector.broadcast %broadcast_in_dim3A_1141 : i32 to vector<16xi32>
    %gather3A_1143 = tpu.vector_load_idx %arg5[%shift_right_logical3A_1067, %and3A_1070, %broadcast_in_dim3A_1142] : memref<64x4x8xf32, #tpu.memory_space<vmem>>[vector<16xi32>, vector<16xi32>, vector<16xi32>], vector<16xf32>,
    %bitcast3A_1144 = vector.bitcast %gather3A_1143 : vector<16xf32> to vector<16xi32>
    %and3A_1145 = arith.constant 4095 : i32
    %and3A_1146 = vector.broadcast %and3A_1145 : i32 to vector<16xi32>
    %and3A_1147 = arith.andi %bitcast3A_1144, %and3A_1146 : vector<16xi32>
    %sub3A_1148 = arith.constant 4095 : i32
    %sub3A_1149 = vector.broadcast %sub3A_1148 : i32 to vector<16xi32>
    %sub3A_1150 = arith.subi %sub3A_1149, %and3A_1147 : vector<16xi32>
    %and3A_1151 = arith.constant -4096 : i32
    %and3A_1152 = vector.broadcast %and3A_1151 : i32 to vector<16xi32>
    %and3A_1153 = arith.andi %bitcast3A_1144, %and3A_1152 : vector<16xi32>
    %bitcast3A_1154 = vector.bitcast %and3A_1153 : vector<16xi32> to vector<16xf32>
    %gather3A_1155 = tpu.vector_load_idx %arg6[%and3A_1070, %sub3A_1150] : memref<4x4096xf32, #tpu.memory_space<vmem>>[vector<16xi32>, vector<16xi32>], vector<16xf32>,
    %mul3A_1156 = arith.mulf %bitcast3A_1154, %gather3A_1155 : vector<16xf32>
    %add3A_1157 = arith.addf %add3A_1140, %mul3A_1156 : vector<16xf32>
    %broadcast_in_dim3A_1158 = arith.constant 5 : i32
    %broadcast_in_dim3A_1159 = vector.broadcast %broadcast_in_dim3A_1158 : i32 to vector<16xi32>
    %gather3A_1160 = tpu.vector_load_idx %arg5[%shift_right_logical3A_1067, %and3A_1070, %broadcast_in_dim3A_1159] : memref<64x4x8xf32, #tpu.memory_space<vmem>>[vector<16xi32>, vector<16xi32>, vector<16xi32>], vector<16xf32>,
    %bitcast3A_1161 = vector.bitcast %gather3A_1160 : vector<16xf32> to vector<16xi32>
    %and3A_1162 = arith.constant 4095 : i32
    %and3A_1163 = vector.broadcast %and3A_1162 : i32 to vector<16xi32>
    %and3A_1164 = arith.andi %bitcast3A_1161, %and3A_1163 : vector<16xi32>
    %sub3A_1165 = arith.constant 4095 : i32
    %sub3A_1166 = vector.broadcast %sub3A_1165 : i32 to vector<16xi32>
    %sub3A_1167 = arith.subi %sub3A_1166, %and3A_1164 : vector<16xi32>
    %and3A_1168 = arith.constant -4096 : i32
    %and3A_1169 = vector.broadcast %and3A_1168 : i32 to vector<16xi32>
    %and3A_1170 = arith.andi %bitcast3A_1161, %and3A_1169 : vector<16xi32>
    %bitcast3A_1171 = vector.bitcast %and3A_1170 : vector<16xi32> to vector<16xf32>
    %gather3A_1172 = tpu.vector_load_idx %arg6[%and3A_1070, %sub3A_1167] : memref<4x4096xf32, #tpu.memory_space<vmem>>[vector<16xi32>, vector<16xi32>], vector<16xf32>,
    %mul3A_1173 = arith.mulf %bitcast3A_1171, %gather3A_1172 : vector<16xf32>
    %add3A_1174 = arith.addf %add3A_1157, %mul3A_1173 : vector<16xf32>
    %broadcast_in_dim3A_1175 = arith.constant 6 : i32
    %broadcast_in_dim3A_1176 = vector.broadcast %broadcast_in_dim3A_1175 : i32 to vector<16xi32>
    %gather3A_1177 = tpu.vector_load_idx %arg5[%shift_right_logical3A_1067, %and3A_1070, %broadcast_in_dim3A_1176] : memref<64x4x8xf32, #tpu.memory_space<vmem>>[vector<16xi32>, vector<16xi32>, vector<16xi32>], vector<16xf32>,
    %bitcast3A_1178 = vector.bitcast %gather3A_1177 : vector<16xf32> to vector<16xi32>
    %and3A_1179 = arith.constant 4095 : i32
    %and3A_1180 = vector.broadcast %and3A_1179 : i32 to vector<16xi32>
    %and3A_1181 = arith.andi %bitcast3A_1178, %and3A_1180 : vector<16xi32>
    %sub3A_1182 = arith.constant 4095 : i32
    %sub3A_1183 = vector.broadcast %sub3A_1182 : i32 to vector<16xi32>
    %sub3A_1184 = arith.subi %sub3A_1183, %and3A_1181 : vector<16xi32>
    %and3A_1185 = arith.constant -4096 : i32
    %and3A_1186 = vector.broadcast %and3A_1185 : i32 to vector<16xi32>
    %and3A_1187 = arith.andi %bitcast3A_1178, %and3A_1186 : vector<16xi32>
    %bitcast3A_1188 = vector.bitcast %and3A_1187 : vector<16xi32> to vector<16xf32>
    %gather3A_1189 = tpu.vector_load_idx %arg6[%and3A_1070, %sub3A_1184] : memref<4x4096xf32, #tpu.memory_space<vmem>>[vector<16xi32>, vector<16xi32>], vector<16xf32>,
    %mul3A_1190 = arith.mulf %bitcast3A_1188, %gather3A_1189 : vector<16xf32>
    %add3A_1191 = arith.addf %add3A_1174, %mul3A_1190 : vector<16xf32>
    %broadcast_in_dim3A_1192 = arith.constant 7 : i32
    %broadcast_in_dim3A_1193 = vector.broadcast %broadcast_in_dim3A_1192 : i32 to vector<16xi32>
    %gather3A_1194 = tpu.vector_load_idx %arg5[%shift_right_logical3A_1067, %and3A_1070, %broadcast_in_dim3A_1193] : memref<64x4x8xf32, #tpu.memory_space<vmem>>[vector<16xi32>, vector<16xi32>, vector<16xi32>], vector<16xf32>,
    %bitcast3A_1195 = vector.bitcast %gather3A_1194 : vector<16xf32> to vector<16xi32>
    %and3A_1196 = arith.constant 4095 : i32
    %and3A_1197 = vector.broadcast %and3A_1196 : i32 to vector<16xi32>
    %and3A_1198 = arith.andi %bitcast3A_1195, %and3A_1197 : vector<16xi32>
    %sub3A_1199 = arith.constant 4095 : i32
    %sub3A_1200 = vector.broadcast %sub3A_1199 : i32 to vector<16xi32>
    %sub3A_1201 = arith.subi %sub3A_1200, %and3A_1198 : vector<16xi32>
    %and3A_1202 = arith.constant -4096 : i32
    %and3A_1203 = vector.broadcast %and3A_1202 : i32 to vector<16xi32>
    %and3A_1204 = arith.andi %bitcast3A_1195, %and3A_1203 : vector<16xi32>
    %bitcast3A_1205 = vector.bitcast %and3A_1204 : vector<16xi32> to vector<16xf32>
    %gather3A_1206 = tpu.vector_load_idx %arg6[%and3A_1070, %sub3A_1201] : memref<4x4096xf32, #tpu.memory_space<vmem>>[vector<16xi32>, vector<16xi32>], vector<16xf32>,
    %mul3A_1207 = arith.mulf %bitcast3A_1205, %gather3A_1206 : vector<16xf32>
    %add3A_1208 = arith.addf %add3A_1191, %mul3A_1207 : vector<16xf32>
    %mul3A_1209 = arith.constant 1.250000e-01 : f32
    %mul3A_1210 = vector.broadcast %mul3A_1209 : f32 to vector<16xf32>
    %mul3A_1211 = arith.mulf %add3A_1208, %mul3A_1210 : vector<16xf32>
    %swap3A_1212 = arith.constant 112 : index
    %swap3A_1213 = tpu.vector_load %arg7[%swap3A_1212] {strides = array<i32>} : memref<256xf32, #tpu.memory_space<vmem>>, vector<16xf32>,
    tpu.vector_store %arg7[%swap3A_1212], %mul3A_1211 {strides = array<i32>} : memref<256xf32, #tpu.memory_space<vmem>>, vector<16xf32>,
    %add3A_1214 = arith.constant 128 : i32
    %add3A_1215 = vector.broadcast %add3A_1214 : i32 to vector<16xi32>
    %add3A_1216 = arith.addi %iota3A, %add3A_1215 : vector<16xi32>
    %shift_right_logical3A_1217 = arith.constant 2 : i32
    %shift_right_logical3A_1218 = vector.broadcast %shift_right_logical3A_1217 : i32 to vector<16xi32>
    %shift_right_logical3A_1219 = arith.shrui %add3A_1216, %shift_right_logical3A_1218 : vector<16xi32>
    %and3A_1220 = arith.constant 3 : i32
    %and3A_1221 = vector.broadcast %and3A_1220 : i32 to vector<16xi32>
    %and3A_1222 = arith.andi %add3A_1216, %and3A_1221 : vector<16xi32>
    %broadcast_in_dim3A_1223 = arith.constant 0.000000e+00 : f32
    %broadcast_in_dim3A_1224 = vector.broadcast %broadcast_in_dim3A_1223 : f32 to vector<16xf32>
    %broadcast_in_dim3A_1225 = arith.constant 0 : i32
    %broadcast_in_dim3A_1226 = vector.broadcast %broadcast_in_dim3A_1225 : i32 to vector<16xi32>
    %gather3A_1227 = tpu.vector_load_idx %arg5[%shift_right_logical3A_1219, %and3A_1222, %broadcast_in_dim3A_1226] : memref<64x4x8xf32, #tpu.memory_space<vmem>>[vector<16xi32>, vector<16xi32>, vector<16xi32>], vector<16xf32>,
    %bitcast3A_1228 = vector.bitcast %gather3A_1227 : vector<16xf32> to vector<16xi32>
    %and3A_1229 = arith.constant 4095 : i32
    %and3A_1230 = vector.broadcast %and3A_1229 : i32 to vector<16xi32>
    %and3A_1231 = arith.andi %bitcast3A_1228, %and3A_1230 : vector<16xi32>
    %sub3A_1232 = arith.constant 4095 : i32
    %sub3A_1233 = vector.broadcast %sub3A_1232 : i32 to vector<16xi32>
    %sub3A_1234 = arith.subi %sub3A_1233, %and3A_1231 : vector<16xi32>
    %and3A_1235 = arith.constant -4096 : i32
    %and3A_1236 = vector.broadcast %and3A_1235 : i32 to vector<16xi32>
    %and3A_1237 = arith.andi %bitcast3A_1228, %and3A_1236 : vector<16xi32>
    %bitcast3A_1238 = vector.bitcast %and3A_1237 : vector<16xi32> to vector<16xf32>
    %gather3A_1239 = tpu.vector_load_idx %arg6[%and3A_1222, %sub3A_1234] : memref<4x4096xf32, #tpu.memory_space<vmem>>[vector<16xi32>, vector<16xi32>], vector<16xf32>,
    %mul3A_1240 = arith.mulf %bitcast3A_1238, %gather3A_1239 : vector<16xf32>
    %add3A_1241 = arith.addf %broadcast_in_dim3A_1224, %mul3A_1240 : vector<16xf32>
    %broadcast_in_dim3A_1242 = arith.constant 1 : i32
    %broadcast_in_dim3A_1243 = vector.broadcast %broadcast_in_dim3A_1242 : i32 to vector<16xi32>
    %gather3A_1244 = tpu.vector_load_idx %arg5[%shift_right_logical3A_1219, %and3A_1222, %broadcast_in_dim3A_1243] : memref<64x4x8xf32, #tpu.memory_space<vmem>>[vector<16xi32>, vector<16xi32>, vector<16xi32>], vector<16xf32>,
    %bitcast3A_1245 = vector.bitcast %gather3A_1244 : vector<16xf32> to vector<16xi32>
    %and3A_1246 = arith.constant 4095 : i32
    %and3A_1247 = vector.broadcast %and3A_1246 : i32 to vector<16xi32>
    %and3A_1248 = arith.andi %bitcast3A_1245, %and3A_1247 : vector<16xi32>
    %sub3A_1249 = arith.constant 4095 : i32
    %sub3A_1250 = vector.broadcast %sub3A_1249 : i32 to vector<16xi32>
    %sub3A_1251 = arith.subi %sub3A_1250, %and3A_1248 : vector<16xi32>
    %and3A_1252 = arith.constant -4096 : i32
    %and3A_1253 = vector.broadcast %and3A_1252 : i32 to vector<16xi32>
    %and3A_1254 = arith.andi %bitcast3A_1245, %and3A_1253 : vector<16xi32>
    %bitcast3A_1255 = vector.bitcast %and3A_1254 : vector<16xi32> to vector<16xf32>
    %gather3A_1256 = tpu.vector_load_idx %arg6[%and3A_1222, %sub3A_1251] : memref<4x4096xf32, #tpu.memory_space<vmem>>[vector<16xi32>, vector<16xi32>], vector<16xf32>,
    %mul3A_1257 = arith.mulf %bitcast3A_1255, %gather3A_1256 : vector<16xf32>
    %add3A_1258 = arith.addf %add3A_1241, %mul3A_1257 : vector<16xf32>
    %broadcast_in_dim3A_1259 = arith.constant 2 : i32
    %broadcast_in_dim3A_1260 = vector.broadcast %broadcast_in_dim3A_1259 : i32 to vector<16xi32>
    %gather3A_1261 = tpu.vector_load_idx %arg5[%shift_right_logical3A_1219, %and3A_1222, %broadcast_in_dim3A_1260] : memref<64x4x8xf32, #tpu.memory_space<vmem>>[vector<16xi32>, vector<16xi32>, vector<16xi32>], vector<16xf32>,
    %bitcast3A_1262 = vector.bitcast %gather3A_1261 : vector<16xf32> to vector<16xi32>
    %and3A_1263 = arith.constant 4095 : i32
    %and3A_1264 = vector.broadcast %and3A_1263 : i32 to vector<16xi32>
    %and3A_1265 = arith.andi %bitcast3A_1262, %and3A_1264 : vector<16xi32>
    %sub3A_1266 = arith.constant 4095 : i32
    %sub3A_1267 = vector.broadcast %sub3A_1266 : i32 to vector<16xi32>
    %sub3A_1268 = arith.subi %sub3A_1267, %and3A_1265 : vector<16xi32>
    %and3A_1269 = arith.constant -4096 : i32
    %and3A_1270 = vector.broadcast %and3A_1269 : i32 to vector<16xi32>
    %and3A_1271 = arith.andi %bitcast3A_1262, %and3A_1270 : vector<16xi32>
    %bitcast3A_1272 = vector.bitcast %and3A_1271 : vector<16xi32> to vector<16xf32>
    %gather3A_1273 = tpu.vector_load_idx %arg6[%and3A_1222, %sub3A_1268] : memref<4x4096xf32, #tpu.memory_space<vmem>>[vector<16xi32>, vector<16xi32>], vector<16xf32>,
    %mul3A_1274 = arith.mulf %bitcast3A_1272, %gather3A_1273 : vector<16xf32>
    %add3A_1275 = arith.addf %add3A_1258, %mul3A_1274 : vector<16xf32>
    %broadcast_in_dim3A_1276 = arith.constant 3 : i32
    %broadcast_in_dim3A_1277 = vector.broadcast %broadcast_in_dim3A_1276 : i32 to vector<16xi32>
    %gather3A_1278 = tpu.vector_load_idx %arg5[%shift_right_logical3A_1219, %and3A_1222, %broadcast_in_dim3A_1277] : memref<64x4x8xf32, #tpu.memory_space<vmem>>[vector<16xi32>, vector<16xi32>, vector<16xi32>], vector<16xf32>,
    %bitcast3A_1279 = vector.bitcast %gather3A_1278 : vector<16xf32> to vector<16xi32>
    %and3A_1280 = arith.constant 4095 : i32
    %and3A_1281 = vector.broadcast %and3A_1280 : i32 to vector<16xi32>
    %and3A_1282 = arith.andi %bitcast3A_1279, %and3A_1281 : vector<16xi32>
    %sub3A_1283 = arith.constant 4095 : i32
    %sub3A_1284 = vector.broadcast %sub3A_1283 : i32 to vector<16xi32>
    %sub3A_1285 = arith.subi %sub3A_1284, %and3A_1282 : vector<16xi32>
    %and3A_1286 = arith.constant -4096 : i32
    %and3A_1287 = vector.broadcast %and3A_1286 : i32 to vector<16xi32>
    %and3A_1288 = arith.andi %bitcast3A_1279, %and3A_1287 : vector<16xi32>
    %bitcast3A_1289 = vector.bitcast %and3A_1288 : vector<16xi32> to vector<16xf32>
    %gather3A_1290 = tpu.vector_load_idx %arg6[%and3A_1222, %sub3A_1285] : memref<4x4096xf32, #tpu.memory_space<vmem>>[vector<16xi32>, vector<16xi32>], vector<16xf32>,
    %mul3A_1291 = arith.mulf %bitcast3A_1289, %gather3A_1290 : vector<16xf32>
    %add3A_1292 = arith.addf %add3A_1275, %mul3A_1291 : vector<16xf32>
    %broadcast_in_dim3A_1293 = arith.constant 4 : i32
    %broadcast_in_dim3A_1294 = vector.broadcast %broadcast_in_dim3A_1293 : i32 to vector<16xi32>
    %gather3A_1295 = tpu.vector_load_idx %arg5[%shift_right_logical3A_1219, %and3A_1222, %broadcast_in_dim3A_1294] : memref<64x4x8xf32, #tpu.memory_space<vmem>>[vector<16xi32>, vector<16xi32>, vector<16xi32>], vector<16xf32>,
    %bitcast3A_1296 = vector.bitcast %gather3A_1295 : vector<16xf32> to vector<16xi32>
    %and3A_1297 = arith.constant 4095 : i32
    %and3A_1298 = vector.broadcast %and3A_1297 : i32 to vector<16xi32>
    %and3A_1299 = arith.andi %bitcast3A_1296, %and3A_1298 : vector<16xi32>
    %sub3A_1300 = arith.constant 4095 : i32
    %sub3A_1301 = vector.broadcast %sub3A_1300 : i32 to vector<16xi32>
    %sub3A_1302 = arith.subi %sub3A_1301, %and3A_1299 : vector<16xi32>
    %and3A_1303 = arith.constant -4096 : i32
    %and3A_1304 = vector.broadcast %and3A_1303 : i32 to vector<16xi32>
    %and3A_1305 = arith.andi %bitcast3A_1296, %and3A_1304 : vector<16xi32>
    %bitcast3A_1306 = vector.bitcast %and3A_1305 : vector<16xi32> to vector<16xf32>
    %gather3A_1307 = tpu.vector_load_idx %arg6[%and3A_1222, %sub3A_1302] : memref<4x4096xf32, #tpu.memory_space<vmem>>[vector<16xi32>, vector<16xi32>], vector<16xf32>,
    %mul3A_1308 = arith.mulf %bitcast3A_1306, %gather3A_1307 : vector<16xf32>
    %add3A_1309 = arith.addf %add3A_1292, %mul3A_1308 : vector<16xf32>
    %broadcast_in_dim3A_1310 = arith.constant 5 : i32
    %broadcast_in_dim3A_1311 = vector.broadcast %broadcast_in_dim3A_1310 : i32 to vector<16xi32>
    %gather3A_1312 = tpu.vector_load_idx %arg5[%shift_right_logical3A_1219, %and3A_1222, %broadcast_in_dim3A_1311] : memref<64x4x8xf32, #tpu.memory_space<vmem>>[vector<16xi32>, vector<16xi32>, vector<16xi32>], vector<16xf32>,
    %bitcast3A_1313 = vector.bitcast %gather3A_1312 : vector<16xf32> to vector<16xi32>
    %and3A_1314 = arith.constant 4095 : i32
    %and3A_1315 = vector.broadcast %and3A_1314 : i32 to vector<16xi32>
    %and3A_1316 = arith.andi %bitcast3A_1313, %and3A_1315 : vector<16xi32>
    %sub3A_1317 = arith.constant 4095 : i32
    %sub3A_1318 = vector.broadcast %sub3A_1317 : i32 to vector<16xi32>
    %sub3A_1319 = arith.subi %sub3A_1318, %and3A_1316 : vector<16xi32>
    %and3A_1320 = arith.constant -4096 : i32
    %and3A_1321 = vector.broadcast %and3A_1320 : i32 to vector<16xi32>
    %and3A_1322 = arith.andi %bitcast3A_1313, %and3A_1321 : vector<16xi32>
    %bitcast3A_1323 = vector.bitcast %and3A_1322 : vector<16xi32> to vector<16xf32>
    %gather3A_1324 = tpu.vector_load_idx %arg6[%and3A_1222, %sub3A_1319] : memref<4x4096xf32, #tpu.memory_space<vmem>>[vector<16xi32>, vector<16xi32>], vector<16xf32>,
    %mul3A_1325 = arith.mulf %bitcast3A_1323, %gather3A_1324 : vector<16xf32>
    %add3A_1326 = arith.addf %add3A_1309, %mul3A_1325 : vector<16xf32>
    %broadcast_in_dim3A_1327 = arith.constant 6 : i32
    %broadcast_in_dim3A_1328 = vector.broadcast %broadcast_in_dim3A_1327 : i32 to vector<16xi32>
    %gather3A_1329 = tpu.vector_load_idx %arg5[%shift_right_logical3A_1219, %and3A_1222, %broadcast_in_dim3A_1328] : memref<64x4x8xf32, #tpu.memory_space<vmem>>[vector<16xi32>, vector<16xi32>, vector<16xi32>], vector<16xf32>,
    %bitcast3A_1330 = vector.bitcast %gather3A_1329 : vector<16xf32> to vector<16xi32>
    %and3A_1331 = arith.constant 4095 : i32
    %and3A_1332 = vector.broadcast %and3A_1331 : i32 to vector<16xi32>
    %and3A_1333 = arith.andi %bitcast3A_1330, %and3A_1332 : vector<16xi32>
    %sub3A_1334 = arith.constant 4095 : i32
    %sub3A_1335 = vector.broadcast %sub3A_1334 : i32 to vector<16xi32>
    %sub3A_1336 = arith.subi %sub3A_1335, %and3A_1333 : vector<16xi32>
    %and3A_1337 = arith.constant -4096 : i32
    %and3A_1338 = vector.broadcast %and3A_1337 : i32 to vector<16xi32>
    %and3A_1339 = arith.andi %bitcast3A_1330, %and3A_1338 : vector<16xi32>
    %bitcast3A_1340 = vector.bitcast %and3A_1339 : vector<16xi32> to vector<16xf32>
    %gather3A_1341 = tpu.vector_load_idx %arg6[%and3A_1222, %sub3A_1336] : memref<4x4096xf32, #tpu.memory_space<vmem>>[vector<16xi32>, vector<16xi32>], vector<16xf32>,
    %mul3A_1342 = arith.mulf %bitcast3A_1340, %gather3A_1341 : vector<16xf32>
    %add3A_1343 = arith.addf %add3A_1326, %mul3A_1342 : vector<16xf32>
    %broadcast_in_dim3A_1344 = arith.constant 7 : i32
    %broadcast_in_dim3A_1345 = vector.broadcast %broadcast_in_dim3A_1344 : i32 to vector<16xi32>
    %gather3A_1346 = tpu.vector_load_idx %arg5[%shift_right_logical3A_1219, %and3A_1222, %broadcast_in_dim3A_1345] : memref<64x4x8xf32, #tpu.memory_space<vmem>>[vector<16xi32>, vector<16xi32>, vector<16xi32>], vector<16xf32>,
    %bitcast3A_1347 = vector.bitcast %gather3A_1346 : vector<16xf32> to vector<16xi32>
    %and3A_1348 = arith.constant 4095 : i32
    %and3A_1349 = vector.broadcast %and3A_1348 : i32 to vector<16xi32>
    %and3A_1350 = arith.andi %bitcast3A_1347, %and3A_1349 : vector<16xi32>
    %sub3A_1351 = arith.constant 4095 : i32
    %sub3A_1352 = vector.broadcast %sub3A_1351 : i32 to vector<16xi32>
    %sub3A_1353 = arith.subi %sub3A_1352, %and3A_1350 : vector<16xi32>
    %and3A_1354 = arith.constant -4096 : i32
    %and3A_1355 = vector.broadcast %and3A_1354 : i32 to vector<16xi32>
    %and3A_1356 = arith.andi %bitcast3A_1347, %and3A_1355 : vector<16xi32>
    %bitcast3A_1357 = vector.bitcast %and3A_1356 : vector<16xi32> to vector<16xf32>
    %gather3A_1358 = tpu.vector_load_idx %arg6[%and3A_1222, %sub3A_1353] : memref<4x4096xf32, #tpu.memory_space<vmem>>[vector<16xi32>, vector<16xi32>], vector<16xf32>,
    %mul3A_1359 = arith.mulf %bitcast3A_1357, %gather3A_1358 : vector<16xf32>
    %add3A_1360 = arith.addf %add3A_1343, %mul3A_1359 : vector<16xf32>
    %mul3A_1361 = arith.constant 1.250000e-01 : f32
    %mul3A_1362 = vector.broadcast %mul3A_1361 : f32 to vector<16xf32>
    %mul3A_1363 = arith.mulf %add3A_1360, %mul3A_1362 : vector<16xf32>
    %swap3A_1364 = arith.constant 128 : index
    %swap3A_1365 = tpu.vector_load %arg7[%swap3A_1364] {strides = array<i32>} : memref<256xf32, #tpu.memory_space<vmem>>, vector<16xf32>,
    tpu.vector_store %arg7[%swap3A_1364], %mul3A_1363 {strides = array<i32>} : memref<256xf32, #tpu.memory_space<vmem>>, vector<16xf32>,
    %add3A_1366 = arith.constant 144 : i32
    %add3A_1367 = vector.broadcast %add3A_1366 : i32 to vector<16xi32>
    %add3A_1368 = arith.addi %iota3A, %add3A_1367 : vector<16xi32>
    %shift_right_logical3A_1369 = arith.constant 2 : i32
    %shift_right_logical3A_1370 = vector.broadcast %shift_right_logical3A_1369 : i32 to vector<16xi32>
    %shift_right_logical3A_1371 = arith.shrui %add3A_1368, %shift_right_logical3A_1370 : vector<16xi32>
    %and3A_1372 = arith.constant 3 : i32
    %and3A_1373 = vector.broadcast %and3A_1372 : i32 to vector<16xi32>
    %and3A_1374 = arith.andi %add3A_1368, %and3A_1373 : vector<16xi32>
    %broadcast_in_dim3A_1375 = arith.constant 0.000000e+00 : f32
    %broadcast_in_dim3A_1376 = vector.broadcast %broadcast_in_dim3A_1375 : f32 to vector<16xf32>
    %broadcast_in_dim3A_1377 = arith.constant 0 : i32
    %broadcast_in_dim3A_1378 = vector.broadcast %broadcast_in_dim3A_1377 : i32 to vector<16xi32>
    %gather3A_1379 = tpu.vector_load_idx %arg5[%shift_right_logical3A_1371, %and3A_1374, %broadcast_in_dim3A_1378] : memref<64x4x8xf32, #tpu.memory_space<vmem>>[vector<16xi32>, vector<16xi32>, vector<16xi32>], vector<16xf32>,
    %bitcast3A_1380 = vector.bitcast %gather3A_1379 : vector<16xf32> to vector<16xi32>
    %and3A_1381 = arith.constant 4095 : i32
    %and3A_1382 = vector.broadcast %and3A_1381 : i32 to vector<16xi32>
    %and3A_1383 = arith.andi %bitcast3A_1380, %and3A_1382 : vector<16xi32>
    %sub3A_1384 = arith.constant 4095 : i32
    %sub3A_1385 = vector.broadcast %sub3A_1384 : i32 to vector<16xi32>
    %sub3A_1386 = arith.subi %sub3A_1385, %and3A_1383 : vector<16xi32>
    %and3A_1387 = arith.constant -4096 : i32
    %and3A_1388 = vector.broadcast %and3A_1387 : i32 to vector<16xi32>
    %and3A_1389 = arith.andi %bitcast3A_1380, %and3A_1388 : vector<16xi32>
    %bitcast3A_1390 = vector.bitcast %and3A_1389 : vector<16xi32> to vector<16xf32>
    %gather3A_1391 = tpu.vector_load_idx %arg6[%and3A_1374, %sub3A_1386] : memref<4x4096xf32, #tpu.memory_space<vmem>>[vector<16xi32>, vector<16xi32>], vector<16xf32>,
    %mul3A_1392 = arith.mulf %bitcast3A_1390, %gather3A_1391 : vector<16xf32>
    %add3A_1393 = arith.addf %broadcast_in_dim3A_1376, %mul3A_1392 : vector<16xf32>
    %broadcast_in_dim3A_1394 = arith.constant 1 : i32
    %broadcast_in_dim3A_1395 = vector.broadcast %broadcast_in_dim3A_1394 : i32 to vector<16xi32>
    %gather3A_1396 = tpu.vector_load_idx %arg5[%shift_right_logical3A_1371, %and3A_1374, %broadcast_in_dim3A_1395] : memref<64x4x8xf32, #tpu.memory_space<vmem>>[vector<16xi32>, vector<16xi32>, vector<16xi32>], vector<16xf32>,
    %bitcast3A_1397 = vector.bitcast %gather3A_1396 : vector<16xf32> to vector<16xi32>
    %and3A_1398 = arith.constant 4095 : i32
    %and3A_1399 = vector.broadcast %and3A_1398 : i32 to vector<16xi32>
    %and3A_1400 = arith.andi %bitcast3A_1397, %and3A_1399 : vector<16xi32>
    %sub3A_1401 = arith.constant 4095 : i32
    %sub3A_1402 = vector.broadcast %sub3A_1401 : i32 to vector<16xi32>
    %sub3A_1403 = arith.subi %sub3A_1402, %and3A_1400 : vector<16xi32>
    %and3A_1404 = arith.constant -4096 : i32
    %and3A_1405 = vector.broadcast %and3A_1404 : i32 to vector<16xi32>
    %and3A_1406 = arith.andi %bitcast3A_1397, %and3A_1405 : vector<16xi32>
    %bitcast3A_1407 = vector.bitcast %and3A_1406 : vector<16xi32> to vector<16xf32>
    %gather3A_1408 = tpu.vector_load_idx %arg6[%and3A_1374, %sub3A_1403] : memref<4x4096xf32, #tpu.memory_space<vmem>>[vector<16xi32>, vector<16xi32>], vector<16xf32>,
    %mul3A_1409 = arith.mulf %bitcast3A_1407, %gather3A_1408 : vector<16xf32>
    %add3A_1410 = arith.addf %add3A_1393, %mul3A_1409 : vector<16xf32>
    %broadcast_in_dim3A_1411 = arith.constant 2 : i32
    %broadcast_in_dim3A_1412 = vector.broadcast %broadcast_in_dim3A_1411 : i32 to vector<16xi32>
    %gather3A_1413 = tpu.vector_load_idx %arg5[%shift_right_logical3A_1371, %and3A_1374, %broadcast_in_dim3A_1412] : memref<64x4x8xf32, #tpu.memory_space<vmem>>[vector<16xi32>, vector<16xi32>, vector<16xi32>], vector<16xf32>,
    %bitcast3A_1414 = vector.bitcast %gather3A_1413 : vector<16xf32> to vector<16xi32>
    %and3A_1415 = arith.constant 4095 : i32
    %and3A_1416 = vector.broadcast %and3A_1415 : i32 to vector<16xi32>
    %and3A_1417 = arith.andi %bitcast3A_1414, %and3A_1416 : vector<16xi32>
    %sub3A_1418 = arith.constant 4095 : i32
    %sub3A_1419 = vector.broadcast %sub3A_1418 : i32 to vector<16xi32>
    %sub3A_1420 = arith.subi %sub3A_1419, %and3A_1417 : vector<16xi32>
    %and3A_1421 = arith.constant -4096 : i32
    %and3A_1422 = vector.broadcast %and3A_1421 : i32 to vector<16xi32>
    %and3A_1423 = arith.andi %bitcast3A_1414, %and3A_1422 : vector<16xi32>
    %bitcast3A_1424 = vector.bitcast %and3A_1423 : vector<16xi32> to vector<16xf32>
    %gather3A_1425 = tpu.vector_load_idx %arg6[%and3A_1374, %sub3A_1420] : memref<4x4096xf32, #tpu.memory_space<vmem>>[vector<16xi32>, vector<16xi32>], vector<16xf32>,
    %mul3A_1426 = arith.mulf %bitcast3A_1424, %gather3A_1425 : vector<16xf32>
    %add3A_1427 = arith.addf %add3A_1410, %mul3A_1426 : vector<16xf32>
    %broadcast_in_dim3A_1428 = arith.constant 3 : i32
    %broadcast_in_dim3A_1429 = vector.broadcast %broadcast_in_dim3A_1428 : i32 to vector<16xi32>
    %gather3A_1430 = tpu.vector_load_idx %arg5[%shift_right_logical3A_1371, %and3A_1374, %broadcast_in_dim3A_1429] : memref<64x4x8xf32, #tpu.memory_space<vmem>>[vector<16xi32>, vector<16xi32>, vector<16xi32>], vector<16xf32>,
    %bitcast3A_1431 = vector.bitcast %gather3A_1430 : vector<16xf32> to vector<16xi32>
    %and3A_1432 = arith.constant 4095 : i32
    %and3A_1433 = vector.broadcast %and3A_1432 : i32 to vector<16xi32>
    %and3A_1434 = arith.andi %bitcast3A_1431, %and3A_1433 : vector<16xi32>
    %sub3A_1435 = arith.constant 4095 : i32
    %sub3A_1436 = vector.broadcast %sub3A_1435 : i32 to vector<16xi32>
    %sub3A_1437 = arith.subi %sub3A_1436, %and3A_1434 : vector<16xi32>
    %and3A_1438 = arith.constant -4096 : i32
    %and3A_1439 = vector.broadcast %and3A_1438 : i32 to vector<16xi32>
    %and3A_1440 = arith.andi %bitcast3A_1431, %and3A_1439 : vector<16xi32>
    %bitcast3A_1441 = vector.bitcast %and3A_1440 : vector<16xi32> to vector<16xf32>
    %gather3A_1442 = tpu.vector_load_idx %arg6[%and3A_1374, %sub3A_1437] : memref<4x4096xf32, #tpu.memory_space<vmem>>[vector<16xi32>, vector<16xi32>], vector<16xf32>,
    %mul3A_1443 = arith.mulf %bitcast3A_1441, %gather3A_1442 : vector<16xf32>
    %add3A_1444 = arith.addf %add3A_1427, %mul3A_1443 : vector<16xf32>
    %broadcast_in_dim3A_1445 = arith.constant 4 : i32
    %broadcast_in_dim3A_1446 = vector.broadcast %broadcast_in_dim3A_1445 : i32 to vector<16xi32>
    %gather3A_1447 = tpu.vector_load_idx %arg5[%shift_right_logical3A_1371, %and3A_1374, %broadcast_in_dim3A_1446] : memref<64x4x8xf32, #tpu.memory_space<vmem>>[vector<16xi32>, vector<16xi32>, vector<16xi32>], vector<16xf32>,
    %bitcast3A_1448 = vector.bitcast %gather3A_1447 : vector<16xf32> to vector<16xi32>
    %and3A_1449 = arith.constant 4095 : i32
    %and3A_1450 = vector.broadcast %and3A_1449 : i32 to vector<16xi32>
    %and3A_1451 = arith.andi %bitcast3A_1448, %and3A_1450 : vector<16xi32>
    %sub3A_1452 = arith.constant 4095 : i32
    %sub3A_1453 = vector.broadcast %sub3A_1452 : i32 to vector<16xi32>
    %sub3A_1454 = arith.subi %sub3A_1453, %and3A_1451 : vector<16xi32>
    %and3A_1455 = arith.constant -4096 : i32
    %and3A_1456 = vector.broadcast %and3A_1455 : i32 to vector<16xi32>
    %and3A_1457 = arith.andi %bitcast3A_1448, %and3A_1456 : vector<16xi32>
    %bitcast3A_1458 = vector.bitcast %and3A_1457 : vector<16xi32> to vector<16xf32>
    %gather3A_1459 = tpu.vector_load_idx %arg6[%and3A_1374, %sub3A_1454] : memref<4x4096xf32, #tpu.memory_space<vmem>>[vector<16xi32>, vector<16xi32>], vector<16xf32>,
    %mul3A_1460 = arith.mulf %bitcast3A_1458, %gather3A_1459 : vector<16xf32>
    %add3A_1461 = arith.addf %add3A_1444, %mul3A_1460 : vector<16xf32>
    %broadcast_in_dim3A_1462 = arith.constant 5 : i32
    %broadcast_in_dim3A_1463 = vector.broadcast %broadcast_in_dim3A_1462 : i32 to vector<16xi32>
    %gather3A_1464 = tpu.vector_load_idx %arg5[%shift_right_logical3A_1371, %and3A_1374, %broadcast_in_dim3A_1463] : memref<64x4x8xf32, #tpu.memory_space<vmem>>[vector<16xi32>, vector<16xi32>, vector<16xi32>], vector<16xf32>,
    %bitcast3A_1465 = vector.bitcast %gather3A_1464 : vector<16xf32> to vector<16xi32>
    %and3A_1466 = arith.constant 4095 : i32
    %and3A_1467 = vector.broadcast %and3A_1466 : i32 to vector<16xi32>
    %and3A_1468 = arith.andi %bitcast3A_1465, %and3A_1467 : vector<16xi32>
    %sub3A_1469 = arith.constant 4095 : i32
    %sub3A_1470 = vector.broadcast %sub3A_1469 : i32 to vector<16xi32>
    %sub3A_1471 = arith.subi %sub3A_1470, %and3A_1468 : vector<16xi32>
    %and3A_1472 = arith.constant -4096 : i32
    %and3A_1473 = vector.broadcast %and3A_1472 : i32 to vector<16xi32>
    %and3A_1474 = arith.andi %bitcast3A_1465, %and3A_1473 : vector<16xi32>
    %bitcast3A_1475 = vector.bitcast %and3A_1474 : vector<16xi32> to vector<16xf32>
    %gather3A_1476 = tpu.vector_load_idx %arg6[%and3A_1374, %sub3A_1471] : memref<4x4096xf32, #tpu.memory_space<vmem>>[vector<16xi32>, vector<16xi32>], vector<16xf32>,
    %mul3A_1477 = arith.mulf %bitcast3A_1475, %gather3A_1476 : vector<16xf32>
    %add3A_1478 = arith.addf %add3A_1461, %mul3A_1477 : vector<16xf32>
    %broadcast_in_dim3A_1479 = arith.constant 6 : i32
    %broadcast_in_dim3A_1480 = vector.broadcast %broadcast_in_dim3A_1479 : i32 to vector<16xi32>
    %gather3A_1481 = tpu.vector_load_idx %arg5[%shift_right_logical3A_1371, %and3A_1374, %broadcast_in_dim3A_1480] : memref<64x4x8xf32, #tpu.memory_space<vmem>>[vector<16xi32>, vector<16xi32>, vector<16xi32>], vector<16xf32>,
    %bitcast3A_1482 = vector.bitcast %gather3A_1481 : vector<16xf32> to vector<16xi32>
    %and3A_1483 = arith.constant 4095 : i32
    %and3A_1484 = vector.broadcast %and3A_1483 : i32 to vector<16xi32>
    %and3A_1485 = arith.andi %bitcast3A_1482, %and3A_1484 : vector<16xi32>
    %sub3A_1486 = arith.constant 4095 : i32
    %sub3A_1487 = vector.broadcast %sub3A_1486 : i32 to vector<16xi32>
    %sub3A_1488 = arith.subi %sub3A_1487, %and3A_1485 : vector<16xi32>
    %and3A_1489 = arith.constant -4096 : i32
    %and3A_1490 = vector.broadcast %and3A_1489 : i32 to vector<16xi32>
    %and3A_1491 = arith.andi %bitcast3A_1482, %and3A_1490 : vector<16xi32>
    %bitcast3A_1492 = vector.bitcast %and3A_1491 : vector<16xi32> to vector<16xf32>
    %gather3A_1493 = tpu.vector_load_idx %arg6[%and3A_1374, %sub3A_1488] : memref<4x4096xf32, #tpu.memory_space<vmem>>[vector<16xi32>, vector<16xi32>], vector<16xf32>,
    %mul3A_1494 = arith.mulf %bitcast3A_1492, %gather3A_1493 : vector<16xf32>
    %add3A_1495 = arith.addf %add3A_1478, %mul3A_1494 : vector<16xf32>
    %broadcast_in_dim3A_1496 = arith.constant 7 : i32
    %broadcast_in_dim3A_1497 = vector.broadcast %broadcast_in_dim3A_1496 : i32 to vector<16xi32>
    %gather3A_1498 = tpu.vector_load_idx %arg5[%shift_right_logical3A_1371, %and3A_1374, %broadcast_in_dim3A_1497] : memref<64x4x8xf32, #tpu.memory_space<vmem>>[vector<16xi32>, vector<16xi32>, vector<16xi32>], vector<16xf32>,
    %bitcast3A_1499 = vector.bitcast %gather3A_1498 : vector<16xf32> to vector<16xi32>
    %and3A_1500 = arith.constant 4095 : i32
    %and3A_1501 = vector.broadcast %and3A_1500 : i32 to vector<16xi32>
    %and3A_1502 = arith.andi %bitcast3A_1499, %and3A_1501 : vector<16xi32>
    %sub3A_1503 = arith.constant 4095 : i32
    %sub3A_1504 = vector.broadcast %sub3A_1503 : i32 to vector<16xi32>
    %sub3A_1505 = arith.subi %sub3A_1504, %and3A_1502 : vector<16xi32>
    %and3A_1506 = arith.constant -4096 : i32
    %and3A_1507 = vector.broadcast %and3A_1506 : i32 to vector<16xi32>
    %and3A_1508 = arith.andi %bitcast3A_1499, %and3A_1507 : vector<16xi32>
    %bitcast3A_1509 = vector.bitcast %and3A_1508 : vector<16xi32> to vector<16xf32>
    %gather3A_1510 = tpu.vector_load_idx %arg6[%and3A_1374, %sub3A_1505] : memref<4x4096xf32, #tpu.memory_space<vmem>>[vector<16xi32>, vector<16xi32>], vector<16xf32>,
    %mul3A_1511 = arith.mulf %bitcast3A_1509, %gather3A_1510 : vector<16xf32>
    %add3A_1512 = arith.addf %add3A_1495, %mul3A_1511 : vector<16xf32>
    %mul3A_1513 = arith.constant 1.250000e-01 : f32
    %mul3A_1514 = vector.broadcast %mul3A_1513 : f32 to vector<16xf32>
    %mul3A_1515 = arith.mulf %add3A_1512, %mul3A_1514 : vector<16xf32>
    %swap3A_1516 = arith.constant 144 : index
    %swap3A_1517 = tpu.vector_load %arg7[%swap3A_1516] {strides = array<i32>} : memref<256xf32, #tpu.memory_space<vmem>>, vector<16xf32>,
    tpu.vector_store %arg7[%swap3A_1516], %mul3A_1515 {strides = array<i32>} : memref<256xf32, #tpu.memory_space<vmem>>, vector<16xf32>,
    %add3A_1518 = arith.constant 160 : i32
    %add3A_1519 = vector.broadcast %add3A_1518 : i32 to vector<16xi32>
    %add3A_1520 = arith.addi %iota3A, %add3A_1519 : vector<16xi32>
    %shift_right_logical3A_1521 = arith.constant 2 : i32
    %shift_right_logical3A_1522 = vector.broadcast %shift_right_logical3A_1521 : i32 to vector<16xi32>
    %shift_right_logical3A_1523 = arith.shrui %add3A_1520, %shift_right_logical3A_1522 : vector<16xi32>
    %and3A_1524 = arith.constant 3 : i32
    %and3A_1525 = vector.broadcast %and3A_1524 : i32 to vector<16xi32>
    %and3A_1526 = arith.andi %add3A_1520, %and3A_1525 : vector<16xi32>
    %broadcast_in_dim3A_1527 = arith.constant 0.000000e+00 : f32
    %broadcast_in_dim3A_1528 = vector.broadcast %broadcast_in_dim3A_1527 : f32 to vector<16xf32>
    %broadcast_in_dim3A_1529 = arith.constant 0 : i32
    %broadcast_in_dim3A_1530 = vector.broadcast %broadcast_in_dim3A_1529 : i32 to vector<16xi32>
    %gather3A_1531 = tpu.vector_load_idx %arg5[%shift_right_logical3A_1523, %and3A_1526, %broadcast_in_dim3A_1530] : memref<64x4x8xf32, #tpu.memory_space<vmem>>[vector<16xi32>, vector<16xi32>, vector<16xi32>], vector<16xf32>,
    %bitcast3A_1532 = vector.bitcast %gather3A_1531 : vector<16xf32> to vector<16xi32>
    %and3A_1533 = arith.constant 4095 : i32
    %and3A_1534 = vector.broadcast %and3A_1533 : i32 to vector<16xi32>
    %and3A_1535 = arith.andi %bitcast3A_1532, %and3A_1534 : vector<16xi32>
    %sub3A_1536 = arith.constant 4095 : i32
    %sub3A_1537 = vector.broadcast %sub3A_1536 : i32 to vector<16xi32>
    %sub3A_1538 = arith.subi %sub3A_1537, %and3A_1535 : vector<16xi32>
    %and3A_1539 = arith.constant -4096 : i32
    %and3A_1540 = vector.broadcast %and3A_1539 : i32 to vector<16xi32>
    %and3A_1541 = arith.andi %bitcast3A_1532, %and3A_1540 : vector<16xi32>
    %bitcast3A_1542 = vector.bitcast %and3A_1541 : vector<16xi32> to vector<16xf32>
    %gather3A_1543 = tpu.vector_load_idx %arg6[%and3A_1526, %sub3A_1538] : memref<4x4096xf32, #tpu.memory_space<vmem>>[vector<16xi32>, vector<16xi32>], vector<16xf32>,
    %mul3A_1544 = arith.mulf %bitcast3A_1542, %gather3A_1543 : vector<16xf32>
    %add3A_1545 = arith.addf %broadcast_in_dim3A_1528, %mul3A_1544 : vector<16xf32>
    %broadcast_in_dim3A_1546 = arith.constant 1 : i32
    %broadcast_in_dim3A_1547 = vector.broadcast %broadcast_in_dim3A_1546 : i32 to vector<16xi32>
    %gather3A_1548 = tpu.vector_load_idx %arg5[%shift_right_logical3A_1523, %and3A_1526, %broadcast_in_dim3A_1547] : memref<64x4x8xf32, #tpu.memory_space<vmem>>[vector<16xi32>, vector<16xi32>, vector<16xi32>], vector<16xf32>,
    %bitcast3A_1549 = vector.bitcast %gather3A_1548 : vector<16xf32> to vector<16xi32>
    %and3A_1550 = arith.constant 4095 : i32
    %and3A_1551 = vector.broadcast %and3A_1550 : i32 to vector<16xi32>
    %and3A_1552 = arith.andi %bitcast3A_1549, %and3A_1551 : vector<16xi32>
    %sub3A_1553 = arith.constant 4095 : i32
    %sub3A_1554 = vector.broadcast %sub3A_1553 : i32 to vector<16xi32>
    %sub3A_1555 = arith.subi %sub3A_1554, %and3A_1552 : vector<16xi32>
    %and3A_1556 = arith.constant -4096 : i32
    %and3A_1557 = vector.broadcast %and3A_1556 : i32 to vector<16xi32>
    %and3A_1558 = arith.andi %bitcast3A_1549, %and3A_1557 : vector<16xi32>
    %bitcast3A_1559 = vector.bitcast %and3A_1558 : vector<16xi32> to vector<16xf32>
    %gather3A_1560 = tpu.vector_load_idx %arg6[%and3A_1526, %sub3A_1555] : memref<4x4096xf32, #tpu.memory_space<vmem>>[vector<16xi32>, vector<16xi32>], vector<16xf32>,
    %mul3A_1561 = arith.mulf %bitcast3A_1559, %gather3A_1560 : vector<16xf32>
    %add3A_1562 = arith.addf %add3A_1545, %mul3A_1561 : vector<16xf32>
    %broadcast_in_dim3A_1563 = arith.constant 2 : i32
    %broadcast_in_dim3A_1564 = vector.broadcast %broadcast_in_dim3A_1563 : i32 to vector<16xi32>
    %gather3A_1565 = tpu.vector_load_idx %arg5[%shift_right_logical3A_1523, %and3A_1526, %broadcast_in_dim3A_1564] : memref<64x4x8xf32, #tpu.memory_space<vmem>>[vector<16xi32>, vector<16xi32>, vector<16xi32>], vector<16xf32>,
    %bitcast3A_1566 = vector.bitcast %gather3A_1565 : vector<16xf32> to vector<16xi32>
    %and3A_1567 = arith.constant 4095 : i32
    %and3A_1568 = vector.broadcast %and3A_1567 : i32 to vector<16xi32>
    %and3A_1569 = arith.andi %bitcast3A_1566, %and3A_1568 : vector<16xi32>
    %sub3A_1570 = arith.constant 4095 : i32
    %sub3A_1571 = vector.broadcast %sub3A_1570 : i32 to vector<16xi32>
    %sub3A_1572 = arith.subi %sub3A_1571, %and3A_1569 : vector<16xi32>
    %and3A_1573 = arith.constant -4096 : i32
    %and3A_1574 = vector.broadcast %and3A_1573 : i32 to vector<16xi32>
    %and3A_1575 = arith.andi %bitcast3A_1566, %and3A_1574 : vector<16xi32>
    %bitcast3A_1576 = vector.bitcast %and3A_1575 : vector<16xi32> to vector<16xf32>
    %gather3A_1577 = tpu.vector_load_idx %arg6[%and3A_1526, %sub3A_1572] : memref<4x4096xf32, #tpu.memory_space<vmem>>[vector<16xi32>, vector<16xi32>], vector<16xf32>,
    %mul3A_1578 = arith.mulf %bitcast3A_1576, %gather3A_1577 : vector<16xf32>
    %add3A_1579 = arith.addf %add3A_1562, %mul3A_1578 : vector<16xf32>
    %broadcast_in_dim3A_1580 = arith.constant 3 : i32
    %broadcast_in_dim3A_1581 = vector.broadcast %broadcast_in_dim3A_1580 : i32 to vector<16xi32>
    %gather3A_1582 = tpu.vector_load_idx %arg5[%shift_right_logical3A_1523, %and3A_1526, %broadcast_in_dim3A_1581] : memref<64x4x8xf32, #tpu.memory_space<vmem>>[vector<16xi32>, vector<16xi32>, vector<16xi32>], vector<16xf32>,
    %bitcast3A_1583 = vector.bitcast %gather3A_1582 : vector<16xf32> to vector<16xi32>
    %and3A_1584 = arith.constant 4095 : i32
    %and3A_1585 = vector.broadcast %and3A_1584 : i32 to vector<16xi32>
    %and3A_1586 = arith.andi %bitcast3A_1583, %and3A_1585 : vector<16xi32>
    %sub3A_1587 = arith.constant 4095 : i32
    %sub3A_1588 = vector.broadcast %sub3A_1587 : i32 to vector<16xi32>
    %sub3A_1589 = arith.subi %sub3A_1588, %and3A_1586 : vector<16xi32>
    %and3A_1590 = arith.constant -4096 : i32
    %and3A_1591 = vector.broadcast %and3A_1590 : i32 to vector<16xi32>
    %and3A_1592 = arith.andi %bitcast3A_1583, %and3A_1591 : vector<16xi32>
    %bitcast3A_1593 = vector.bitcast %and3A_1592 : vector<16xi32> to vector<16xf32>
    %gather3A_1594 = tpu.vector_load_idx %arg6[%and3A_1526, %sub3A_1589] : memref<4x4096xf32, #tpu.memory_space<vmem>>[vector<16xi32>, vector<16xi32>], vector<16xf32>,
    %mul3A_1595 = arith.mulf %bitcast3A_1593, %gather3A_1594 : vector<16xf32>
    %add3A_1596 = arith.addf %add3A_1579, %mul3A_1595 : vector<16xf32>
    %broadcast_in_dim3A_1597 = arith.constant 4 : i32
    %broadcast_in_dim3A_1598 = vector.broadcast %broadcast_in_dim3A_1597 : i32 to vector<16xi32>
    %gather3A_1599 = tpu.vector_load_idx %arg5[%shift_right_logical3A_1523, %and3A_1526, %broadcast_in_dim3A_1598] : memref<64x4x8xf32, #tpu.memory_space<vmem>>[vector<16xi32>, vector<16xi32>, vector<16xi32>], vector<16xf32>,
    %bitcast3A_1600 = vector.bitcast %gather3A_1599 : vector<16xf32> to vector<16xi32>
    %and3A_1601 = arith.constant 4095 : i32
    %and3A_1602 = vector.broadcast %and3A_1601 : i32 to vector<16xi32>
    %and3A_1603 = arith.andi %bitcast3A_1600, %and3A_1602 : vector<16xi32>
    %sub3A_1604 = arith.constant 4095 : i32
    %sub3A_1605 = vector.broadcast %sub3A_1604 : i32 to vector<16xi32>
    %sub3A_1606 = arith.subi %sub3A_1605, %and3A_1603 : vector<16xi32>
    %and3A_1607 = arith.constant -4096 : i32
    %and3A_1608 = vector.broadcast %and3A_1607 : i32 to vector<16xi32>
    %and3A_1609 = arith.andi %bitcast3A_1600, %and3A_1608 : vector<16xi32>
    %bitcast3A_1610 = vector.bitcast %and3A_1609 : vector<16xi32> to vector<16xf32>
    %gather3A_1611 = tpu.vector_load_idx %arg6[%and3A_1526, %sub3A_1606] : memref<4x4096xf32, #tpu.memory_space<vmem>>[vector<16xi32>, vector<16xi32>], vector<16xf32>,
    %mul3A_1612 = arith.mulf %bitcast3A_1610, %gather3A_1611 : vector<16xf32>
    %add3A_1613 = arith.addf %add3A_1596, %mul3A_1612 : vector<16xf32>
    %broadcast_in_dim3A_1614 = arith.constant 5 : i32
    %broadcast_in_dim3A_1615 = vector.broadcast %broadcast_in_dim3A_1614 : i32 to vector<16xi32>
    %gather3A_1616 = tpu.vector_load_idx %arg5[%shift_right_logical3A_1523, %and3A_1526, %broadcast_in_dim3A_1615] : memref<64x4x8xf32, #tpu.memory_space<vmem>>[vector<16xi32>, vector<16xi32>, vector<16xi32>], vector<16xf32>,
    %bitcast3A_1617 = vector.bitcast %gather3A_1616 : vector<16xf32> to vector<16xi32>
    %and3A_1618 = arith.constant 4095 : i32
    %and3A_1619 = vector.broadcast %and3A_1618 : i32 to vector<16xi32>
    %and3A_1620 = arith.andi %bitcast3A_1617, %and3A_1619 : vector<16xi32>
    %sub3A_1621 = arith.constant 4095 : i32
    %sub3A_1622 = vector.broadcast %sub3A_1621 : i32 to vector<16xi32>
    %sub3A_1623 = arith.subi %sub3A_1622, %and3A_1620 : vector<16xi32>
    %and3A_1624 = arith.constant -4096 : i32
    %and3A_1625 = vector.broadcast %and3A_1624 : i32 to vector<16xi32>
    %and3A_1626 = arith.andi %bitcast3A_1617, %and3A_1625 : vector<16xi32>
    %bitcast3A_1627 = vector.bitcast %and3A_1626 : vector<16xi32> to vector<16xf32>
    %gather3A_1628 = tpu.vector_load_idx %arg6[%and3A_1526, %sub3A_1623] : memref<4x4096xf32, #tpu.memory_space<vmem>>[vector<16xi32>, vector<16xi32>], vector<16xf32>,
    %mul3A_1629 = arith.mulf %bitcast3A_1627, %gather3A_1628 : vector<16xf32>
    %add3A_1630 = arith.addf %add3A_1613, %mul3A_1629 : vector<16xf32>
    %broadcast_in_dim3A_1631 = arith.constant 6 : i32
    %broadcast_in_dim3A_1632 = vector.broadcast %broadcast_in_dim3A_1631 : i32 to vector<16xi32>
    %gather3A_1633 = tpu.vector_load_idx %arg5[%shift_right_logical3A_1523, %and3A_1526, %broadcast_in_dim3A_1632] : memref<64x4x8xf32, #tpu.memory_space<vmem>>[vector<16xi32>, vector<16xi32>, vector<16xi32>], vector<16xf32>,
    %bitcast3A_1634 = vector.bitcast %gather3A_1633 : vector<16xf32> to vector<16xi32>
    %and3A_1635 = arith.constant 4095 : i32
    %and3A_1636 = vector.broadcast %and3A_1635 : i32 to vector<16xi32>
    %and3A_1637 = arith.andi %bitcast3A_1634, %and3A_1636 : vector<16xi32>
    %sub3A_1638 = arith.constant 4095 : i32
    %sub3A_1639 = vector.broadcast %sub3A_1638 : i32 to vector<16xi32>
    %sub3A_1640 = arith.subi %sub3A_1639, %and3A_1637 : vector<16xi32>
    %and3A_1641 = arith.constant -4096 : i32
    %and3A_1642 = vector.broadcast %and3A_1641 : i32 to vector<16xi32>
    %and3A_1643 = arith.andi %bitcast3A_1634, %and3A_1642 : vector<16xi32>
    %bitcast3A_1644 = vector.bitcast %and3A_1643 : vector<16xi32> to vector<16xf32>
    %gather3A_1645 = tpu.vector_load_idx %arg6[%and3A_1526, %sub3A_1640] : memref<4x4096xf32, #tpu.memory_space<vmem>>[vector<16xi32>, vector<16xi32>], vector<16xf32>,
    %mul3A_1646 = arith.mulf %bitcast3A_1644, %gather3A_1645 : vector<16xf32>
    %add3A_1647 = arith.addf %add3A_1630, %mul3A_1646 : vector<16xf32>
    %broadcast_in_dim3A_1648 = arith.constant 7 : i32
    %broadcast_in_dim3A_1649 = vector.broadcast %broadcast_in_dim3A_1648 : i32 to vector<16xi32>
    %gather3A_1650 = tpu.vector_load_idx %arg5[%shift_right_logical3A_1523, %and3A_1526, %broadcast_in_dim3A_1649] : memref<64x4x8xf32, #tpu.memory_space<vmem>>[vector<16xi32>, vector<16xi32>, vector<16xi32>], vector<16xf32>,
    %bitcast3A_1651 = vector.bitcast %gather3A_1650 : vector<16xf32> to vector<16xi32>
    %and3A_1652 = arith.constant 4095 : i32
    %and3A_1653 = vector.broadcast %and3A_1652 : i32 to vector<16xi32>
    %and3A_1654 = arith.andi %bitcast3A_1651, %and3A_1653 : vector<16xi32>
    %sub3A_1655 = arith.constant 4095 : i32
    %sub3A_1656 = vector.broadcast %sub3A_1655 : i32 to vector<16xi32>
    %sub3A_1657 = arith.subi %sub3A_1656, %and3A_1654 : vector<16xi32>
    %and3A_1658 = arith.constant -4096 : i32
    %and3A_1659 = vector.broadcast %and3A_1658 : i32 to vector<16xi32>
    %and3A_1660 = arith.andi %bitcast3A_1651, %and3A_1659 : vector<16xi32>
    %bitcast3A_1661 = vector.bitcast %and3A_1660 : vector<16xi32> to vector<16xf32>
    %gather3A_1662 = tpu.vector_load_idx %arg6[%and3A_1526, %sub3A_1657] : memref<4x4096xf32, #tpu.memory_space<vmem>>[vector<16xi32>, vector<16xi32>], vector<16xf32>,
    %mul3A_1663 = arith.mulf %bitcast3A_1661, %gather3A_1662 : vector<16xf32>
    %add3A_1664 = arith.addf %add3A_1647, %mul3A_1663 : vector<16xf32>
    %mul3A_1665 = arith.constant 1.250000e-01 : f32
    %mul3A_1666 = vector.broadcast %mul3A_1665 : f32 to vector<16xf32>
    %mul3A_1667 = arith.mulf %add3A_1664, %mul3A_1666 : vector<16xf32>
    %swap3A_1668 = arith.constant 160 : index
    %swap3A_1669 = tpu.vector_load %arg7[%swap3A_1668] {strides = array<i32>} : memref<256xf32, #tpu.memory_space<vmem>>, vector<16xf32>,
    tpu.vector_store %arg7[%swap3A_1668], %mul3A_1667 {strides = array<i32>} : memref<256xf32, #tpu.memory_space<vmem>>, vector<16xf32>,
    %add3A_1670 = arith.constant 176 : i32
    %add3A_1671 = vector.broadcast %add3A_1670 : i32 to vector<16xi32>
    %add3A_1672 = arith.addi %iota3A, %add3A_1671 : vector<16xi32>
    %shift_right_logical3A_1673 = arith.constant 2 : i32
    %shift_right_logical3A_1674 = vector.broadcast %shift_right_logical3A_1673 : i32 to vector<16xi32>
    %shift_right_logical3A_1675 = arith.shrui %add3A_1672, %shift_right_logical3A_1674 : vector<16xi32>
    %and3A_1676 = arith.constant 3 : i32
    %and3A_1677 = vector.broadcast %and3A_1676 : i32 to vector<16xi32>
    %and3A_1678 = arith.andi %add3A_1672, %and3A_1677 : vector<16xi32>
    %broadcast_in_dim3A_1679 = arith.constant 0.000000e+00 : f32
    %broadcast_in_dim3A_1680 = vector.broadcast %broadcast_in_dim3A_1679 : f32 to vector<16xf32>
    %broadcast_in_dim3A_1681 = arith.constant 0 : i32
    %broadcast_in_dim3A_1682 = vector.broadcast %broadcast_in_dim3A_1681 : i32 to vector<16xi32>
    %gather3A_1683 = tpu.vector_load_idx %arg5[%shift_right_logical3A_1675, %and3A_1678, %broadcast_in_dim3A_1682] : memref<64x4x8xf32, #tpu.memory_space<vmem>>[vector<16xi32>, vector<16xi32>, vector<16xi32>], vector<16xf32>,
    %bitcast3A_1684 = vector.bitcast %gather3A_1683 : vector<16xf32> to vector<16xi32>
    %and3A_1685 = arith.constant 4095 : i32
    %and3A_1686 = vector.broadcast %and3A_1685 : i32 to vector<16xi32>
    %and3A_1687 = arith.andi %bitcast3A_1684, %and3A_1686 : vector<16xi32>
    %sub3A_1688 = arith.constant 4095 : i32
    %sub3A_1689 = vector.broadcast %sub3A_1688 : i32 to vector<16xi32>
    %sub3A_1690 = arith.subi %sub3A_1689, %and3A_1687 : vector<16xi32>
    %and3A_1691 = arith.constant -4096 : i32
    %and3A_1692 = vector.broadcast %and3A_1691 : i32 to vector<16xi32>
    %and3A_1693 = arith.andi %bitcast3A_1684, %and3A_1692 : vector<16xi32>
    %bitcast3A_1694 = vector.bitcast %and3A_1693 : vector<16xi32> to vector<16xf32>
    %gather3A_1695 = tpu.vector_load_idx %arg6[%and3A_1678, %sub3A_1690] : memref<4x4096xf32, #tpu.memory_space<vmem>>[vector<16xi32>, vector<16xi32>], vector<16xf32>,
    %mul3A_1696 = arith.mulf %bitcast3A_1694, %gather3A_1695 : vector<16xf32>
    %add3A_1697 = arith.addf %broadcast_in_dim3A_1680, %mul3A_1696 : vector<16xf32>
    %broadcast_in_dim3A_1698 = arith.constant 1 : i32
    %broadcast_in_dim3A_1699 = vector.broadcast %broadcast_in_dim3A_1698 : i32 to vector<16xi32>
    %gather3A_1700 = tpu.vector_load_idx %arg5[%shift_right_logical3A_1675, %and3A_1678, %broadcast_in_dim3A_1699] : memref<64x4x8xf32, #tpu.memory_space<vmem>>[vector<16xi32>, vector<16xi32>, vector<16xi32>], vector<16xf32>,
    %bitcast3A_1701 = vector.bitcast %gather3A_1700 : vector<16xf32> to vector<16xi32>
    %and3A_1702 = arith.constant 4095 : i32
    %and3A_1703 = vector.broadcast %and3A_1702 : i32 to vector<16xi32>
    %and3A_1704 = arith.andi %bitcast3A_1701, %and3A_1703 : vector<16xi32>
    %sub3A_1705 = arith.constant 4095 : i32
    %sub3A_1706 = vector.broadcast %sub3A_1705 : i32 to vector<16xi32>
    %sub3A_1707 = arith.subi %sub3A_1706, %and3A_1704 : vector<16xi32>
    %and3A_1708 = arith.constant -4096 : i32
    %and3A_1709 = vector.broadcast %and3A_1708 : i32 to vector<16xi32>
    %and3A_1710 = arith.andi %bitcast3A_1701, %and3A_1709 : vector<16xi32>
    %bitcast3A_1711 = vector.bitcast %and3A_1710 : vector<16xi32> to vector<16xf32>
    %gather3A_1712 = tpu.vector_load_idx %arg6[%and3A_1678, %sub3A_1707] : memref<4x4096xf32, #tpu.memory_space<vmem>>[vector<16xi32>, vector<16xi32>], vector<16xf32>,
    %mul3A_1713 = arith.mulf %bitcast3A_1711, %gather3A_1712 : vector<16xf32>
    %add3A_1714 = arith.addf %add3A_1697, %mul3A_1713 : vector<16xf32>
    %broadcast_in_dim3A_1715 = arith.constant 2 : i32
    %broadcast_in_dim3A_1716 = vector.broadcast %broadcast_in_dim3A_1715 : i32 to vector<16xi32>
    %gather3A_1717 = tpu.vector_load_idx %arg5[%shift_right_logical3A_1675, %and3A_1678, %broadcast_in_dim3A_1716] : memref<64x4x8xf32, #tpu.memory_space<vmem>>[vector<16xi32>, vector<16xi32>, vector<16xi32>], vector<16xf32>,
    %bitcast3A_1718 = vector.bitcast %gather3A_1717 : vector<16xf32> to vector<16xi32>
    %and3A_1719 = arith.constant 4095 : i32
    %and3A_1720 = vector.broadcast %and3A_1719 : i32 to vector<16xi32>
    %and3A_1721 = arith.andi %bitcast3A_1718, %and3A_1720 : vector<16xi32>
    %sub3A_1722 = arith.constant 4095 : i32
    %sub3A_1723 = vector.broadcast %sub3A_1722 : i32 to vector<16xi32>
    %sub3A_1724 = arith.subi %sub3A_1723, %and3A_1721 : vector<16xi32>
    %and3A_1725 = arith.constant -4096 : i32
    %and3A_1726 = vector.broadcast %and3A_1725 : i32 to vector<16xi32>
    %and3A_1727 = arith.andi %bitcast3A_1718, %and3A_1726 : vector<16xi32>
    %bitcast3A_1728 = vector.bitcast %and3A_1727 : vector<16xi32> to vector<16xf32>
    %gather3A_1729 = tpu.vector_load_idx %arg6[%and3A_1678, %sub3A_1724] : memref<4x4096xf32, #tpu.memory_space<vmem>>[vector<16xi32>, vector<16xi32>], vector<16xf32>,
    %mul3A_1730 = arith.mulf %bitcast3A_1728, %gather3A_1729 : vector<16xf32>
    %add3A_1731 = arith.addf %add3A_1714, %mul3A_1730 : vector<16xf32>
    %broadcast_in_dim3A_1732 = arith.constant 3 : i32
    %broadcast_in_dim3A_1733 = vector.broadcast %broadcast_in_dim3A_1732 : i32 to vector<16xi32>
    %gather3A_1734 = tpu.vector_load_idx %arg5[%shift_right_logical3A_1675, %and3A_1678, %broadcast_in_dim3A_1733] : memref<64x4x8xf32, #tpu.memory_space<vmem>>[vector<16xi32>, vector<16xi32>, vector<16xi32>], vector<16xf32>,
    %bitcast3A_1735 = vector.bitcast %gather3A_1734 : vector<16xf32> to vector<16xi32>
    %and3A_1736 = arith.constant 4095 : i32
    %and3A_1737 = vector.broadcast %and3A_1736 : i32 to vector<16xi32>
    %and3A_1738 = arith.andi %bitcast3A_1735, %and3A_1737 : vector<16xi32>
    %sub3A_1739 = arith.constant 4095 : i32
    %sub3A_1740 = vector.broadcast %sub3A_1739 : i32 to vector<16xi32>
    %sub3A_1741 = arith.subi %sub3A_1740, %and3A_1738 : vector<16xi32>
    %and3A_1742 = arith.constant -4096 : i32
    %and3A_1743 = vector.broadcast %and3A_1742 : i32 to vector<16xi32>
    %and3A_1744 = arith.andi %bitcast3A_1735, %and3A_1743 : vector<16xi32>
    %bitcast3A_1745 = vector.bitcast %and3A_1744 : vector<16xi32> to vector<16xf32>
    %gather3A_1746 = tpu.vector_load_idx %arg6[%and3A_1678, %sub3A_1741] : memref<4x4096xf32, #tpu.memory_space<vmem>>[vector<16xi32>, vector<16xi32>], vector<16xf32>,
    %mul3A_1747 = arith.mulf %bitcast3A_1745, %gather3A_1746 : vector<16xf32>
    %add3A_1748 = arith.addf %add3A_1731, %mul3A_1747 : vector<16xf32>
    %broadcast_in_dim3A_1749 = arith.constant 4 : i32
    %broadcast_in_dim3A_1750 = vector.broadcast %broadcast_in_dim3A_1749 : i32 to vector<16xi32>
    %gather3A_1751 = tpu.vector_load_idx %arg5[%shift_right_logical3A_1675, %and3A_1678, %broadcast_in_dim3A_1750] : memref<64x4x8xf32, #tpu.memory_space<vmem>>[vector<16xi32>, vector<16xi32>, vector<16xi32>], vector<16xf32>,
    %bitcast3A_1752 = vector.bitcast %gather3A_1751 : vector<16xf32> to vector<16xi32>
    %and3A_1753 = arith.constant 4095 : i32
    %and3A_1754 = vector.broadcast %and3A_1753 : i32 to vector<16xi32>
    %and3A_1755 = arith.andi %bitcast3A_1752, %and3A_1754 : vector<16xi32>
    %sub3A_1756 = arith.constant 4095 : i32
    %sub3A_1757 = vector.broadcast %sub3A_1756 : i32 to vector<16xi32>
    %sub3A_1758 = arith.subi %sub3A_1757, %and3A_1755 : vector<16xi32>
    %and3A_1759 = arith.constant -4096 : i32
    %and3A_1760 = vector.broadcast %and3A_1759 : i32 to vector<16xi32>
    %and3A_1761 = arith.andi %bitcast3A_1752, %and3A_1760 : vector<16xi32>
    %bitcast3A_1762 = vector.bitcast %and3A_1761 : vector<16xi32> to vector<16xf32>
    %gather3A_1763 = tpu.vector_load_idx %arg6[%and3A_1678, %sub3A_1758] : memref<4x4096xf32, #tpu.memory_space<vmem>>[vector<16xi32>, vector<16xi32>], vector<16xf32>,
    %mul3A_1764 = arith.mulf %bitcast3A_1762, %gather3A_1763 : vector<16xf32>
    %add3A_1765 = arith.addf %add3A_1748, %mul3A_1764 : vector<16xf32>
    %broadcast_in_dim3A_1766 = arith.constant 5 : i32
    %broadcast_in_dim3A_1767 = vector.broadcast %broadcast_in_dim3A_1766 : i32 to vector<16xi32>
    %gather3A_1768 = tpu.vector_load_idx %arg5[%shift_right_logical3A_1675, %and3A_1678, %broadcast_in_dim3A_1767] : memref<64x4x8xf32, #tpu.memory_space<vmem>>[vector<16xi32>, vector<16xi32>, vector<16xi32>], vector<16xf32>,
    %bitcast3A_1769 = vector.bitcast %gather3A_1768 : vector<16xf32> to vector<16xi32>
    %and3A_1770 = arith.constant 4095 : i32
    %and3A_1771 = vector.broadcast %and3A_1770 : i32 to vector<16xi32>
    %and3A_1772 = arith.andi %bitcast3A_1769, %and3A_1771 : vector<16xi32>
    %sub3A_1773 = arith.constant 4095 : i32
    %sub3A_1774 = vector.broadcast %sub3A_1773 : i32 to vector<16xi32>
    %sub3A_1775 = arith.subi %sub3A_1774, %and3A_1772 : vector<16xi32>
    %and3A_1776 = arith.constant -4096 : i32
    %and3A_1777 = vector.broadcast %and3A_1776 : i32 to vector<16xi32>
    %and3A_1778 = arith.andi %bitcast3A_1769, %and3A_1777 : vector<16xi32>
    %bitcast3A_1779 = vector.bitcast %and3A_1778 : vector<16xi32> to vector<16xf32>
    %gather3A_1780 = tpu.vector_load_idx %arg6[%and3A_1678, %sub3A_1775] : memref<4x4096xf32, #tpu.memory_space<vmem>>[vector<16xi32>, vector<16xi32>], vector<16xf32>,
    %mul3A_1781 = arith.mulf %bitcast3A_1779, %gather3A_1780 : vector<16xf32>
    %add3A_1782 = arith.addf %add3A_1765, %mul3A_1781 : vector<16xf32>
    %broadcast_in_dim3A_1783 = arith.constant 6 : i32
    %broadcast_in_dim3A_1784 = vector.broadcast %broadcast_in_dim3A_1783 : i32 to vector<16xi32>
    %gather3A_1785 = tpu.vector_load_idx %arg5[%shift_right_logical3A_1675, %and3A_1678, %broadcast_in_dim3A_1784] : memref<64x4x8xf32, #tpu.memory_space<vmem>>[vector<16xi32>, vector<16xi32>, vector<16xi32>], vector<16xf32>,
    %bitcast3A_1786 = vector.bitcast %gather3A_1785 : vector<16xf32> to vector<16xi32>
    %and3A_1787 = arith.constant 4095 : i32
    %and3A_1788 = vector.broadcast %and3A_1787 : i32 to vector<16xi32>
    %and3A_1789 = arith.andi %bitcast3A_1786, %and3A_1788 : vector<16xi32>
    %sub3A_1790 = arith.constant 4095 : i32
    %sub3A_1791 = vector.broadcast %sub3A_1790 : i32 to vector<16xi32>
    %sub3A_1792 = arith.subi %sub3A_1791, %and3A_1789 : vector<16xi32>
    %and3A_1793 = arith.constant -4096 : i32
    %and3A_1794 = vector.broadcast %and3A_1793 : i32 to vector<16xi32>
    %and3A_1795 = arith.andi %bitcast3A_1786, %and3A_1794 : vector<16xi32>
    %bitcast3A_1796 = vector.bitcast %and3A_1795 : vector<16xi32> to vector<16xf32>
    %gather3A_1797 = tpu.vector_load_idx %arg6[%and3A_1678, %sub3A_1792] : memref<4x4096xf32, #tpu.memory_space<vmem>>[vector<16xi32>, vector<16xi32>], vector<16xf32>,
    %mul3A_1798 = arith.mulf %bitcast3A_1796, %gather3A_1797 : vector<16xf32>
    %add3A_1799 = arith.addf %add3A_1782, %mul3A_1798 : vector<16xf32>
    %broadcast_in_dim3A_1800 = arith.constant 7 : i32
    %broadcast_in_dim3A_1801 = vector.broadcast %broadcast_in_dim3A_1800 : i32 to vector<16xi32>
    %gather3A_1802 = tpu.vector_load_idx %arg5[%shift_right_logical3A_1675, %and3A_1678, %broadcast_in_dim3A_1801] : memref<64x4x8xf32, #tpu.memory_space<vmem>>[vector<16xi32>, vector<16xi32>, vector<16xi32>], vector<16xf32>,
    %bitcast3A_1803 = vector.bitcast %gather3A_1802 : vector<16xf32> to vector<16xi32>
    %and3A_1804 = arith.constant 4095 : i32
    %and3A_1805 = vector.broadcast %and3A_1804 : i32 to vector<16xi32>
    %and3A_1806 = arith.andi %bitcast3A_1803, %and3A_1805 : vector<16xi32>
    %sub3A_1807 = arith.constant 4095 : i32
    %sub3A_1808 = vector.broadcast %sub3A_1807 : i32 to vector<16xi32>
    %sub3A_1809 = arith.subi %sub3A_1808, %and3A_1806 : vector<16xi32>
    %and3A_1810 = arith.constant -4096 : i32
    %and3A_1811 = vector.broadcast %and3A_1810 : i32 to vector<16xi32>
    %and3A_1812 = arith.andi %bitcast3A_1803, %and3A_1811 : vector<16xi32>
    %bitcast3A_1813 = vector.bitcast %and3A_1812 : vector<16xi32> to vector<16xf32>
    %gather3A_1814 = tpu.vector_load_idx %arg6[%and3A_1678, %sub3A_1809] : memref<4x4096xf32, #tpu.memory_space<vmem>>[vector<16xi32>, vector<16xi32>], vector<16xf32>,
    %mul3A_1815 = arith.mulf %bitcast3A_1813, %gather3A_1814 : vector<16xf32>
    %add3A_1816 = arith.addf %add3A_1799, %mul3A_1815 : vector<16xf32>
    %mul3A_1817 = arith.constant 1.250000e-01 : f32
    %mul3A_1818 = vector.broadcast %mul3A_1817 : f32 to vector<16xf32>
    %mul3A_1819 = arith.mulf %add3A_1816, %mul3A_1818 : vector<16xf32>
    %swap3A_1820 = arith.constant 176 : index
    %swap3A_1821 = tpu.vector_load %arg7[%swap3A_1820] {strides = array<i32>} : memref<256xf32, #tpu.memory_space<vmem>>, vector<16xf32>,
    tpu.vector_store %arg7[%swap3A_1820], %mul3A_1819 {strides = array<i32>} : memref<256xf32, #tpu.memory_space<vmem>>, vector<16xf32>,
    %add3A_1822 = arith.constant 192 : i32
    %add3A_1823 = vector.broadcast %add3A_1822 : i32 to vector<16xi32>
    %add3A_1824 = arith.addi %iota3A, %add3A_1823 : vector<16xi32>
    %shift_right_logical3A_1825 = arith.constant 2 : i32
    %shift_right_logical3A_1826 = vector.broadcast %shift_right_logical3A_1825 : i32 to vector<16xi32>
    %shift_right_logical3A_1827 = arith.shrui %add3A_1824, %shift_right_logical3A_1826 : vector<16xi32>
    %and3A_1828 = arith.constant 3 : i32
    %and3A_1829 = vector.broadcast %and3A_1828 : i32 to vector<16xi32>
    %and3A_1830 = arith.andi %add3A_1824, %and3A_1829 : vector<16xi32>
    %broadcast_in_dim3A_1831 = arith.constant 0.000000e+00 : f32
    %broadcast_in_dim3A_1832 = vector.broadcast %broadcast_in_dim3A_1831 : f32 to vector<16xf32>
    %broadcast_in_dim3A_1833 = arith.constant 0 : i32
    %broadcast_in_dim3A_1834 = vector.broadcast %broadcast_in_dim3A_1833 : i32 to vector<16xi32>
    %gather3A_1835 = tpu.vector_load_idx %arg5[%shift_right_logical3A_1827, %and3A_1830, %broadcast_in_dim3A_1834] : memref<64x4x8xf32, #tpu.memory_space<vmem>>[vector<16xi32>, vector<16xi32>, vector<16xi32>], vector<16xf32>,
    %bitcast3A_1836 = vector.bitcast %gather3A_1835 : vector<16xf32> to vector<16xi32>
    %and3A_1837 = arith.constant 4095 : i32
    %and3A_1838 = vector.broadcast %and3A_1837 : i32 to vector<16xi32>
    %and3A_1839 = arith.andi %bitcast3A_1836, %and3A_1838 : vector<16xi32>
    %sub3A_1840 = arith.constant 4095 : i32
    %sub3A_1841 = vector.broadcast %sub3A_1840 : i32 to vector<16xi32>
    %sub3A_1842 = arith.subi %sub3A_1841, %and3A_1839 : vector<16xi32>
    %and3A_1843 = arith.constant -4096 : i32
    %and3A_1844 = vector.broadcast %and3A_1843 : i32 to vector<16xi32>
    %and3A_1845 = arith.andi %bitcast3A_1836, %and3A_1844 : vector<16xi32>
    %bitcast3A_1846 = vector.bitcast %and3A_1845 : vector<16xi32> to vector<16xf32>
    %gather3A_1847 = tpu.vector_load_idx %arg6[%and3A_1830, %sub3A_1842] : memref<4x4096xf32, #tpu.memory_space<vmem>>[vector<16xi32>, vector<16xi32>], vector<16xf32>,
    %mul3A_1848 = arith.mulf %bitcast3A_1846, %gather3A_1847 : vector<16xf32>
    %add3A_1849 = arith.addf %broadcast_in_dim3A_1832, %mul3A_1848 : vector<16xf32>
    %broadcast_in_dim3A_1850 = arith.constant 1 : i32
    %broadcast_in_dim3A_1851 = vector.broadcast %broadcast_in_dim3A_1850 : i32 to vector<16xi32>
    %gather3A_1852 = tpu.vector_load_idx %arg5[%shift_right_logical3A_1827, %and3A_1830, %broadcast_in_dim3A_1851] : memref<64x4x8xf32, #tpu.memory_space<vmem>>[vector<16xi32>, vector<16xi32>, vector<16xi32>], vector<16xf32>,
    %bitcast3A_1853 = vector.bitcast %gather3A_1852 : vector<16xf32> to vector<16xi32>
    %and3A_1854 = arith.constant 4095 : i32
    %and3A_1855 = vector.broadcast %and3A_1854 : i32 to vector<16xi32>
    %and3A_1856 = arith.andi %bitcast3A_1853, %and3A_1855 : vector<16xi32>
    %sub3A_1857 = arith.constant 4095 : i32
    %sub3A_1858 = vector.broadcast %sub3A_1857 : i32 to vector<16xi32>
    %sub3A_1859 = arith.subi %sub3A_1858, %and3A_1856 : vector<16xi32>
    %and3A_1860 = arith.constant -4096 : i32
    %and3A_1861 = vector.broadcast %and3A_1860 : i32 to vector<16xi32>
    %and3A_1862 = arith.andi %bitcast3A_1853, %and3A_1861 : vector<16xi32>
    %bitcast3A_1863 = vector.bitcast %and3A_1862 : vector<16xi32> to vector<16xf32>
    %gather3A_1864 = tpu.vector_load_idx %arg6[%and3A_1830, %sub3A_1859] : memref<4x4096xf32, #tpu.memory_space<vmem>>[vector<16xi32>, vector<16xi32>], vector<16xf32>,
    %mul3A_1865 = arith.mulf %bitcast3A_1863, %gather3A_1864 : vector<16xf32>
    %add3A_1866 = arith.addf %add3A_1849, %mul3A_1865 : vector<16xf32>
    %broadcast_in_dim3A_1867 = arith.constant 2 : i32
    %broadcast_in_dim3A_1868 = vector.broadcast %broadcast_in_dim3A_1867 : i32 to vector<16xi32>
    %gather3A_1869 = tpu.vector_load_idx %arg5[%shift_right_logical3A_1827, %and3A_1830, %broadcast_in_dim3A_1868] : memref<64x4x8xf32, #tpu.memory_space<vmem>>[vector<16xi32>, vector<16xi32>, vector<16xi32>], vector<16xf32>,
    %bitcast3A_1870 = vector.bitcast %gather3A_1869 : vector<16xf32> to vector<16xi32>
    %and3A_1871 = arith.constant 4095 : i32
    %and3A_1872 = vector.broadcast %and3A_1871 : i32 to vector<16xi32>
    %and3A_1873 = arith.andi %bitcast3A_1870, %and3A_1872 : vector<16xi32>
    %sub3A_1874 = arith.constant 4095 : i32
    %sub3A_1875 = vector.broadcast %sub3A_1874 : i32 to vector<16xi32>
    %sub3A_1876 = arith.subi %sub3A_1875, %and3A_1873 : vector<16xi32>
    %and3A_1877 = arith.constant -4096 : i32
    %and3A_1878 = vector.broadcast %and3A_1877 : i32 to vector<16xi32>
    %and3A_1879 = arith.andi %bitcast3A_1870, %and3A_1878 : vector<16xi32>
    %bitcast3A_1880 = vector.bitcast %and3A_1879 : vector<16xi32> to vector<16xf32>
    %gather3A_1881 = tpu.vector_load_idx %arg6[%and3A_1830, %sub3A_1876] : memref<4x4096xf32, #tpu.memory_space<vmem>>[vector<16xi32>, vector<16xi32>], vector<16xf32>,
    %mul3A_1882 = arith.mulf %bitcast3A_1880, %gather3A_1881 : vector<16xf32>
    %add3A_1883 = arith.addf %add3A_1866, %mul3A_1882 : vector<16xf32>
    %broadcast_in_dim3A_1884 = arith.constant 3 : i32
    %broadcast_in_dim3A_1885 = vector.broadcast %broadcast_in_dim3A_1884 : i32 to vector<16xi32>
    %gather3A_1886 = tpu.vector_load_idx %arg5[%shift_right_logical3A_1827, %and3A_1830, %broadcast_in_dim3A_1885] : memref<64x4x8xf32, #tpu.memory_space<vmem>>[vector<16xi32>, vector<16xi32>, vector<16xi32>], vector<16xf32>,
    %bitcast3A_1887 = vector.bitcast %gather3A_1886 : vector<16xf32> to vector<16xi32>
    %and3A_1888 = arith.constant 4095 : i32
    %and3A_1889 = vector.broadcast %and3A_1888 : i32 to vector<16xi32>
    %and3A_1890 = arith.andi %bitcast3A_1887, %and3A_1889 : vector<16xi32>
    %sub3A_1891 = arith.constant 4095 : i32
    %sub3A_1892 = vector.broadcast %sub3A_1891 : i32 to vector<16xi32>
    %sub3A_1893 = arith.subi %sub3A_1892, %and3A_1890 : vector<16xi32>
    %and3A_1894 = arith.constant -4096 : i32
    %and3A_1895 = vector.broadcast %and3A_1894 : i32 to vector<16xi32>
    %and3A_1896 = arith.andi %bitcast3A_1887, %and3A_1895 : vector<16xi32>
    %bitcast3A_1897 = vector.bitcast %and3A_1896 : vector<16xi32> to vector<16xf32>
    %gather3A_1898 = tpu.vector_load_idx %arg6[%and3A_1830, %sub3A_1893] : memref<4x4096xf32, #tpu.memory_space<vmem>>[vector<16xi32>, vector<16xi32>], vector<16xf32>,
    %mul3A_1899 = arith.mulf %bitcast3A_1897, %gather3A_1898 : vector<16xf32>
    %add3A_1900 = arith.addf %add3A_1883, %mul3A_1899 : vector<16xf32>
    %broadcast_in_dim3A_1901 = arith.constant 4 : i32
    %broadcast_in_dim3A_1902 = vector.broadcast %broadcast_in_dim3A_1901 : i32 to vector<16xi32>
    %gather3A_1903 = tpu.vector_load_idx %arg5[%shift_right_logical3A_1827, %and3A_1830, %broadcast_in_dim3A_1902] : memref<64x4x8xf32, #tpu.memory_space<vmem>>[vector<16xi32>, vector<16xi32>, vector<16xi32>], vector<16xf32>,
    %bitcast3A_1904 = vector.bitcast %gather3A_1903 : vector<16xf32> to vector<16xi32>
    %and3A_1905 = arith.constant 4095 : i32
    %and3A_1906 = vector.broadcast %and3A_1905 : i32 to vector<16xi32>
    %and3A_1907 = arith.andi %bitcast3A_1904, %and3A_1906 : vector<16xi32>
    %sub3A_1908 = arith.constant 4095 : i32
    %sub3A_1909 = vector.broadcast %sub3A_1908 : i32 to vector<16xi32>
    %sub3A_1910 = arith.subi %sub3A_1909, %and3A_1907 : vector<16xi32>
    %and3A_1911 = arith.constant -4096 : i32
    %and3A_1912 = vector.broadcast %and3A_1911 : i32 to vector<16xi32>
    %and3A_1913 = arith.andi %bitcast3A_1904, %and3A_1912 : vector<16xi32>
    %bitcast3A_1914 = vector.bitcast %and3A_1913 : vector<16xi32> to vector<16xf32>
    %gather3A_1915 = tpu.vector_load_idx %arg6[%and3A_1830, %sub3A_1910] : memref<4x4096xf32, #tpu.memory_space<vmem>>[vector<16xi32>, vector<16xi32>], vector<16xf32>,
    %mul3A_1916 = arith.mulf %bitcast3A_1914, %gather3A_1915 : vector<16xf32>
    %add3A_1917 = arith.addf %add3A_1900, %mul3A_1916 : vector<16xf32>
    %broadcast_in_dim3A_1918 = arith.constant 5 : i32
    %broadcast_in_dim3A_1919 = vector.broadcast %broadcast_in_dim3A_1918 : i32 to vector<16xi32>
    %gather3A_1920 = tpu.vector_load_idx %arg5[%shift_right_logical3A_1827, %and3A_1830, %broadcast_in_dim3A_1919] : memref<64x4x8xf32, #tpu.memory_space<vmem>>[vector<16xi32>, vector<16xi32>, vector<16xi32>], vector<16xf32>,
    %bitcast3A_1921 = vector.bitcast %gather3A_1920 : vector<16xf32> to vector<16xi32>
    %and3A_1922 = arith.constant 4095 : i32
    %and3A_1923 = vector.broadcast %and3A_1922 : i32 to vector<16xi32>
    %and3A_1924 = arith.andi %bitcast3A_1921, %and3A_1923 : vector<16xi32>
    %sub3A_1925 = arith.constant 4095 : i32
    %sub3A_1926 = vector.broadcast %sub3A_1925 : i32 to vector<16xi32>
    %sub3A_1927 = arith.subi %sub3A_1926, %and3A_1924 : vector<16xi32>
    %and3A_1928 = arith.constant -4096 : i32
    %and3A_1929 = vector.broadcast %and3A_1928 : i32 to vector<16xi32>
    %and3A_1930 = arith.andi %bitcast3A_1921, %and3A_1929 : vector<16xi32>
    %bitcast3A_1931 = vector.bitcast %and3A_1930 : vector<16xi32> to vector<16xf32>
    %gather3A_1932 = tpu.vector_load_idx %arg6[%and3A_1830, %sub3A_1927] : memref<4x4096xf32, #tpu.memory_space<vmem>>[vector<16xi32>, vector<16xi32>], vector<16xf32>,
    %mul3A_1933 = arith.mulf %bitcast3A_1931, %gather3A_1932 : vector<16xf32>
    %add3A_1934 = arith.addf %add3A_1917, %mul3A_1933 : vector<16xf32>
    %broadcast_in_dim3A_1935 = arith.constant 6 : i32
    %broadcast_in_dim3A_1936 = vector.broadcast %broadcast_in_dim3A_1935 : i32 to vector<16xi32>
    %gather3A_1937 = tpu.vector_load_idx %arg5[%shift_right_logical3A_1827, %and3A_1830, %broadcast_in_dim3A_1936] : memref<64x4x8xf32, #tpu.memory_space<vmem>>[vector<16xi32>, vector<16xi32>, vector<16xi32>], vector<16xf32>,
    %bitcast3A_1938 = vector.bitcast %gather3A_1937 : vector<16xf32> to vector<16xi32>
    %and3A_1939 = arith.constant 4095 : i32
    %and3A_1940 = vector.broadcast %and3A_1939 : i32 to vector<16xi32>
    %and3A_1941 = arith.andi %bitcast3A_1938, %and3A_1940 : vector<16xi32>
    %sub3A_1942 = arith.constant 4095 : i32
    %sub3A_1943 = vector.broadcast %sub3A_1942 : i32 to vector<16xi32>
    %sub3A_1944 = arith.subi %sub3A_1943, %and3A_1941 : vector<16xi32>
    %and3A_1945 = arith.constant -4096 : i32
    %and3A_1946 = vector.broadcast %and3A_1945 : i32 to vector<16xi32>
    %and3A_1947 = arith.andi %bitcast3A_1938, %and3A_1946 : vector<16xi32>
    %bitcast3A_1948 = vector.bitcast %and3A_1947 : vector<16xi32> to vector<16xf32>
    %gather3A_1949 = tpu.vector_load_idx %arg6[%and3A_1830, %sub3A_1944] : memref<4x4096xf32, #tpu.memory_space<vmem>>[vector<16xi32>, vector<16xi32>], vector<16xf32>,
    %mul3A_1950 = arith.mulf %bitcast3A_1948, %gather3A_1949 : vector<16xf32>
    %add3A_1951 = arith.addf %add3A_1934, %mul3A_1950 : vector<16xf32>
    %broadcast_in_dim3A_1952 = arith.constant 7 : i32
    %broadcast_in_dim3A_1953 = vector.broadcast %broadcast_in_dim3A_1952 : i32 to vector<16xi32>
    %gather3A_1954 = tpu.vector_load_idx %arg5[%shift_right_logical3A_1827, %and3A_1830, %broadcast_in_dim3A_1953] : memref<64x4x8xf32, #tpu.memory_space<vmem>>[vector<16xi32>, vector<16xi32>, vector<16xi32>], vector<16xf32>,
    %bitcast3A_1955 = vector.bitcast %gather3A_1954 : vector<16xf32> to vector<16xi32>
    %and3A_1956 = arith.constant 4095 : i32
    %and3A_1957 = vector.broadcast %and3A_1956 : i32 to vector<16xi32>
    %and3A_1958 = arith.andi %bitcast3A_1955, %and3A_1957 : vector<16xi32>
    %sub3A_1959 = arith.constant 4095 : i32
    %sub3A_1960 = vector.broadcast %sub3A_1959 : i32 to vector<16xi32>
    %sub3A_1961 = arith.subi %sub3A_1960, %and3A_1958 : vector<16xi32>
    %and3A_1962 = arith.constant -4096 : i32
    %and3A_1963 = vector.broadcast %and3A_1962 : i32 to vector<16xi32>
    %and3A_1964 = arith.andi %bitcast3A_1955, %and3A_1963 : vector<16xi32>
    %bitcast3A_1965 = vector.bitcast %and3A_1964 : vector<16xi32> to vector<16xf32>
    %gather3A_1966 = tpu.vector_load_idx %arg6[%and3A_1830, %sub3A_1961] : memref<4x4096xf32, #tpu.memory_space<vmem>>[vector<16xi32>, vector<16xi32>], vector<16xf32>,
    %mul3A_1967 = arith.mulf %bitcast3A_1965, %gather3A_1966 : vector<16xf32>
    %add3A_1968 = arith.addf %add3A_1951, %mul3A_1967 : vector<16xf32>
    %mul3A_1969 = arith.constant 1.250000e-01 : f32
    %mul3A_1970 = vector.broadcast %mul3A_1969 : f32 to vector<16xf32>
    %mul3A_1971 = arith.mulf %add3A_1968, %mul3A_1970 : vector<16xf32>
    %swap3A_1972 = arith.constant 192 : index
    %swap3A_1973 = tpu.vector_load %arg7[%swap3A_1972] {strides = array<i32>} : memref<256xf32, #tpu.memory_space<vmem>>, vector<16xf32>,
    tpu.vector_store %arg7[%swap3A_1972], %mul3A_1971 {strides = array<i32>} : memref<256xf32, #tpu.memory_space<vmem>>, vector<16xf32>,
    %add3A_1974 = arith.constant 208 : i32
    %add3A_1975 = vector.broadcast %add3A_1974 : i32 to vector<16xi32>
    %add3A_1976 = arith.addi %iota3A, %add3A_1975 : vector<16xi32>
    %shift_right_logical3A_1977 = arith.constant 2 : i32
    %shift_right_logical3A_1978 = vector.broadcast %shift_right_logical3A_1977 : i32 to vector<16xi32>
    %shift_right_logical3A_1979 = arith.shrui %add3A_1976, %shift_right_logical3A_1978 : vector<16xi32>
    %and3A_1980 = arith.constant 3 : i32
    %and3A_1981 = vector.broadcast %and3A_1980 : i32 to vector<16xi32>
    %and3A_1982 = arith.andi %add3A_1976, %and3A_1981 : vector<16xi32>
    %broadcast_in_dim3A_1983 = arith.constant 0.000000e+00 : f32
    %broadcast_in_dim3A_1984 = vector.broadcast %broadcast_in_dim3A_1983 : f32 to vector<16xf32>
    %broadcast_in_dim3A_1985 = arith.constant 0 : i32
    %broadcast_in_dim3A_1986 = vector.broadcast %broadcast_in_dim3A_1985 : i32 to vector<16xi32>
    %gather3A_1987 = tpu.vector_load_idx %arg5[%shift_right_logical3A_1979, %and3A_1982, %broadcast_in_dim3A_1986] : memref<64x4x8xf32, #tpu.memory_space<vmem>>[vector<16xi32>, vector<16xi32>, vector<16xi32>], vector<16xf32>,
    %bitcast3A_1988 = vector.bitcast %gather3A_1987 : vector<16xf32> to vector<16xi32>
    %and3A_1989 = arith.constant 4095 : i32
    %and3A_1990 = vector.broadcast %and3A_1989 : i32 to vector<16xi32>
    %and3A_1991 = arith.andi %bitcast3A_1988, %and3A_1990 : vector<16xi32>
    %sub3A_1992 = arith.constant 4095 : i32
    %sub3A_1993 = vector.broadcast %sub3A_1992 : i32 to vector<16xi32>
    %sub3A_1994 = arith.subi %sub3A_1993, %and3A_1991 : vector<16xi32>
    %and3A_1995 = arith.constant -4096 : i32
    %and3A_1996 = vector.broadcast %and3A_1995 : i32 to vector<16xi32>
    %and3A_1997 = arith.andi %bitcast3A_1988, %and3A_1996 : vector<16xi32>
    %bitcast3A_1998 = vector.bitcast %and3A_1997 : vector<16xi32> to vector<16xf32>
    %gather3A_1999 = tpu.vector_load_idx %arg6[%and3A_1982, %sub3A_1994] : memref<4x4096xf32, #tpu.memory_space<vmem>>[vector<16xi32>, vector<16xi32>], vector<16xf32>,
    %mul3A_2000 = arith.mulf %bitcast3A_1998, %gather3A_1999 : vector<16xf32>
    %add3A_2001 = arith.addf %broadcast_in_dim3A_1984, %mul3A_2000 : vector<16xf32>
    %broadcast_in_dim3A_2002 = arith.constant 1 : i32
    %broadcast_in_dim3A_2003 = vector.broadcast %broadcast_in_dim3A_2002 : i32 to vector<16xi32>
    %gather3A_2004 = tpu.vector_load_idx %arg5[%shift_right_logical3A_1979, %and3A_1982, %broadcast_in_dim3A_2003] : memref<64x4x8xf32, #tpu.memory_space<vmem>>[vector<16xi32>, vector<16xi32>, vector<16xi32>], vector<16xf32>,
    %bitcast3A_2005 = vector.bitcast %gather3A_2004 : vector<16xf32> to vector<16xi32>
    %and3A_2006 = arith.constant 4095 : i32
    %and3A_2007 = vector.broadcast %and3A_2006 : i32 to vector<16xi32>
    %and3A_2008 = arith.andi %bitcast3A_2005, %and3A_2007 : vector<16xi32>
    %sub3A_2009 = arith.constant 4095 : i32
    %sub3A_2010 = vector.broadcast %sub3A_2009 : i32 to vector<16xi32>
    %sub3A_2011 = arith.subi %sub3A_2010, %and3A_2008 : vector<16xi32>
    %and3A_2012 = arith.constant -4096 : i32
    %and3A_2013 = vector.broadcast %and3A_2012 : i32 to vector<16xi32>
    %and3A_2014 = arith.andi %bitcast3A_2005, %and3A_2013 : vector<16xi32>
    %bitcast3A_2015 = vector.bitcast %and3A_2014 : vector<16xi32> to vector<16xf32>
    %gather3A_2016 = tpu.vector_load_idx %arg6[%and3A_1982, %sub3A_2011] : memref<4x4096xf32, #tpu.memory_space<vmem>>[vector<16xi32>, vector<16xi32>], vector<16xf32>,
    %mul3A_2017 = arith.mulf %bitcast3A_2015, %gather3A_2016 : vector<16xf32>
    %add3A_2018 = arith.addf %add3A_2001, %mul3A_2017 : vector<16xf32>
    %broadcast_in_dim3A_2019 = arith.constant 2 : i32
    %broadcast_in_dim3A_2020 = vector.broadcast %broadcast_in_dim3A_2019 : i32 to vector<16xi32>
    %gather3A_2021 = tpu.vector_load_idx %arg5[%shift_right_logical3A_1979, %and3A_1982, %broadcast_in_dim3A_2020] : memref<64x4x8xf32, #tpu.memory_space<vmem>>[vector<16xi32>, vector<16xi32>, vector<16xi32>], vector<16xf32>,
    %bitcast3A_2022 = vector.bitcast %gather3A_2021 : vector<16xf32> to vector<16xi32>
    %and3A_2023 = arith.constant 4095 : i32
    %and3A_2024 = vector.broadcast %and3A_2023 : i32 to vector<16xi32>
    %and3A_2025 = arith.andi %bitcast3A_2022, %and3A_2024 : vector<16xi32>
    %sub3A_2026 = arith.constant 4095 : i32
    %sub3A_2027 = vector.broadcast %sub3A_2026 : i32 to vector<16xi32>
    %sub3A_2028 = arith.subi %sub3A_2027, %and3A_2025 : vector<16xi32>
    %and3A_2029 = arith.constant -4096 : i32
    %and3A_2030 = vector.broadcast %and3A_2029 : i32 to vector<16xi32>
    %and3A_2031 = arith.andi %bitcast3A_2022, %and3A_2030 : vector<16xi32>
    %bitcast3A_2032 = vector.bitcast %and3A_2031 : vector<16xi32> to vector<16xf32>
    %gather3A_2033 = tpu.vector_load_idx %arg6[%and3A_1982, %sub3A_2028] : memref<4x4096xf32, #tpu.memory_space<vmem>>[vector<16xi32>, vector<16xi32>], vector<16xf32>,
    %mul3A_2034 = arith.mulf %bitcast3A_2032, %gather3A_2033 : vector<16xf32>
    %add3A_2035 = arith.addf %add3A_2018, %mul3A_2034 : vector<16xf32>
    %broadcast_in_dim3A_2036 = arith.constant 3 : i32
    %broadcast_in_dim3A_2037 = vector.broadcast %broadcast_in_dim3A_2036 : i32 to vector<16xi32>
    %gather3A_2038 = tpu.vector_load_idx %arg5[%shift_right_logical3A_1979, %and3A_1982, %broadcast_in_dim3A_2037] : memref<64x4x8xf32, #tpu.memory_space<vmem>>[vector<16xi32>, vector<16xi32>, vector<16xi32>], vector<16xf32>,
    %bitcast3A_2039 = vector.bitcast %gather3A_2038 : vector<16xf32> to vector<16xi32>
    %and3A_2040 = arith.constant 4095 : i32
    %and3A_2041 = vector.broadcast %and3A_2040 : i32 to vector<16xi32>
    %and3A_2042 = arith.andi %bitcast3A_2039, %and3A_2041 : vector<16xi32>
    %sub3A_2043 = arith.constant 4095 : i32
    %sub3A_2044 = vector.broadcast %sub3A_2043 : i32 to vector<16xi32>
    %sub3A_2045 = arith.subi %sub3A_2044, %and3A_2042 : vector<16xi32>
    %and3A_2046 = arith.constant -4096 : i32
    %and3A_2047 = vector.broadcast %and3A_2046 : i32 to vector<16xi32>
    %and3A_2048 = arith.andi %bitcast3A_2039, %and3A_2047 : vector<16xi32>
    %bitcast3A_2049 = vector.bitcast %and3A_2048 : vector<16xi32> to vector<16xf32>
    %gather3A_2050 = tpu.vector_load_idx %arg6[%and3A_1982, %sub3A_2045] : memref<4x4096xf32, #tpu.memory_space<vmem>>[vector<16xi32>, vector<16xi32>], vector<16xf32>,
    %mul3A_2051 = arith.mulf %bitcast3A_2049, %gather3A_2050 : vector<16xf32>
    %add3A_2052 = arith.addf %add3A_2035, %mul3A_2051 : vector<16xf32>
    %broadcast_in_dim3A_2053 = arith.constant 4 : i32
    %broadcast_in_dim3A_2054 = vector.broadcast %broadcast_in_dim3A_2053 : i32 to vector<16xi32>
    %gather3A_2055 = tpu.vector_load_idx %arg5[%shift_right_logical3A_1979, %and3A_1982, %broadcast_in_dim3A_2054] : memref<64x4x8xf32, #tpu.memory_space<vmem>>[vector<16xi32>, vector<16xi32>, vector<16xi32>], vector<16xf32>,
    %bitcast3A_2056 = vector.bitcast %gather3A_2055 : vector<16xf32> to vector<16xi32>
    %and3A_2057 = arith.constant 4095 : i32
    %and3A_2058 = vector.broadcast %and3A_2057 : i32 to vector<16xi32>
    %and3A_2059 = arith.andi %bitcast3A_2056, %and3A_2058 : vector<16xi32>
    %sub3A_2060 = arith.constant 4095 : i32
    %sub3A_2061 = vector.broadcast %sub3A_2060 : i32 to vector<16xi32>
    %sub3A_2062 = arith.subi %sub3A_2061, %and3A_2059 : vector<16xi32>
    %and3A_2063 = arith.constant -4096 : i32
    %and3A_2064 = vector.broadcast %and3A_2063 : i32 to vector<16xi32>
    %and3A_2065 = arith.andi %bitcast3A_2056, %and3A_2064 : vector<16xi32>
    %bitcast3A_2066 = vector.bitcast %and3A_2065 : vector<16xi32> to vector<16xf32>
    %gather3A_2067 = tpu.vector_load_idx %arg6[%and3A_1982, %sub3A_2062] : memref<4x4096xf32, #tpu.memory_space<vmem>>[vector<16xi32>, vector<16xi32>], vector<16xf32>,
    %mul3A_2068 = arith.mulf %bitcast3A_2066, %gather3A_2067 : vector<16xf32>
    %add3A_2069 = arith.addf %add3A_2052, %mul3A_2068 : vector<16xf32>
    %broadcast_in_dim3A_2070 = arith.constant 5 : i32
    %broadcast_in_dim3A_2071 = vector.broadcast %broadcast_in_dim3A_2070 : i32 to vector<16xi32>
    %gather3A_2072 = tpu.vector_load_idx %arg5[%shift_right_logical3A_1979, %and3A_1982, %broadcast_in_dim3A_2071] : memref<64x4x8xf32, #tpu.memory_space<vmem>>[vector<16xi32>, vector<16xi32>, vector<16xi32>], vector<16xf32>,
    %bitcast3A_2073 = vector.bitcast %gather3A_2072 : vector<16xf32> to vector<16xi32>
    %and3A_2074 = arith.constant 4095 : i32
    %and3A_2075 = vector.broadcast %and3A_2074 : i32 to vector<16xi32>
    %and3A_2076 = arith.andi %bitcast3A_2073, %and3A_2075 : vector<16xi32>
    %sub3A_2077 = arith.constant 4095 : i32
    %sub3A_2078 = vector.broadcast %sub3A_2077 : i32 to vector<16xi32>
    %sub3A_2079 = arith.subi %sub3A_2078, %and3A_2076 : vector<16xi32>
    %and3A_2080 = arith.constant -4096 : i32
    %and3A_2081 = vector.broadcast %and3A_2080 : i32 to vector<16xi32>
    %and3A_2082 = arith.andi %bitcast3A_2073, %and3A_2081 : vector<16xi32>
    %bitcast3A_2083 = vector.bitcast %and3A_2082 : vector<16xi32> to vector<16xf32>
    %gather3A_2084 = tpu.vector_load_idx %arg6[%and3A_1982, %sub3A_2079] : memref<4x4096xf32, #tpu.memory_space<vmem>>[vector<16xi32>, vector<16xi32>], vector<16xf32>,
    %mul3A_2085 = arith.mulf %bitcast3A_2083, %gather3A_2084 : vector<16xf32>
    %add3A_2086 = arith.addf %add3A_2069, %mul3A_2085 : vector<16xf32>
    %broadcast_in_dim3A_2087 = arith.constant 6 : i32
    %broadcast_in_dim3A_2088 = vector.broadcast %broadcast_in_dim3A_2087 : i32 to vector<16xi32>
    %gather3A_2089 = tpu.vector_load_idx %arg5[%shift_right_logical3A_1979, %and3A_1982, %broadcast_in_dim3A_2088] : memref<64x4x8xf32, #tpu.memory_space<vmem>>[vector<16xi32>, vector<16xi32>, vector<16xi32>], vector<16xf32>,
    %bitcast3A_2090 = vector.bitcast %gather3A_2089 : vector<16xf32> to vector<16xi32>
    %and3A_2091 = arith.constant 4095 : i32
    %and3A_2092 = vector.broadcast %and3A_2091 : i32 to vector<16xi32>
    %and3A_2093 = arith.andi %bitcast3A_2090, %and3A_2092 : vector<16xi32>
    %sub3A_2094 = arith.constant 4095 : i32
    %sub3A_2095 = vector.broadcast %sub3A_2094 : i32 to vector<16xi32>
    %sub3A_2096 = arith.subi %sub3A_2095, %and3A_2093 : vector<16xi32>
    %and3A_2097 = arith.constant -4096 : i32
    %and3A_2098 = vector.broadcast %and3A_2097 : i32 to vector<16xi32>
    %and3A_2099 = arith.andi %bitcast3A_2090, %and3A_2098 : vector<16xi32>
    %bitcast3A_2100 = vector.bitcast %and3A_2099 : vector<16xi32> to vector<16xf32>
    %gather3A_2101 = tpu.vector_load_idx %arg6[%and3A_1982, %sub3A_2096] : memref<4x4096xf32, #tpu.memory_space<vmem>>[vector<16xi32>, vector<16xi32>], vector<16xf32>,
    %mul3A_2102 = arith.mulf %bitcast3A_2100, %gather3A_2101 : vector<16xf32>
    %add3A_2103 = arith.addf %add3A_2086, %mul3A_2102 : vector<16xf32>
    %broadcast_in_dim3A_2104 = arith.constant 7 : i32
    %broadcast_in_dim3A_2105 = vector.broadcast %broadcast_in_dim3A_2104 : i32 to vector<16xi32>
    %gather3A_2106 = tpu.vector_load_idx %arg5[%shift_right_logical3A_1979, %and3A_1982, %broadcast_in_dim3A_2105] : memref<64x4x8xf32, #tpu.memory_space<vmem>>[vector<16xi32>, vector<16xi32>, vector<16xi32>], vector<16xf32>,
    %bitcast3A_2107 = vector.bitcast %gather3A_2106 : vector<16xf32> to vector<16xi32>
    %and3A_2108 = arith.constant 4095 : i32
    %and3A_2109 = vector.broadcast %and3A_2108 : i32 to vector<16xi32>
    %and3A_2110 = arith.andi %bitcast3A_2107, %and3A_2109 : vector<16xi32>
    %sub3A_2111 = arith.constant 4095 : i32
    %sub3A_2112 = vector.broadcast %sub3A_2111 : i32 to vector<16xi32>
    %sub3A_2113 = arith.subi %sub3A_2112, %and3A_2110 : vector<16xi32>
    %and3A_2114 = arith.constant -4096 : i32
    %and3A_2115 = vector.broadcast %and3A_2114 : i32 to vector<16xi32>
    %and3A_2116 = arith.andi %bitcast3A_2107, %and3A_2115 : vector<16xi32>
    %bitcast3A_2117 = vector.bitcast %and3A_2116 : vector<16xi32> to vector<16xf32>
    %gather3A_2118 = tpu.vector_load_idx %arg6[%and3A_1982, %sub3A_2113] : memref<4x4096xf32, #tpu.memory_space<vmem>>[vector<16xi32>, vector<16xi32>], vector<16xf32>,
    %mul3A_2119 = arith.mulf %bitcast3A_2117, %gather3A_2118 : vector<16xf32>
    %add3A_2120 = arith.addf %add3A_2103, %mul3A_2119 : vector<16xf32>
    %mul3A_2121 = arith.constant 1.250000e-01 : f32
    %mul3A_2122 = vector.broadcast %mul3A_2121 : f32 to vector<16xf32>
    %mul3A_2123 = arith.mulf %add3A_2120, %mul3A_2122 : vector<16xf32>
    %swap3A_2124 = arith.constant 208 : index
    %swap3A_2125 = tpu.vector_load %arg7[%swap3A_2124] {strides = array<i32>} : memref<256xf32, #tpu.memory_space<vmem>>, vector<16xf32>,
    tpu.vector_store %arg7[%swap3A_2124], %mul3A_2123 {strides = array<i32>} : memref<256xf32, #tpu.memory_space<vmem>>, vector<16xf32>,
    %add3A_2126 = arith.constant 224 : i32
    %add3A_2127 = vector.broadcast %add3A_2126 : i32 to vector<16xi32>
    %add3A_2128 = arith.addi %iota3A, %add3A_2127 : vector<16xi32>
    %shift_right_logical3A_2129 = arith.constant 2 : i32
    %shift_right_logical3A_2130 = vector.broadcast %shift_right_logical3A_2129 : i32 to vector<16xi32>
    %shift_right_logical3A_2131 = arith.shrui %add3A_2128, %shift_right_logical3A_2130 : vector<16xi32>
    %and3A_2132 = arith.constant 3 : i32
    %and3A_2133 = vector.broadcast %and3A_2132 : i32 to vector<16xi32>
    %and3A_2134 = arith.andi %add3A_2128, %and3A_2133 : vector<16xi32>
    %broadcast_in_dim3A_2135 = arith.constant 0.000000e+00 : f32
    %broadcast_in_dim3A_2136 = vector.broadcast %broadcast_in_dim3A_2135 : f32 to vector<16xf32>
    %broadcast_in_dim3A_2137 = arith.constant 0 : i32
    %broadcast_in_dim3A_2138 = vector.broadcast %broadcast_in_dim3A_2137 : i32 to vector<16xi32>
    %gather3A_2139 = tpu.vector_load_idx %arg5[%shift_right_logical3A_2131, %and3A_2134, %broadcast_in_dim3A_2138] : memref<64x4x8xf32, #tpu.memory_space<vmem>>[vector<16xi32>, vector<16xi32>, vector<16xi32>], vector<16xf32>,
    %bitcast3A_2140 = vector.bitcast %gather3A_2139 : vector<16xf32> to vector<16xi32>
    %and3A_2141 = arith.constant 4095 : i32
    %and3A_2142 = vector.broadcast %and3A_2141 : i32 to vector<16xi32>
    %and3A_2143 = arith.andi %bitcast3A_2140, %and3A_2142 : vector<16xi32>
    %sub3A_2144 = arith.constant 4095 : i32
    %sub3A_2145 = vector.broadcast %sub3A_2144 : i32 to vector<16xi32>
    %sub3A_2146 = arith.subi %sub3A_2145, %and3A_2143 : vector<16xi32>
    %and3A_2147 = arith.constant -4096 : i32
    %and3A_2148 = vector.broadcast %and3A_2147 : i32 to vector<16xi32>
    %and3A_2149 = arith.andi %bitcast3A_2140, %and3A_2148 : vector<16xi32>
    %bitcast3A_2150 = vector.bitcast %and3A_2149 : vector<16xi32> to vector<16xf32>
    %gather3A_2151 = tpu.vector_load_idx %arg6[%and3A_2134, %sub3A_2146] : memref<4x4096xf32, #tpu.memory_space<vmem>>[vector<16xi32>, vector<16xi32>], vector<16xf32>,
    %mul3A_2152 = arith.mulf %bitcast3A_2150, %gather3A_2151 : vector<16xf32>
    %add3A_2153 = arith.addf %broadcast_in_dim3A_2136, %mul3A_2152 : vector<16xf32>
    %broadcast_in_dim3A_2154 = arith.constant 1 : i32
    %broadcast_in_dim3A_2155 = vector.broadcast %broadcast_in_dim3A_2154 : i32 to vector<16xi32>
    %gather3A_2156 = tpu.vector_load_idx %arg5[%shift_right_logical3A_2131, %and3A_2134, %broadcast_in_dim3A_2155] : memref<64x4x8xf32, #tpu.memory_space<vmem>>[vector<16xi32>, vector<16xi32>, vector<16xi32>], vector<16xf32>,
    %bitcast3A_2157 = vector.bitcast %gather3A_2156 : vector<16xf32> to vector<16xi32>
    %and3A_2158 = arith.constant 4095 : i32
    %and3A_2159 = vector.broadcast %and3A_2158 : i32 to vector<16xi32>
    %and3A_2160 = arith.andi %bitcast3A_2157, %and3A_2159 : vector<16xi32>
    %sub3A_2161 = arith.constant 4095 : i32
    %sub3A_2162 = vector.broadcast %sub3A_2161 : i32 to vector<16xi32>
    %sub3A_2163 = arith.subi %sub3A_2162, %and3A_2160 : vector<16xi32>
    %and3A_2164 = arith.constant -4096 : i32
    %and3A_2165 = vector.broadcast %and3A_2164 : i32 to vector<16xi32>
    %and3A_2166 = arith.andi %bitcast3A_2157, %and3A_2165 : vector<16xi32>
    %bitcast3A_2167 = vector.bitcast %and3A_2166 : vector<16xi32> to vector<16xf32>
    %gather3A_2168 = tpu.vector_load_idx %arg6[%and3A_2134, %sub3A_2163] : memref<4x4096xf32, #tpu.memory_space<vmem>>[vector<16xi32>, vector<16xi32>], vector<16xf32>,
    %mul3A_2169 = arith.mulf %bitcast3A_2167, %gather3A_2168 : vector<16xf32>
    %add3A_2170 = arith.addf %add3A_2153, %mul3A_2169 : vector<16xf32>
    %broadcast_in_dim3A_2171 = arith.constant 2 : i32
    %broadcast_in_dim3A_2172 = vector.broadcast %broadcast_in_dim3A_2171 : i32 to vector<16xi32>
    %gather3A_2173 = tpu.vector_load_idx %arg5[%shift_right_logical3A_2131, %and3A_2134, %broadcast_in_dim3A_2172] : memref<64x4x8xf32, #tpu.memory_space<vmem>>[vector<16xi32>, vector<16xi32>, vector<16xi32>], vector<16xf32>,
    %bitcast3A_2174 = vector.bitcast %gather3A_2173 : vector<16xf32> to vector<16xi32>
    %and3A_2175 = arith.constant 4095 : i32
    %and3A_2176 = vector.broadcast %and3A_2175 : i32 to vector<16xi32>
    %and3A_2177 = arith.andi %bitcast3A_2174, %and3A_2176 : vector<16xi32>
    %sub3A_2178 = arith.constant 4095 : i32
    %sub3A_2179 = vector.broadcast %sub3A_2178 : i32 to vector<16xi32>
    %sub3A_2180 = arith.subi %sub3A_2179, %and3A_2177 : vector<16xi32>
    %and3A_2181 = arith.constant -4096 : i32
    %and3A_2182 = vector.broadcast %and3A_2181 : i32 to vector<16xi32>
    %and3A_2183 = arith.andi %bitcast3A_2174, %and3A_2182 : vector<16xi32>
    %bitcast3A_2184 = vector.bitcast %and3A_2183 : vector<16xi32> to vector<16xf32>
    %gather3A_2185 = tpu.vector_load_idx %arg6[%and3A_2134, %sub3A_2180] : memref<4x4096xf32, #tpu.memory_space<vmem>>[vector<16xi32>, vector<16xi32>], vector<16xf32>,
    %mul3A_2186 = arith.mulf %bitcast3A_2184, %gather3A_2185 : vector<16xf32>
    %add3A_2187 = arith.addf %add3A_2170, %mul3A_2186 : vector<16xf32>
    %broadcast_in_dim3A_2188 = arith.constant 3 : i32
    %broadcast_in_dim3A_2189 = vector.broadcast %broadcast_in_dim3A_2188 : i32 to vector<16xi32>
    %gather3A_2190 = tpu.vector_load_idx %arg5[%shift_right_logical3A_2131, %and3A_2134, %broadcast_in_dim3A_2189] : memref<64x4x8xf32, #tpu.memory_space<vmem>>[vector<16xi32>, vector<16xi32>, vector<16xi32>], vector<16xf32>,
    %bitcast3A_2191 = vector.bitcast %gather3A_2190 : vector<16xf32> to vector<16xi32>
    %and3A_2192 = arith.constant 4095 : i32
    %and3A_2193 = vector.broadcast %and3A_2192 : i32 to vector<16xi32>
    %and3A_2194 = arith.andi %bitcast3A_2191, %and3A_2193 : vector<16xi32>
    %sub3A_2195 = arith.constant 4095 : i32
    %sub3A_2196 = vector.broadcast %sub3A_2195 : i32 to vector<16xi32>
    %sub3A_2197 = arith.subi %sub3A_2196, %and3A_2194 : vector<16xi32>
    %and3A_2198 = arith.constant -4096 : i32
    %and3A_2199 = vector.broadcast %and3A_2198 : i32 to vector<16xi32>
    %and3A_2200 = arith.andi %bitcast3A_2191, %and3A_2199 : vector<16xi32>
    %bitcast3A_2201 = vector.bitcast %and3A_2200 : vector<16xi32> to vector<16xf32>
    %gather3A_2202 = tpu.vector_load_idx %arg6[%and3A_2134, %sub3A_2197] : memref<4x4096xf32, #tpu.memory_space<vmem>>[vector<16xi32>, vector<16xi32>], vector<16xf32>,
    %mul3A_2203 = arith.mulf %bitcast3A_2201, %gather3A_2202 : vector<16xf32>
    %add3A_2204 = arith.addf %add3A_2187, %mul3A_2203 : vector<16xf32>
    %broadcast_in_dim3A_2205 = arith.constant 4 : i32
    %broadcast_in_dim3A_2206 = vector.broadcast %broadcast_in_dim3A_2205 : i32 to vector<16xi32>
    %gather3A_2207 = tpu.vector_load_idx %arg5[%shift_right_logical3A_2131, %and3A_2134, %broadcast_in_dim3A_2206] : memref<64x4x8xf32, #tpu.memory_space<vmem>>[vector<16xi32>, vector<16xi32>, vector<16xi32>], vector<16xf32>,
    %bitcast3A_2208 = vector.bitcast %gather3A_2207 : vector<16xf32> to vector<16xi32>
    %and3A_2209 = arith.constant 4095 : i32
    %and3A_2210 = vector.broadcast %and3A_2209 : i32 to vector<16xi32>
    %and3A_2211 = arith.andi %bitcast3A_2208, %and3A_2210 : vector<16xi32>
    %sub3A_2212 = arith.constant 4095 : i32
    %sub3A_2213 = vector.broadcast %sub3A_2212 : i32 to vector<16xi32>
    %sub3A_2214 = arith.subi %sub3A_2213, %and3A_2211 : vector<16xi32>
    %and3A_2215 = arith.constant -4096 : i32
    %and3A_2216 = vector.broadcast %and3A_2215 : i32 to vector<16xi32>
    %and3A_2217 = arith.andi %bitcast3A_2208, %and3A_2216 : vector<16xi32>
    %bitcast3A_2218 = vector.bitcast %and3A_2217 : vector<16xi32> to vector<16xf32>
    %gather3A_2219 = tpu.vector_load_idx %arg6[%and3A_2134, %sub3A_2214] : memref<4x4096xf32, #tpu.memory_space<vmem>>[vector<16xi32>, vector<16xi32>], vector<16xf32>,
    %mul3A_2220 = arith.mulf %bitcast3A_2218, %gather3A_2219 : vector<16xf32>
    %add3A_2221 = arith.addf %add3A_2204, %mul3A_2220 : vector<16xf32>
    %broadcast_in_dim3A_2222 = arith.constant 5 : i32
    %broadcast_in_dim3A_2223 = vector.broadcast %broadcast_in_dim3A_2222 : i32 to vector<16xi32>
    %gather3A_2224 = tpu.vector_load_idx %arg5[%shift_right_logical3A_2131, %and3A_2134, %broadcast_in_dim3A_2223] : memref<64x4x8xf32, #tpu.memory_space<vmem>>[vector<16xi32>, vector<16xi32>, vector<16xi32>], vector<16xf32>,
    %bitcast3A_2225 = vector.bitcast %gather3A_2224 : vector<16xf32> to vector<16xi32>
    %and3A_2226 = arith.constant 4095 : i32
    %and3A_2227 = vector.broadcast %and3A_2226 : i32 to vector<16xi32>
    %and3A_2228 = arith.andi %bitcast3A_2225, %and3A_2227 : vector<16xi32>
    %sub3A_2229 = arith.constant 4095 : i32
    %sub3A_2230 = vector.broadcast %sub3A_2229 : i32 to vector<16xi32>
    %sub3A_2231 = arith.subi %sub3A_2230, %and3A_2228 : vector<16xi32>
    %and3A_2232 = arith.constant -4096 : i32
    %and3A_2233 = vector.broadcast %and3A_2232 : i32 to vector<16xi32>
    %and3A_2234 = arith.andi %bitcast3A_2225, %and3A_2233 : vector<16xi32>
    %bitcast3A_2235 = vector.bitcast %and3A_2234 : vector<16xi32> to vector<16xf32>
    %gather3A_2236 = tpu.vector_load_idx %arg6[%and3A_2134, %sub3A_2231] : memref<4x4096xf32, #tpu.memory_space<vmem>>[vector<16xi32>, vector<16xi32>], vector<16xf32>,
    %mul3A_2237 = arith.mulf %bitcast3A_2235, %gather3A_2236 : vector<16xf32>
    %add3A_2238 = arith.addf %add3A_2221, %mul3A_2237 : vector<16xf32>
    %broadcast_in_dim3A_2239 = arith.constant 6 : i32
    %broadcast_in_dim3A_2240 = vector.broadcast %broadcast_in_dim3A_2239 : i32 to vector<16xi32>
    %gather3A_2241 = tpu.vector_load_idx %arg5[%shift_right_logical3A_2131, %and3A_2134, %broadcast_in_dim3A_2240] : memref<64x4x8xf32, #tpu.memory_space<vmem>>[vector<16xi32>, vector<16xi32>, vector<16xi32>], vector<16xf32>,
    %bitcast3A_2242 = vector.bitcast %gather3A_2241 : vector<16xf32> to vector<16xi32>
    %and3A_2243 = arith.constant 4095 : i32
    %and3A_2244 = vector.broadcast %and3A_2243 : i32 to vector<16xi32>
    %and3A_2245 = arith.andi %bitcast3A_2242, %and3A_2244 : vector<16xi32>
    %sub3A_2246 = arith.constant 4095 : i32
    %sub3A_2247 = vector.broadcast %sub3A_2246 : i32 to vector<16xi32>
    %sub3A_2248 = arith.subi %sub3A_2247, %and3A_2245 : vector<16xi32>
    %and3A_2249 = arith.constant -4096 : i32
    %and3A_2250 = vector.broadcast %and3A_2249 : i32 to vector<16xi32>
    %and3A_2251 = arith.andi %bitcast3A_2242, %and3A_2250 : vector<16xi32>
    %bitcast3A_2252 = vector.bitcast %and3A_2251 : vector<16xi32> to vector<16xf32>
    %gather3A_2253 = tpu.vector_load_idx %arg6[%and3A_2134, %sub3A_2248] : memref<4x4096xf32, #tpu.memory_space<vmem>>[vector<16xi32>, vector<16xi32>], vector<16xf32>,
    %mul3A_2254 = arith.mulf %bitcast3A_2252, %gather3A_2253 : vector<16xf32>
    %add3A_2255 = arith.addf %add3A_2238, %mul3A_2254 : vector<16xf32>
    %broadcast_in_dim3A_2256 = arith.constant 7 : i32
    %broadcast_in_dim3A_2257 = vector.broadcast %broadcast_in_dim3A_2256 : i32 to vector<16xi32>
    %gather3A_2258 = tpu.vector_load_idx %arg5[%shift_right_logical3A_2131, %and3A_2134, %broadcast_in_dim3A_2257] : memref<64x4x8xf32, #tpu.memory_space<vmem>>[vector<16xi32>, vector<16xi32>, vector<16xi32>], vector<16xf32>,
    %bitcast3A_2259 = vector.bitcast %gather3A_2258 : vector<16xf32> to vector<16xi32>
    %and3A_2260 = arith.constant 4095 : i32
    %and3A_2261 = vector.broadcast %and3A_2260 : i32 to vector<16xi32>
    %and3A_2262 = arith.andi %bitcast3A_2259, %and3A_2261 : vector<16xi32>
    %sub3A_2263 = arith.constant 4095 : i32
    %sub3A_2264 = vector.broadcast %sub3A_2263 : i32 to vector<16xi32>
    %sub3A_2265 = arith.subi %sub3A_2264, %and3A_2262 : vector<16xi32>
    %and3A_2266 = arith.constant -4096 : i32
    %and3A_2267 = vector.broadcast %and3A_2266 : i32 to vector<16xi32>
    %and3A_2268 = arith.andi %bitcast3A_2259, %and3A_2267 : vector<16xi32>
    %bitcast3A_2269 = vector.bitcast %and3A_2268 : vector<16xi32> to vector<16xf32>
    %gather3A_2270 = tpu.vector_load_idx %arg6[%and3A_2134, %sub3A_2265] : memref<4x4096xf32, #tpu.memory_space<vmem>>[vector<16xi32>, vector<16xi32>], vector<16xf32>,
    %mul3A_2271 = arith.mulf %bitcast3A_2269, %gather3A_2270 : vector<16xf32>
    %add3A_2272 = arith.addf %add3A_2255, %mul3A_2271 : vector<16xf32>
    %mul3A_2273 = arith.constant 1.250000e-01 : f32
    %mul3A_2274 = vector.broadcast %mul3A_2273 : f32 to vector<16xf32>
    %mul3A_2275 = arith.mulf %add3A_2272, %mul3A_2274 : vector<16xf32>
    %swap3A_2276 = arith.constant 224 : index
    %swap3A_2277 = tpu.vector_load %arg7[%swap3A_2276] {strides = array<i32>} : memref<256xf32, #tpu.memory_space<vmem>>, vector<16xf32>,
    tpu.vector_store %arg7[%swap3A_2276], %mul3A_2275 {strides = array<i32>} : memref<256xf32, #tpu.memory_space<vmem>>, vector<16xf32>,
    %add3A_2278 = arith.constant 240 : i32
    %add3A_2279 = vector.broadcast %add3A_2278 : i32 to vector<16xi32>
    %add3A_2280 = arith.addi %iota3A, %add3A_2279 : vector<16xi32>
    %shift_right_logical3A_2281 = arith.constant 2 : i32
    %shift_right_logical3A_2282 = vector.broadcast %shift_right_logical3A_2281 : i32 to vector<16xi32>
    %shift_right_logical3A_2283 = arith.shrui %add3A_2280, %shift_right_logical3A_2282 : vector<16xi32>
    %and3A_2284 = arith.constant 3 : i32
    %and3A_2285 = vector.broadcast %and3A_2284 : i32 to vector<16xi32>
    %and3A_2286 = arith.andi %add3A_2280, %and3A_2285 : vector<16xi32>
    %broadcast_in_dim3A_2287 = arith.constant 0.000000e+00 : f32
    %broadcast_in_dim3A_2288 = vector.broadcast %broadcast_in_dim3A_2287 : f32 to vector<16xf32>
    %broadcast_in_dim3A_2289 = arith.constant 0 : i32
    %broadcast_in_dim3A_2290 = vector.broadcast %broadcast_in_dim3A_2289 : i32 to vector<16xi32>
    %gather3A_2291 = tpu.vector_load_idx %arg5[%shift_right_logical3A_2283, %and3A_2286, %broadcast_in_dim3A_2290] : memref<64x4x8xf32, #tpu.memory_space<vmem>>[vector<16xi32>, vector<16xi32>, vector<16xi32>], vector<16xf32>,
    %bitcast3A_2292 = vector.bitcast %gather3A_2291 : vector<16xf32> to vector<16xi32>
    %and3A_2293 = arith.constant 4095 : i32
    %and3A_2294 = vector.broadcast %and3A_2293 : i32 to vector<16xi32>
    %and3A_2295 = arith.andi %bitcast3A_2292, %and3A_2294 : vector<16xi32>
    %sub3A_2296 = arith.constant 4095 : i32
    %sub3A_2297 = vector.broadcast %sub3A_2296 : i32 to vector<16xi32>
    %sub3A_2298 = arith.subi %sub3A_2297, %and3A_2295 : vector<16xi32>
    %and3A_2299 = arith.constant -4096 : i32
    %and3A_2300 = vector.broadcast %and3A_2299 : i32 to vector<16xi32>
    %and3A_2301 = arith.andi %bitcast3A_2292, %and3A_2300 : vector<16xi32>
    %bitcast3A_2302 = vector.bitcast %and3A_2301 : vector<16xi32> to vector<16xf32>
    %gather3A_2303 = tpu.vector_load_idx %arg6[%and3A_2286, %sub3A_2298] : memref<4x4096xf32, #tpu.memory_space<vmem>>[vector<16xi32>, vector<16xi32>], vector<16xf32>,
    %mul3A_2304 = arith.mulf %bitcast3A_2302, %gather3A_2303 : vector<16xf32>
    %add3A_2305 = arith.addf %broadcast_in_dim3A_2288, %mul3A_2304 : vector<16xf32>
    %broadcast_in_dim3A_2306 = arith.constant 1 : i32
    %broadcast_in_dim3A_2307 = vector.broadcast %broadcast_in_dim3A_2306 : i32 to vector<16xi32>
    %gather3A_2308 = tpu.vector_load_idx %arg5[%shift_right_logical3A_2283, %and3A_2286, %broadcast_in_dim3A_2307] : memref<64x4x8xf32, #tpu.memory_space<vmem>>[vector<16xi32>, vector<16xi32>, vector<16xi32>], vector<16xf32>,
    %bitcast3A_2309 = vector.bitcast %gather3A_2308 : vector<16xf32> to vector<16xi32>
    %and3A_2310 = arith.constant 4095 : i32
    %and3A_2311 = vector.broadcast %and3A_2310 : i32 to vector<16xi32>
    %and3A_2312 = arith.andi %bitcast3A_2309, %and3A_2311 : vector<16xi32>
    %sub3A_2313 = arith.constant 4095 : i32
    %sub3A_2314 = vector.broadcast %sub3A_2313 : i32 to vector<16xi32>
    %sub3A_2315 = arith.subi %sub3A_2314, %and3A_2312 : vector<16xi32>
    %and3A_2316 = arith.constant -4096 : i32
    %and3A_2317 = vector.broadcast %and3A_2316 : i32 to vector<16xi32>
    %and3A_2318 = arith.andi %bitcast3A_2309, %and3A_2317 : vector<16xi32>
    %bitcast3A_2319 = vector.bitcast %and3A_2318 : vector<16xi32> to vector<16xf32>
    %gather3A_2320 = tpu.vector_load_idx %arg6[%and3A_2286, %sub3A_2315] : memref<4x4096xf32, #tpu.memory_space<vmem>>[vector<16xi32>, vector<16xi32>], vector<16xf32>,
    %mul3A_2321 = arith.mulf %bitcast3A_2319, %gather3A_2320 : vector<16xf32>
    %add3A_2322 = arith.addf %add3A_2305, %mul3A_2321 : vector<16xf32>
    %broadcast_in_dim3A_2323 = arith.constant 2 : i32
    %broadcast_in_dim3A_2324 = vector.broadcast %broadcast_in_dim3A_2323 : i32 to vector<16xi32>
    %gather3A_2325 = tpu.vector_load_idx %arg5[%shift_right_logical3A_2283, %and3A_2286, %broadcast_in_dim3A_2324] : memref<64x4x8xf32, #tpu.memory_space<vmem>>[vector<16xi32>, vector<16xi32>, vector<16xi32>], vector<16xf32>,
    %bitcast3A_2326 = vector.bitcast %gather3A_2325 : vector<16xf32> to vector<16xi32>
    %and3A_2327 = arith.constant 4095 : i32
    %and3A_2328 = vector.broadcast %and3A_2327 : i32 to vector<16xi32>
    %and3A_2329 = arith.andi %bitcast3A_2326, %and3A_2328 : vector<16xi32>
    %sub3A_2330 = arith.constant 4095 : i32
    %sub3A_2331 = vector.broadcast %sub3A_2330 : i32 to vector<16xi32>
    %sub3A_2332 = arith.subi %sub3A_2331, %and3A_2329 : vector<16xi32>
    %and3A_2333 = arith.constant -4096 : i32
    %and3A_2334 = vector.broadcast %and3A_2333 : i32 to vector<16xi32>
    %and3A_2335 = arith.andi %bitcast3A_2326, %and3A_2334 : vector<16xi32>
    %bitcast3A_2336 = vector.bitcast %and3A_2335 : vector<16xi32> to vector<16xf32>
    %gather3A_2337 = tpu.vector_load_idx %arg6[%and3A_2286, %sub3A_2332] : memref<4x4096xf32, #tpu.memory_space<vmem>>[vector<16xi32>, vector<16xi32>], vector<16xf32>,
    %mul3A_2338 = arith.mulf %bitcast3A_2336, %gather3A_2337 : vector<16xf32>
    %add3A_2339 = arith.addf %add3A_2322, %mul3A_2338 : vector<16xf32>
    %broadcast_in_dim3A_2340 = arith.constant 3 : i32
    %broadcast_in_dim3A_2341 = vector.broadcast %broadcast_in_dim3A_2340 : i32 to vector<16xi32>
    %gather3A_2342 = tpu.vector_load_idx %arg5[%shift_right_logical3A_2283, %and3A_2286, %broadcast_in_dim3A_2341] : memref<64x4x8xf32, #tpu.memory_space<vmem>>[vector<16xi32>, vector<16xi32>, vector<16xi32>], vector<16xf32>,
    %bitcast3A_2343 = vector.bitcast %gather3A_2342 : vector<16xf32> to vector<16xi32>
    %and3A_2344 = arith.constant 4095 : i32
    %and3A_2345 = vector.broadcast %and3A_2344 : i32 to vector<16xi32>
    %and3A_2346 = arith.andi %bitcast3A_2343, %and3A_2345 : vector<16xi32>
    %sub3A_2347 = arith.constant 4095 : i32
    %sub3A_2348 = vector.broadcast %sub3A_2347 : i32 to vector<16xi32>
    %sub3A_2349 = arith.subi %sub3A_2348, %and3A_2346 : vector<16xi32>
    %and3A_2350 = arith.constant -4096 : i32
    %and3A_2351 = vector.broadcast %and3A_2350 : i32 to vector<16xi32>
    %and3A_2352 = arith.andi %bitcast3A_2343, %and3A_2351 : vector<16xi32>
    %bitcast3A_2353 = vector.bitcast %and3A_2352 : vector<16xi32> to vector<16xf32>
    %gather3A_2354 = tpu.vector_load_idx %arg6[%and3A_2286, %sub3A_2349] : memref<4x4096xf32, #tpu.memory_space<vmem>>[vector<16xi32>, vector<16xi32>], vector<16xf32>,
    %mul3A_2355 = arith.mulf %bitcast3A_2353, %gather3A_2354 : vector<16xf32>
    %add3A_2356 = arith.addf %add3A_2339, %mul3A_2355 : vector<16xf32>
    %broadcast_in_dim3A_2357 = arith.constant 4 : i32
    %broadcast_in_dim3A_2358 = vector.broadcast %broadcast_in_dim3A_2357 : i32 to vector<16xi32>
    %gather3A_2359 = tpu.vector_load_idx %arg5[%shift_right_logical3A_2283, %and3A_2286, %broadcast_in_dim3A_2358] : memref<64x4x8xf32, #tpu.memory_space<vmem>>[vector<16xi32>, vector<16xi32>, vector<16xi32>], vector<16xf32>,
    %bitcast3A_2360 = vector.bitcast %gather3A_2359 : vector<16xf32> to vector<16xi32>
    %and3A_2361 = arith.constant 4095 : i32
    %and3A_2362 = vector.broadcast %and3A_2361 : i32 to vector<16xi32>
    %and3A_2363 = arith.andi %bitcast3A_2360, %and3A_2362 : vector<16xi32>
    %sub3A_2364 = arith.constant 4095 : i32
    %sub3A_2365 = vector.broadcast %sub3A_2364 : i32 to vector<16xi32>
    %sub3A_2366 = arith.subi %sub3A_2365, %and3A_2363 : vector<16xi32>
    %and3A_2367 = arith.constant -4096 : i32
    %and3A_2368 = vector.broadcast %and3A_2367 : i32 to vector<16xi32>
    %and3A_2369 = arith.andi %bitcast3A_2360, %and3A_2368 : vector<16xi32>
    %bitcast3A_2370 = vector.bitcast %and3A_2369 : vector<16xi32> to vector<16xf32>
    %gather3A_2371 = tpu.vector_load_idx %arg6[%and3A_2286, %sub3A_2366] : memref<4x4096xf32, #tpu.memory_space<vmem>>[vector<16xi32>, vector<16xi32>], vector<16xf32>,
    %mul3A_2372 = arith.mulf %bitcast3A_2370, %gather3A_2371 : vector<16xf32>
    %add3A_2373 = arith.addf %add3A_2356, %mul3A_2372 : vector<16xf32>
    %broadcast_in_dim3A_2374 = arith.constant 5 : i32
    %broadcast_in_dim3A_2375 = vector.broadcast %broadcast_in_dim3A_2374 : i32 to vector<16xi32>
    %gather3A_2376 = tpu.vector_load_idx %arg5[%shift_right_logical3A_2283, %and3A_2286, %broadcast_in_dim3A_2375] : memref<64x4x8xf32, #tpu.memory_space<vmem>>[vector<16xi32>, vector<16xi32>, vector<16xi32>], vector<16xf32>,
    %bitcast3A_2377 = vector.bitcast %gather3A_2376 : vector<16xf32> to vector<16xi32>
    %and3A_2378 = arith.constant 4095 : i32
    %and3A_2379 = vector.broadcast %and3A_2378 : i32 to vector<16xi32>
    %and3A_2380 = arith.andi %bitcast3A_2377, %and3A_2379 : vector<16xi32>
    %sub3A_2381 = arith.constant 4095 : i32
    %sub3A_2382 = vector.broadcast %sub3A_2381 : i32 to vector<16xi32>
    %sub3A_2383 = arith.subi %sub3A_2382, %and3A_2380 : vector<16xi32>
    %and3A_2384 = arith.constant -4096 : i32
    %and3A_2385 = vector.broadcast %and3A_2384 : i32 to vector<16xi32>
    %and3A_2386 = arith.andi %bitcast3A_2377, %and3A_2385 : vector<16xi32>
    %bitcast3A_2387 = vector.bitcast %and3A_2386 : vector<16xi32> to vector<16xf32>
    %gather3A_2388 = tpu.vector_load_idx %arg6[%and3A_2286, %sub3A_2383] : memref<4x4096xf32, #tpu.memory_space<vmem>>[vector<16xi32>, vector<16xi32>], vector<16xf32>,
    %mul3A_2389 = arith.mulf %bitcast3A_2387, %gather3A_2388 : vector<16xf32>
    %add3A_2390 = arith.addf %add3A_2373, %mul3A_2389 : vector<16xf32>
    %broadcast_in_dim3A_2391 = arith.constant 6 : i32
    %broadcast_in_dim3A_2392 = vector.broadcast %broadcast_in_dim3A_2391 : i32 to vector<16xi32>
    %gather3A_2393 = tpu.vector_load_idx %arg5[%shift_right_logical3A_2283, %and3A_2286, %broadcast_in_dim3A_2392] : memref<64x4x8xf32, #tpu.memory_space<vmem>>[vector<16xi32>, vector<16xi32>, vector<16xi32>], vector<16xf32>,
    %bitcast3A_2394 = vector.bitcast %gather3A_2393 : vector<16xf32> to vector<16xi32>
    %and3A_2395 = arith.constant 4095 : i32
    %and3A_2396 = vector.broadcast %and3A_2395 : i32 to vector<16xi32>
    %and3A_2397 = arith.andi %bitcast3A_2394, %and3A_2396 : vector<16xi32>
    %sub3A_2398 = arith.constant 4095 : i32
    %sub3A_2399 = vector.broadcast %sub3A_2398 : i32 to vector<16xi32>
    %sub3A_2400 = arith.subi %sub3A_2399, %and3A_2397 : vector<16xi32>
    %and3A_2401 = arith.constant -4096 : i32
    %and3A_2402 = vector.broadcast %and3A_2401 : i32 to vector<16xi32>
    %and3A_2403 = arith.andi %bitcast3A_2394, %and3A_2402 : vector<16xi32>
    %bitcast3A_2404 = vector.bitcast %and3A_2403 : vector<16xi32> to vector<16xf32>
    %gather3A_2405 = tpu.vector_load_idx %arg6[%and3A_2286, %sub3A_2400] : memref<4x4096xf32, #tpu.memory_space<vmem>>[vector<16xi32>, vector<16xi32>], vector<16xf32>,
    %mul3A_2406 = arith.mulf %bitcast3A_2404, %gather3A_2405 : vector<16xf32>
    %add3A_2407 = arith.addf %add3A_2390, %mul3A_2406 : vector<16xf32>
    %broadcast_in_dim3A_2408 = arith.constant 7 : i32
    %broadcast_in_dim3A_2409 = vector.broadcast %broadcast_in_dim3A_2408 : i32 to vector<16xi32>
    %gather3A_2410 = tpu.vector_load_idx %arg5[%shift_right_logical3A_2283, %and3A_2286, %broadcast_in_dim3A_2409] : memref<64x4x8xf32, #tpu.memory_space<vmem>>[vector<16xi32>, vector<16xi32>, vector<16xi32>], vector<16xf32>,
    %bitcast3A_2411 = vector.bitcast %gather3A_2410 : vector<16xf32> to vector<16xi32>
    %and3A_2412 = arith.constant 4095 : i32
    %and3A_2413 = vector.broadcast %and3A_2412 : i32 to vector<16xi32>
    %and3A_2414 = arith.andi %bitcast3A_2411, %and3A_2413 : vector<16xi32>
    %sub3A_2415 = arith.constant 4095 : i32
    %sub3A_2416 = vector.broadcast %sub3A_2415 : i32 to vector<16xi32>
    %sub3A_2417 = arith.subi %sub3A_2416, %and3A_2414 : vector<16xi32>
    %and3A_2418 = arith.constant -4096 : i32
    %and3A_2419 = vector.broadcast %and3A_2418 : i32 to vector<16xi32>
    %and3A_2420 = arith.andi %bitcast3A_2411, %and3A_2419 : vector<16xi32>
    %bitcast3A_2421 = vector.bitcast %and3A_2420 : vector<16xi32> to vector<16xf32>
    %gather3A_2422 = tpu.vector_load_idx %arg6[%and3A_2286, %sub3A_2417] : memref<4x4096xf32, #tpu.memory_space<vmem>>[vector<16xi32>, vector<16xi32>], vector<16xf32>,
    %mul3A_2423 = arith.mulf %bitcast3A_2421, %gather3A_2422 : vector<16xf32>
    %add3A_2424 = arith.addf %add3A_2407, %mul3A_2423 : vector<16xf32>
    %mul3A_2425 = arith.constant 1.250000e-01 : f32
    %mul3A_2426 = vector.broadcast %mul3A_2425 : f32 to vector<16xf32>
    %mul3A_2427 = arith.mulf %add3A_2424, %mul3A_2426 : vector<16xf32>
    %swap3A_2428 = arith.constant 240 : index
    %swap3A_2429 = tpu.vector_load %arg7[%swap3A_2428] {strides = array<i32>} : memref<256xf32, #tpu.memory_space<vmem>>, vector<16xf32>,
    tpu.vector_store %arg7[%swap3A_2428], %mul3A_2427 {strides = array<i32>} : memref<256xf32, #tpu.memory_space<vmem>>, vector<16xf32>,
    "tpu.region"() ({
      %run_scoped3A = tpu.sem_alloc : memref<!tpu.dma_semaphore, #tpu.memory_space<semaphore_mem>>
      %dma_start3A = tpu.memref_slice %arg4[%mul3A_2] : memref<8192xf32, #tpu.memory_space<hbm>> -> memref<256xf32, #tpu.memory_space<hbm>>
      %dma_start3A_2430 = tpu.memref_slice %arg4[%mul3A_2] : memref<8192xf32, #tpu.memory_space<hbm>> -> memref<256xf32, #tpu.memory_space<hbm>>
      tpu.enqueue_dma source(%arg7 : memref<256xf32, #tpu.memory_space<vmem>>) target(%dma_start3A_2430 : memref<256xf32, #tpu.memory_space<hbm>>) target_semaphore(%run_scoped3A : memref<!tpu.dma_semaphore, #tpu.memory_space<semaphore_mem>>)
      %dma_wait3A = tpu.memref_slice %arg4[%mul3A_2] : memref<8192xf32, #tpu.memory_space<hbm>> -> memref<256xf32, #tpu.memory_space<hbm>>
      %dma_wait3A_2431 = tpu.memref_slice %arg4[%mul3A_2] : memref<8192xf32, #tpu.memory_space<hbm>> -> memref<256xf32, #tpu.memory_space<hbm>>
      tpu.wait_dma2 semaphore(%run_scoped3A : memref<!tpu.dma_semaphore, #tpu.memory_space<semaphore_mem>>) src(%arg7 : memref<256xf32, #tpu.memory_space<vmem>>) dst(%dma_wait3A_2431 : memref<256xf32, #tpu.memory_space<hbm>>)
      tpu.yield
    }) : () -> ()
    return
  }
}

module attributes {stable_mosaic.version = 14 : i64} {
  func.func @_topk_body(%arg0: i32, %arg1: memref<128x4x4096xf32, #tpu.memory_space<vmem>>, %arg2: memref<1x4x4096xf32, #tpu.memory_space<vmem>>, %arg3: memref<1x4x4096xf32, #tpu.memory_space<vmem>>, %arg4: memref<1x1x4096xi32, #tpu.memory_space<vmem>>, %arg5: memref<128x4x8xf32, #tpu.memory_space<vmem>>, %arg6: memref<4x4096xf32, #tpu.memory_space<vmem>>) attributes {dimension_semantics = [#tpu.dimension_semantics<arbitrary>], iteration_bounds = array<i64: 16>, scalar_prefetch = 0 : i64, scratch_operands = 0 : i64, tpu.core_type = #tpu.core_type<tc>, window_params = [{transform_indices = @transform_0, window_bounds = array<i64: 128, 4, 4096>}, {pipeline_mode = #tpu.pipeline_mode<synchronous>, transform_indices = @transform_1, window_bounds = array<i64: 1, 4, 4096>}, {pipeline_mode = #tpu.pipeline_mode<synchronous>, transform_indices = @transform_2, window_bounds = array<i64: 1, 4, 4096>}, {pipeline_mode = #tpu.pipeline_mode<synchronous>, transform_indices = @transform_3, window_bounds = array<i64: 1, 1, 4096>}, {transform_indices = @transform_4, window_bounds = array<i64: 128, 4, 8>}, {pipeline_mode = #tpu.pipeline_mode<synchronous>, transform_indices = @transform_5, window_bounds = array<i64: 4, 4096>}]} {
    %eq3A = arith.constant 0 : i32
    %eq3A_0 = arith.cmpi eq, %arg0, %eq3A : i32
    %convert_element_type3A = arith.extui %eq3A_0 : i1 to i32
    %cond3A = arith.constant 0 : i32
    %cond3A_1 = arith.cmpi ne, %convert_element_type3A, %cond3A : i32
    scf.if %cond3A_1 {
      %get3A_501 = arith.constant 0 : index
      %get3A_502 = arith.constant 0 : index
      %get3A_503 = arith.constant 0 : index
      %get3A_504 = vector.load %arg2[%get3A_501, %get3A_502, %get3A_503] : memref<1x4x4096xf32, #tpu.memory_space<vmem>>, vector<1x4x4096xf32>
      %get3A_505 = vector.shape_cast %get3A_504 : vector<1x4x4096xf32> to vector<4x4096xf32>
      %get3A_506 = arith.constant 0 : index
      %get3A_507 = arith.constant 0 : index
      %get3A_508 = arith.constant 0 : index
      %get3A_509 = vector.load %arg3[%get3A_506, %get3A_507, %get3A_508] : memref<1x4x4096xf32, #tpu.memory_space<vmem>>, vector<1x4x4096xf32>
      %get3A_510 = vector.shape_cast %get3A_509 : vector<1x4x4096xf32> to vector<4x4096xf32>
      %mul3A = arith.mulf %get3A_505, %get3A_510 : vector<4x4096xf32>
      %swap3A_511 = arith.constant 0 : index
      %swap3A_512 = arith.constant 0 : index
      %swap3A_513 = vector.load %arg6[%swap3A_511, %swap3A_512] : memref<4x4096xf32, #tpu.memory_space<vmem>>, vector<4x4096xf32>
      tpu.vector_store %arg6[%swap3A_511, %swap3A_512], %mul3A {strides = array<i32>} : memref<4x4096xf32, #tpu.memory_space<vmem>>, vector<4x4096xf32>,
    } else {
    }
    %get3A = arith.constant 0 : index
    %get3A_2 = arith.constant 0 : index
    %get3A_3 = arith.constant 0 : index
    %get3A_4 = vector.load %arg4[%get3A, %get3A_2, %get3A_3] : memref<1x1x4096xi32, #tpu.memory_space<vmem>>, vector<1x1x4096xi32>
    %get3A_5 = arith.constant 0 : index
    %get3A_6 = arith.constant 0 : index
    %get3A_7 = arith.constant 0 : index
    %get3A_8 = vector.load %arg1[%get3A_5, %get3A_6, %get3A_7] : memref<128x4x4096xf32, #tpu.memory_space<vmem>>, vector<128x4x128xf32>
    %bitcast_convert_type3A = tpu.bitcast %get3A_8 : vector<128x4x128xf32> -> vector<128x4x128xi32>
    %or3A = arith.constant 4095 : i32
    %or3A_9 = vector.broadcast %or3A : i32 to vector<128x4x128xi32>
    %or3A_10 = arith.ori %bitcast_convert_type3A, %or3A_9 : vector<128x4x128xi32>
    %slice3A = vector.extract_strided_slice %get3A_4 {offsets = [0, 0, 0], sizes = [1, 1, 128], strides = [1, 1, 1]} : vector<1x1x4096xi32> to vector<1x1x128xi32>
    %add3A = vector.broadcast %slice3A : vector<1x1x128xi32> to vector<128x4x128xi32>
    %add3A_11 = arith.addi %or3A_10, %add3A : vector<128x4x128xi32>
    %bitcast_convert_type3A_12 = tpu.bitcast %add3A_11 : vector<128x4x128xi32> -> vector<128x4x128xf32>
    %get3A_13 = arith.constant 0 : index
    %get3A_14 = arith.constant 0 : index
    %get3A_15 = arith.constant 128 : index
    %get3A_16 = vector.load %arg1[%get3A_13, %get3A_14, %get3A_15] : memref<128x4x4096xf32, #tpu.memory_space<vmem>>, vector<128x4x128xf32>
    %bitcast_convert_type3A_17 = tpu.bitcast %get3A_16 : vector<128x4x128xf32> -> vector<128x4x128xi32>
    %or3A_18 = arith.constant 4095 : i32
    %or3A_19 = vector.broadcast %or3A_18 : i32 to vector<128x4x128xi32>
    %or3A_20 = arith.ori %bitcast_convert_type3A_17, %or3A_19 : vector<128x4x128xi32>
    %slice3A_21 = vector.extract_strided_slice %get3A_4 {offsets = [0, 0, 128], sizes = [1, 1, 128], strides = [1, 1, 1]} : vector<1x1x4096xi32> to vector<1x1x128xi32>
    %add3A_22 = vector.broadcast %slice3A_21 : vector<1x1x128xi32> to vector<128x4x128xi32>
    %add3A_23 = arith.addi %or3A_20, %add3A_22 : vector<128x4x128xi32>
    %bitcast_convert_type3A_24 = tpu.bitcast %add3A_23 : vector<128x4x128xi32> -> vector<128x4x128xf32>
    %max3A = arith.maximumf %bitcast_convert_type3A_12, %bitcast_convert_type3A_24 : vector<128x4x128xf32>
    %get3A_25 = arith.constant 0 : index
    %get3A_26 = arith.constant 0 : index
    %get3A_27 = arith.constant 256 : index
    %get3A_28 = vector.load %arg1[%get3A_25, %get3A_26, %get3A_27] : memref<128x4x4096xf32, #tpu.memory_space<vmem>>, vector<128x4x128xf32>
    %bitcast_convert_type3A_29 = tpu.bitcast %get3A_28 : vector<128x4x128xf32> -> vector<128x4x128xi32>
    %or3A_30 = arith.constant 4095 : i32
    %or3A_31 = vector.broadcast %or3A_30 : i32 to vector<128x4x128xi32>
    %or3A_32 = arith.ori %bitcast_convert_type3A_29, %or3A_31 : vector<128x4x128xi32>
    %slice3A_33 = vector.extract_strided_slice %get3A_4 {offsets = [0, 0, 256], sizes = [1, 1, 128], strides = [1, 1, 1]} : vector<1x1x4096xi32> to vector<1x1x128xi32>
    %add3A_34 = vector.broadcast %slice3A_33 : vector<1x1x128xi32> to vector<128x4x128xi32>
    %add3A_35 = arith.addi %or3A_32, %add3A_34 : vector<128x4x128xi32>
    %bitcast_convert_type3A_36 = tpu.bitcast %add3A_35 : vector<128x4x128xi32> -> vector<128x4x128xf32>
    %max3A_37 = arith.maximumf %max3A, %bitcast_convert_type3A_36 : vector<128x4x128xf32>
    %get3A_38 = arith.constant 0 : index
    %get3A_39 = arith.constant 0 : index
    %get3A_40 = arith.constant 384 : index
    %get3A_41 = vector.load %arg1[%get3A_38, %get3A_39, %get3A_40] : memref<128x4x4096xf32, #tpu.memory_space<vmem>>, vector<128x4x128xf32>
    %bitcast_convert_type3A_42 = tpu.bitcast %get3A_41 : vector<128x4x128xf32> -> vector<128x4x128xi32>
    %or3A_43 = arith.constant 4095 : i32
    %or3A_44 = vector.broadcast %or3A_43 : i32 to vector<128x4x128xi32>
    %or3A_45 = arith.ori %bitcast_convert_type3A_42, %or3A_44 : vector<128x4x128xi32>
    %slice3A_46 = vector.extract_strided_slice %get3A_4 {offsets = [0, 0, 384], sizes = [1, 1, 128], strides = [1, 1, 1]} : vector<1x1x4096xi32> to vector<1x1x128xi32>
    %add3A_47 = vector.broadcast %slice3A_46 : vector<1x1x128xi32> to vector<128x4x128xi32>
    %add3A_48 = arith.addi %or3A_45, %add3A_47 : vector<128x4x128xi32>
    %bitcast_convert_type3A_49 = tpu.bitcast %add3A_48 : vector<128x4x128xi32> -> vector<128x4x128xf32>
    %max3A_50 = arith.maximumf %max3A_37, %bitcast_convert_type3A_49 : vector<128x4x128xf32>
    %get3A_51 = arith.constant 0 : index
    %get3A_52 = arith.constant 0 : index
    %get3A_53 = arith.constant 512 : index
    %get3A_54 = vector.load %arg1[%get3A_51, %get3A_52, %get3A_53] : memref<128x4x4096xf32, #tpu.memory_space<vmem>>, vector<128x4x128xf32>
    %bitcast_convert_type3A_55 = tpu.bitcast %get3A_54 : vector<128x4x128xf32> -> vector<128x4x128xi32>
    %or3A_56 = arith.constant 4095 : i32
    %or3A_57 = vector.broadcast %or3A_56 : i32 to vector<128x4x128xi32>
    %or3A_58 = arith.ori %bitcast_convert_type3A_55, %or3A_57 : vector<128x4x128xi32>
    %slice3A_59 = vector.extract_strided_slice %get3A_4 {offsets = [0, 0, 512], sizes = [1, 1, 128], strides = [1, 1, 1]} : vector<1x1x4096xi32> to vector<1x1x128xi32>
    %add3A_60 = vector.broadcast %slice3A_59 : vector<1x1x128xi32> to vector<128x4x128xi32>
    %add3A_61 = arith.addi %or3A_58, %add3A_60 : vector<128x4x128xi32>
    %bitcast_convert_type3A_62 = tpu.bitcast %add3A_61 : vector<128x4x128xi32> -> vector<128x4x128xf32>
    %max3A_63 = arith.maximumf %max3A_50, %bitcast_convert_type3A_62 : vector<128x4x128xf32>
    %get3A_64 = arith.constant 0 : index
    %get3A_65 = arith.constant 0 : index
    %get3A_66 = arith.constant 640 : index
    %get3A_67 = vector.load %arg1[%get3A_64, %get3A_65, %get3A_66] : memref<128x4x4096xf32, #tpu.memory_space<vmem>>, vector<128x4x128xf32>
    %bitcast_convert_type3A_68 = tpu.bitcast %get3A_67 : vector<128x4x128xf32> -> vector<128x4x128xi32>
    %or3A_69 = arith.constant 4095 : i32
    %or3A_70 = vector.broadcast %or3A_69 : i32 to vector<128x4x128xi32>
    %or3A_71 = arith.ori %bitcast_convert_type3A_68, %or3A_70 : vector<128x4x128xi32>
    %slice3A_72 = vector.extract_strided_slice %get3A_4 {offsets = [0, 0, 640], sizes = [1, 1, 128], strides = [1, 1, 1]} : vector<1x1x4096xi32> to vector<1x1x128xi32>
    %add3A_73 = vector.broadcast %slice3A_72 : vector<1x1x128xi32> to vector<128x4x128xi32>
    %add3A_74 = arith.addi %or3A_71, %add3A_73 : vector<128x4x128xi32>
    %bitcast_convert_type3A_75 = tpu.bitcast %add3A_74 : vector<128x4x128xi32> -> vector<128x4x128xf32>
    %max3A_76 = arith.maximumf %max3A_63, %bitcast_convert_type3A_75 : vector<128x4x128xf32>
    %get3A_77 = arith.constant 0 : index
    %get3A_78 = arith.constant 0 : index
    %get3A_79 = arith.constant 768 : index
    %get3A_80 = vector.load %arg1[%get3A_77, %get3A_78, %get3A_79] : memref<128x4x4096xf32, #tpu.memory_space<vmem>>, vector<128x4x128xf32>
    %bitcast_convert_type3A_81 = tpu.bitcast %get3A_80 : vector<128x4x128xf32> -> vector<128x4x128xi32>
    %or3A_82 = arith.constant 4095 : i32
    %or3A_83 = vector.broadcast %or3A_82 : i32 to vector<128x4x128xi32>
    %or3A_84 = arith.ori %bitcast_convert_type3A_81, %or3A_83 : vector<128x4x128xi32>
    %slice3A_85 = vector.extract_strided_slice %get3A_4 {offsets = [0, 0, 768], sizes = [1, 1, 128], strides = [1, 1, 1]} : vector<1x1x4096xi32> to vector<1x1x128xi32>
    %add3A_86 = vector.broadcast %slice3A_85 : vector<1x1x128xi32> to vector<128x4x128xi32>
    %add3A_87 = arith.addi %or3A_84, %add3A_86 : vector<128x4x128xi32>
    %bitcast_convert_type3A_88 = tpu.bitcast %add3A_87 : vector<128x4x128xi32> -> vector<128x4x128xf32>
    %max3A_89 = arith.maximumf %max3A_76, %bitcast_convert_type3A_88 : vector<128x4x128xf32>
    %get3A_90 = arith.constant 0 : index
    %get3A_91 = arith.constant 0 : index
    %get3A_92 = arith.constant 896 : index
    %get3A_93 = vector.load %arg1[%get3A_90, %get3A_91, %get3A_92] : memref<128x4x4096xf32, #tpu.memory_space<vmem>>, vector<128x4x128xf32>
    %bitcast_convert_type3A_94 = tpu.bitcast %get3A_93 : vector<128x4x128xf32> -> vector<128x4x128xi32>
    %or3A_95 = arith.constant 4095 : i32
    %or3A_96 = vector.broadcast %or3A_95 : i32 to vector<128x4x128xi32>
    %or3A_97 = arith.ori %bitcast_convert_type3A_94, %or3A_96 : vector<128x4x128xi32>
    %slice3A_98 = vector.extract_strided_slice %get3A_4 {offsets = [0, 0, 896], sizes = [1, 1, 128], strides = [1, 1, 1]} : vector<1x1x4096xi32> to vector<1x1x128xi32>
    %add3A_99 = vector.broadcast %slice3A_98 : vector<1x1x128xi32> to vector<128x4x128xi32>
    %add3A_100 = arith.addi %or3A_97, %add3A_99 : vector<128x4x128xi32>
    %bitcast_convert_type3A_101 = tpu.bitcast %add3A_100 : vector<128x4x128xi32> -> vector<128x4x128xf32>
    %max3A_102 = arith.maximumf %max3A_89, %bitcast_convert_type3A_101 : vector<128x4x128xf32>
    %get3A_103 = arith.constant 0 : index
    %get3A_104 = arith.constant 0 : index
    %get3A_105 = arith.constant 1024 : index
    %get3A_106 = vector.load %arg1[%get3A_103, %get3A_104, %get3A_105] : memref<128x4x4096xf32, #tpu.memory_space<vmem>>, vector<128x4x128xf32>
    %bitcast_convert_type3A_107 = tpu.bitcast %get3A_106 : vector<128x4x128xf32> -> vector<128x4x128xi32>
    %or3A_108 = arith.constant 4095 : i32
    %or3A_109 = vector.broadcast %or3A_108 : i32 to vector<128x4x128xi32>
    %or3A_110 = arith.ori %bitcast_convert_type3A_107, %or3A_109 : vector<128x4x128xi32>
    %slice3A_111 = vector.extract_strided_slice %get3A_4 {offsets = [0, 0, 1024], sizes = [1, 1, 128], strides = [1, 1, 1]} : vector<1x1x4096xi32> to vector<1x1x128xi32>
    %add3A_112 = vector.broadcast %slice3A_111 : vector<1x1x128xi32> to vector<128x4x128xi32>
    %add3A_113 = arith.addi %or3A_110, %add3A_112 : vector<128x4x128xi32>
    %bitcast_convert_type3A_114 = tpu.bitcast %add3A_113 : vector<128x4x128xi32> -> vector<128x4x128xf32>
    %max3A_115 = arith.maximumf %max3A_102, %bitcast_convert_type3A_114 : vector<128x4x128xf32>
    %get3A_116 = arith.constant 0 : index
    %get3A_117 = arith.constant 0 : index
    %get3A_118 = arith.constant 1152 : index
    %get3A_119 = vector.load %arg1[%get3A_116, %get3A_117, %get3A_118] : memref<128x4x4096xf32, #tpu.memory_space<vmem>>, vector<128x4x128xf32>
    %bitcast_convert_type3A_120 = tpu.bitcast %get3A_119 : vector<128x4x128xf32> -> vector<128x4x128xi32>
    %or3A_121 = arith.constant 4095 : i32
    %or3A_122 = vector.broadcast %or3A_121 : i32 to vector<128x4x128xi32>
    %or3A_123 = arith.ori %bitcast_convert_type3A_120, %or3A_122 : vector<128x4x128xi32>
    %slice3A_124 = vector.extract_strided_slice %get3A_4 {offsets = [0, 0, 1152], sizes = [1, 1, 128], strides = [1, 1, 1]} : vector<1x1x4096xi32> to vector<1x1x128xi32>
    %add3A_125 = vector.broadcast %slice3A_124 : vector<1x1x128xi32> to vector<128x4x128xi32>
    %add3A_126 = arith.addi %or3A_123, %add3A_125 : vector<128x4x128xi32>
    %bitcast_convert_type3A_127 = tpu.bitcast %add3A_126 : vector<128x4x128xi32> -> vector<128x4x128xf32>
    %max3A_128 = arith.maximumf %max3A_115, %bitcast_convert_type3A_127 : vector<128x4x128xf32>
    %get3A_129 = arith.constant 0 : index
    %get3A_130 = arith.constant 0 : index
    %get3A_131 = arith.constant 1280 : index
    %get3A_132 = vector.load %arg1[%get3A_129, %get3A_130, %get3A_131] : memref<128x4x4096xf32, #tpu.memory_space<vmem>>, vector<128x4x128xf32>
    %bitcast_convert_type3A_133 = tpu.bitcast %get3A_132 : vector<128x4x128xf32> -> vector<128x4x128xi32>
    %or3A_134 = arith.constant 4095 : i32
    %or3A_135 = vector.broadcast %or3A_134 : i32 to vector<128x4x128xi32>
    %or3A_136 = arith.ori %bitcast_convert_type3A_133, %or3A_135 : vector<128x4x128xi32>
    %slice3A_137 = vector.extract_strided_slice %get3A_4 {offsets = [0, 0, 1280], sizes = [1, 1, 128], strides = [1, 1, 1]} : vector<1x1x4096xi32> to vector<1x1x128xi32>
    %add3A_138 = vector.broadcast %slice3A_137 : vector<1x1x128xi32> to vector<128x4x128xi32>
    %add3A_139 = arith.addi %or3A_136, %add3A_138 : vector<128x4x128xi32>
    %bitcast_convert_type3A_140 = tpu.bitcast %add3A_139 : vector<128x4x128xi32> -> vector<128x4x128xf32>
    %max3A_141 = arith.maximumf %max3A_128, %bitcast_convert_type3A_140 : vector<128x4x128xf32>
    %get3A_142 = arith.constant 0 : index
    %get3A_143 = arith.constant 0 : index
    %get3A_144 = arith.constant 1408 : index
    %get3A_145 = vector.load %arg1[%get3A_142, %get3A_143, %get3A_144] : memref<128x4x4096xf32, #tpu.memory_space<vmem>>, vector<128x4x128xf32>
    %bitcast_convert_type3A_146 = tpu.bitcast %get3A_145 : vector<128x4x128xf32> -> vector<128x4x128xi32>
    %or3A_147 = arith.constant 4095 : i32
    %or3A_148 = vector.broadcast %or3A_147 : i32 to vector<128x4x128xi32>
    %or3A_149 = arith.ori %bitcast_convert_type3A_146, %or3A_148 : vector<128x4x128xi32>
    %slice3A_150 = vector.extract_strided_slice %get3A_4 {offsets = [0, 0, 1408], sizes = [1, 1, 128], strides = [1, 1, 1]} : vector<1x1x4096xi32> to vector<1x1x128xi32>
    %add3A_151 = vector.broadcast %slice3A_150 : vector<1x1x128xi32> to vector<128x4x128xi32>
    %add3A_152 = arith.addi %or3A_149, %add3A_151 : vector<128x4x128xi32>
    %bitcast_convert_type3A_153 = tpu.bitcast %add3A_152 : vector<128x4x128xi32> -> vector<128x4x128xf32>
    %max3A_154 = arith.maximumf %max3A_141, %bitcast_convert_type3A_153 : vector<128x4x128xf32>
    %get3A_155 = arith.constant 0 : index
    %get3A_156 = arith.constant 0 : index
    %get3A_157 = arith.constant 1536 : index
    %get3A_158 = vector.load %arg1[%get3A_155, %get3A_156, %get3A_157] : memref<128x4x4096xf32, #tpu.memory_space<vmem>>, vector<128x4x128xf32>
    %bitcast_convert_type3A_159 = tpu.bitcast %get3A_158 : vector<128x4x128xf32> -> vector<128x4x128xi32>
    %or3A_160 = arith.constant 4095 : i32
    %or3A_161 = vector.broadcast %or3A_160 : i32 to vector<128x4x128xi32>
    %or3A_162 = arith.ori %bitcast_convert_type3A_159, %or3A_161 : vector<128x4x128xi32>
    %slice3A_163 = vector.extract_strided_slice %get3A_4 {offsets = [0, 0, 1536], sizes = [1, 1, 128], strides = [1, 1, 1]} : vector<1x1x4096xi32> to vector<1x1x128xi32>
    %add3A_164 = vector.broadcast %slice3A_163 : vector<1x1x128xi32> to vector<128x4x128xi32>
    %add3A_165 = arith.addi %or3A_162, %add3A_164 : vector<128x4x128xi32>
    %bitcast_convert_type3A_166 = tpu.bitcast %add3A_165 : vector<128x4x128xi32> -> vector<128x4x128xf32>
    %max3A_167 = arith.maximumf %max3A_154, %bitcast_convert_type3A_166 : vector<128x4x128xf32>
    %get3A_168 = arith.constant 0 : index
    %get3A_169 = arith.constant 0 : index
    %get3A_170 = arith.constant 1664 : index
    %get3A_171 = vector.load %arg1[%get3A_168, %get3A_169, %get3A_170] : memref<128x4x4096xf32, #tpu.memory_space<vmem>>, vector<128x4x128xf32>
    %bitcast_convert_type3A_172 = tpu.bitcast %get3A_171 : vector<128x4x128xf32> -> vector<128x4x128xi32>
    %or3A_173 = arith.constant 4095 : i32
    %or3A_174 = vector.broadcast %or3A_173 : i32 to vector<128x4x128xi32>
    %or3A_175 = arith.ori %bitcast_convert_type3A_172, %or3A_174 : vector<128x4x128xi32>
    %slice3A_176 = vector.extract_strided_slice %get3A_4 {offsets = [0, 0, 1664], sizes = [1, 1, 128], strides = [1, 1, 1]} : vector<1x1x4096xi32> to vector<1x1x128xi32>
    %add3A_177 = vector.broadcast %slice3A_176 : vector<1x1x128xi32> to vector<128x4x128xi32>
    %add3A_178 = arith.addi %or3A_175, %add3A_177 : vector<128x4x128xi32>
    %bitcast_convert_type3A_179 = tpu.bitcast %add3A_178 : vector<128x4x128xi32> -> vector<128x4x128xf32>
    %max3A_180 = arith.maximumf %max3A_167, %bitcast_convert_type3A_179 : vector<128x4x128xf32>
    %get3A_181 = arith.constant 0 : index
    %get3A_182 = arith.constant 0 : index
    %get3A_183 = arith.constant 1792 : index
    %get3A_184 = vector.load %arg1[%get3A_181, %get3A_182, %get3A_183] : memref<128x4x4096xf32, #tpu.memory_space<vmem>>, vector<128x4x128xf32>
    %bitcast_convert_type3A_185 = tpu.bitcast %get3A_184 : vector<128x4x128xf32> -> vector<128x4x128xi32>
    %or3A_186 = arith.constant 4095 : i32
    %or3A_187 = vector.broadcast %or3A_186 : i32 to vector<128x4x128xi32>
    %or3A_188 = arith.ori %bitcast_convert_type3A_185, %or3A_187 : vector<128x4x128xi32>
    %slice3A_189 = vector.extract_strided_slice %get3A_4 {offsets = [0, 0, 1792], sizes = [1, 1, 128], strides = [1, 1, 1]} : vector<1x1x4096xi32> to vector<1x1x128xi32>
    %add3A_190 = vector.broadcast %slice3A_189 : vector<1x1x128xi32> to vector<128x4x128xi32>
    %add3A_191 = arith.addi %or3A_188, %add3A_190 : vector<128x4x128xi32>
    %bitcast_convert_type3A_192 = tpu.bitcast %add3A_191 : vector<128x4x128xi32> -> vector<128x4x128xf32>
    %max3A_193 = arith.maximumf %max3A_180, %bitcast_convert_type3A_192 : vector<128x4x128xf32>
    %get3A_194 = arith.constant 0 : index
    %get3A_195 = arith.constant 0 : index
    %get3A_196 = arith.constant 1920 : index
    %get3A_197 = vector.load %arg1[%get3A_194, %get3A_195, %get3A_196] : memref<128x4x4096xf32, #tpu.memory_space<vmem>>, vector<128x4x128xf32>
    %bitcast_convert_type3A_198 = tpu.bitcast %get3A_197 : vector<128x4x128xf32> -> vector<128x4x128xi32>
    %or3A_199 = arith.constant 4095 : i32
    %or3A_200 = vector.broadcast %or3A_199 : i32 to vector<128x4x128xi32>
    %or3A_201 = arith.ori %bitcast_convert_type3A_198, %or3A_200 : vector<128x4x128xi32>
    %slice3A_202 = vector.extract_strided_slice %get3A_4 {offsets = [0, 0, 1920], sizes = [1, 1, 128], strides = [1, 1, 1]} : vector<1x1x4096xi32> to vector<1x1x128xi32>
    %add3A_203 = vector.broadcast %slice3A_202 : vector<1x1x128xi32> to vector<128x4x128xi32>
    %add3A_204 = arith.addi %or3A_201, %add3A_203 : vector<128x4x128xi32>
    %bitcast_convert_type3A_205 = tpu.bitcast %add3A_204 : vector<128x4x128xi32> -> vector<128x4x128xf32>
    %max3A_206 = arith.maximumf %max3A_193, %bitcast_convert_type3A_205 : vector<128x4x128xf32>
    %get3A_207 = arith.constant 0 : index
    %get3A_208 = arith.constant 0 : index
    %get3A_209 = arith.constant 2048 : index
    %get3A_210 = vector.load %arg1[%get3A_207, %get3A_208, %get3A_209] : memref<128x4x4096xf32, #tpu.memory_space<vmem>>, vector<128x4x128xf32>
    %bitcast_convert_type3A_211 = tpu.bitcast %get3A_210 : vector<128x4x128xf32> -> vector<128x4x128xi32>
    %or3A_212 = arith.constant 4095 : i32
    %or3A_213 = vector.broadcast %or3A_212 : i32 to vector<128x4x128xi32>
    %or3A_214 = arith.ori %bitcast_convert_type3A_211, %or3A_213 : vector<128x4x128xi32>
    %slice3A_215 = vector.extract_strided_slice %get3A_4 {offsets = [0, 0, 2048], sizes = [1, 1, 128], strides = [1, 1, 1]} : vector<1x1x4096xi32> to vector<1x1x128xi32>
    %add3A_216 = vector.broadcast %slice3A_215 : vector<1x1x128xi32> to vector<128x4x128xi32>
    %add3A_217 = arith.addi %or3A_214, %add3A_216 : vector<128x4x128xi32>
    %bitcast_convert_type3A_218 = tpu.bitcast %add3A_217 : vector<128x4x128xi32> -> vector<128x4x128xf32>
    %max3A_219 = arith.maximumf %max3A_206, %bitcast_convert_type3A_218 : vector<128x4x128xf32>
    %get3A_220 = arith.constant 0 : index
    %get3A_221 = arith.constant 0 : index
    %get3A_222 = arith.constant 2176 : index
    %get3A_223 = vector.load %arg1[%get3A_220, %get3A_221, %get3A_222] : memref<128x4x4096xf32, #tpu.memory_space<vmem>>, vector<128x4x128xf32>
    %bitcast_convert_type3A_224 = tpu.bitcast %get3A_223 : vector<128x4x128xf32> -> vector<128x4x128xi32>
    %or3A_225 = arith.constant 4095 : i32
    %or3A_226 = vector.broadcast %or3A_225 : i32 to vector<128x4x128xi32>
    %or3A_227 = arith.ori %bitcast_convert_type3A_224, %or3A_226 : vector<128x4x128xi32>
    %slice3A_228 = vector.extract_strided_slice %get3A_4 {offsets = [0, 0, 2176], sizes = [1, 1, 128], strides = [1, 1, 1]} : vector<1x1x4096xi32> to vector<1x1x128xi32>
    %add3A_229 = vector.broadcast %slice3A_228 : vector<1x1x128xi32> to vector<128x4x128xi32>
    %add3A_230 = arith.addi %or3A_227, %add3A_229 : vector<128x4x128xi32>
    %bitcast_convert_type3A_231 = tpu.bitcast %add3A_230 : vector<128x4x128xi32> -> vector<128x4x128xf32>
    %max3A_232 = arith.maximumf %max3A_219, %bitcast_convert_type3A_231 : vector<128x4x128xf32>
    %get3A_233 = arith.constant 0 : index
    %get3A_234 = arith.constant 0 : index
    %get3A_235 = arith.constant 2304 : index
    %get3A_236 = vector.load %arg1[%get3A_233, %get3A_234, %get3A_235] : memref<128x4x4096xf32, #tpu.memory_space<vmem>>, vector<128x4x128xf32>
    %bitcast_convert_type3A_237 = tpu.bitcast %get3A_236 : vector<128x4x128xf32> -> vector<128x4x128xi32>
    %or3A_238 = arith.constant 4095 : i32
    %or3A_239 = vector.broadcast %or3A_238 : i32 to vector<128x4x128xi32>
    %or3A_240 = arith.ori %bitcast_convert_type3A_237, %or3A_239 : vector<128x4x128xi32>
    %slice3A_241 = vector.extract_strided_slice %get3A_4 {offsets = [0, 0, 2304], sizes = [1, 1, 128], strides = [1, 1, 1]} : vector<1x1x4096xi32> to vector<1x1x128xi32>
    %add3A_242 = vector.broadcast %slice3A_241 : vector<1x1x128xi32> to vector<128x4x128xi32>
    %add3A_243 = arith.addi %or3A_240, %add3A_242 : vector<128x4x128xi32>
    %bitcast_convert_type3A_244 = tpu.bitcast %add3A_243 : vector<128x4x128xi32> -> vector<128x4x128xf32>
    %max3A_245 = arith.maximumf %max3A_232, %bitcast_convert_type3A_244 : vector<128x4x128xf32>
    %get3A_246 = arith.constant 0 : index
    %get3A_247 = arith.constant 0 : index
    %get3A_248 = arith.constant 2432 : index
    %get3A_249 = vector.load %arg1[%get3A_246, %get3A_247, %get3A_248] : memref<128x4x4096xf32, #tpu.memory_space<vmem>>, vector<128x4x128xf32>
    %bitcast_convert_type3A_250 = tpu.bitcast %get3A_249 : vector<128x4x128xf32> -> vector<128x4x128xi32>
    %or3A_251 = arith.constant 4095 : i32
    %or3A_252 = vector.broadcast %or3A_251 : i32 to vector<128x4x128xi32>
    %or3A_253 = arith.ori %bitcast_convert_type3A_250, %or3A_252 : vector<128x4x128xi32>
    %slice3A_254 = vector.extract_strided_slice %get3A_4 {offsets = [0, 0, 2432], sizes = [1, 1, 128], strides = [1, 1, 1]} : vector<1x1x4096xi32> to vector<1x1x128xi32>
    %add3A_255 = vector.broadcast %slice3A_254 : vector<1x1x128xi32> to vector<128x4x128xi32>
    %add3A_256 = arith.addi %or3A_253, %add3A_255 : vector<128x4x128xi32>
    %bitcast_convert_type3A_257 = tpu.bitcast %add3A_256 : vector<128x4x128xi32> -> vector<128x4x128xf32>
    %max3A_258 = arith.maximumf %max3A_245, %bitcast_convert_type3A_257 : vector<128x4x128xf32>
    %get3A_259 = arith.constant 0 : index
    %get3A_260 = arith.constant 0 : index
    %get3A_261 = arith.constant 2560 : index
    %get3A_262 = vector.load %arg1[%get3A_259, %get3A_260, %get3A_261] : memref<128x4x4096xf32, #tpu.memory_space<vmem>>, vector<128x4x128xf32>
    %bitcast_convert_type3A_263 = tpu.bitcast %get3A_262 : vector<128x4x128xf32> -> vector<128x4x128xi32>
    %or3A_264 = arith.constant 4095 : i32
    %or3A_265 = vector.broadcast %or3A_264 : i32 to vector<128x4x128xi32>
    %or3A_266 = arith.ori %bitcast_convert_type3A_263, %or3A_265 : vector<128x4x128xi32>
    %slice3A_267 = vector.extract_strided_slice %get3A_4 {offsets = [0, 0, 2560], sizes = [1, 1, 128], strides = [1, 1, 1]} : vector<1x1x4096xi32> to vector<1x1x128xi32>
    %add3A_268 = vector.broadcast %slice3A_267 : vector<1x1x128xi32> to vector<128x4x128xi32>
    %add3A_269 = arith.addi %or3A_266, %add3A_268 : vector<128x4x128xi32>
    %bitcast_convert_type3A_270 = tpu.bitcast %add3A_269 : vector<128x4x128xi32> -> vector<128x4x128xf32>
    %max3A_271 = arith.maximumf %max3A_258, %bitcast_convert_type3A_270 : vector<128x4x128xf32>
    %get3A_272 = arith.constant 0 : index
    %get3A_273 = arith.constant 0 : index
    %get3A_274 = arith.constant 2688 : index
    %get3A_275 = vector.load %arg1[%get3A_272, %get3A_273, %get3A_274] : memref<128x4x4096xf32, #tpu.memory_space<vmem>>, vector<128x4x128xf32>
    %bitcast_convert_type3A_276 = tpu.bitcast %get3A_275 : vector<128x4x128xf32> -> vector<128x4x128xi32>
    %or3A_277 = arith.constant 4095 : i32
    %or3A_278 = vector.broadcast %or3A_277 : i32 to vector<128x4x128xi32>
    %or3A_279 = arith.ori %bitcast_convert_type3A_276, %or3A_278 : vector<128x4x128xi32>
    %slice3A_280 = vector.extract_strided_slice %get3A_4 {offsets = [0, 0, 2688], sizes = [1, 1, 128], strides = [1, 1, 1]} : vector<1x1x4096xi32> to vector<1x1x128xi32>
    %add3A_281 = vector.broadcast %slice3A_280 : vector<1x1x128xi32> to vector<128x4x128xi32>
    %add3A_282 = arith.addi %or3A_279, %add3A_281 : vector<128x4x128xi32>
    %bitcast_convert_type3A_283 = tpu.bitcast %add3A_282 : vector<128x4x128xi32> -> vector<128x4x128xf32>
    %max3A_284 = arith.maximumf %max3A_271, %bitcast_convert_type3A_283 : vector<128x4x128xf32>
    %get3A_285 = arith.constant 0 : index
    %get3A_286 = arith.constant 0 : index
    %get3A_287 = arith.constant 2816 : index
    %get3A_288 = vector.load %arg1[%get3A_285, %get3A_286, %get3A_287] : memref<128x4x4096xf32, #tpu.memory_space<vmem>>, vector<128x4x128xf32>
    %bitcast_convert_type3A_289 = tpu.bitcast %get3A_288 : vector<128x4x128xf32> -> vector<128x4x128xi32>
    %or3A_290 = arith.constant 4095 : i32
    %or3A_291 = vector.broadcast %or3A_290 : i32 to vector<128x4x128xi32>
    %or3A_292 = arith.ori %bitcast_convert_type3A_289, %or3A_291 : vector<128x4x128xi32>
    %slice3A_293 = vector.extract_strided_slice %get3A_4 {offsets = [0, 0, 2816], sizes = [1, 1, 128], strides = [1, 1, 1]} : vector<1x1x4096xi32> to vector<1x1x128xi32>
    %add3A_294 = vector.broadcast %slice3A_293 : vector<1x1x128xi32> to vector<128x4x128xi32>
    %add3A_295 = arith.addi %or3A_292, %add3A_294 : vector<128x4x128xi32>
    %bitcast_convert_type3A_296 = tpu.bitcast %add3A_295 : vector<128x4x128xi32> -> vector<128x4x128xf32>
    %max3A_297 = arith.maximumf %max3A_284, %bitcast_convert_type3A_296 : vector<128x4x128xf32>
    %get3A_298 = arith.constant 0 : index
    %get3A_299 = arith.constant 0 : index
    %get3A_300 = arith.constant 2944 : index
    %get3A_301 = vector.load %arg1[%get3A_298, %get3A_299, %get3A_300] : memref<128x4x4096xf32, #tpu.memory_space<vmem>>, vector<128x4x128xf32>
    %bitcast_convert_type3A_302 = tpu.bitcast %get3A_301 : vector<128x4x128xf32> -> vector<128x4x128xi32>
    %or3A_303 = arith.constant 4095 : i32
    %or3A_304 = vector.broadcast %or3A_303 : i32 to vector<128x4x128xi32>
    %or3A_305 = arith.ori %bitcast_convert_type3A_302, %or3A_304 : vector<128x4x128xi32>
    %slice3A_306 = vector.extract_strided_slice %get3A_4 {offsets = [0, 0, 2944], sizes = [1, 1, 128], strides = [1, 1, 1]} : vector<1x1x4096xi32> to vector<1x1x128xi32>
    %add3A_307 = vector.broadcast %slice3A_306 : vector<1x1x128xi32> to vector<128x4x128xi32>
    %add3A_308 = arith.addi %or3A_305, %add3A_307 : vector<128x4x128xi32>
    %bitcast_convert_type3A_309 = tpu.bitcast %add3A_308 : vector<128x4x128xi32> -> vector<128x4x128xf32>
    %max3A_310 = arith.maximumf %max3A_297, %bitcast_convert_type3A_309 : vector<128x4x128xf32>
    %get3A_311 = arith.constant 0 : index
    %get3A_312 = arith.constant 0 : index
    %get3A_313 = arith.constant 3072 : index
    %get3A_314 = vector.load %arg1[%get3A_311, %get3A_312, %get3A_313] : memref<128x4x4096xf32, #tpu.memory_space<vmem>>, vector<128x4x128xf32>
    %bitcast_convert_type3A_315 = tpu.bitcast %get3A_314 : vector<128x4x128xf32> -> vector<128x4x128xi32>
    %or3A_316 = arith.constant 4095 : i32
    %or3A_317 = vector.broadcast %or3A_316 : i32 to vector<128x4x128xi32>
    %or3A_318 = arith.ori %bitcast_convert_type3A_315, %or3A_317 : vector<128x4x128xi32>
    %slice3A_319 = vector.extract_strided_slice %get3A_4 {offsets = [0, 0, 3072], sizes = [1, 1, 128], strides = [1, 1, 1]} : vector<1x1x4096xi32> to vector<1x1x128xi32>
    %add3A_320 = vector.broadcast %slice3A_319 : vector<1x1x128xi32> to vector<128x4x128xi32>
    %add3A_321 = arith.addi %or3A_318, %add3A_320 : vector<128x4x128xi32>
    %bitcast_convert_type3A_322 = tpu.bitcast %add3A_321 : vector<128x4x128xi32> -> vector<128x4x128xf32>
    %max3A_323 = arith.maximumf %max3A_310, %bitcast_convert_type3A_322 : vector<128x4x128xf32>
    %get3A_324 = arith.constant 0 : index
    %get3A_325 = arith.constant 0 : index
    %get3A_326 = arith.constant 3200 : index
    %get3A_327 = vector.load %arg1[%get3A_324, %get3A_325, %get3A_326] : memref<128x4x4096xf32, #tpu.memory_space<vmem>>, vector<128x4x128xf32>
    %bitcast_convert_type3A_328 = tpu.bitcast %get3A_327 : vector<128x4x128xf32> -> vector<128x4x128xi32>
    %or3A_329 = arith.constant 4095 : i32
    %or3A_330 = vector.broadcast %or3A_329 : i32 to vector<128x4x128xi32>
    %or3A_331 = arith.ori %bitcast_convert_type3A_328, %or3A_330 : vector<128x4x128xi32>
    %slice3A_332 = vector.extract_strided_slice %get3A_4 {offsets = [0, 0, 3200], sizes = [1, 1, 128], strides = [1, 1, 1]} : vector<1x1x4096xi32> to vector<1x1x128xi32>
    %add3A_333 = vector.broadcast %slice3A_332 : vector<1x1x128xi32> to vector<128x4x128xi32>
    %add3A_334 = arith.addi %or3A_331, %add3A_333 : vector<128x4x128xi32>
    %bitcast_convert_type3A_335 = tpu.bitcast %add3A_334 : vector<128x4x128xi32> -> vector<128x4x128xf32>
    %max3A_336 = arith.maximumf %max3A_323, %bitcast_convert_type3A_335 : vector<128x4x128xf32>
    %get3A_337 = arith.constant 0 : index
    %get3A_338 = arith.constant 0 : index
    %get3A_339 = arith.constant 3328 : index
    %get3A_340 = vector.load %arg1[%get3A_337, %get3A_338, %get3A_339] : memref<128x4x4096xf32, #tpu.memory_space<vmem>>, vector<128x4x128xf32>
    %bitcast_convert_type3A_341 = tpu.bitcast %get3A_340 : vector<128x4x128xf32> -> vector<128x4x128xi32>
    %or3A_342 = arith.constant 4095 : i32
    %or3A_343 = vector.broadcast %or3A_342 : i32 to vector<128x4x128xi32>
    %or3A_344 = arith.ori %bitcast_convert_type3A_341, %or3A_343 : vector<128x4x128xi32>
    %slice3A_345 = vector.extract_strided_slice %get3A_4 {offsets = [0, 0, 3328], sizes = [1, 1, 128], strides = [1, 1, 1]} : vector<1x1x4096xi32> to vector<1x1x128xi32>
    %add3A_346 = vector.broadcast %slice3A_345 : vector<1x1x128xi32> to vector<128x4x128xi32>
    %add3A_347 = arith.addi %or3A_344, %add3A_346 : vector<128x4x128xi32>
    %bitcast_convert_type3A_348 = tpu.bitcast %add3A_347 : vector<128x4x128xi32> -> vector<128x4x128xf32>
    %max3A_349 = arith.maximumf %max3A_336, %bitcast_convert_type3A_348 : vector<128x4x128xf32>
    %get3A_350 = arith.constant 0 : index
    %get3A_351 = arith.constant 0 : index
    %get3A_352 = arith.constant 3456 : index
    %get3A_353 = vector.load %arg1[%get3A_350, %get3A_351, %get3A_352] : memref<128x4x4096xf32, #tpu.memory_space<vmem>>, vector<128x4x128xf32>
    %bitcast_convert_type3A_354 = tpu.bitcast %get3A_353 : vector<128x4x128xf32> -> vector<128x4x128xi32>
    %or3A_355 = arith.constant 4095 : i32
    %or3A_356 = vector.broadcast %or3A_355 : i32 to vector<128x4x128xi32>
    %or3A_357 = arith.ori %bitcast_convert_type3A_354, %or3A_356 : vector<128x4x128xi32>
    %slice3A_358 = vector.extract_strided_slice %get3A_4 {offsets = [0, 0, 3456], sizes = [1, 1, 128], strides = [1, 1, 1]} : vector<1x1x4096xi32> to vector<1x1x128xi32>
    %add3A_359 = vector.broadcast %slice3A_358 : vector<1x1x128xi32> to vector<128x4x128xi32>
    %add3A_360 = arith.addi %or3A_357, %add3A_359 : vector<128x4x128xi32>
    %bitcast_convert_type3A_361 = tpu.bitcast %add3A_360 : vector<128x4x128xi32> -> vector<128x4x128xf32>
    %max3A_362 = arith.maximumf %max3A_349, %bitcast_convert_type3A_361 : vector<128x4x128xf32>
    %get3A_363 = arith.constant 0 : index
    %get3A_364 = arith.constant 0 : index
    %get3A_365 = arith.constant 3584 : index
    %get3A_366 = vector.load %arg1[%get3A_363, %get3A_364, %get3A_365] : memref<128x4x4096xf32, #tpu.memory_space<vmem>>, vector<128x4x128xf32>
    %bitcast_convert_type3A_367 = tpu.bitcast %get3A_366 : vector<128x4x128xf32> -> vector<128x4x128xi32>
    %or3A_368 = arith.constant 4095 : i32
    %or3A_369 = vector.broadcast %or3A_368 : i32 to vector<128x4x128xi32>
    %or3A_370 = arith.ori %bitcast_convert_type3A_367, %or3A_369 : vector<128x4x128xi32>
    %slice3A_371 = vector.extract_strided_slice %get3A_4 {offsets = [0, 0, 3584], sizes = [1, 1, 128], strides = [1, 1, 1]} : vector<1x1x4096xi32> to vector<1x1x128xi32>
    %add3A_372 = vector.broadcast %slice3A_371 : vector<1x1x128xi32> to vector<128x4x128xi32>
    %add3A_373 = arith.addi %or3A_370, %add3A_372 : vector<128x4x128xi32>
    %bitcast_convert_type3A_374 = tpu.bitcast %add3A_373 : vector<128x4x128xi32> -> vector<128x4x128xf32>
    %max3A_375 = arith.maximumf %max3A_362, %bitcast_convert_type3A_374 : vector<128x4x128xf32>
    %get3A_376 = arith.constant 0 : index
    %get3A_377 = arith.constant 0 : index
    %get3A_378 = arith.constant 3712 : index
    %get3A_379 = vector.load %arg1[%get3A_376, %get3A_377, %get3A_378] : memref<128x4x4096xf32, #tpu.memory_space<vmem>>, vector<128x4x128xf32>
    %bitcast_convert_type3A_380 = tpu.bitcast %get3A_379 : vector<128x4x128xf32> -> vector<128x4x128xi32>
    %or3A_381 = arith.constant 4095 : i32
    %or3A_382 = vector.broadcast %or3A_381 : i32 to vector<128x4x128xi32>
    %or3A_383 = arith.ori %bitcast_convert_type3A_380, %or3A_382 : vector<128x4x128xi32>
    %slice3A_384 = vector.extract_strided_slice %get3A_4 {offsets = [0, 0, 3712], sizes = [1, 1, 128], strides = [1, 1, 1]} : vector<1x1x4096xi32> to vector<1x1x128xi32>
    %add3A_385 = vector.broadcast %slice3A_384 : vector<1x1x128xi32> to vector<128x4x128xi32>
    %add3A_386 = arith.addi %or3A_383, %add3A_385 : vector<128x4x128xi32>
    %bitcast_convert_type3A_387 = tpu.bitcast %add3A_386 : vector<128x4x128xi32> -> vector<128x4x128xf32>
    %max3A_388 = arith.maximumf %max3A_375, %bitcast_convert_type3A_387 : vector<128x4x128xf32>
    %get3A_389 = arith.constant 0 : index
    %get3A_390 = arith.constant 0 : index
    %get3A_391 = arith.constant 3840 : index
    %get3A_392 = vector.load %arg1[%get3A_389, %get3A_390, %get3A_391] : memref<128x4x4096xf32, #tpu.memory_space<vmem>>, vector<128x4x128xf32>
    %bitcast_convert_type3A_393 = tpu.bitcast %get3A_392 : vector<128x4x128xf32> -> vector<128x4x128xi32>
    %or3A_394 = arith.constant 4095 : i32
    %or3A_395 = vector.broadcast %or3A_394 : i32 to vector<128x4x128xi32>
    %or3A_396 = arith.ori %bitcast_convert_type3A_393, %or3A_395 : vector<128x4x128xi32>
    %slice3A_397 = vector.extract_strided_slice %get3A_4 {offsets = [0, 0, 3840], sizes = [1, 1, 128], strides = [1, 1, 1]} : vector<1x1x4096xi32> to vector<1x1x128xi32>
    %add3A_398 = vector.broadcast %slice3A_397 : vector<1x1x128xi32> to vector<128x4x128xi32>
    %add3A_399 = arith.addi %or3A_396, %add3A_398 : vector<128x4x128xi32>
    %bitcast_convert_type3A_400 = tpu.bitcast %add3A_399 : vector<128x4x128xi32> -> vector<128x4x128xf32>
    %max3A_401 = arith.maximumf %max3A_388, %bitcast_convert_type3A_400 : vector<128x4x128xf32>
    %get3A_402 = arith.constant 0 : index
    %get3A_403 = arith.constant 0 : index
    %get3A_404 = arith.constant 3968 : index
    %get3A_405 = vector.load %arg1[%get3A_402, %get3A_403, %get3A_404] : memref<128x4x4096xf32, #tpu.memory_space<vmem>>, vector<128x4x128xf32>
    %bitcast_convert_type3A_406 = tpu.bitcast %get3A_405 : vector<128x4x128xf32> -> vector<128x4x128xi32>
    %or3A_407 = arith.constant 4095 : i32
    %or3A_408 = vector.broadcast %or3A_407 : i32 to vector<128x4x128xi32>
    %or3A_409 = arith.ori %bitcast_convert_type3A_406, %or3A_408 : vector<128x4x128xi32>
    %slice3A_410 = vector.extract_strided_slice %get3A_4 {offsets = [0, 0, 3968], sizes = [1, 1, 128], strides = [1, 1, 1]} : vector<1x1x4096xi32> to vector<1x1x128xi32>
    %add3A_411 = vector.broadcast %slice3A_410 : vector<1x1x128xi32> to vector<128x4x128xi32>
    %add3A_412 = arith.addi %or3A_409, %add3A_411 : vector<128x4x128xi32>
    %bitcast_convert_type3A_413 = tpu.bitcast %add3A_412 : vector<128x4x128xi32> -> vector<128x4x128xf32>
    %max3A_414 = arith.maximumf %max3A_401, %bitcast_convert_type3A_413 : vector<128x4x128xf32>
    %reduce_max3A = arith.constant dense<0xFF800000> : vector<128x4xf32>
    %reduce_max3A_415 = vector.multi_reduction <maximumf>, %max3A_414, %reduce_max3A [2] : vector<128x4x128xf32> to vector<128x4xf32>
    %broadcast_in_dim3A = vector.shape_cast %reduce_max3A_415 : vector<128x4xf32> to vector<128x4x1xf32>
    %swap3A = arith.constant 0 : index
    %swap3A_416 = arith.constant 0 : index
    %swap3A_417 = arith.constant 0 : index
    %swap3A_418 = vector.load %arg5[%swap3A, %swap3A_416, %swap3A_417] : memref<128x4x8xf32, #tpu.memory_space<vmem>>, vector<128x4x1xf32>
    tpu.vector_store %arg5[%swap3A, %swap3A_416, %swap3A_417], %broadcast_in_dim3A {strides = array<i32>} : memref<128x4x8xf32, #tpu.memory_space<vmem>>, vector<128x4x1xf32>,
    %eq3A_419 = vector.broadcast %broadcast_in_dim3A : vector<128x4x1xf32> to vector<128x4x128xf32>
    %eq3A_420 = arith.cmpf oeq, %max3A_414, %eq3A_419 : vector<128x4x128xf32>
    %jit3A = arith.constant 0xFF800000 : f32
    %broadcast_in_dim3A_421 = vector.broadcast %jit3A : f32 to vector<128x4x128xf32>
    %select_n3A = arith.select %eq3A_420, %broadcast_in_dim3A_421, %max3A_414 : vector<128x4x128xi1>, vector<128x4x128xf32>
    %reduce_max3A_422 = arith.constant dense<0xFF800000> : vector<128x4xf32>
    %reduce_max3A_423 = vector.multi_reduction <maximumf>, %select_n3A, %reduce_max3A_422 [2] : vector<128x4x128xf32> to vector<128x4xf32>
    %broadcast_in_dim3A_424 = vector.shape_cast %reduce_max3A_423 : vector<128x4xf32> to vector<128x4x1xf32>
    %swap3A_425 = arith.constant 0 : index
    %swap3A_426 = arith.constant 0 : index
    %swap3A_427 = arith.constant 1 : index
    %swap3A_428 = vector.load %arg5[%swap3A_425, %swap3A_426, %swap3A_427] : memref<128x4x8xf32, #tpu.memory_space<vmem>>, vector<128x4x1xf32>
    tpu.vector_store %arg5[%swap3A_425, %swap3A_426, %swap3A_427], %broadcast_in_dim3A_424 {strides = array<i32>} : memref<128x4x8xf32, #tpu.memory_space<vmem>>, vector<128x4x1xf32>,
    %eq3A_429 = vector.broadcast %broadcast_in_dim3A_424 : vector<128x4x1xf32> to vector<128x4x128xf32>
    %eq3A_430 = arith.cmpf oeq, %select_n3A, %eq3A_429 : vector<128x4x128xf32>
    %jit3A_431 = arith.constant 0xFF800000 : f32
    %broadcast_in_dim3A_432 = vector.broadcast %jit3A_431 : f32 to vector<128x4x128xf32>
    %select_n3A_433 = arith.select %eq3A_430, %broadcast_in_dim3A_432, %select_n3A : vector<128x4x128xi1>, vector<128x4x128xf32>
    %reduce_max3A_434 = arith.constant dense<0xFF800000> : vector<128x4xf32>
    %reduce_max3A_435 = vector.multi_reduction <maximumf>, %select_n3A_433, %reduce_max3A_434 [2] : vector<128x4x128xf32> to vector<128x4xf32>
    %broadcast_in_dim3A_436 = vector.shape_cast %reduce_max3A_435 : vector<128x4xf32> to vector<128x4x1xf32>
    %swap3A_437 = arith.constant 0 : index
    %swap3A_438 = arith.constant 0 : index
    %swap3A_439 = arith.constant 2 : index
    %swap3A_440 = vector.load %arg5[%swap3A_437, %swap3A_438, %swap3A_439] : memref<128x4x8xf32, #tpu.memory_space<vmem>>, vector<128x4x1xf32>
    tpu.vector_store %arg5[%swap3A_437, %swap3A_438, %swap3A_439], %broadcast_in_dim3A_436 {strides = array<i32>} : memref<128x4x8xf32, #tpu.memory_space<vmem>>, vector<128x4x1xf32>,
    %eq3A_441 = vector.broadcast %broadcast_in_dim3A_436 : vector<128x4x1xf32> to vector<128x4x128xf32>
    %eq3A_442 = arith.cmpf oeq, %select_n3A_433, %eq3A_441 : vector<128x4x128xf32>
    %jit3A_443 = arith.constant 0xFF800000 : f32
    %broadcast_in_dim3A_444 = vector.broadcast %jit3A_443 : f32 to vector<128x4x128xf32>
    %select_n3A_445 = arith.select %eq3A_442, %broadcast_in_dim3A_444, %select_n3A_433 : vector<128x4x128xi1>, vector<128x4x128xf32>
    %reduce_max3A_446 = arith.constant dense<0xFF800000> : vector<128x4xf32>
    %reduce_max3A_447 = vector.multi_reduction <maximumf>, %select_n3A_445, %reduce_max3A_446 [2] : vector<128x4x128xf32> to vector<128x4xf32>
    %broadcast_in_dim3A_448 = vector.shape_cast %reduce_max3A_447 : vector<128x4xf32> to vector<128x4x1xf32>
    %swap3A_449 = arith.constant 0 : index
    %swap3A_450 = arith.constant 0 : index
    %swap3A_451 = arith.constant 3 : index
    %swap3A_452 = vector.load %arg5[%swap3A_449, %swap3A_450, %swap3A_451] : memref<128x4x8xf32, #tpu.memory_space<vmem>>, vector<128x4x1xf32>
    tpu.vector_store %arg5[%swap3A_449, %swap3A_450, %swap3A_451], %broadcast_in_dim3A_448 {strides = array<i32>} : memref<128x4x8xf32, #tpu.memory_space<vmem>>, vector<128x4x1xf32>,
    %eq3A_453 = vector.broadcast %broadcast_in_dim3A_448 : vector<128x4x1xf32> to vector<128x4x128xf32>
    %eq3A_454 = arith.cmpf oeq, %select_n3A_445, %eq3A_453 : vector<128x4x128xf32>
    %jit3A_455 = arith.constant 0xFF800000 : f32
    %broadcast_in_dim3A_456 = vector.broadcast %jit3A_455 : f32 to vector<128x4x128xf32>
    %select_n3A_457 = arith.select %eq3A_454, %broadcast_in_dim3A_456, %select_n3A_445 : vector<128x4x128xi1>, vector<128x4x128xf32>
    %reduce_max3A_458 = arith.constant dense<0xFF800000> : vector<128x4xf32>
    %reduce_max3A_459 = vector.multi_reduction <maximumf>, %select_n3A_457, %reduce_max3A_458 [2] : vector<128x4x128xf32> to vector<128x4xf32>
    %broadcast_in_dim3A_460 = vector.shape_cast %reduce_max3A_459 : vector<128x4xf32> to vector<128x4x1xf32>
    %swap3A_461 = arith.constant 0 : index
    %swap3A_462 = arith.constant 0 : index
    %swap3A_463 = arith.constant 4 : index
    %swap3A_464 = vector.load %arg5[%swap3A_461, %swap3A_462, %swap3A_463] : memref<128x4x8xf32, #tpu.memory_space<vmem>>, vector<128x4x1xf32>
    tpu.vector_store %arg5[%swap3A_461, %swap3A_462, %swap3A_463], %broadcast_in_dim3A_460 {strides = array<i32>} : memref<128x4x8xf32, #tpu.memory_space<vmem>>, vector<128x4x1xf32>,
    %eq3A_465 = vector.broadcast %broadcast_in_dim3A_460 : vector<128x4x1xf32> to vector<128x4x128xf32>
    %eq3A_466 = arith.cmpf oeq, %select_n3A_457, %eq3A_465 : vector<128x4x128xf32>
    %jit3A_467 = arith.constant 0xFF800000 : f32
    %broadcast_in_dim3A_468 = vector.broadcast %jit3A_467 : f32 to vector<128x4x128xf32>
    %select_n3A_469 = arith.select %eq3A_466, %broadcast_in_dim3A_468, %select_n3A_457 : vector<128x4x128xi1>, vector<128x4x128xf32>
    %reduce_max3A_470 = arith.constant dense<0xFF800000> : vector<128x4xf32>
    %reduce_max3A_471 = vector.multi_reduction <maximumf>, %select_n3A_469, %reduce_max3A_470 [2] : vector<128x4x128xf32> to vector<128x4xf32>
    %broadcast_in_dim3A_472 = vector.shape_cast %reduce_max3A_471 : vector<128x4xf32> to vector<128x4x1xf32>
    %swap3A_473 = arith.constant 0 : index
    %swap3A_474 = arith.constant 0 : index
    %swap3A_475 = arith.constant 5 : index
    %swap3A_476 = vector.load %arg5[%swap3A_473, %swap3A_474, %swap3A_475] : memref<128x4x8xf32, #tpu.memory_space<vmem>>, vector<128x4x1xf32>
    tpu.vector_store %arg5[%swap3A_473, %swap3A_474, %swap3A_475], %broadcast_in_dim3A_472 {strides = array<i32>} : memref<128x4x8xf32, #tpu.memory_space<vmem>>, vector<128x4x1xf32>,
    %eq3A_477 = vector.broadcast %broadcast_in_dim3A_472 : vector<128x4x1xf32> to vector<128x4x128xf32>
    %eq3A_478 = arith.cmpf oeq, %select_n3A_469, %eq3A_477 : vector<128x4x128xf32>
    %jit3A_479 = arith.constant 0xFF800000 : f32
    %broadcast_in_dim3A_480 = vector.broadcast %jit3A_479 : f32 to vector<128x4x128xf32>
    %select_n3A_481 = arith.select %eq3A_478, %broadcast_in_dim3A_480, %select_n3A_469 : vector<128x4x128xi1>, vector<128x4x128xf32>
    %reduce_max3A_482 = arith.constant dense<0xFF800000> : vector<128x4xf32>
    %reduce_max3A_483 = vector.multi_reduction <maximumf>, %select_n3A_481, %reduce_max3A_482 [2] : vector<128x4x128xf32> to vector<128x4xf32>
    %broadcast_in_dim3A_484 = vector.shape_cast %reduce_max3A_483 : vector<128x4xf32> to vector<128x4x1xf32>
    %swap3A_485 = arith.constant 0 : index
    %swap3A_486 = arith.constant 0 : index
    %swap3A_487 = arith.constant 6 : index
    %swap3A_488 = vector.load %arg5[%swap3A_485, %swap3A_486, %swap3A_487] : memref<128x4x8xf32, #tpu.memory_space<vmem>>, vector<128x4x1xf32>
    tpu.vector_store %arg5[%swap3A_485, %swap3A_486, %swap3A_487], %broadcast_in_dim3A_484 {strides = array<i32>} : memref<128x4x8xf32, #tpu.memory_space<vmem>>, vector<128x4x1xf32>,
    %eq3A_489 = vector.broadcast %broadcast_in_dim3A_484 : vector<128x4x1xf32> to vector<128x4x128xf32>
    %eq3A_490 = arith.cmpf oeq, %select_n3A_481, %eq3A_489 : vector<128x4x128xf32>
    %jit3A_491 = arith.constant 0xFF800000 : f32
    %broadcast_in_dim3A_492 = vector.broadcast %jit3A_491 : f32 to vector<128x4x128xf32>
    %select_n3A_493 = arith.select %eq3A_490, %broadcast_in_dim3A_492, %select_n3A_481 : vector<128x4x128xi1>, vector<128x4x128xf32>
    %reduce_max3A_494 = arith.constant dense<0xFF800000> : vector<128x4xf32>
    %reduce_max3A_495 = vector.multi_reduction <maximumf>, %select_n3A_493, %reduce_max3A_494 [2] : vector<128x4x128xf32> to vector<128x4xf32>
    %broadcast_in_dim3A_496 = vector.shape_cast %reduce_max3A_495 : vector<128x4xf32> to vector<128x4x1xf32>
    %swap3A_497 = arith.constant 0 : index
    %swap3A_498 = arith.constant 0 : index
    %swap3A_499 = arith.constant 7 : index
    %swap3A_500 = vector.load %arg5[%swap3A_497, %swap3A_498, %swap3A_499] : memref<128x4x8xf32, #tpu.memory_space<vmem>>, vector<128x4x1xf32>
    tpu.vector_store %arg5[%swap3A_497, %swap3A_498, %swap3A_499], %broadcast_in_dim3A_496 {strides = array<i32>} : memref<128x4x8xf32, #tpu.memory_space<vmem>>, vector<128x4x1xf32>,
    return
  }
  func.func @transform_0(%arg0: i32) -> (i32, i32, i32) {
    %c0_i32 = arith.constant 0 : i32
    %c0_i32_0 = arith.constant 0 : i32
    %c0_i32_1 = arith.constant 0 : i32
    return %arg0, %c0_i32, %c0_i32_0 : i32, i32, i32
  }
  func.func @transform_1(%arg0: i32) -> (i32, i32, i32) {
    %c0_i32 = arith.constant 0 : i32
    %c0_i32_0 = arith.constant 0 : i32
    %c0_i32_1 = arith.constant 0 : i32
    %c0_i32_2 = arith.constant 0 : i32
    return %c0_i32, %c0_i32_0, %c0_i32_1 : i32, i32, i32
  }
  func.func @transform_2(%arg0: i32) -> (i32, i32, i32) {
    %c0_i32 = arith.constant 0 : i32
    %c0_i32_0 = arith.constant 0 : i32
    %c0_i32_1 = arith.constant 0 : i32
    %c0_i32_2 = arith.constant 0 : i32
    return %c0_i32, %c0_i32_0, %c0_i32_1 : i32, i32, i32
  }
  func.func @transform_3(%arg0: i32) -> (i32, i32, i32) {
    %c0_i32 = arith.constant 0 : i32
    %c0_i32_0 = arith.constant 0 : i32
    %c0_i32_1 = arith.constant 0 : i32
    %c0_i32_2 = arith.constant 0 : i32
    return %c0_i32, %c0_i32_0, %c0_i32_1 : i32, i32, i32
  }
  func.func @transform_4(%arg0: i32) -> (i32, i32, i32) {
    %c0_i32 = arith.constant 0 : i32
    %c0_i32_0 = arith.constant 0 : i32
    %c0_i32_1 = arith.constant 0 : i32
    return %arg0, %c0_i32, %c0_i32_0 : i32, i32, i32
  }
  func.func @transform_5(%arg0: i32) -> (i32, i32) {
    %c0_i32 = arith.constant 0 : i32
    %c0_i32_0 = arith.constant 0 : i32
    %c0_i32_1 = arith.constant 0 : i32
    return %c0_i32, %c0_i32_0 : i32, i32
  }
}

module attributes {stable_mosaic.version = 14 : i64} {
  func.func @_finalize_body(%arg0: memref<2048x4xf32, #tpu.memory_space<vmem>>, %arg1: memref<2048x4xf32, #tpu.memory_space<vmem>>, %arg2: memref<1x1xf32, #tpu.memory_space<vmem>>, %arg3: memref<1x1xf32, #tpu.memory_space<vmem>>) attributes {dimension_semantics = [], scalar_prefetch = 0 : i64, scratch_operands = 0 : i64, tpu.core_type = #tpu.core_type<tc>} {
    %get3A = arith.constant 0 : index
    %get3A_0 = arith.constant 0 : index
    %get3A_1 = vector.load %arg0[%get3A, %get3A_0] : memref<2048x4xf32, #tpu.memory_space<vmem>>, vector<2048x4xf32>
    %get3A_2 = arith.constant 0 : index
    %get3A_3 = arith.constant 0 : index
    %get3A_4 = vector.load %arg1[%get3A_2, %get3A_3] : memref<2048x4xf32, #tpu.memory_space<vmem>>, vector<2048x4xf32>
    %add3A = arith.constant 9.99999968E-21 : f32
    %add3A_5 = vector.broadcast %add3A : f32 to vector<2048x4xf32>
    %add3A_6 = arith.addf %get3A_1, %add3A_5 : vector<2048x4xf32>
    %log3A = math.log %add3A_6 : vector<2048x4xf32>
    %neg3A = arith.constant 0.000000e+00 : f32
    %neg3A_7 = vector.broadcast %neg3A : f32 to vector<2048x4xf32>
    %neg3A_8 = arith.subf %neg3A_7, %log3A : vector<2048x4xf32>
    %mul3A = arith.mulf %neg3A_8, %get3A_4 : vector<2048x4xf32>
    %reduce_sum3A = arith.constant dense<0.000000e+00> : vector<4xf32>
    %reduce_sum3A_9 = vector.multi_reduction <add>, %mul3A, %reduce_sum3A [0] : vector<2048x4xf32> to vector<4xf32>
    %broadcast_in_dim3A = vector.shape_cast %reduce_sum3A_9 : vector<4xf32> to vector<1x4xf32>
    %reduce_sum3A_10 = arith.constant dense<0.000000e+00> : vector<4xf32>
    %reduce_sum3A_11 = vector.multi_reduction <add>, %get3A_4, %reduce_sum3A_10 [0] : vector<2048x4xf32> to vector<4xf32>
    %broadcast_in_dim3A_12 = vector.shape_cast %reduce_sum3A_11 : vector<4xf32> to vector<1x4xf32>
    %div3A = arith.constant 2.048000e+03 : f32
    %div3A_13 = vector.broadcast %div3A : f32 to vector<1x4xf32>
    %div3A_14 = arith.divf %broadcast_in_dim3A_12, %div3A_13 : vector<1x4xf32>
    %reduce_sum3A_15 = arith.constant dense<0.000000e+00> : vector<1xf32>
    %reduce_sum3A_16 = vector.multi_reduction <add>, %broadcast_in_dim3A, %reduce_sum3A_15 [1] : vector<1x4xf32> to vector<1xf32>
    %broadcast_in_dim3A_17 = vector.shape_cast %reduce_sum3A_16 : vector<1xf32> to vector<1x1xf32>
    %swap3A = arith.constant 0 : index
    %swap3A_18 = arith.constant 0 : index
    %swap3A_19 = vector.load %arg2[%swap3A, %swap3A_18] : memref<1x1xf32, #tpu.memory_space<vmem>>, vector<1x1xf32>
    tpu.vector_store %arg2[%swap3A, %swap3A_18], %broadcast_in_dim3A_17 {strides = array<i32>} : memref<1x1xf32, #tpu.memory_space<vmem>>, vector<1x1xf32>,
    %div3A_20 = arith.divf %broadcast_in_dim3A, %div3A_14 : vector<1x4xf32>
    %reduce_sum3A_21 = arith.constant dense<0.000000e+00> : vector<1xf32>
    %reduce_sum3A_22 = vector.multi_reduction <add>, %div3A_20, %reduce_sum3A_21 [1] : vector<1x4xf32> to vector<1xf32>
    %broadcast_in_dim3A_23 = vector.shape_cast %reduce_sum3A_22 : vector<1xf32> to vector<1x1xf32>
    %swap3A_24 = arith.constant 0 : index
    %swap3A_25 = arith.constant 0 : index
    %swap3A_26 = vector.load %arg3[%swap3A_24, %swap3A_25] : memref<1x1xf32, #tpu.memory_space<vmem>>, vector<1x1xf32>
    tpu.vector_store %arg3[%swap3A_24, %swap3A_25], %broadcast_in_dim3A_23 {strides = array<i32>} : memref<1x1xf32, #tpu.memory_space<vmem>>, vector<1x1xf32>,
    return
  }
}

</mosaic_0001>

<sc_bundles>
// kernel: kernel.5.cloned.1.call-start
scs
__scs_entry_jumppad:
0x0: {  	(pc) =	sbr.rel $0x88, $3  }
0x1: {  	(tag) =	ssettag $0x0;
	lr =	simm.s32 $0x1  }
0x2: {  	[smem:$0x3F9C] =	sst lr;
	_ =	strace $0xD0000000  }
0x3: {  	_ = 	snop  }
0x4: {  	_ = 	snop  }
0x5: {  	_ = 	snop  }
0x6: {  	_ = 	snop  }
0x7: {  	_ = 	snop  }
__scs_overlays_trampoline_lowered:
0x8: {  	[smem:$0x3FAB] =	sst s0  }
0x9: {  	[smem:$0x3FAC] =	sst s1  }
0xa: {  	[smem:$0x3FAD] =	sst s2  }
0xb: {  	[smem:$0x3FAE] =	sst s3  }
0xc: {  	[smem:$0x3FAF] =	sst s4  }
0xd: {  	[smem:$0x3FB0] =	sst s5  }
0xe: {  	[smem:$0x3FB1] =	sst s6  }
0xf: {  	[smem:$0x3FB2] =	sst s7  }
0x10: {  	[smem:$0x3FB3] =	sst s8  }
0x11: {  	[smem:$0x3FB4] =	sst s9;
	s0 =	simm.s32 @!p0 $0x0  }
0x12: {  	s1 =	sld [smem:$0x3F9A];
	s0 =	simm.s32 @p0 $0x1  }
0x13: {  	[smem:$0x3FB5] =	sst s0;
	s0 =	simm.s32 @!p1 $0x0  }
0x14: {  	s2 =	sld [smem:$0x3F99];
	s0 =	simm.s32 @p1 $0x1  }
0x15: {  	[smem:$0x3FB6] =	sst s0;
	s0 =	simm.s32 @!p2 $0x0  }
0x16: {  	s3 =	sld [smem:$0x3FDB];
	s0 =	simm.s32 @p2 $0x1  }
0x17: {  	s4 =	simm.s32 $0x1BF5;
	[smem:$0x3FB8] =	sst s0  }
0x18: {  	s0 =	sld [smem:$0x3F9B];
	_ =	swait.ge [sflag:s4], $0x0  }
0x19: {  	s7 =	sld [smem:$0x3F9C]  }
0x1a: {  	s8 =	sadd.s32 $0xFFFFE003, lr  }
0x1b: {  	s9 =	sadd.s32 $0xFFFFFEF7, lr;
	s5 =	simm.s32 $0xFFFFFFFF;
	p2 =	slt.u32 s8, $0xFFFFF086  }
0x1c: {  	p1 =	slt.u32 s9, $0xF7A;
	s5 =	simm.s32 @!p2 $0x0  }
0x1d: {  	s5 =	simm.s32 @p1 $0x1;
	p0 =	seq.s32 s7, s2  }
0x1e: {  	s7 =	smul.u32 @!p0 $0xF7A, s2;
	p2 =	seq.s32 @!p0 s5, $0x0  }
0x1f: {  	s9 =	smul.u32 $0xF7A, s1;
	s8 =	simm.s32 @!p0 $0x1BF5;
	p2 =	por !p2, p0  }
0x20: {  	[sflag:s8] =	ssyncset.s32 @!p0 $0xFFFFF086;
	s6 =	sadd.s32 @!p0 s3, s7;
	s7 =	simm.s32 @!p0 $0x108  }
0x21: {  	s3 =	sadd.s32 s3, s9;
	s6 =	sadd.s32 @!p0 $0x88, s6;
	s7 =	simm.s32 @p2 $0x1082  }
0x22: {  	[simem:s7], [sflag:s8] =	dma.local @!p0 [hbm:s6], $0xF7A  }
0x23: {  	s9 =	sor.u32 $0xD0000000, s2;
	s6 =	simm.s32 $0x108;
	_ =	swait.ge @!p0 [sflag:s8], $0x0  }
0x24: {  	s3 =	sadd.s32 $0x88, s3;
	s6 =	simm.s32 @!p1 $0x1082;
	[sflag:s4] =	ssyncset.s32 $0xFFFFF086  }
0x25: {  	[simem:s6], [sflag:s4] =	dma.local [hbm:s3], $0xF7A  }
0x26: {  	[smem:$0x3F9C] =	sst s1;
	(tag) =	ssettag s2;
	_ =	strace s9  }
0x27: {  	s1 =	sld [smem:$0x3FAC]  }
0x28: {  	s2 =	sld [smem:$0x3FAD]  }
0x29: {  	s4 =	sld [smem:$0x3FAF]  }
0x2a: {  	p0 =	seq.s32 s5, $0x0;
	s5 =	sld [smem:$0x3FB0]  }
0x2b: {  	s6 =	sld [smem:$0x3FB1]  }
0x2c: {  	s7 =	sld [smem:$0x3FB2]  }
0x2d: {  	s3 =	simm.s32 $0x108;
	s8 =	sld [smem:$0x3FB3]  }
0x2e: {  	s3 =	simm.s32 @!p0 $0x1082;
	s9 =	sld [smem:$0x3FB4]  }
0x2f: {  	lr =	sadd.s32 s0, s3;
	s0 =	sld [smem:$0x3FAB]  }
0x30: {  	s3 =	sld [smem:$0x3FAE]  }
0x31: {  	[smem:$0x3FB7] =	sst s10  }
0x32: {  	s10 =	sld [smem:$0x3FB5];
	_ =	sdelay $0x3  }
0x33: {  	p0 =	seq.s32 s10, $0x1;
	s10 =	sld [smem:$0x3FB7];
	_ =	sdelay $0x3  }
0x34: {  	[smem:$0x3FB7] =	sst s10  }
0x35: {  	s10 =	sld [smem:$0x3FB6];
	_ =	sdelay $0x3  }
0x36: {  	p1 =	seq.s32 s10, $0x1;
	s10 =	sld [smem:$0x3FB7];
	_ =	sdelay $0x3  }
0x37: {  	[smem:$0x3FB7] =	sst s10  }
0x38: {  	s10 =	sld [smem:$0x3FB8]  }
0x39: {  	_ = 	snop;
	(pc) =	sbr.ind lr, $3  }
0x3a: {  	_ = 	snop  }
0x3b: {  	_ = 	snop  }
0x3c: {  	p2 =	seq.s32 s10, $0x1;
	s10 =	sld [smem:$0x3FB7]  }
0x3d: {  	_ =	shalt  }
0x3e: {  	_ =	shalt  }
0x3f: {  	_ =	shalt  }
0x40: {  	_ =	shalt  }
0x41: {  	_ =	shalt  }
0x42: {  	_ =	shalt  }
0x43: {  	_ =	shalt  }
0x44: {  	_ =	shalt  }
0x45: {  	_ =	shalt  }
0x46: {  	_ =	shalt  }
0x47: {  	_ =	shalt  }
0x48: {  	_ =	shalt  }
0x49: {  	_ =	shalt  }
0x4a: {  	_ =	shalt  }
0x4b: {  	_ =	shalt  }
0x4c: {  	_ =	shalt  }
0x4d: {  	_ =	shalt  }
0x4e: {  	_ =	shalt  }
0x4f: {  	_ =	shalt  }
0x50: {  	_ =	shalt  }
0x51: {  	_ =	shalt  }
0x52: {  	_ =	shalt  }
0x53: {  	_ =	shalt  }
0x54: {  	_ =	shalt  }
0x55: {  	_ =	shalt  }
0x56: {  	_ =	shalt  }
0x57: {  	_ =	shalt  }
0x58: {  	_ =	shalt  }
0x59: {  	_ =	shalt  }
0x5a: {  	_ =	shalt  }
0x5b: {  	_ =	shalt  }
0x5c: {  	_ =	shalt  }
0x5d: {  	_ =	shalt  }
0x5e: {  	_ =	shalt  }
0x5f: {  	_ =	shalt  }
0x60: {  	_ =	shalt  }
0x61: {  	_ =	shalt  }
0x62: {  	_ =	shalt  }
0x63: {  	_ =	shalt  }
0x64: {  	_ =	shalt  }
0x65: {  	_ =	shalt  }
0x66: {  	_ =	shalt  }
0x67: {  	_ =	shalt  }
0x68: {  	_ =	shalt  }
0x69: {  	_ =	shalt  }
0x6a: {  	_ =	shalt  }
0x6b: {  	_ =	shalt  }
0x6c: {  	_ =	shalt  }
0x6d: {  	_ =	shalt  }
0x6e: {  	_ =	shalt  }
0x6f: {  	_ =	shalt  }
0x70: {  	_ =	shalt  }
0x71: {  	_ =	shalt  }
0x72: {  	_ =	shalt  }
0x73: {  	_ =	shalt  }
0x74: {  	_ =	shalt  }
0x75: {  	_ =	shalt  }
0x76: {  	_ =	shalt  }
0x77: {  	_ =	shalt  }
0x78: {  	_ =	shalt  }
0x79: {  	_ =	shalt  }
0x7a: {  	_ =	shalt  }
0x7b: {  	_ =	shalt  }
0x7c: {  	_ =	shalt  }
0x7d: {  	_ =	shalt  }
0x7e: {  	_ =	shalt  }
0x7f: {  	_ =	shalt  }
0x80: {  	_ =	shalt  }
0x81: {  	_ =	shalt  }
0x82: {  	_ =	shalt  }
0x83: {  	_ =	shalt  }
0x84: {  	_ =	shalt  }
0x85: {  	_ =	shalt  }
0x86: {  	_ =	shalt  }
0x87: {  	_ =	shalt  }
.Lfunc_end0:
.L_simem_size_0:
called_computation_lowered:
.L_overlay_start_0:
0x88: {  	s2 =	sld [smem:$0x3FD9]  }
0x89: {  	s3 =	sld [smem:$0x3FFE];
	_ =	sdelay $0x1  }
0x8a: {  	s1 =	srdreg.scid  }
0x8b: {  	s0 =	sand.u32 $0x1, s1  }
0x8c: {  	s16 =	sshll.u32 s0, $0xA;
	s2 =	sadd.s32 s3, s2  }
0x8d: {  	s2 =	sadd.s32 s2, s16  }
0x8e: {  	[smem:$0x3FC3] =	sst s2  }
0x8f: {  	_ = 	snop  }
0x90: {  	(tm) =	ssettm $0x1  }
0x91: {  	s17 =	sld [smem:$0x3FFB];
	_ =	sdelay $0x3  }
0x92: {  	_ =	strace s17  }
0x93: {  	s2 =	sld [smem:$0x3FFC];
	_ =	sdelay $0x3  }
0x94: {  	_ =	strace s2  }
0x95: {  	s2 =	sld [smem:$0x3FFD];
	_ =	sdelay $0x3  }
0x96: {  	_ =	strace s2  }
0x97: {  	_ =	strace $0x8FFFFFFF  }
0x98: {  	s18 =	sld [smem:$0x3FDB];
	_ =	sdelay $0x1  }
0x99: {  	s19 =	simm.s32 $_scs_section_size  }
0x9a: {  	s4 =	simm.s32 $_size__tile_overlayer_lowered;
	s5 =	simm.s32 $_tile_overlayer_lowered  }
0x9b: {  	s22 =	simm.s32 $0x1BFF;
	s21 =	sshll.u32 s5, $0x1;
	s2 =	sadd.s32 s19, s18  }
0x9c: {  	s6 =	simm.s32 $0x0;
	s20 =	sshll.u32 s4, $0x1;
	s4 =	sadd.s32 s21, s2  }
0x9d: {  	[timem:s6], [sflag:s22] =	dma.local [hbm:s4], s20  }
0x9e: {  	_ =	swait.ge [sflag:s22], s20  }
0x9f: {  	s3 =	ssub.s32 $0x0, s20;
	[sflag:s22] =	ssyncset.done $0x0  }
0xa0: {  	[sflag:s22] =	ssyncadd.s32 s3;
	_ =	sdelay $0x1  }
0xa1: {  	s23 =	simm.s32 $0x1B8B  }
0xa2: {  	_ =	swait.ge [sflag:s23], $0x1  }
0xa3: {  	[sflag:s23] =	ssyncset.done $0x0  }
0xa4: {  	s25 =	simm.s32 $0x1B8E;
	s24 =	sld [smem:$0x3FFE];
	[sflag:s23] =	ssyncadd.s32 $0xFFFFFFFF  }
0xa5: {  	s26 =	simm.s32 $execute0_lowered;
	[smem:$0x3FD2] =	sst s25  }
0xa6: {  	s4 =	sshll.u32 s26, $0x1;
	_ =	strace $0x80000046;
	[dreg:$0x1] =	wrdreg $0xFFFFFFFF  }
0xa7: {  	s28 =	simm.s32 $_size_execute0_lowered;
	s2 =	sadd.s32 s2, s4;
	[dreg:$0x0] =	wrdreg $0x0  }
0xa8: {  	s4 =	sshll.u32 s28, $0x1;
	[dreg:$0x2] =	wrdreg s2  }
0xa9: {  	[dreg:$0x3] =	wrdreg s4  }
0xaa: {  	[dreg:$0x4] =	wrdreg $0xC0  }
0xab: {  	_ =	task [dreg:s6], $0x5FFFF  }
0xac: {  	[dreg:$0x1] =	wrdreg $0xFFFFFFFF  }
0xad: {  	[dreg:$0x0] =	wrdreg $0x60  }
0xae: {  	[dreg:$0x2] =	wrdreg s24  }
0xaf: {  	[dreg:$0x3] =	wrdreg $0x9  }
0xb0: {  	_ =	task.clear_ibuf [dreg:s6], $0x4FFFF;
	_ =	strace $0x90000046  }
0xb1: {  	s29 =	simm.s32 $0x9;
	_ =	strace $0x80000048  }
0xb2: {  	_ =	swait.ge [sflag:s29], $0x1  }
0xb3: {  	[sflag:s29] =	ssyncadd.s32 $0xFFFFFFFF  }
0xb4: {  	_ =	strace $0x90000048  }
0xb5: {  	_ =	sfence  }
0xb6: {  	s30 =	sld [smem:$0x0];
	_ =	sdelay $0x2  }
0xb7: {  	s31 =	sshll.u32 s1, $0xD;
	s1 =	sshrl.u32 s1, $0x2  }
0xb8: {  	s3 =	sand.u32 $0x4000, s31;
	s1 =	sadd.s32 s1, s30  }
0xb9: {  	s0 =	sor.u32 s3, s0;
	s1 =	sshll.u32 s1, $0x11  }
0xba: {  	s0 =	sor.u32 s1, s0  }
0xbb: {  	s0 =	sadd.s32 $0x8F2B, s0  }
0xbc: {  	[sflag:s0] =	ssyncadd.remote.s32 $0x1  }
0xbd: {  	_ =	sfence.sel $0xFFFF  }
0xbe: {  	[dreg:$0x0] =	wrdreg $0xFFFFFFFF;
	(pc) =	sbr.abs _section_cstart, $3  }
0xbf: {  	[dreg:$0x1] =	wrdreg $0xFFFFFFFF  }
0xc0: {  	_ =	task.clear_ibuf [dreg:s6], $0x2FFFF;
	_ =	strace $0x9FFFFFFF  }
0xc1: {  	(tm) =	ssettm $0x7FFFFFFF  }
tec
execute0_lowered:
.L_overlay_start_1:
0x0: {  	(tag) =	ssettag $0x1  }
0x1: {  	v1 =	vlaneseq.u32  }
0x2: {  	v0 =	vmul.u32 $0x80, v1  }
0x3: {  	v1 =	vand.u32 $0x3, v1  }
0x4: {  	v1 =	vmul.u32 $0x80, v1;
	v2 =	vor.u32 $0x1, v0;
	v16 =	vor.u32 $0x807, v0  }
0x5: {  	v17 =	vor.u32 $0x1000, v0;
	v18 =	vor.u32 $0x1001, v0;
	v19 =	vor.u32 $0x1002, v0  }
0x6: {  	v20 =	vor.u32 $0x1003, v0;
	v21 =	vor.u32 $0x1004, v0;
	v22 =	vor.u32 $0x1005, v0  }
0x7: {  	v23 =	vor.u32 $0x1006, v0;
	v24 =	vor.u32 $0x1007, v0;
	v25 =	vor.u32 $0x1800, v0  }
0x8: {  	v26 =	vor.u32 $0x1801, v0;
	v27 =	vor.u32 $0x1802, v0;
	v28 =	vor.u32 $0x1803, v0  }
0x9: {  	v29 =	vor.u32 $0x1804, v0;
	v30 =	vor.u32 $0x1805, v0;
	v31 =	vor.u32 $0x1806, v0  }
0xa: {  	v32 =	vor.u32 $0x1807, v0;
	v33 =	vor.u32 $0x2000, v0;
	[tilespmem:$0x1FF20] =	vst v2;
	v2 =	vor.u32 $0x2, v0  }
0xb: {  	v34 =	vor.u32 $0x2001, v0;
	v35 =	vor.u32 $0x2002, v0;
	[tilespmem:$0x1FF30] =	vst v2;
	v2 =	vor.u32 $0x3, v0  }
0xc: {  	v36 =	vor.u32 $0x2003, v0;
	v37 =	vor.u32 $0x2004, v0;
	[tilespmem:$0x1FF40] =	vst v2;
	v2 =	vor.u32 $0x4, v0  }
0xd: {  	v38 =	vor.u32 $0x2005, v0;
	v39 =	vor.u32 $0x2006, v0;
	[tilespmem:$0x1FF50] =	vst v2;
	v2 =	vor.u32 $0x5, v0  }
0xe: {  	v40 =	vor.u32 $0x2007, v0;
	v41 =	vor.u32 $0x2800, v0;
	[tilespmem:$0x1FF60] =	vst v2;
	v2 =	vor.u32 $0x6, v0  }
0xf: {  	v42 =	vor.u32 $0x2801, v0;
	v43 =	vor.u32 $0x2802, v0;
	[tilespmem:$0x1FF70] =	vst v2;
	v2 =	vor.u32 $0x7, v0  }
0x10: {  	s4 =	rddreg [dreg:$0x0];
	v44 =	vor.u32 $0x2803, v0;
	v45 =	vor.u32 $0x2804, v0;
	[tilespmem:$0x1FF80] =	vst v2;
	v2 =	vor.u32 $0x800, v0  }
0x11: {  	s0 =	rddreg [dreg:$0x1];
	s3 =	srdreg.scid;
	v46 =	vor.u32 $0x2805, v0;
	v47 =	vor.u32 $0x2806, v0;
	[tilespmem:$0x1FF90] =	vst v2;
	v2 =	vor.u32 $0x801, v0  }
0x12: {  	s1 =	stileid.u32;
	s2 =	simm.s32 $0x0;
	s9 =	simm.s32 $0xC000;
	v48 =	vor.u32 $0x2807, v0;
	v49 =	vor.u32 $0x3000, v0;
	[tilespmem:$0x1FFA0] =	vst v2;
	v2 =	vor.u32 $0x802, v0  }
0x13: {  	s3 =	sand.u32 $0x1, s3;
	s5 =	sshll.u32 s1, $0x1;
	[smem:$0x7FF] =	sst s2;
	v50 =	vor.u32 $0x3001, v0;
	v51 =	vor.u32 $0x3002, v0;
	[tilespmem:$0x1FFB0] =	vst v2;
	v2 =	vor.u32 $0x803, v0  }
0x14: {  	s5 =	sor.u32 s3, s5;
	s7 =	ssub.s32 $0x2, s3;
	s3 =	sadd.s32 $0x21200, s4;
	v52 =	vor.u32 $0x3003, v0;
	v53 =	vor.u32 $0x3004, v0;
	[tilespmem:$0x1FFC0] =	vst v2;
	v2 =	vor.u32 $0x804, v0  }
0x15: {  	s6 =	sshll.u32 s5, $0xC;
	s5 =	sshll.u32 s5, $0x5;
	s8 =	sshrl.u32 s7, $0x1;
	v54 =	vor.u32 $0x3005, v0;
	v55 =	vor.u32 $0x3006, v0;
	[tilespmem:$0x1FFD0] =	vst v2;
	v2 =	vor.u32 $0x805, v0  }
0x16: {  	v56 =	vor.u32 $0x3007, v0;
	v57 =	vor.u32 $0x3800, v0;
	s6 =	sadd.s32 s6, s4;
	s5 =	sadd.s32 s5, s4;
	s7 =	ssub.s32 s7, s8;
	[tilespmem:$0x1FFE0] =	vst v2;
	v2 =	vor.u32 $0x806, v0  }
0x17: {  	v58 =	vor.u32 $0x3801, v0;
	v59 =	vor.u32 $0x3802, v0;
	s8 =	simm.s32 $0x8000;
	s4 =	sadd.s32 $0x1200, s6;
	s5 =	sadd.s32 $0x21A00, s5;
	[tilespmem:$0x1FFF0] =	vst v2  }
0x18: {  	v60 =	vor.u32 $0x3803, v0;
	v61 =	vor.u32 $0x3804, v0;
	v62 =	vor.u32 $0x3805, v0;
	s6 =	smax.u32 s7, $0x1;
	s7 =	simm.s32 $0x1;
	_ =	strace $0x80000047  }
.LBB2_1:
0x19: {  	[tilespmem:s2], [sflag:$0x1] =	stream.linear.gather [hbm4b:s4+s2], $0x8000, $0x38;
	[tilespmem:$0xC100] =	vst v63  }
0x1a: {  	_ =	swait.ge [sflag:s7], $0x8000  }
0x1b: {  	[sflag:s7] =	ssyncset.done $0x0  }
0x1c: {  	[sflag:s7] =	ssyncadd.s32 $0xFFFF8000  }
0x1d: {  	[tilespmem:s8], [sflag:$0x1] =	stream.linear.gather [hbm4b:s3+s2], $0x4000, $0x38;
	[tilespmem:$0xC100] =	vst v63  }
0x1e: {  	_ =	swait.ge [sflag:s7], $0x4000  }
0x1f: {  	[sflag:s7] =	ssyncset.done $0x0  }
0x20: {  	[sflag:s7] =	ssyncadd.s32 $0xFFFFC000  }
0x21: {  	v63 =	vld.idx.msk [tilespmem:v0+s2+$0x0], $0xffff;
	_ =	sdelay $0x4  }
0x22: {  	v2 =	vxor.u32 $0xFFFFFFFF, v63  }
0x23: {  	v2 =	vshll.u32 v2, $0x2  }
0x24: {  	v3 =	vandn.u32 $0x7F, v63;
	v2 =	vand.u32 $0x3E00, v2  }
0x25: {  	v2 =	vor.u32 v2, v3;
	v3 =	vld [tilespmem:$0x1FF20];
	_ =	sdelay $0x1  }
0x26: {  	v5 =	vld [tilespmem:$0x1FF30];
	_ =	sdelay $0x1  }
0x27: {  	v8 =	vld [tilespmem:$0x1FF50];
	_ =	sdelay $0x3  }
0x28: {  	v3 =	vld.idx.msk [tilespmem:v3+s2+$0x0], $0xffff  }
0x29: {  	v6 =	vld [tilespmem:$0x1FF40]  }
0x2a: {  	v5 =	vld.idx.msk [tilespmem:v5+s2+$0x0], $0xffff;
	_ =	sdelay $0x1  }
0x2b: {  	v12 =	vand.u32 $0xFFFFF000, v63;
	v63 =	vld.idx.msk [tilespmem:v8+s2+$0x0], $0xffff  }
0x2c: {  	v14 =	vld [tilespmem:$0x1FF60];
	v4 =	vxor.u32 $0xFFFFFFFF, v3  }
0x2d: {  	v2 =	vor.u32 v1, v2;
	v4 =	vshll.u32 v4, $0x2  }
0x2e: {  	v13 =	vxor.u32 $0xFFFFFFFF, v5;
	v7 =	vandn.u32 $0x7F, v3;
	v4 =	vand.u32 $0x3E00, v4  }
0x2f: {  	v11 =	vld [tilespmem:$0x1FF70];
	v4 =	vor.u32 v4, v7;
	v7 =	vshll.u32 v13, $0x2  }
0x30: {  	v6 =	vld.idx.msk [tilespmem:v6+s2+$0x0], $0xffff;
	v10 =	vandn.u32 $0x7F, v5;
	v13 =	vxor.u32 $0xFFFFFFFF, v63;
	v7 =	vand.u32 $0x3E00, v7  }
0x31: {  	v7 =	vor.u32 v7, v10;
	v10 =	vshll.u32 v13, $0x2;
	v13 =	vld [tilespmem:$0x1FF80];
	_ =	sdelay $0x1  }
0x32: {  	v2 =	vld.idx.msk [tilespmem:v2+s8+$0x0], $0xffff;
	v4 =	vor.u32 v1, v4  }
0x33: {  	v8 =	vld.idx.msk [tilespmem:v14+s2+$0x0], $0xffff  }
0x34: {  	v9 =	vxor.u32 $0xFFFFFFFF, v6  }
0x35: {  	v9 =	vshll.u32 v9, $0x2  }
0x36: {  	v11 =	vld.idx.msk [tilespmem:v11+s2+$0x0], $0xffff;
	v14 =	vandn.u32 $0x7F, v63;
	v9 =	vand.u32 $0x3E00, v9  }
0x37: {  	v2 =	vmul.f32 v12, v2;
	v12 =	vandn.u32 $0x7F, v6;
	v7 =	vor.u32 v1, v7;
	v4 =	vld.idx.msk [tilespmem:v4+s8+$0x0], $0xffff  }
0x38: {  	v9 =	vor.u32 v9, v12;
	v12 =	vxor.u32 $0xFFFFFFFF, v8;
	v3 =	vand.u32 $0xFFFFF000, v3;
	v13 =	vld.idx.msk [tilespmem:v13+s2+$0x0], $0xffff  }
0x39: {  	v9 =	vor.u32 v1, v9;
	v12 =	vshll.u32 v12, $0x2;
	v10 =	vand.u32 $0x3E00, v10  }
0x3a: {  	v12 =	vand.u32 $0x3E00, v12;
	v10 =	vor.u32 v10, v14;
	v14 =	vandn.u32 $0x7F, v8  }
0x3b: {  	v10 =	vor.u32 v1, v10;
	v12 =	vor.u32 v12, v14;
	v14 =	vxor.u32 $0xFFFFFFFF, v11  }
0x3c: {  	v3 =	vmul.f32 v3, v4;
	v4 =	vld.idx.msk [tilespmem:v7+s8+$0x0], $0xffff;
	v7 =	vor.u32 v1, v12;
	v12 =	vshll.u32 v14, $0x2  }
0x3d: {  	v14 =	vandn.u32 $0x7F, v11;
	v12 =	vand.u32 $0x3E00, v12;
	v15 =	vxor.u32 $0xFFFFFFFF, v13  }
0x3e: {  	v2 =	vadd.f32 $0.0e+00, v2;
	v9 =	vld.idx.msk [tilespmem:v9+s8+$0x0], $0xffff;
	v12 =	vor.u32 v12, v14;
	v14 =	vshll.u32 v15, $0x2  }
0x3f: {  	v12 =	vor.u32 v1, v12;
	v15 =	vandn.u32 $0x7F, v13;
	v14 =	vand.u32 $0x3E00, v14  }
0x40: {  	v5 =	vand.u32 $0xFFFFF000, v5;
	v10 =	vld.idx.msk [tilespmem:v10+s8+$0x0], $0xffff;
	v14 =	vor.u32 v14, v15  }
0x41: {  	v2 =	vadd.f32 v3, v2;
	v3 =	vmul.f32 v5, v4;
	v4 =	vor.u32 v1, v14  }
0x42: {  	v14 =	vand.u32 $0xFFFFF000, v6;
	v6 =	vld.idx.msk [tilespmem:v7+s8+$0x0], $0xffff  }
0x43: {  	v2 =	vadd.f32 v3, v2;
	v3 =	vmul.f32 v14, v9  }
0x44: {  	v12 =	vld.idx.msk [tilespmem:v12+s8+$0x0], $0xffff;
	v9 =	vand.u32 $0xFFFFF000, v63  }
0x45: {  	v2 =	vadd.f32 v3, v2;
	v3 =	vmul.f32 v9, v10  }
0x46: {  	v14 =	vand.u32 $0xFFFFF000, v8;
	v4 =	vld.idx.msk [tilespmem:v4+s8+$0x0], $0xffff  }
0x47: {  	v2 =	vadd.f32 v3, v2;
	v3 =	vmul.f32 v14, v6  }
0x48: {  	v63 =	vand.u32 $0xFFFFF000, v11  }
0x49: {  	v2 =	vadd.f32 v3, v2;
	v3 =	vmul.f32 v63, v12  }
0x4a: {  	v8 =	vand.u32 $0xFFFFF000, v13  }
0x4b: {  	v2 =	vadd.f32 v3, v2;
	v3 =	vmul.f32 v8, v4;
	_ =	sdelay $0x1  }
0x4c: {  	v2 =	vadd.f32 v3, v2;
	_ =	sdelay $0x1  }
0x4d: {  	v2 =	vmul.f32 $1.250000000e-01, v2;
	_ =	sdelay $0x1  }
0x4e: {  	[tilespmem:$0xC000] =	vst v2;
	v2 =	vld [tilespmem:$0x1FF90];
	_ =	sdelay $0x7  }
0x4f: {  	v2 =	vld.idx.msk [tilespmem:v2+s2+$0x0], $0xffff  }
0x50: {  	v10 =	vld [tilespmem:$0x1FFA0]  }
0x51: {  	v12 =	vld [tilespmem:$0x1FFB0];
	_ =	sdelay $0x1  }
0x52: {  	v63 =	vld [tilespmem:$0x1FFD0]  }
0x53: {  	v3 =	vxor.u32 $0xFFFFFFFF, v2  }
0x54: {  	v3 =	vshll.u32 v3, $0x2  }
0x55: {  	v13 =	vld [tilespmem:$0x1FFC0];
	v9 =	vandn.u32 $0x7F, v2;
	v3 =	vand.u32 $0x3E00, v3  }
0x56: {  	v3 =	vor.u32 v3, v9  }
0x57: {  	v4 =	vld.idx.msk [tilespmem:v10+s2+$0x0], $0xffff;
	v3 =	vor.u32 v1, v3  }
0x58: {  	v6 =	vld.idx.msk [tilespmem:v12+s2+$0x0], $0xffff  }
0x59: {  	v12 =	vld [tilespmem:$0x1FFE0]  }
0x5a: {  	v8 =	vld.idx.msk [tilespmem:v63+s2+$0x0], $0xffff  }
0x5b: {  	v63 =	vld [tilespmem:$0x1FFF0]  }
0x5c: {  	v11 =	vxor.u32 $0xFFFFFFFF, v4;
	v3 =	vld.idx.msk [tilespmem:v3+s8+$0x0], $0xffff  }
0x5d: {  	v7 =	vld.idx.msk [tilespmem:v13+s2+$0x0], $0xffff;
	v5 =	vshll.u32 v11, $0x2  }
0x5e: {  	v14 =	vandn.u32 $0x7F, v4;
	v5 =	vand.u32 $0x3E00, v5  }
0x5f: {  	v5 =	vor.u32 v5, v14  }
0x60: {  	v5 =	vor.u32 v1, v5;
	v2 =	vand.u32 $0xFFFFF000, v2  }
0x61: {  	v9 =	vld.idx.msk [tilespmem:v12+s2+$0x0], $0xffff;
	v2 =	vmul.f32 v2, v3;
	v3 =	vxor.u32 $0xFFFFFFFF, v6  }
0x62: {  	v4 =	vand.u32 $0xFFFFF000, v4;
	v13 =	vxor.u32 $0xFFFFFFFF, v7;
	v3 =	vshll.u32 v3, $0x2  }
0x63: {  	v15 =	vandn.u32 $0x7F, v8;
	v14 =	vandn.u32 $0x7F, v6;
	v3 =	vand.u32 $0x3E00, v3  }
0x64: {  	v10 =	vshll.u32 v13, $0x2;
	v11 =	vandn.u32 $0x7F, v7;
	v12 =	vld.idx.msk [tilespmem:v63+s2+$0x0], $0xffff;
	v3 =	vor.u32 v3, v14  }
0x65: {  	v10 =	vand.u32 $0x3E00, v10;
	v5 =	vld.idx.msk [tilespmem:v5+s8+$0x0], $0xffff;
	v14 =	vxor.u32 $0xFFFFFFFF, v8;
	v3 =	vor.u32 v1, v3  }
0x66: {  	v10 =	vor.u32 v10, v11;
	v63 =	vxor.u32 $0xFFFFFFFF, v9;
	v11 =	vshll.u32 v14, $0x2;
	v14 =	vld.idx.msk [tilespmem:v16+s2+$0x0], $0xffff  }
0x67: {  	v10 =	vor.u32 v1, v10;
	v13 =	vshll.u32 v63, $0x2;
	v11 =	vand.u32 $0x3E00, v11  }
0x68: {  	v13 =	vand.u32 $0x3E00, v13;
	v11 =	vor.u32 v11, v15;
	v15 =	vandn.u32 $0x7F, v9  }
0x69: {  	v11 =	vor.u32 v1, v11;
	v13 =	vor.u32 v13, v15;
	v15 =	vxor.u32 $0xFFFFFFFF, v12  }
0x6a: {  	v4 =	vmul.f32 v4, v5;
	v5 =	vor.u32 v1, v13;
	v63 =	vshll.u32 v15, $0x2;
	v3 =	vld.idx.msk [tilespmem:v3+s8+$0x0], $0xffff  }
0x6b: {  	v15 =	vandn.u32 $0x7F, v12;
	v13 =	vand.u32 $0x3E00, v63;
	v63 =	vxor.u32 $0xFFFFFFFF, v14  }
0x6c: {  	v10 =	vld.idx.msk [tilespmem:v10+s8+$0x0], $0xffff;
	v2 =	vadd.f32 $0.0e+00, v2;
	v13 =	vor.u32 v13, v15;
	v15 =	vshll.u32 v63, $0x2  }
0x6d: {  	v63 =	vandn.u32 $0x7F, v14;
	v13 =	vor.u32 v1, v13;
	v15 =	vand.u32 $0x3E00, v15  }
0x6e: {  	v6 =	vand.u32 $0xFFFFF000, v6;
	v11 =	vld.idx.msk [tilespmem:v11+s8+$0x0], $0xffff;
	v15 =	vor.u32 v15, v63  }
0x6f: {  	v2 =	vadd.f32 v4, v2;
	v4 =	vor.u32 v1, v15;
	v3 =	vmul.f32 v6, v3  }
0x70: {  	v63 =	vand.u32 $0xFFFFF000, v7;
	v5 =	vld.idx.msk [tilespmem:v5+s8+$0x0], $0xffff  }
0x71: {  	v2 =	vadd.f32 v3, v2;
	v3 =	vmul.f32 v63, v10  }
0x72: {  	v63 =	vand.u32 $0xFFFFF000, v8;
	v10 =	vld.idx.msk [tilespmem:v13+s8+$0x0], $0xffff  }
0x73: {  	v2 =	vadd.f32 v3, v2;
	v3 =	vmul.f32 v63, v11  }
0x74: {  	v11 =	vand.u32 $0xFFFFF000, v9;
	v4 =	vld.idx.msk [tilespmem:v4+s8+$0x0], $0xffff  }
0x75: {  	v2 =	vadd.f32 v3, v2;
	v3 =	vmul.f32 v11, v5  }
0x76: {  	v12 =	vand.u32 $0xFFFFF000, v12  }
0x77: {  	v2 =	vadd.f32 v3, v2;
	v3 =	vmul.f32 v12, v10  }
0x78: {  	v13 =	vand.u32 $0xFFFFF000, v14  }
0x79: {  	v2 =	vadd.f32 v3, v2;
	v3 =	vmul.f32 v13, v4;
	_ =	sdelay $0x1  }
0x7a: {  	v2 =	vadd.f32 v3, v2;
	_ =	sdelay $0x1  }
0x7b: {  	v2 =	vmul.f32 $1.250000000e-01, v2;
	_ =	sdelay $0x1  }
0x7c: {  	[tilespmem:$0xC010] =	vst v2  }
0x7d: {  	v2 =	vld.idx.msk [tilespmem:v17+s2+$0x0], $0xffff;
	_ =	sdelay $0x4  }
0x7e: {  	v3 =	vxor.u32 $0xFFFFFFFF, v2  }
0x7f: {  	v3 =	vshll.u32 v3, $0x2  }
0x80: {  	v14 =	vandn.u32 $0x7F, v2;
	v3 =	vand.u32 $0x3E00, v3  }
0x81: {  	v3 =	vor.u32 v3, v14  }
0x82: {  	v63 =	vld.idx.msk [tilespmem:v18+s2+$0x0], $0xffff;
	v3 =	vor.u32 v1, v3;
	_ =	sdelay $0x3  }
0x83: {  	v6 =	vld.idx.msk [tilespmem:v19+s2+$0x0], $0xffff  }
0x84: {  	v11 =	vxor.u32 $0xFFFFFFFF, v63;
	v3 =	vld.idx.msk [tilespmem:v3+s8+$0x0], $0xffff  }
0x85: {  	v7 =	vld.idx.msk [tilespmem:v20+s2+$0x0], $0xffff;
	v5 =	vshll.u32 v11, $0x2  }
0x86: {  	v12 =	vandn.u32 $0x7F, v63;
	v5 =	vand.u32 $0x3E00, v5  }
0x87: {  	v8 =	vld.idx.msk [tilespmem:v21+s2+$0x0], $0xffff;
	v5 =	vor.u32 v5, v12  }
0x88: {  	v2 =	vand.u32 $0xFFFFF000, v2;
	v5 =	vor.u32 v1, v5  }
0x89: {  	v9 =	vld.idx.msk [tilespmem:v22+s2+$0x0], $0xffff;
	v2 =	vmul.f32 v2, v3;
	v3 =	vxor.u32 $0xFFFFFFFF, v6  }
0x8a: {  	v4 =	vand.u32 $0xFFFFF000, v63;
	v13 =	vxor.u32 $0xFFFFFFFF, v7;
	v3 =	vshll.u32 v3, $0x2  }
0x8b: {  	v63 =	vandn.u32 $0x7F, v7;
	v14 =	vandn.u32 $0x7F, v6;
	v3 =	vand.u32 $0x3E00, v3  }
0x8c: {  	v15 =	vandn.u32 $0x7F, v8;
	v10 =	vshll.u32 v13, $0x2;
	v12 =	vld.idx.msk [tilespmem:v23+s2+$0x0], $0xffff;
	v3 =	vor.u32 v3, v14  }
0x8d: {  	v10 =	vand.u32 $0x3E00, v10;
	v5 =	vld.idx.msk [tilespmem:v5+s8+$0x0], $0xffff;
	v14 =	vxor.u32 $0xFFFFFFFF, v8;
	v3 =	vor.u32 v1, v3  }
0x8e: {  	v10 =	vor.u32 v10, v63;
	v63 =	vxor.u32 $0xFFFFFFFF, v9;
	v11 =	vshll.u32 v14, $0x2;
	v14 =	vld.idx.msk [tilespmem:v24+s2+$0x0], $0xffff  }
0x8f: {  	v10 =	vor.u32 v1, v10;
	v13 =	vshll.u32 v63, $0x2;
	v11 =	vand.u32 $0x3E00, v11  }
0x90: {  	v13 =	vand.u32 $0x3E00, v13;
	v11 =	vor.u32 v11, v15;
	v15 =	vandn.u32 $0x7F, v9  }
0x91: {  	v11 =	vor.u32 v1, v11;
	v13 =	vor.u32 v13, v15;
	v15 =	vxor.u32 $0xFFFFFFFF, v12  }
0x92: {  	v4 =	vmul.f32 v4, v5;
	v5 =	vor.u32 v1, v13;
	v63 =	vshll.u32 v15, $0x2;
	v3 =	vld.idx.msk [tilespmem:v3+s8+$0x0], $0xffff  }
0x93: {  	v15 =	vandn.u32 $0x7F, v12;
	v13 =	vand.u32 $0x3E00, v63;
	v63 =	vxor.u32 $0xFFFFFFFF, v14  }
0x94: {  	v10 =	vld.idx.msk [tilespmem:v10+s8+$0x0], $0xffff;
	v2 =	vadd.f32 $0.0e+00, v2;
	v13 =	vor.u32 v13, v15;
	v15 =	vshll.u32 v63, $0x2  }
0x95: {  	v63 =	vandn.u32 $0x7F, v14;
	v13 =	vor.u32 v1, v13;
	v15 =	vand.u32 $0x3E00, v15  }
0x96: {  	v6 =	vand.u32 $0xFFFFF000, v6;
	v11 =	vld.idx.msk [tilespmem:v11+s8+$0x0], $0xffff;
	v15 =	vor.u32 v15, v63  }
0x97: {  	v2 =	vadd.f32 v4, v2;
	v4 =	vor.u32 v1, v15;
	v3 =	vmul.f32 v6, v3  }
0x98: {  	v63 =	vand.u32 $0xFFFFF000, v7;
	v5 =	vld.idx.msk [tilespmem:v5+s8+$0x0], $0xffff  }
0x99: {  	v2 =	vadd.f32 v3, v2;
	v3 =	vmul.f32 v63, v10  }
0x9a: {  	v63 =	vand.u32 $0xFFFFF000, v8;
	v10 =	vld.idx.msk [tilespmem:v13+s8+$0x0], $0xffff  }
0x9b: {  	v2 =	vadd.f32 v3, v2;
	v3 =	vmul.f32 v63, v11  }
0x9c: {  	v11 =	vand.u32 $0xFFFFF000, v9;
	v4 =	vld.idx.msk [tilespmem:v4+s8+$0x0], $0xffff  }
0x9d: {  	v2 =	vadd.f32 v3, v2;
	v3 =	vmul.f32 v11, v5  }
0x9e: {  	v12 =	vand.u32 $0xFFFFF000, v12  }
0x9f: {  	v2 =	vadd.f32 v3, v2;
	v3 =	vmul.f32 v12, v10  }
0xa0: {  	v13 =	vand.u32 $0xFFFFF000, v14  }
0xa1: {  	v2 =	vadd.f32 v3, v2;
	v3 =	vmul.f32 v13, v4;
	_ =	sdelay $0x1  }
0xa2: {  	v2 =	vadd.f32 v3, v2;
	_ =	sdelay $0x1  }
0xa3: {  	v2 =	vmul.f32 $1.250000000e-01, v2;
	_ =	sdelay $0x1  }
0xa4: {  	[tilespmem:$0xC020] =	vst v2  }
0xa5: {  	v2 =	vld.idx.msk [tilespmem:v25+s2+$0x0], $0xffff;
	_ =	sdelay $0x4  }
0xa6: {  	v3 =	vxor.u32 $0xFFFFFFFF, v2  }
0xa7: {  	v3 =	vshll.u32 v3, $0x2  }
0xa8: {  	v14 =	vandn.u32 $0x7F, v2;
	v3 =	vand.u32 $0x3E00, v3  }
0xa9: {  	v3 =	vor.u32 v3, v14  }
0xaa: {  	v63 =	vld.idx.msk [tilespmem:v26+s2+$0x0], $0xffff;
	v3 =	vor.u32 v1, v3;
	_ =	sdelay $0x3  }
0xab: {  	v6 =	vld.idx.msk [tilespmem:v27+s2+$0x0], $0xffff  }
0xac: {  	v11 =	vxor.u32 $0xFFFFFFFF, v63;
	v3 =	vld.idx.msk [tilespmem:v3+s8+$0x0], $0xffff  }
0xad: {  	v7 =	vld.idx.msk [tilespmem:v28+s2+$0x0], $0xffff;
	v5 =	vshll.u32 v11, $0x2  }
0xae: {  	v12 =	vandn.u32 $0x7F, v63;
	v5 =	vand.u32 $0x3E00, v5  }
0xaf: {  	v8 =	vld.idx.msk [tilespmem:v29+s2+$0x0], $0xffff;
	v5 =	vor.u32 v5, v12  }
0xb0: {  	v2 =	vand.u32 $0xFFFFF000, v2;
	v5 =	vor.u32 v1, v5  }
0xb1: {  	v9 =	vld.idx.msk [tilespmem:v30+s2+$0x0], $0xffff;
	v2 =	vmul.f32 v2, v3;
	v3 =	vxor.u32 $0xFFFFFFFF, v6  }
0xb2: {  	v4 =	vand.u32 $0xFFFFF000, v63;
	v13 =	vxor.u32 $0xFFFFFFFF, v7;
	v3 =	vshll.u32 v3, $0x2  }
0xb3: {  	v63 =	vandn.u32 $0x7F, v7;
	v14 =	vandn.u32 $0x7F, v6;
	v3 =	vand.u32 $0x3E00, v3  }
0xb4: {  	v15 =	vandn.u32 $0x7F, v8;
	v10 =	vshll.u32 v13, $0x2;
	v12 =	vld.idx.msk [tilespmem:v31+s2+$0x0], $0xffff;
	v3 =	vor.u32 v3, v14  }
0xb5: {  	v10 =	vand.u32 $0x3E00, v10;
	v5 =	vld.idx.msk [tilespmem:v5+s8+$0x0], $0xffff;
	v14 =	vxor.u32 $0xFFFFFFFF, v8;
	v3 =	vor.u32 v1, v3  }
0xb6: {  	v10 =	vor.u32 v10, v63;
	v63 =	vxor.u32 $0xFFFFFFFF, v9;
	v11 =	vshll.u32 v14, $0x2;
	v14 =	vld.idx.msk [tilespmem:v32+s2+$0x0], $0xffff  }
0xb7: {  	v10 =	vor.u32 v1, v10;
	v13 =	vshll.u32 v63, $0x2;
	v11 =	vand.u32 $0x3E00, v11  }
0xb8: {  	v13 =	vand.u32 $0x3E00, v13;
	v11 =	vor.u32 v11, v15;
	v15 =	vandn.u32 $0x7F, v9  }
0xb9: {  	v11 =	vor.u32 v1, v11;
	v13 =	vor.u32 v13, v15;
	v15 =	vxor.u32 $0xFFFFFFFF, v12  }
0xba: {  	v4 =	vmul.f32 v4, v5;
	v5 =	vor.u32 v1, v13;
	v63 =	vshll.u32 v15, $0x2;
	v3 =	vld.idx.msk [tilespmem:v3+s8+$0x0], $0xffff  }
0xbb: {  	v15 =	vandn.u32 $0x7F, v12;
	v13 =	vand.u32 $0x3E00, v63;
	v63 =	vxor.u32 $0xFFFFFFFF, v14  }
0xbc: {  	v10 =	vld.idx.msk [tilespmem:v10+s8+$0x0], $0xffff;
	v2 =	vadd.f32 $0.0e+00, v2;
	v13 =	vor.u32 v13, v15;
	v15 =	vshll.u32 v63, $0x2  }
0xbd: {  	v63 =	vandn.u32 $0x7F, v14;
	v13 =	vor.u32 v1, v13;
	v15 =	vand.u32 $0x3E00, v15  }
0xbe: {  	v6 =	vand.u32 $0xFFFFF000, v6;
	v11 =	vld.idx.msk [tilespmem:v11+s8+$0x0], $0xffff;
	v15 =	vor.u32 v15, v63  }
0xbf: {  	v2 =	vadd.f32 v4, v2;
	v4 =	vor.u32 v1, v15;
	v3 =	vmul.f32 v6, v3  }
0xc0: {  	v63 =	vand.u32 $0xFFFFF000, v7;
	v5 =	vld.idx.msk [tilespmem:v5+s8+$0x0], $0xffff  }
0xc1: {  	v2 =	vadd.f32 v3, v2;
	v3 =	vmul.f32 v63, v10  }
0xc2: {  	v63 =	vand.u32 $0xFFFFF000, v8;
	v10 =	vld.idx.msk [tilespmem:v13+s8+$0x0], $0xffff  }
0xc3: {  	v2 =	vadd.f32 v3, v2;
	v3 =	vmul.f32 v63, v11  }
0xc4: {  	v11 =	vand.u32 $0xFFFFF000, v9;
	v4 =	vld.idx.msk [tilespmem:v4+s8+$0x0], $0xffff  }
0xc5: {  	v2 =	vadd.f32 v3, v2;
	v3 =	vmul.f32 v11, v5  }
0xc6: {  	v12 =	vand.u32 $0xFFFFF000, v12  }
0xc7: {  	v2 =	vadd.f32 v3, v2;
	v3 =	vmul.f32 v12, v10  }
0xc8: {  	v13 =	vand.u32 $0xFFFFF000, v14  }
0xc9: {  	v2 =	vadd.f32 v3, v2;
	v3 =	vmul.f32 v13, v4;
	_ =	sdelay $0x1  }
0xca: {  	v2 =	vadd.f32 v3, v2;
	_ =	sdelay $0x1  }
0xcb: {  	v2 =	vmul.f32 $1.250000000e-01, v2;
	_ =	sdelay $0x1  }
0xcc: {  	[tilespmem:$0xC030] =	vst v2  }
0xcd: {  	v2 =	vld.idx.msk [tilespmem:v33+s2+$0x0], $0xffff;
	_ =	sdelay $0x4  }
0xce: {  	v3 =	vxor.u32 $0xFFFFFFFF, v2  }
0xcf: {  	v3 =	vshll.u32 v3, $0x2  }
0xd0: {  	v14 =	vandn.u32 $0x7F, v2;
	v3 =	vand.u32 $0x3E00, v3  }
0xd1: {  	v3 =	vor.u32 v3, v14  }
0xd2: {  	v63 =	vld.idx.msk [tilespmem:v34+s2+$0x0], $0xffff;
	v3 =	vor.u32 v1, v3;
	_ =	sdelay $0x3  }
0xd3: {  	v6 =	vld.idx.msk [tilespmem:v35+s2+$0x0], $0xffff  }
0xd4: {  	v11 =	vxor.u32 $0xFFFFFFFF, v63;
	v3 =	vld.idx.msk [tilespmem:v3+s8+$0x0], $0xffff  }
0xd5: {  	v7 =	vld.idx.msk [tilespmem:v36+s2+$0x0], $0xffff;
	v5 =	vshll.u32 v11, $0x2  }
0xd6: {  	v12 =	vandn.u32 $0x7F, v63;
	v5 =	vand.u32 $0x3E00, v5  }
0xd7: {  	v8 =	vld.idx.msk [tilespmem:v37+s2+$0x0], $0xffff;
	v5 =	vor.u32 v5, v12  }
0xd8: {  	v2 =	vand.u32 $0xFFFFF000, v2;
	v5 =	vor.u32 v1, v5  }
0xd9: {  	v9 =	vld.idx.msk [tilespmem:v38+s2+$0x0], $0xffff;
	v2 =	vmul.f32 v2, v3;
	v3 =	vxor.u32 $0xFFFFFFFF, v6  }
0xda: {  	v4 =	vand.u32 $0xFFFFF000, v63;
	v13 =	vxor.u32 $0xFFFFFFFF, v7;
	v3 =	vshll.u32 v3, $0x2  }
0xdb: {  	v63 =	vandn.u32 $0x7F, v7;
	v14 =	vandn.u32 $0x7F, v6;
	v3 =	vand.u32 $0x3E00, v3  }
0xdc: {  	v15 =	vandn.u32 $0x7F, v8;
	v10 =	vshll.u32 v13, $0x2;
	v12 =	vld.idx.msk [tilespmem:v39+s2+$0x0], $0xffff;
	v3 =	vor.u32 v3, v14  }
0xdd: {  	v10 =	vand.u32 $0x3E00, v10;
	v5 =	vld.idx.msk [tilespmem:v5+s8+$0x0], $0xffff;
	v14 =	vxor.u32 $0xFFFFFFFF, v8;
	v3 =	vor.u32 v1, v3  }
0xde: {  	v10 =	vor.u32 v10, v63;
	v63 =	vxor.u32 $0xFFFFFFFF, v9;
	v11 =	vshll.u32 v14, $0x2;
	v14 =	vld.idx.msk [tilespmem:v40+s2+$0x0], $0xffff  }
0xdf: {  	v10 =	vor.u32 v1, v10;
	v13 =	vshll.u32 v63, $0x2;
	v11 =	vand.u32 $0x3E00, v11  }
0xe0: {  	v13 =	vand.u32 $0x3E00, v13;
	v11 =	vor.u32 v11, v15;
	v15 =	vandn.u32 $0x7F, v9  }
0xe1: {  	v11 =	vor.u32 v1, v11;
	v13 =	vor.u32 v13, v15;
	v15 =	vxor.u32 $0xFFFFFFFF, v12  }
0xe2: {  	v4 =	vmul.f32 v4, v5;
	v5 =	vor.u32 v1, v13;
	v63 =	vshll.u32 v15, $0x2;
	v3 =	vld.idx.msk [tilespmem:v3+s8+$0x0], $0xffff  }
0xe3: {  	v15 =	vandn.u32 $0x7F, v12;
	v13 =	vand.u32 $0x3E00, v63;
	v63 =	vxor.u32 $0xFFFFFFFF, v14  }
0xe4: {  	v10 =	vld.idx.msk [tilespmem:v10+s8+$0x0], $0xffff;
	v2 =	vadd.f32 $0.0e+00, v2;
	v13 =	vor.u32 v13, v15;
	v15 =	vshll.u32 v63, $0x2  }
0xe5: {  	v63 =	vandn.u32 $0x7F, v14;
	v13 =	vor.u32 v1, v13;
	v15 =	vand.u32 $0x3E00, v15  }
0xe6: {  	v6 =	vand.u32 $0xFFFFF000, v6;
	v11 =	vld.idx.msk [tilespmem:v11+s8+$0x0], $0xffff;
	v15 =	vor.u32 v15, v63  }
0xe7: {  	v2 =	vadd.f32 v4, v2;
	v4 =	vor.u32 v1, v15;
	v3 =	vmul.f32 v6, v3  }
0xe8: {  	v63 =	vand.u32 $0xFFFFF000, v7;
	v5 =	vld.idx.msk [tilespmem:v5+s8+$0x0], $0xffff  }
0xe9: {  	v2 =	vadd.f32 v3, v2;
	v3 =	vmul.f32 v63, v10  }
0xea: {  	v63 =	vand.u32 $0xFFFFF000, v8;
	v10 =	vld.idx.msk [tilespmem:v13+s8+$0x0], $0xffff  }
0xeb: {  	v2 =	vadd.f32 v3, v2;
	v3 =	vmul.f32 v63, v11  }
0xec: {  	v11 =	vand.u32 $0xFFFFF000, v9;
	v4 =	vld.idx.msk [tilespmem:v4+s8+$0x0], $0xffff  }
0xed: {  	v2 =	vadd.f32 v3, v2;
	v3 =	vmul.f32 v11, v5  }
0xee: {  	v12 =	vand.u32 $0xFFFFF000, v12  }
0xef: {  	v2 =	vadd.f32 v3, v2;
	v3 =	vmul.f32 v12, v10  }
0xf0: {  	v13 =	vand.u32 $0xFFFFF000, v14  }
0xf1: {  	v2 =	vadd.f32 v3, v2;
	v3 =	vmul.f32 v13, v4;
	_ =	sdelay $0x1  }
0xf2: {  	v2 =	vadd.f32 v3, v2;
	_ =	sdelay $0x1  }
0xf3: {  	v2 =	vmul.f32 $1.250000000e-01, v2;
	_ =	sdelay $0x1  }
0xf4: {  	[tilespmem:$0xC040] =	vst v2  }
0xf5: {  	v2 =	vld.idx.msk [tilespmem:v41+s2+$0x0], $0xffff;
	_ =	sdelay $0x4  }
0xf6: {  	v3 =	vxor.u32 $0xFFFFFFFF, v2  }
0xf7: {  	v3 =	vshll.u32 v3, $0x2  }
0xf8: {  	v14 =	vandn.u32 $0x7F, v2;
	v3 =	vand.u32 $0x3E00, v3  }
0xf9: {  	v3 =	vor.u32 v3, v14  }
0xfa: {  	v63 =	vld.idx.msk [tilespmem:v42+s2+$0x0], $0xffff;
	v3 =	vor.u32 v1, v3;
	_ =	sdelay $0x3  }
0xfb: {  	v6 =	vld.idx.msk [tilespmem:v43+s2+$0x0], $0xffff  }
0xfc: {  	v11 =	vxor.u32 $0xFFFFFFFF, v63;
	v3 =	vld.idx.msk [tilespmem:v3+s8+$0x0], $0xffff  }
0xfd: {  	v7 =	vld.idx.msk [tilespmem:v44+s2+$0x0], $0xffff;
	v5 =	vshll.u32 v11, $0x2  }
0xfe: {  	v12 =	vandn.u32 $0x7F, v63;
	v5 =	vand.u32 $0x3E00, v5  }
0xff: {  	v8 =	vld.idx.msk [tilespmem:v45+s2+$0x0], $0xffff;
	v5 =	vor.u32 v5, v12  }
0x100: {  	v2 =	vand.u32 $0xFFFFF000, v2;
	v5 =	vor.u32 v1, v5  }
0x101: {  	v9 =	vld.idx.msk [tilespmem:v46+s2+$0x0], $0xffff;
	v2 =	vmul.f32 v2, v3;
	v3 =	vxor.u32 $0xFFFFFFFF, v6  }
0x102: {  	v4 =	vand.u32 $0xFFFFF000, v63;
	v13 =	vxor.u32 $0xFFFFFFFF, v7;
	v3 =	vshll.u32 v3, $0x2  }
0x103: {  	v63 =	vandn.u32 $0x7F, v7;
	v14 =	vandn.u32 $0x7F, v6;
	v3 =	vand.u32 $0x3E00, v3  }
0x104: {  	v15 =	vandn.u32 $0x7F, v8;
	v10 =	vshll.u32 v13, $0x2;
	v12 =	vld.idx.msk [tilespmem:v47+s2+$0x0], $0xffff;
	v3 =	vor.u32 v3, v14  }
0x105: {  	v10 =	vand.u32 $0x3E00, v10;
	v5 =	vld.idx.msk [tilespmem:v5+s8+$0x0], $0xffff;
	v14 =	vxor.u32 $0xFFFFFFFF, v8;
	v3 =	vor.u32 v1, v3  }
0x106: {  	v10 =	vor.u32 v10, v63;
	v63 =	vxor.u32 $0xFFFFFFFF, v9;
	v11 =	vshll.u32 v14, $0x2;
	v14 =	vld.idx.msk [tilespmem:v48+s2+$0x0], $0xffff  }
0x107: {  	v10 =	vor.u32 v1, v10;
	v13 =	vshll.u32 v63, $0x2;
	v11 =	vand.u32 $0x3E00, v11  }
0x108: {  	v13 =	vand.u32 $0x3E00, v13;
	v11 =	vor.u32 v11, v15;
	v15 =	vandn.u32 $0x7F, v9  }
0x109: {  	v11 =	vor.u32 v1, v11;
	v13 =	vor.u32 v13, v15;
	v15 =	vxor.u32 $0xFFFFFFFF, v12  }
0x10a: {  	v4 =	vmul.f32 v4, v5;
	v5 =	vor.u32 v1, v13;
	v63 =	vshll.u32 v15, $0x2;
	v3 =	vld.idx.msk [tilespmem:v3+s8+$0x0], $0xffff  }
0x10b: {  	v15 =	vandn.u32 $0x7F, v12;
	v13 =	vand.u32 $0x3E00, v63;
	v63 =	vxor.u32 $0xFFFFFFFF, v14  }
0x10c: {  	v10 =	vld.idx.msk [tilespmem:v10+s8+$0x0], $0xffff;
	v2 =	vadd.f32 $0.0e+00, v2;
	v13 =	vor.u32 v13, v15;
	v15 =	vshll.u32 v63, $0x2  }
0x10d: {  	v63 =	vandn.u32 $0x7F, v14;
	v13 =	vor.u32 v1, v13;
	v15 =	vand.u32 $0x3E00, v15  }
0x10e: {  	v6 =	vand.u32 $0xFFFFF000, v6;
	v11 =	vld.idx.msk [tilespmem:v11+s8+$0x0], $0xffff;
	v15 =	vor.u32 v15, v63  }
0x10f: {  	v2 =	vadd.f32 v4, v2;
	v4 =	vor.u32 v1, v15;
	v3 =	vmul.f32 v6, v3  }
0x110: {  	v63 =	vand.u32 $0xFFFFF000, v7;
	v5 =	vld.idx.msk [tilespmem:v5+s8+$0x0], $0xffff  }
0x111: {  	v2 =	vadd.f32 v3, v2;
	v3 =	vmul.f32 v63, v10  }
0x112: {  	v63 =	vand.u32 $0xFFFFF000, v8;
	v10 =	vld.idx.msk [tilespmem:v13+s8+$0x0], $0xffff  }
0x113: {  	v2 =	vadd.f32 v3, v2;
	v3 =	vmul.f32 v63, v11  }
0x114: {  	v11 =	vand.u32 $0xFFFFF000, v9;
	v4 =	vld.idx.msk [tilespmem:v4+s8+$0x0], $0xffff  }
0x115: {  	v2 =	vadd.f32 v3, v2;
	v3 =	vmul.f32 v11, v5  }
0x116: {  	v12 =	vand.u32 $0xFFFFF000, v12  }
0x117: {  	v2 =	vadd.f32 v3, v2;
	v3 =	vmul.f32 v12, v10  }
0x118: {  	v13 =	vand.u32 $0xFFFFF000, v14  }
0x119: {  	v2 =	vadd.f32 v3, v2;
	v3 =	vmul.f32 v13, v4;
	_ =	sdelay $0x1  }
0x11a: {  	v2 =	vadd.f32 v3, v2;
	_ =	sdelay $0x1  }
0x11b: {  	v2 =	vmul.f32 $1.250000000e-01, v2;
	_ =	sdelay $0x1  }
0x11c: {  	[tilespmem:$0xC050] =	vst v2  }
0x11d: {  	v2 =	vld.idx.msk [tilespmem:v49+s2+$0x0], $0xffff;
	_ =	sdelay $0x4  }
0x11e: {  	v3 =	vxor.u32 $0xFFFFFFFF, v2  }
0x11f: {  	v3 =	vshll.u32 v3, $0x2  }
0x120: {  	v14 =	vandn.u32 $0x7F, v2;
	v3 =	vand.u32 $0x3E00, v3  }
0x121: {  	v3 =	vor.u32 v3, v14  }
0x122: {  	v63 =	vld.idx.msk [tilespmem:v50+s2+$0x0], $0xffff;
	v3 =	vor.u32 v1, v3;
	_ =	sdelay $0x3  }
0x123: {  	v6 =	vld.idx.msk [tilespmem:v51+s2+$0x0], $0xffff  }
0x124: {  	v11 =	vxor.u32 $0xFFFFFFFF, v63;
	v3 =	vld.idx.msk [tilespmem:v3+s8+$0x0], $0xffff  }
0x125: {  	v7 =	vld.idx.msk [tilespmem:v52+s2+$0x0], $0xffff;
	v5 =	vshll.u32 v11, $0x2  }
0x126: {  	v12 =	vandn.u32 $0x7F, v63;
	v5 =	vand.u32 $0x3E00, v5  }
0x127: {  	v8 =	vld.idx.msk [tilespmem:v53+s2+$0x0], $0xffff;
	v5 =	vor.u32 v5, v12  }
0x128: {  	v2 =	vand.u32 $0xFFFFF000, v2;
	v5 =	vor.u32 v1, v5  }
0x129: {  	v9 =	vld.idx.msk [tilespmem:v54+s2+$0x0], $0xffff;
	v2 =	vmul.f32 v2, v3;
	v3 =	vxor.u32 $0xFFFFFFFF, v6  }
0x12a: {  	v4 =	vand.u32 $0xFFFFF000, v63;
	v13 =	vxor.u32 $0xFFFFFFFF, v7;
	v3 =	vshll.u32 v3, $0x2  }
0x12b: {  	v63 =	vandn.u32 $0x7F, v7;
	v14 =	vandn.u32 $0x7F, v6;
	v3 =	vand.u32 $0x3E00, v3  }
0x12c: {  	v15 =	vandn.u32 $0x7F, v8;
	v10 =	vshll.u32 v13, $0x2;
	v12 =	vld.idx.msk [tilespmem:v55+s2+$0x0], $0xffff;
	v3 =	vor.u32 v3, v14  }
0x12d: {  	v10 =	vand.u32 $0x3E00, v10;
	v5 =	vld.idx.msk [tilespmem:v5+s8+$0x0], $0xffff;
	v14 =	vxor.u32 $0xFFFFFFFF, v8;
	v3 =	vor.u32 v1, v3  }
0x12e: {  	v10 =	vor.u32 v10, v63;
	v63 =	vxor.u32 $0xFFFFFFFF, v9;
	v11 =	vshll.u32 v14, $0x2;
	v14 =	vld.idx.msk [tilespmem:v56+s2+$0x0], $0xffff  }
0x12f: {  	v10 =	vor.u32 v1, v10;
	v13 =	vshll.u32 v63, $0x2;
	v11 =	vand.u32 $0x3E00, v11  }
0x130: {  	v13 =	vand.u32 $0x3E00, v13;
	v11 =	vor.u32 v11, v15;
	v15 =	vandn.u32 $0x7F, v9  }
0x131: {  	v11 =	vor.u32 v1, v11;
	v13 =	vor.u32 v13, v15;
	v15 =	vxor.u32 $0xFFFFFFFF, v12  }
0x132: {  	v4 =	vmul.f32 v4, v5;
	v5 =	vor.u32 v1, v13;
	v63 =	vshll.u32 v15, $0x2;
	v3 =	vld.idx.msk [tilespmem:v3+s8+$0x0], $0xffff  }
0x133: {  	v15 =	vandn.u32 $0x7F, v12;
	v13 =	vand.u32 $0x3E00, v63;
	v63 =	vxor.u32 $0xFFFFFFFF, v14  }
0x134: {  	v10 =	vld.idx.msk [tilespmem:v10+s8+$0x0], $0xffff;
	v2 =	vadd.f32 $0.0e+00, v2;
	v13 =	vor.u32 v13, v15;
	v15 =	vshll.u32 v63, $0x2  }
0x135: {  	v63 =	vandn.u32 $0x7F, v14;
	v13 =	vor.u32 v1, v13;
	v15 =	vand.u32 $0x3E00, v15  }
0x136: {  	v6 =	vand.u32 $0xFFFFF000, v6;
	v11 =	vld.idx.msk [tilespmem:v11+s8+$0x0], $0xffff;
	v15 =	vor.u32 v15, v63  }
0x137: {  	v2 =	vadd.f32 v4, v2;
	v4 =	vor.u32 v1, v15;
	v3 =	vmul.f32 v6, v3  }
0x138: {  	v63 =	vand.u32 $0xFFFFF000, v7;
	v5 =	vld.idx.msk [tilespmem:v5+s8+$0x0], $0xffff  }
0x139: {  	v2 =	vadd.f32 v3, v2;
	v3 =	vmul.f32 v63, v10  }
0x13a: {  	v10 =	vand.u32 $0xFFFFF000, v8;
	v13 =	vld.idx.msk [tilespmem:v13+s8+$0x0], $0xffff  }
0x13b: {  	v2 =	vadd.f32 v3, v2;
	v3 =	vmul.f32 v10, v11  }
0x13c: {  	v63 =	vand.u32 $0xFFFFF000, v9;
	v4 =	vld.idx.msk [tilespmem:v4+s8+$0x0], $0xffff  }
0x13d: {  	v2 =	vadd.f32 v3, v2;
	v3 =	vmul.f32 v63, v5  }
0x13e: {  	v9 =	vand.u32 $0xFFFFF000, v12  }
0x13f: {  	v2 =	vadd.f32 v3, v2;
	v3 =	vmul.f32 v9, v13  }
0x140: {  	v10 =	vand.u32 $0xFFFFF000, v14  }
0x141: {  	v2 =	vadd.f32 v3, v2;
	v3 =	vmul.f32 v10, v4;
	_ =	sdelay $0x1  }
0x142: {  	v2 =	vadd.f32 v3, v2;
	_ =	sdelay $0x1  }
0x143: {  	v2 =	vmul.f32 $1.250000000e-01, v2;
	_ =	sdelay $0x1  }
0x144: {  	[tilespmem:$0xC060] =	vst v2  }
0x145: {  	v2 =	vld.idx.msk [tilespmem:v57+s2+$0x0], $0xffff;
	_ =	sdelay $0x4  }
0x146: {  	v3 =	vxor.u32 $0xFFFFFFFF, v2  }
0x147: {  	v3 =	vshll.u32 v3, $0x2  }
0x148: {  	v11 =	vandn.u32 $0x7F, v2;
	v3 =	vand.u32 $0x3E00, v3  }
0x149: {  	v3 =	vor.u32 v3, v11  }
0x14a: {  	v12 =	vld.idx.msk [tilespmem:v58+s2+$0x0], $0xffff;
	v3 =	vor.u32 v1, v3;
	_ =	sdelay $0x3  }
0x14b: {  	v6 =	vld.idx.msk [tilespmem:v59+s2+$0x0], $0xffff  }
0x14c: {  	v13 =	vxor.u32 $0xFFFFFFFF, v12;
	v3 =	vld.idx.msk [tilespmem:v3+s8+$0x0], $0xffff  }
0x14d: {  	v7 =	vld.idx.msk [tilespmem:v60+s2+$0x0], $0xffff;
	v5 =	vshll.u32 v13, $0x2  }
0x14e: {  	v14 =	vandn.u32 $0x7F, v12;
	v5 =	vand.u32 $0x3E00, v5  }
0x14f: {  	v8 =	vor.u32 $0x3806, v0;
	v5 =	vor.u32 v5, v14  }
0x150: {  	v9 =	vld.idx.msk [tilespmem:v61+s2+$0x0], $0xffff;
	v2 =	vand.u32 $0xFFFFF000, v2;
	v5 =	vor.u32 v1, v5  }
0x151: {  	v10 =	vld.idx.msk [tilespmem:v62+s2+$0x0], $0xffff;
	v11 =	vor.u32 $0x3807, v0;
	v2 =	vmul.f32 v2, v3;
	v3 =	vxor.u32 $0xFFFFFFFF, v6  }
0x152: {  	v4 =	vand.u32 $0xFFFFF000, v12;
	v12 =	vxor.u32 $0xFFFFFFFF, v7;
	v3 =	vshll.u32 v3, $0x2  }
0x153: {  	v63 =	vandn.u32 $0x7F, v6;
	v12 =	vshll.u32 v12, $0x2;
	v3 =	vand.u32 $0x3E00, v3  }
0x154: {  	v8 =	vld.idx.msk [tilespmem:v8+s2+$0x0], $0xffff;
	v12 =	vand.u32 $0x3E00, v12;
	v3 =	vor.u32 v3, v63;
	v63 =	vandn.u32 $0x7F, v7  }
0x155: {  	v5 =	vld.idx.msk [tilespmem:v5+s8+$0x0], $0xffff;
	v3 =	vor.u32 v1, v3;
	v12 =	vor.u32 v12, v63;
	v63 =	vxor.u32 $0xFFFFFFFF, v9  }
0x156: {  	v15 =	vandn.u32 $0x7F, v9;
	v11 =	vld.idx.msk [tilespmem:v11+s2+$0x0], $0xffff;
	v13 =	vshll.u32 v63, $0x2;
	v63 =	vxor.u32 $0xFFFFFFFF, v10  }
0x157: {  	v12 =	vor.u32 v1, v12;
	v13 =	vand.u32 $0x3E00, v13;
	v14 =	vshll.u32 v63, $0x2  }
0x158: {  	v13 =	vor.u32 v13, v15;
	v15 =	vandn.u32 $0x7F, v10;
	v14 =	vand.u32 $0x3E00, v14  }
0x159: {  	v13 =	vor.u32 v1, v13;
	v14 =	vor.u32 v14, v15;
	v15 =	vxor.u32 $0xFFFFFFFF, v8  }
0x15a: {  	v4 =	vmul.f32 v4, v5;
	v3 =	vld.idx.msk [tilespmem:v3+s8+$0x0], $0xffff;
	v5 =	vor.u32 v1, v14;
	v63 =	vshll.u32 v15, $0x2  }
0x15b: {  	v15 =	vandn.u32 $0x7F, v8;
	v14 =	vand.u32 $0x3E00, v63;
	v63 =	vxor.u32 $0xFFFFFFFF, v11  }
0x15c: {  	v2 =	vadd.f32 $0.0e+00, v2;
	v12 =	vld.idx.msk [tilespmem:v12+s8+$0x0], $0xffff;
	v14 =	vor.u32 v14, v15;
	v15 =	vshll.u32 v63, $0x2  }
0x15d: {  	v63 =	vandn.u32 $0x7F, v11;
	v14 =	vor.u32 v1, v14;
	v15 =	vand.u32 $0x3E00, v15  }
0x15e: {  	v6 =	vand.u32 $0xFFFFF000, v6;
	v13 =	vld.idx.msk [tilespmem:v13+s8+$0x0], $0xffff;
	v15 =	vor.u32 v15, v63  }
0x15f: {  	v2 =	vadd.f32 v4, v2;
	v3 =	vmul.f32 v6, v3;
	v4 =	vor.u32 v1, v15  }
0x160: {  	v63 =	vand.u32 $0xFFFFF000, v7;
	v5 =	vld.idx.msk [tilespmem:v5+s8+$0x0], $0xffff  }
0x161: {  	v2 =	vadd.f32 v3, v2;
	v3 =	vmul.f32 v63, v12  }
0x162: {  	v12 =	vand.u32 $0xFFFFF000, v9;
	v14 =	vld.idx.msk [tilespmem:v14+s8+$0x0], $0xffff  }
0x163: {  	v2 =	vadd.f32 v3, v2;
	v3 =	vmul.f32 v12, v13  }
0x164: {  	v63 =	vand.u32 $0xFFFFF000, v10;
	v4 =	vld.idx.msk [tilespmem:v4+s8+$0x0], $0xffff  }
0x165: {  	v2 =	vadd.f32 v3, v2;
	v3 =	vmul.f32 v63, v5  }
0x166: {  	v9 =	vand.u32 $0xFFFFF000, v8  }
0x167: {  	v2 =	vadd.f32 v3, v2;
	v3 =	vmul.f32 v9, v14  }
0x168: {  	v10 =	vand.u32 $0xFFFFF000, v11  }
0x169: {  	v2 =	vadd.f32 v3, v2;
	v3 =	vmul.f32 v10, v4;
	_ =	sdelay $0x1  }
0x16a: {  	v2 =	vadd.f32 v3, v2;
	v3 =	vor.u32 $0x4000, v0;
	_ =	sdelay $0x1  }
0x16b: {  	v2 =	vmul.f32 $1.250000000e-01, v2;
	_ =	sdelay $0x1  }
0x16c: {  	[tilespmem:$0xC070] =	vst v2  }
0x16d: {  	v2 =	vld.idx.msk [tilespmem:v3+s2+$0x0], $0xffff;
	_ =	sdelay $0x3  }
0x16e: {  	v11 =	vor.u32 $0x4001, v0  }
0x16f: {  	v3 =	vxor.u32 $0xFFFFFFFF, v2  }
0x170: {  	v3 =	vshll.u32 v3, $0x2  }
0x171: {  	v12 =	vandn.u32 $0x7F, v2;
	v3 =	vand.u32 $0x3E00, v3  }
0x172: {  	v13 =	vor.u32 $0x4002, v0;
	v3 =	vor.u32 v3, v12  }
0x173: {  	v4 =	vld.idx.msk [tilespmem:v11+s2+$0x0], $0xffff;
	v3 =	vor.u32 v1, v3  }
0x174: {  	v14 =	vor.u32 $0x4003, v0  }
0x175: {  	v63 =	vor.u32 $0x4004, v0;
	_ =	sdelay $0x1  }
0x176: {  	v5 =	vld.idx.msk [tilespmem:v13+s2+$0x0], $0xffff  }
0x177: {  	v13 =	vor.u32 $0x4005, v0;
	v12 =	vxor.u32 $0xFFFFFFFF, v4;
	v3 =	vld.idx.msk [tilespmem:v3+s8+$0x0], $0xffff  }
0x178: {  	v6 =	vld.idx.msk [tilespmem:v14+s2+$0x0], $0xffff;
	v8 =	vshll.u32 v12, $0x2  }
0x179: {  	v7 =	vld.idx.msk [tilespmem:v63+s2+$0x0], $0xffff;
	v14 =	vandn.u32 $0x7F, v4;
	v8 =	vand.u32 $0x3E00, v8  }
0x17a: {  	v10 =	vor.u32 $0x4006, v0;
	v8 =	vor.u32 v8, v14  }
0x17b: {  	v2 =	vand.u32 $0xFFFFF000, v2;
	v8 =	vor.u32 v1, v8  }
0x17c: {  	v11 =	vor.u32 $0x4007, v0;
	v9 =	vld.idx.msk [tilespmem:v13+s2+$0x0], $0xffff;
	v2 =	vmul.f32 v2, v3;
	v3 =	vxor.u32 $0xFFFFFFFF, v5  }
0x17d: {  	v63 =	vandn.u32 $0x7F, v5;
	v12 =	vxor.u32 $0xFFFFFFFF, v6;
	v3 =	vshll.u32 v3, $0x2  }
0x17e: {  	v15 =	vandn.u32 $0x7F, v7;
	v12 =	vshll.u32 v12, $0x2;
	v3 =	vand.u32 $0x3E00, v3  }
0x17f: {  	v10 =	vld.idx.msk [tilespmem:v10+s2+$0x0], $0xffff;
	v12 =	vand.u32 $0x3E00, v12;
	v3 =	vor.u32 v3, v63;
	v63 =	vandn.u32 $0x7F, v6  }
0x180: {  	v8 =	vld.idx.msk [tilespmem:v8+s8+$0x0], $0xffff;
	v3 =	vor.u32 v1, v3;
	v12 =	vor.u32 v12, v63;
	v63 =	vxor.u32 $0xFFFFFFFF, v7  }
0x181: {  	v11 =	vld.idx.msk [tilespmem:v11+s2+$0x0], $0xffff;
	v4 =	vand.u32 $0xFFFFF000, v4;
	v13 =	vshll.u32 v63, $0x2;
	v63 =	vxor.u32 $0xFFFFFFFF, v9  }
0x182: {  	v12 =	vor.u32 v1, v12;
	v13 =	vand.u32 $0x3E00, v13;
	v14 =	vshll.u32 v63, $0x2  }
0x183: {  	v13 =	vor.u32 v13, v15;
	v15 =	vandn.u32 $0x7F, v9;
	v14 =	vand.u32 $0x3E00, v14  }
0x184: {  	v13 =	vor.u32 v1, v13;
	v14 =	vor.u32 v14, v15;
	v15 =	vxor.u32 $0xFFFFFFFF, v10  }
0x185: {  	v4 =	vmul.f32 v4, v8;
	v3 =	vld.idx.msk [tilespmem:v3+s8+$0x0], $0xffff;
	v8 =	vor.u32 v1, v14;
	v63 =	vshll.u32 v15, $0x2  }
0x186: {  	v15 =	vandn.u32 $0x7F, v10;
	v14 =	vand.u32 $0x3E00, v63;
	v63 =	vxor.u32 $0xFFFFFFFF, v11  }
0x187: {  	v2 =	vadd.f32 $0.0e+00, v2;
	v12 =	vld.idx.msk [tilespmem:v12+s8+$0x0], $0xffff;
	v14 =	vor.u32 v14, v15;
	v15 =	vshll.u32 v63, $0x2  }
0x188: {  	v63 =	vandn.u32 $0x7F, v11;
	v14 =	vor.u32 v1, v14;
	v15 =	vand.u32 $0x3E00, v15  }
0x189: {  	v5 =	vand.u32 $0xFFFFF000, v5;
	v13 =	vld.idx.msk [tilespmem:v13+s8+$0x0], $0xffff;
	v15 =	vor.u32 v15, v63  }
0x18a: {  	v2 =	vadd.f32 v4, v2;
	v3 =	vmul.f32 v5, v3;
	v4 =	vor.u32 v1, v15  }
0x18b: {  	v63 =	vand.u32 $0xFFFFF000, v6;
	v6 =	vld.idx.msk [tilespmem:v8+s8+$0x0], $0xffff  }
0x18c: {  	v2 =	vadd.f32 v3, v2;
	v3 =	vmul.f32 v63, v12  }
0x18d: {  	v12 =	vand.u32 $0xFFFFF000, v7;
	v63 =	vld.idx.msk [tilespmem:v14+s8+$0x0], $0xffff  }
0x18e: {  	v2 =	vadd.f32 v3, v2;
	v3 =	vmul.f32 v12, v13  }
0x18f: {  	v8 =	vand.u32 $0xFFFFF000, v9;
	v4 =	vld.idx.msk [tilespmem:v4+s8+$0x0], $0xffff  }
0x190: {  	v2 =	vadd.f32 v3, v2;
	v3 =	vmul.f32 v8, v6  }
0x191: {  	v9 =	vand.u32 $0xFFFFF000, v10  }
0x192: {  	v2 =	vadd.f32 v3, v2;
	v3 =	vmul.f32 v9, v63  }
0x193: {  	v10 =	vand.u32 $0xFFFFF000, v11  }
0x194: {  	v2 =	vadd.f32 v3, v2;
	v3 =	vmul.f32 v10, v4;
	_ =	sdelay $0x1  }
0x195: {  	v2 =	vadd.f32 v3, v2;
	v3 =	vor.u32 $0x4800, v0;
	_ =	sdelay $0x1  }
0x196: {  	v2 =	vmul.f32 $1.250000000e-01, v2;
	_ =	sdelay $0x1  }
0x197: {  	[tilespmem:$0xC080] =	vst v2  }
0x198: {  	v2 =	vld.idx.msk [tilespmem:v3+s2+$0x0], $0xffff;
	_ =	sdelay $0x3  }
0x199: {  	v11 =	vor.u32 $0x4801, v0  }
0x19a: {  	v3 =	vxor.u32 $0xFFFFFFFF, v2  }
0x19b: {  	v3 =	vshll.u32 v3, $0x2  }
0x19c: {  	v12 =	vandn.u32 $0x7F, v2;
	v3 =	vand.u32 $0x3E00, v3  }
0x19d: {  	v13 =	vor.u32 $0x4802, v0;
	v3 =	vor.u32 v3, v12  }
0x19e: {  	v4 =	vld.idx.msk [tilespmem:v11+s2+$0x0], $0xffff;
	v3 =	vor.u32 v1, v3  }
0x19f: {  	v14 =	vor.u32 $0x4803, v0  }
0x1a0: {  	v63 =	vor.u32 $0x4804, v0;
	_ =	sdelay $0x1  }
0x1a1: {  	v5 =	vld.idx.msk [tilespmem:v13+s2+$0x0], $0xffff  }
0x1a2: {  	v13 =	vor.u32 $0x4805, v0;
	v12 =	vxor.u32 $0xFFFFFFFF, v4;
	v3 =	vld.idx.msk [tilespmem:v3+s8+$0x0], $0xffff  }
0x1a3: {  	v6 =	vld.idx.msk [tilespmem:v14+s2+$0x0], $0xffff;
	v8 =	vshll.u32 v12, $0x2  }
0x1a4: {  	v7 =	vld.idx.msk [tilespmem:v63+s2+$0x0], $0xffff;
	v14 =	vandn.u32 $0x7F, v4;
	v8 =	vand.u32 $0x3E00, v8  }
0x1a5: {  	v10 =	vor.u32 $0x4806, v0;
	v8 =	vor.u32 v8, v14  }
0x1a6: {  	v2 =	vand.u32 $0xFFFFF000, v2;
	v8 =	vor.u32 v1, v8  }
0x1a7: {  	v11 =	vor.u32 $0x4807, v0;
	v9 =	vld.idx.msk [tilespmem:v13+s2+$0x0], $0xffff;
	v2 =	vmul.f32 v2, v3;
	v3 =	vxor.u32 $0xFFFFFFFF, v5  }
0x1a8: {  	v63 =	vandn.u32 $0x7F, v5;
	v12 =	vxor.u32 $0xFFFFFFFF, v6;
	v3 =	vshll.u32 v3, $0x2  }
0x1a9: {  	v15 =	vandn.u32 $0x7F, v7;
	v12 =	vshll.u32 v12, $0x2;
	v3 =	vand.u32 $0x3E00, v3  }
0x1aa: {  	v10 =	vld.idx.msk [tilespmem:v10+s2+$0x0], $0xffff;
	v12 =	vand.u32 $0x3E00, v12;
	v3 =	vor.u32 v3, v63;
	v63 =	vandn.u32 $0x7F, v6  }
0x1ab: {  	v8 =	vld.idx.msk [tilespmem:v8+s8+$0x0], $0xffff;
	v3 =	vor.u32 v1, v3;
	v12 =	vor.u32 v12, v63;
	v63 =	vxor.u32 $0xFFFFFFFF, v7  }
0x1ac: {  	v11 =	vld.idx.msk [tilespmem:v11+s2+$0x0], $0xffff;
	v4 =	vand.u32 $0xFFFFF000, v4;
	v13 =	vshll.u32 v63, $0x2;
	v63 =	vxor.u32 $0xFFFFFFFF, v9  }
0x1ad: {  	v12 =	vor.u32 v1, v12;
	v13 =	vand.u32 $0x3E00, v13;
	v14 =	vshll.u32 v63, $0x2  }
0x1ae: {  	v13 =	vor.u32 v13, v15;
	v15 =	vandn.u32 $0x7F, v9;
	v14 =	vand.u32 $0x3E00, v14  }
0x1af: {  	v13 =	vor.u32 v1, v13;
	v14 =	vor.u32 v14, v15;
	v15 =	vxor.u32 $0xFFFFFFFF, v10  }
0x1b0: {  	v4 =	vmul.f32 v4, v8;
	v3 =	vld.idx.msk [tilespmem:v3+s8+$0x0], $0xffff;
	v8 =	vor.u32 v1, v14;
	v63 =	vshll.u32 v15, $0x2  }
0x1b1: {  	v15 =	vandn.u32 $0x7F, v10;
	v14 =	vand.u32 $0x3E00, v63;
	v63 =	vxor.u32 $0xFFFFFFFF, v11  }
0x1b2: {  	v2 =	vadd.f32 $0.0e+00, v2;
	v12 =	vld.idx.msk [tilespmem:v12+s8+$0x0], $0xffff;
	v14 =	vor.u32 v14, v15;
	v15 =	vshll.u32 v63, $0x2  }
0x1b3: {  	v63 =	vandn.u32 $0x7F, v11;
	v14 =	vor.u32 v1, v14;
	v15 =	vand.u32 $0x3E00, v15  }
0x1b4: {  	v5 =	vand.u32 $0xFFFFF000, v5;
	v13 =	vld.idx.msk [tilespmem:v13+s8+$0x0], $0xffff;
	v15 =	vor.u32 v15, v63  }
0x1b5: {  	v2 =	vadd.f32 v4, v2;
	v3 =	vmul.f32 v5, v3;
	v4 =	vor.u32 v1, v15  }
0x1b6: {  	v63 =	vand.u32 $0xFFFFF000, v6;
	v6 =	vld.idx.msk [tilespmem:v8+s8+$0x0], $0xffff  }
0x1b7: {  	v2 =	vadd.f32 v3, v2;
	v3 =	vmul.f32 v63, v12  }
0x1b8: {  	v12 =	vand.u32 $0xFFFFF000, v7;
	v63 =	vld.idx.msk [tilespmem:v14+s8+$0x0], $0xffff  }
0x1b9: {  	v2 =	vadd.f32 v3, v2;
	v3 =	vmul.f32 v12, v13  }
0x1ba: {  	v8 =	vand.u32 $0xFFFFF000, v9;
	v4 =	vld.idx.msk [tilespmem:v4+s8+$0x0], $0xffff  }
0x1bb: {  	v2 =	vadd.f32 v3, v2;
	v3 =	vmul.f32 v8, v6  }
0x1bc: {  	v9 =	vand.u32 $0xFFFFF000, v10  }
0x1bd: {  	v2 =	vadd.f32 v3, v2;
	v3 =	vmul.f32 v9, v63  }
0x1be: {  	v10 =	vand.u32 $0xFFFFF000, v11  }
0x1bf: {  	v2 =	vadd.f32 v3, v2;
	v3 =	vmul.f32 v10, v4;
	_ =	sdelay $0x1  }
0x1c0: {  	v2 =	vadd.f32 v3, v2;
	v3 =	vor.u32 $0x5000, v0;
	_ =	sdelay $0x1  }
0x1c1: {  	v2 =	vmul.f32 $1.250000000e-01, v2;
	_ =	sdelay $0x1  }
0x1c2: {  	[tilespmem:$0xC090] =	vst v2  }
0x1c3: {  	v2 =	vld.idx.msk [tilespmem:v3+s2+$0x0], $0xffff;
	_ =	sdelay $0x3  }
0x1c4: {  	v11 =	vor.u32 $0x5001, v0  }
0x1c5: {  	v3 =	vxor.u32 $0xFFFFFFFF, v2  }
0x1c6: {  	v3 =	vshll.u32 v3, $0x2  }
0x1c7: {  	v12 =	vandn.u32 $0x7F, v2;
	v3 =	vand.u32 $0x3E00, v3  }
0x1c8: {  	v13 =	vor.u32 $0x5002, v0;
	v3 =	vor.u32 v3, v12  }
0x1c9: {  	v4 =	vld.idx.msk [tilespmem:v11+s2+$0x0], $0xffff;
	v3 =	vor.u32 v1, v3  }
0x1ca: {  	v14 =	vor.u32 $0x5003, v0  }
0x1cb: {  	v63 =	vor.u32 $0x5004, v0;
	_ =	sdelay $0x1  }
0x1cc: {  	v5 =	vld.idx.msk [tilespmem:v13+s2+$0x0], $0xffff  }
0x1cd: {  	v13 =	vor.u32 $0x5005, v0;
	v12 =	vxor.u32 $0xFFFFFFFF, v4;
	v3 =	vld.idx.msk [tilespmem:v3+s8+$0x0], $0xffff  }
0x1ce: {  	v6 =	vld.idx.msk [tilespmem:v14+s2+$0x0], $0xffff;
	v8 =	vshll.u32 v12, $0x2  }
0x1cf: {  	v7 =	vld.idx.msk [tilespmem:v63+s2+$0x0], $0xffff;
	v14 =	vandn.u32 $0x7F, v4;
	v8 =	vand.u32 $0x3E00, v8  }
0x1d0: {  	v10 =	vor.u32 $0x5006, v0;
	v8 =	vor.u32 v8, v14  }
0x1d1: {  	v2 =	vand.u32 $0xFFFFF000, v2;
	v8 =	vor.u32 v1, v8  }
0x1d2: {  	v11 =	vor.u32 $0x5007, v0;
	v9 =	vld.idx.msk [tilespmem:v13+s2+$0x0], $0xffff;
	v2 =	vmul.f32 v2, v3;
	v3 =	vxor.u32 $0xFFFFFFFF, v5  }
0x1d3: {  	v63 =	vandn.u32 $0x7F, v5;
	v12 =	vxor.u32 $0xFFFFFFFF, v6;
	v3 =	vshll.u32 v3, $0x2  }
0x1d4: {  	v15 =	vandn.u32 $0x7F, v7;
	v12 =	vshll.u32 v12, $0x2;
	v3 =	vand.u32 $0x3E00, v3  }
0x1d5: {  	v10 =	vld.idx.msk [tilespmem:v10+s2+$0x0], $0xffff;
	v12 =	vand.u32 $0x3E00, v12;
	v3 =	vor.u32 v3, v63;
	v63 =	vandn.u32 $0x7F, v6  }
0x1d6: {  	v8 =	vld.idx.msk [tilespmem:v8+s8+$0x0], $0xffff;
	v3 =	vor.u32 v1, v3;
	v12 =	vor.u32 v12, v63;
	v63 =	vxor.u32 $0xFFFFFFFF, v7  }
0x1d7: {  	v11 =	vld.idx.msk [tilespmem:v11+s2+$0x0], $0xffff;
	v4 =	vand.u32 $0xFFFFF000, v4;
	v13 =	vshll.u32 v63, $0x2;
	v63 =	vxor.u32 $0xFFFFFFFF, v9  }
0x1d8: {  	v12 =	vor.u32 v1, v12;
	v13 =	vand.u32 $0x3E00, v13;
	v14 =	vshll.u32 v63, $0x2  }
0x1d9: {  	v13 =	vor.u32 v13, v15;
	v15 =	vandn.u32 $0x7F, v9;
	v14 =	vand.u32 $0x3E00, v14  }
0x1da: {  	v13 =	vor.u32 v1, v13;
	v14 =	vor.u32 v14, v15;
	v15 =	vxor.u32 $0xFFFFFFFF, v10  }
0x1db: {  	v4 =	vmul.f32 v4, v8;
	v3 =	vld.idx.msk [tilespmem:v3+s8+$0x0], $0xffff;
	v8 =	vor.u32 v1, v14;
	v63 =	vshll.u32 v15, $0x2  }
0x1dc: {  	v15 =	vandn.u32 $0x7F, v10;
	v14 =	vand.u32 $0x3E00, v63;
	v63 =	vxor.u32 $0xFFFFFFFF, v11  }
0x1dd: {  	v2 =	vadd.f32 $0.0e+00, v2;
	v12 =	vld.idx.msk [tilespmem:v12+s8+$0x0], $0xffff;
	v14 =	vor.u32 v14, v15;
	v15 =	vshll.u32 v63, $0x2  }
0x1de: {  	v63 =	vandn.u32 $0x7F, v11;
	v14 =	vor.u32 v1, v14;
	v15 =	vand.u32 $0x3E00, v15  }
0x1df: {  	v5 =	vand.u32 $0xFFFFF000, v5;
	v13 =	vld.idx.msk [tilespmem:v13+s8+$0x0], $0xffff;
	v15 =	vor.u32 v15, v63  }
0x1e0: {  	v2 =	vadd.f32 v4, v2;
	v3 =	vmul.f32 v5, v3;
	v4 =	vor.u32 v1, v15  }
0x1e1: {  	v63 =	vand.u32 $0xFFFFF000, v6;
	v6 =	vld.idx.msk [tilespmem:v8+s8+$0x0], $0xffff  }
0x1e2: {  	v2 =	vadd.f32 v3, v2;
	v3 =	vmul.f32 v63, v12  }
0x1e3: {  	v12 =	vand.u32 $0xFFFFF000, v7;
	v63 =	vld.idx.msk [tilespmem:v14+s8+$0x0], $0xffff  }
0x1e4: {  	v2 =	vadd.f32 v3, v2;
	v3 =	vmul.f32 v12, v13  }
0x1e5: {  	v8 =	vand.u32 $0xFFFFF000, v9;
	v4 =	vld.idx.msk [tilespmem:v4+s8+$0x0], $0xffff  }
0x1e6: {  	v2 =	vadd.f32 v3, v2;
	v3 =	vmul.f32 v8, v6  }
0x1e7: {  	v9 =	vand.u32 $0xFFFFF000, v10  }
0x1e8: {  	v2 =	vadd.f32 v3, v2;
	v3 =	vmul.f32 v9, v63  }
0x1e9: {  	v10 =	vand.u32 $0xFFFFF000, v11  }
0x1ea: {  	v2 =	vadd.f32 v3, v2;
	v3 =	vmul.f32 v10, v4;
	_ =	sdelay $0x1  }
0x1eb: {  	v2 =	vadd.f32 v3, v2;
	v3 =	vor.u32 $0x5800, v0;
	_ =	sdelay $0x1  }
0x1ec: {  	v2 =	vmul.f32 $1.250000000e-01, v2;
	_ =	sdelay $0x1  }
0x1ed: {  	[tilespmem:$0xC0A0] =	vst v2  }
0x1ee: {  	v2 =	vld.idx.msk [tilespmem:v3+s2+$0x0], $0xffff;
	_ =	sdelay $0x3  }
0x1ef: {  	v11 =	vor.u32 $0x5801, v0  }
0x1f0: {  	v3 =	vxor.u32 $0xFFFFFFFF, v2  }
0x1f1: {  	v3 =	vshll.u32 v3, $0x2  }
0x1f2: {  	v12 =	vandn.u32 $0x7F, v2;
	v3 =	vand.u32 $0x3E00, v3  }
0x1f3: {  	v13 =	vor.u32 $0x5802, v0;
	v3 =	vor.u32 v3, v12  }
0x1f4: {  	v4 =	vld.idx.msk [tilespmem:v11+s2+$0x0], $0xffff;
	v3 =	vor.u32 v1, v3  }
0x1f5: {  	v14 =	vor.u32 $0x5803, v0  }
0x1f6: {  	v63 =	vor.u32 $0x5804, v0;
	_ =	sdelay $0x1  }
0x1f7: {  	v5 =	vld.idx.msk [tilespmem:v13+s2+$0x0], $0xffff  }
0x1f8: {  	v13 =	vor.u32 $0x5805, v0;
	v12 =	vxor.u32 $0xFFFFFFFF, v4;
	v3 =	vld.idx.msk [tilespmem:v3+s8+$0x0], $0xffff  }
0x1f9: {  	v6 =	vld.idx.msk [tilespmem:v14+s2+$0x0], $0xffff;
	v8 =	vshll.u32 v12, $0x2  }
0x1fa: {  	v7 =	vld.idx.msk [tilespmem:v63+s2+$0x0], $0xffff;
	v14 =	vandn.u32 $0x7F, v4;
	v8 =	vand.u32 $0x3E00, v8  }
0x1fb: {  	v10 =	vor.u32 $0x5806, v0;
	v8 =	vor.u32 v8, v14  }
0x1fc: {  	v2 =	vand.u32 $0xFFFFF000, v2;
	v8 =	vor.u32 v1, v8  }
0x1fd: {  	v11 =	vor.u32 $0x5807, v0;
	v9 =	vld.idx.msk [tilespmem:v13+s2+$0x0], $0xffff;
	v2 =	vmul.f32 v2, v3;
	v3 =	vxor.u32 $0xFFFFFFFF, v5  }
0x1fe: {  	v63 =	vandn.u32 $0x7F, v5;
	v12 =	vxor.u32 $0xFFFFFFFF, v6;
	v3 =	vshll.u32 v3, $0x2  }
0x1ff: {  	v15 =	vandn.u32 $0x7F, v7;
	v12 =	vshll.u32 v12, $0x2;
	v3 =	vand.u32 $0x3E00, v3  }
0x200: {  	v10 =	vld.idx.msk [tilespmem:v10+s2+$0x0], $0xffff;
	v12 =	vand.u32 $0x3E00, v12;
	v3 =	vor.u32 v3, v63;
	v63 =	vandn.u32 $0x7F, v6  }
0x201: {  	v8 =	vld.idx.msk [tilespmem:v8+s8+$0x0], $0xffff;
	v3 =	vor.u32 v1, v3;
	v12 =	vor.u32 v12, v63;
	v63 =	vxor.u32 $0xFFFFFFFF, v7  }
0x202: {  	v11 =	vld.idx.msk [tilespmem:v11+s2+$0x0], $0xffff;
	v4 =	vand.u32 $0xFFFFF000, v4;
	v13 =	vshll.u32 v63, $0x2;
	v63 =	vxor.u32 $0xFFFFFFFF, v9  }
0x203: {  	v12 =	vor.u32 v1, v12;
	v13 =	vand.u32 $0x3E00, v13;
	v14 =	vshll.u32 v63, $0x2  }
0x204: {  	v13 =	vor.u32 v13, v15;
	v15 =	vandn.u32 $0x7F, v9;
	v14 =	vand.u32 $0x3E00, v14  }
0x205: {  	v13 =	vor.u32 v1, v13;
	v14 =	vor.u32 v14, v15;
	v15 =	vxor.u32 $0xFFFFFFFF, v10  }
0x206: {  	v4 =	vmul.f32 v4, v8;
	v3 =	vld.idx.msk [tilespmem:v3+s8+$0x0], $0xffff;
	v8 =	vor.u32 v1, v14;
	v63 =	vshll.u32 v15, $0x2  }
0x207: {  	v15 =	vandn.u32 $0x7F, v10;
	v14 =	vand.u32 $0x3E00, v63;
	v63 =	vxor.u32 $0xFFFFFFFF, v11  }
0x208: {  	v2 =	vadd.f32 $0.0e+00, v2;
	v12 =	vld.idx.msk [tilespmem:v12+s8+$0x0], $0xffff;
	v14 =	vor.u32 v14, v15;
	v15 =	vshll.u32 v63, $0x2  }
0x209: {  	v63 =	vandn.u32 $0x7F, v11;
	v14 =	vor.u32 v1, v14;
	v15 =	vand.u32 $0x3E00, v15  }
0x20a: {  	v5 =	vand.u32 $0xFFFFF000, v5;
	v13 =	vld.idx.msk [tilespmem:v13+s8+$0x0], $0xffff;
	v15 =	vor.u32 v15, v63  }
0x20b: {  	v2 =	vadd.f32 v4, v2;
	v3 =	vmul.f32 v5, v3;
	v4 =	vor.u32 v1, v15  }
0x20c: {  	v63 =	vand.u32 $0xFFFFF000, v6;
	v6 =	vld.idx.msk [tilespmem:v8+s8+$0x0], $0xffff  }
0x20d: {  	v2 =	vadd.f32 v3, v2;
	v3 =	vmul.f32 v63, v12  }
0x20e: {  	v12 =	vand.u32 $0xFFFFF000, v7;
	v63 =	vld.idx.msk [tilespmem:v14+s8+$0x0], $0xffff  }
0x20f: {  	v2 =	vadd.f32 v3, v2;
	v3 =	vmul.f32 v12, v13  }
0x210: {  	v8 =	vand.u32 $0xFFFFF000, v9;
	v4 =	vld.idx.msk [tilespmem:v4+s8+$0x0], $0xffff  }
0x211: {  	v2 =	vadd.f32 v3, v2;
	v3 =	vmul.f32 v8, v6  }
0x212: {  	v9 =	vand.u32 $0xFFFFF000, v10  }
0x213: {  	v2 =	vadd.f32 v3, v2;
	v3 =	vmul.f32 v9, v63  }
0x214: {  	v10 =	vand.u32 $0xFFFFF000, v11  }
0x215: {  	v2 =	vadd.f32 v3, v2;
	v3 =	vmul.f32 v10, v4;
	_ =	sdelay $0x1  }
0x216: {  	v2 =	vadd.f32 v3, v2;
	v3 =	vor.u32 $0x6000, v0;
	_ =	sdelay $0x1  }
0x217: {  	v2 =	vmul.f32 $1.250000000e-01, v2;
	_ =	sdelay $0x1  }
0x218: {  	[tilespmem:$0xC0B0] =	vst v2  }
0x219: {  	v2 =	vld.idx.msk [tilespmem:v3+s2+$0x0], $0xffff;
	_ =	sdelay $0x3  }
0x21a: {  	v11 =	vor.u32 $0x6001, v0  }
0x21b: {  	v3 =	vxor.u32 $0xFFFFFFFF, v2  }
0x21c: {  	v3 =	vshll.u32 v3, $0x2  }
0x21d: {  	v12 =	vandn.u32 $0x7F, v2;
	v3 =	vand.u32 $0x3E00, v3  }
0x21e: {  	v13 =	vor.u32 $0x6002, v0;
	v3 =	vor.u32 v3, v12  }
0x21f: {  	v4 =	vld.idx.msk [tilespmem:v11+s2+$0x0], $0xffff;
	v3 =	vor.u32 v1, v3  }
0x220: {  	v14 =	vor.u32 $0x6003, v0  }
0x221: {  	v63 =	vor.u32 $0x6004, v0;
	_ =	sdelay $0x1  }
0x222: {  	v5 =	vld.idx.msk [tilespmem:v13+s2+$0x0], $0xffff  }
0x223: {  	v13 =	vor.u32 $0x6005, v0;
	v12 =	vxor.u32 $0xFFFFFFFF, v4;
	v3 =	vld.idx.msk [tilespmem:v3+s8+$0x0], $0xffff  }
0x224: {  	v6 =	vld.idx.msk [tilespmem:v14+s2+$0x0], $0xffff;
	v8 =	vshll.u32 v12, $0x2  }
0x225: {  	v7 =	vld.idx.msk [tilespmem:v63+s2+$0x0], $0xffff;
	v14 =	vandn.u32 $0x7F, v4;
	v8 =	vand.u32 $0x3E00, v8  }
0x226: {  	v10 =	vor.u32 $0x6006, v0;
	v8 =	vor.u32 v8, v14  }
0x227: {  	v2 =	vand.u32 $0xFFFFF000, v2;
	v8 =	vor.u32 v1, v8  }
0x228: {  	v11 =	vor.u32 $0x6007, v0;
	v9 =	vld.idx.msk [tilespmem:v13+s2+$0x0], $0xffff;
	v2 =	vmul.f32 v2, v3;
	v3 =	vxor.u32 $0xFFFFFFFF, v5  }
0x229: {  	v63 =	vandn.u32 $0x7F, v5;
	v12 =	vxor.u32 $0xFFFFFFFF, v6;
	v3 =	vshll.u32 v3, $0x2  }
0x22a: {  	v15 =	vandn.u32 $0x7F, v7;
	v12 =	vshll.u32 v12, $0x2;
	v3 =	vand.u32 $0x3E00, v3  }
0x22b: {  	v10 =	vld.idx.msk [tilespmem:v10+s2+$0x0], $0xffff;
	v12 =	vand.u32 $0x3E00, v12;
	v3 =	vor.u32 v3, v63;
	v63 =	vandn.u32 $0x7F, v6  }
0x22c: {  	v8 =	vld.idx.msk [tilespmem:v8+s8+$0x0], $0xffff;
	v3 =	vor.u32 v1, v3;
	v12 =	vor.u32 v12, v63;
	v63 =	vxor.u32 $0xFFFFFFFF, v7  }
0x22d: {  	v11 =	vld.idx.msk [tilespmem:v11+s2+$0x0], $0xffff;
	v4 =	vand.u32 $0xFFFFF000, v4;
	v13 =	vshll.u32 v63, $0x2;
	v63 =	vxor.u32 $0xFFFFFFFF, v9  }
0x22e: {  	v12 =	vor.u32 v1, v12;
	v13 =	vand.u32 $0x3E00, v13;
	v14 =	vshll.u32 v63, $0x2  }
0x22f: {  	v13 =	vor.u32 v13, v15;
	v15 =	vandn.u32 $0x7F, v9;
	v14 =	vand.u32 $0x3E00, v14  }
0x230: {  	v13 =	vor.u32 v1, v13;
	v14 =	vor.u32 v14, v15;
	v15 =	vxor.u32 $0xFFFFFFFF, v10  }
0x231: {  	v4 =	vmul.f32 v4, v8;
	v3 =	vld.idx.msk [tilespmem:v3+s8+$0x0], $0xffff;
	v8 =	vor.u32 v1, v14;
	v63 =	vshll.u32 v15, $0x2  }
0x232: {  	v15 =	vandn.u32 $0x7F, v10;
	v14 =	vand.u32 $0x3E00, v63;
	v63 =	vxor.u32 $0xFFFFFFFF, v11  }
0x233: {  	v2 =	vadd.f32 $0.0e+00, v2;
	v12 =	vld.idx.msk [tilespmem:v12+s8+$0x0], $0xffff;
	v14 =	vor.u32 v14, v15;
	v15 =	vshll.u32 v63, $0x2  }
0x234: {  	v63 =	vandn.u32 $0x7F, v11;
	v14 =	vor.u32 v1, v14;
	v15 =	vand.u32 $0x3E00, v15  }
0x235: {  	v5 =	vand.u32 $0xFFFFF000, v5;
	v13 =	vld.idx.msk [tilespmem:v13+s8+$0x0], $0xffff;
	v15 =	vor.u32 v15, v63  }
0x236: {  	v2 =	vadd.f32 v4, v2;
	v3 =	vmul.f32 v5, v3;
	v4 =	vor.u32 v1, v15  }
0x237: {  	v63 =	vand.u32 $0xFFFFF000, v6;
	v6 =	vld.idx.msk [tilespmem:v8+s8+$0x0], $0xffff  }
0x238: {  	v2 =	vadd.f32 v3, v2;
	v3 =	vmul.f32 v63, v12  }
0x239: {  	v12 =	vand.u32 $0xFFFFF000, v7;
	v63 =	vld.idx.msk [tilespmem:v14+s8+$0x0], $0xffff  }
0x23a: {  	v2 =	vadd.f32 v3, v2;
	v3 =	vmul.f32 v12, v13  }
0x23b: {  	v8 =	vand.u32 $0xFFFFF000, v9;
	v4 =	vld.idx.msk [tilespmem:v4+s8+$0x0], $0xffff  }
0x23c: {  	v2 =	vadd.f32 v3, v2;
	v3 =	vmul.f32 v8, v6  }
0x23d: {  	v9 =	vand.u32 $0xFFFFF000, v10  }
0x23e: {  	v2 =	vadd.f32 v3, v2;
	v3 =	vmul.f32 v9, v63  }
0x23f: {  	v10 =	vand.u32 $0xFFFFF000, v11  }
0x240: {  	v2 =	vadd.f32 v3, v2;
	v3 =	vmul.f32 v10, v4;
	_ =	sdelay $0x1  }
0x241: {  	v2 =	vadd.f32 v3, v2;
	v3 =	vor.u32 $0x6800, v0;
	_ =	sdelay $0x1  }
0x242: {  	v2 =	vmul.f32 $1.250000000e-01, v2;
	_ =	sdelay $0x1  }
0x243: {  	[tilespmem:$0xC0C0] =	vst v2  }
0x244: {  	v2 =	vld.idx.msk [tilespmem:v3+s2+$0x0], $0xffff;
	_ =	sdelay $0x3  }
0x245: {  	v11 =	vor.u32 $0x6801, v0  }
0x246: {  	v3 =	vxor.u32 $0xFFFFFFFF, v2  }
0x247: {  	v3 =	vshll.u32 v3, $0x2  }
0x248: {  	v12 =	vandn.u32 $0x7F, v2;
	v3 =	vand.u32 $0x3E00, v3  }
0x249: {  	v13 =	vor.u32 $0x6802, v0;
	v3 =	vor.u32 v3, v12  }
0x24a: {  	v4 =	vld.idx.msk [tilespmem:v11+s2+$0x0], $0xffff;
	v3 =	vor.u32 v1, v3  }
0x24b: {  	v14 =	vor.u32 $0x6803, v0  }
0x24c: {  	v63 =	vor.u32 $0x6804, v0;
	_ =	sdelay $0x1  }
0x24d: {  	v5 =	vld.idx.msk [tilespmem:v13+s2+$0x0], $0xffff  }
0x24e: {  	v13 =	vor.u32 $0x6805, v0;
	v12 =	vxor.u32 $0xFFFFFFFF, v4;
	v3 =	vld.idx.msk [tilespmem:v3+s8+$0x0], $0xffff  }
0x24f: {  	v6 =	vld.idx.msk [tilespmem:v14+s2+$0x0], $0xffff;
	v8 =	vshll.u32 v12, $0x2  }
0x250: {  	v7 =	vld.idx.msk [tilespmem:v63+s2+$0x0], $0xffff;
	v14 =	vandn.u32 $0x7F, v4;
	v8 =	vand.u32 $0x3E00, v8  }
0x251: {  	v10 =	vor.u32 $0x6806, v0;
	v8 =	vor.u32 v8, v14  }
0x252: {  	v2 =	vand.u32 $0xFFFFF000, v2;
	v8 =	vor.u32 v1, v8  }
0x253: {  	v11 =	vor.u32 $0x6807, v0;
	v9 =	vld.idx.msk [tilespmem:v13+s2+$0x0], $0xffff;
	v2 =	vmul.f32 v2, v3;
	v3 =	vxor.u32 $0xFFFFFFFF, v5  }
0x254: {  	v63 =	vandn.u32 $0x7F, v5;
	v12 =	vxor.u32 $0xFFFFFFFF, v6;
	v3 =	vshll.u32 v3, $0x2  }
0x255: {  	v15 =	vandn.u32 $0x7F, v7;
	v12 =	vshll.u32 v12, $0x2;
	v3 =	vand.u32 $0x3E00, v3  }
0x256: {  	v10 =	vld.idx.msk [tilespmem:v10+s2+$0x0], $0xffff;
	v12 =	vand.u32 $0x3E00, v12;
	v3 =	vor.u32 v3, v63;
	v63 =	vandn.u32 $0x7F, v6  }
0x257: {  	v8 =	vld.idx.msk [tilespmem:v8+s8+$0x0], $0xffff;
	v3 =	vor.u32 v1, v3;
	v12 =	vor.u32 v12, v63;
	v63 =	vxor.u32 $0xFFFFFFFF, v7  }
0x258: {  	v11 =	vld.idx.msk [tilespmem:v11+s2+$0x0], $0xffff;
	v4 =	vand.u32 $0xFFFFF000, v4;
	v13 =	vshll.u32 v63, $0x2;
	v63 =	vxor.u32 $0xFFFFFFFF, v9  }
0x259: {  	v12 =	vor.u32 v1, v12;
	v13 =	vand.u32 $0x3E00, v13;
	v14 =	vshll.u32 v63, $0x2  }
0x25a: {  	v13 =	vor.u32 v13, v15;
	v15 =	vandn.u32 $0x7F, v9;
	v14 =	vand.u32 $0x3E00, v14  }
0x25b: {  	v13 =	vor.u32 v1, v13;
	v14 =	vor.u32 v14, v15;
	v15 =	vxor.u32 $0xFFFFFFFF, v10  }
0x25c: {  	v4 =	vmul.f32 v4, v8;
	v3 =	vld.idx.msk [tilespmem:v3+s8+$0x0], $0xffff;
	v8 =	vor.u32 v1, v14;
	v63 =	vshll.u32 v15, $0x2  }
0x25d: {  	v15 =	vandn.u32 $0x7F, v10;
	v14 =	vand.u32 $0x3E00, v63;
	v63 =	vxor.u32 $0xFFFFFFFF, v11  }
0x25e: {  	v2 =	vadd.f32 $0.0e+00, v2;
	v12 =	vld.idx.msk [tilespmem:v12+s8+$0x0], $0xffff;
	v14 =	vor.u32 v14, v15;
	v15 =	vshll.u32 v63, $0x2  }
0x25f: {  	v63 =	vandn.u32 $0x7F, v11;
	v14 =	vor.u32 v1, v14;
	v15 =	vand.u32 $0x3E00, v15  }
0x260: {  	v5 =	vand.u32 $0xFFFFF000, v5;
	v13 =	vld.idx.msk [tilespmem:v13+s8+$0x0], $0xffff;
	v15 =	vor.u32 v15, v63  }
0x261: {  	v2 =	vadd.f32 v4, v2;
	v3 =	vmul.f32 v5, v3;
	v4 =	vor.u32 v1, v15  }
0x262: {  	v63 =	vand.u32 $0xFFFFF000, v6;
	v6 =	vld.idx.msk [tilespmem:v8+s8+$0x0], $0xffff  }
0x263: {  	v2 =	vadd.f32 v3, v2;
	v3 =	vmul.f32 v63, v12  }
0x264: {  	v12 =	vand.u32 $0xFFFFF000, v7;
	v63 =	vld.idx.msk [tilespmem:v14+s8+$0x0], $0xffff  }
0x265: {  	v2 =	vadd.f32 v3, v2;
	v3 =	vmul.f32 v12, v13  }
0x266: {  	v8 =	vand.u32 $0xFFFFF000, v9;
	v4 =	vld.idx.msk [tilespmem:v4+s8+$0x0], $0xffff  }
0x267: {  	v2 =	vadd.f32 v3, v2;
	v3 =	vmul.f32 v8, v6  }
0x268: {  	v9 =	vand.u32 $0xFFFFF000, v10  }
0x269: {  	v2 =	vadd.f32 v3, v2;
	v3 =	vmul.f32 v9, v63  }
0x26a: {  	v10 =	vand.u32 $0xFFFFF000, v11  }
0x26b: {  	v2 =	vadd.f32 v3, v2;
	v3 =	vmul.f32 v10, v4;
	_ =	sdelay $0x1  }
0x26c: {  	v2 =	vadd.f32 v3, v2;
	v3 =	vor.u32 $0x7000, v0;
	_ =	sdelay $0x1  }
0x26d: {  	v2 =	vmul.f32 $1.250000000e-01, v2;
	_ =	sdelay $0x1  }
0x26e: {  	[tilespmem:$0xC0D0] =	vst v2  }
0x26f: {  	v2 =	vld.idx.msk [tilespmem:v3+s2+$0x0], $0xffff;
	_ =	sdelay $0x3  }
0x270: {  	v11 =	vor.u32 $0x7001, v0  }
0x271: {  	v3 =	vxor.u32 $0xFFFFFFFF, v2  }
0x272: {  	v3 =	vshll.u32 v3, $0x2  }
0x273: {  	v12 =	vandn.u32 $0x7F, v2;
	v3 =	vand.u32 $0x3E00, v3  }
0x274: {  	v13 =	vor.u32 $0x7002, v0;
	v3 =	vor.u32 v3, v12  }
0x275: {  	v4 =	vld.idx.msk [tilespmem:v11+s2+$0x0], $0xffff;
	v3 =	vor.u32 v1, v3  }
0x276: {  	v14 =	vor.u32 $0x7003, v0  }
0x277: {  	v63 =	vor.u32 $0x7004, v0;
	_ =	sdelay $0x1  }
0x278: {  	v5 =	vld.idx.msk [tilespmem:v13+s2+$0x0], $0xffff  }
0x279: {  	v13 =	vor.u32 $0x7005, v0;
	v12 =	vxor.u32 $0xFFFFFFFF, v4;
	v3 =	vld.idx.msk [tilespmem:v3+s8+$0x0], $0xffff  }
0x27a: {  	v6 =	vld.idx.msk [tilespmem:v14+s2+$0x0], $0xffff;
	v8 =	vshll.u32 v12, $0x2  }
0x27b: {  	v7 =	vld.idx.msk [tilespmem:v63+s2+$0x0], $0xffff;
	v14 =	vandn.u32 $0x7F, v4;
	v8 =	vand.u32 $0x3E00, v8  }
0x27c: {  	v10 =	vor.u32 $0x7006, v0;
	v8 =	vor.u32 v8, v14  }
0x27d: {  	v2 =	vand.u32 $0xFFFFF000, v2;
	v8 =	vor.u32 v1, v8  }
0x27e: {  	v11 =	vor.u32 $0x7007, v0;
	v9 =	vld.idx.msk [tilespmem:v13+s2+$0x0], $0xffff;
	v2 =	vmul.f32 v2, v3;
	v3 =	vxor.u32 $0xFFFFFFFF, v5  }
0x27f: {  	v63 =	vandn.u32 $0x7F, v5;
	v12 =	vxor.u32 $0xFFFFFFFF, v6;
	v3 =	vshll.u32 v3, $0x2  }
0x280: {  	v15 =	vandn.u32 $0x7F, v7;
	v12 =	vshll.u32 v12, $0x2;
	v3 =	vand.u32 $0x3E00, v3  }
0x281: {  	v10 =	vld.idx.msk [tilespmem:v10+s2+$0x0], $0xffff;
	v12 =	vand.u32 $0x3E00, v12;
	v3 =	vor.u32 v3, v63;
	v63 =	vandn.u32 $0x7F, v6  }
0x282: {  	v8 =	vld.idx.msk [tilespmem:v8+s8+$0x0], $0xffff;
	v3 =	vor.u32 v1, v3;
	v12 =	vor.u32 v12, v63;
	v63 =	vxor.u32 $0xFFFFFFFF, v7  }
0x283: {  	v11 =	vld.idx.msk [tilespmem:v11+s2+$0x0], $0xffff;
	v4 =	vand.u32 $0xFFFFF000, v4;
	v13 =	vshll.u32 v63, $0x2;
	v63 =	vxor.u32 $0xFFFFFFFF, v9  }
0x284: {  	v12 =	vor.u32 v1, v12;
	v13 =	vand.u32 $0x3E00, v13;
	v14 =	vshll.u32 v63, $0x2  }
0x285: {  	v13 =	vor.u32 v13, v15;
	v15 =	vandn.u32 $0x7F, v9;
	v14 =	vand.u32 $0x3E00, v14  }
0x286: {  	v13 =	vor.u32 v1, v13;
	v14 =	vor.u32 v14, v15;
	v15 =	vxor.u32 $0xFFFFFFFF, v10  }
0x287: {  	v4 =	vmul.f32 v4, v8;
	v3 =	vld.idx.msk [tilespmem:v3+s8+$0x0], $0xffff;
	v8 =	vor.u32 v1, v14;
	v63 =	vshll.u32 v15, $0x2  }
0x288: {  	v15 =	vandn.u32 $0x7F, v10;
	v14 =	vand.u32 $0x3E00, v63;
	v63 =	vxor.u32 $0xFFFFFFFF, v11  }
0x289: {  	v2 =	vadd.f32 $0.0e+00, v2;
	v12 =	vld.idx.msk [tilespmem:v12+s8+$0x0], $0xffff;
	v14 =	vor.u32 v14, v15;
	v15 =	vshll.u32 v63, $0x2  }
0x28a: {  	v63 =	vandn.u32 $0x7F, v11;
	v14 =	vor.u32 v1, v14;
	v15 =	vand.u32 $0x3E00, v15  }
0x28b: {  	v5 =	vand.u32 $0xFFFFF000, v5;
	v13 =	vld.idx.msk [tilespmem:v13+s8+$0x0], $0xffff;
	v15 =	vor.u32 v15, v63  }
0x28c: {  	v2 =	vadd.f32 v4, v2;
	v3 =	vmul.f32 v5, v3;
	v4 =	vor.u32 v1, v15  }
0x28d: {  	v63 =	vand.u32 $0xFFFFF000, v6;
	v6 =	vld.idx.msk [tilespmem:v8+s8+$0x0], $0xffff  }
0x28e: {  	v2 =	vadd.f32 v3, v2;
	v3 =	vmul.f32 v63, v12  }
0x28f: {  	v12 =	vand.u32 $0xFFFFF000, v7;
	v63 =	vld.idx.msk [tilespmem:v14+s8+$0x0], $0xffff  }
0x290: {  	v2 =	vadd.f32 v3, v2;
	v3 =	vmul.f32 v12, v13  }
0x291: {  	v8 =	vand.u32 $0xFFFFF000, v9;
	v4 =	vld.idx.msk [tilespmem:v4+s8+$0x0], $0xffff  }
0x292: {  	v2 =	vadd.f32 v3, v2;
	v3 =	vmul.f32 v8, v6  }
0x293: {  	v9 =	vand.u32 $0xFFFFF000, v10  }
0x294: {  	v2 =	vadd.f32 v3, v2;
	v3 =	vmul.f32 v9, v63  }
0x295: {  	v10 =	vand.u32 $0xFFFFF000, v11  }
0x296: {  	v2 =	vadd.f32 v3, v2;
	v3 =	vmul.f32 v10, v4;
	_ =	sdelay $0x1  }
0x297: {  	v2 =	vadd.f32 v3, v2;
	v3 =	vor.u32 $0x7800, v0;
	_ =	sdelay $0x1  }
0x298: {  	v2 =	vmul.f32 $1.250000000e-01, v2;
	_ =	sdelay $0x1  }
0x299: {  	[tilespmem:$0xC0E0] =	vst v2  }
0x29a: {  	v2 =	vld.idx.msk [tilespmem:v3+s2+$0x0], $0xffff;
	_ =	sdelay $0x3  }
0x29b: {  	v11 =	vor.u32 $0x7801, v0  }
0x29c: {  	v3 =	vxor.u32 $0xFFFFFFFF, v2  }
0x29d: {  	v3 =	vshll.u32 v3, $0x2  }
0x29e: {  	v12 =	vandn.u32 $0x7F, v2;
	v3 =	vand.u32 $0x3E00, v3  }
0x29f: {  	v13 =	vor.u32 $0x7802, v0;
	v3 =	vor.u32 v3, v12  }
0x2a0: {  	v4 =	vld.idx.msk [tilespmem:v11+s2+$0x0], $0xffff;
	v3 =	vor.u32 v1, v3  }
0x2a1: {  	v14 =	vor.u32 $0x7803, v0  }
0x2a2: {  	v63 =	vor.u32 $0x7804, v0;
	_ =	sdelay $0x1  }
0x2a3: {  	v5 =	vld.idx.msk [tilespmem:v13+s2+$0x0], $0xffff  }
0x2a4: {  	v13 =	vor.u32 $0x7805, v0;
	v12 =	vxor.u32 $0xFFFFFFFF, v4;
	v3 =	vld.idx.msk [tilespmem:v3+s8+$0x0], $0xffff  }
0x2a5: {  	v6 =	vld.idx.msk [tilespmem:v14+s2+$0x0], $0xffff;
	v8 =	vshll.u32 v12, $0x2  }
0x2a6: {  	v7 =	vld.idx.msk [tilespmem:v63+s2+$0x0], $0xffff;
	v14 =	vandn.u32 $0x7F, v4;
	v8 =	vand.u32 $0x3E00, v8  }
0x2a7: {  	v10 =	vor.u32 $0x7806, v0;
	v8 =	vor.u32 v8, v14  }
0x2a8: {  	v2 =	vand.u32 $0xFFFFF000, v2;
	v8 =	vor.u32 v1, v8  }
0x2a9: {  	v11 =	vor.u32 $0x7807, v0;
	v9 =	vld.idx.msk [tilespmem:v13+s2+$0x0], $0xffff;
	v2 =	vmul.f32 v2, v3;
	v3 =	vxor.u32 $0xFFFFFFFF, v5  }
0x2aa: {  	v63 =	vandn.u32 $0x7F, v5;
	v12 =	vxor.u32 $0xFFFFFFFF, v6;
	v3 =	vshll.u32 v3, $0x2  }
0x2ab: {  	v15 =	vandn.u32 $0x7F, v7;
	v12 =	vshll.u32 v12, $0x2;
	v3 =	vand.u32 $0x3E00, v3  }
0x2ac: {  	v10 =	vld.idx.msk [tilespmem:v10+s2+$0x0], $0xffff;
	v12 =	vand.u32 $0x3E00, v12;
	v3 =	vor.u32 v3, v63;
	v63 =	vandn.u32 $0x7F, v6  }
0x2ad: {  	v8 =	vld.idx.msk [tilespmem:v8+s8+$0x0], $0xffff;
	v3 =	vor.u32 v1, v3;
	v12 =	vor.u32 v12, v63;
	v63 =	vxor.u32 $0xFFFFFFFF, v7  }
0x2ae: {  	v11 =	vld.idx.msk [tilespmem:v11+s2+$0x0], $0xffff;
	v4 =	vand.u32 $0xFFFFF000, v4;
	v13 =	vshll.u32 v63, $0x2;
	v63 =	vxor.u32 $0xFFFFFFFF, v9  }
0x2af: {  	v12 =	vor.u32 v1, v12;
	v13 =	vand.u32 $0x3E00, v13;
	v14 =	vshll.u32 v63, $0x2  }
0x2b0: {  	v13 =	vor.u32 v13, v15;
	v15 =	vandn.u32 $0x7F, v9;
	v14 =	vand.u32 $0x3E00, v14  }
0x2b1: {  	v13 =	vor.u32 v1, v13;
	v14 =	vor.u32 v14, v15;
	v15 =	vxor.u32 $0xFFFFFFFF, v10  }
0x2b2: {  	v4 =	vmul.f32 v4, v8;
	v3 =	vld.idx.msk [tilespmem:v3+s8+$0x0], $0xffff;
	v8 =	vor.u32 v1, v14;
	v63 =	vshll.u32 v15, $0x2  }
0x2b3: {  	v15 =	vandn.u32 $0x7F, v10;
	v14 =	vand.u32 $0x3E00, v63;
	v63 =	vxor.u32 $0xFFFFFFFF, v11  }
0x2b4: {  	v2 =	vadd.f32 $0.0e+00, v2;
	v12 =	vld.idx.msk [tilespmem:v12+s8+$0x0], $0xffff;
	v14 =	vor.u32 v14, v15;
	v15 =	vshll.u32 v63, $0x2  }
0x2b5: {  	v63 =	vandn.u32 $0x7F, v11;
	v14 =	vor.u32 v1, v14;
	v15 =	vand.u32 $0x3E00, v15  }
0x2b6: {  	v5 =	vand.u32 $0xFFFFF000, v5;
	v15 =	vor.u32 v15, v63;
	v13 =	vld.idx.msk [tilespmem:v13+s8+$0x0], $0xffff  }
0x2b7: {  	v2 =	vadd.f32 v4, v2;
	v3 =	vmul.f32 v5, v3;
	v4 =	vor.u32 v1, v15  }
0x2b8: {  	v63 =	vand.u32 $0xFFFFF000, v6;
	v6 =	vld.idx.msk [tilespmem:v8+s8+$0x0], $0xffff  }
0x2b9: {  	v2 =	vadd.f32 v3, v2;
	v3 =	vmul.f32 v63, v12  }
0x2ba: {  	v63 =	vand.u32 $0xFFFFF000, v7;
	v12 =	vld.idx.msk [tilespmem:v14+s8+$0x0], $0xffff  }
0x2bb: {  	v2 =	vadd.f32 v3, v2;
	v3 =	vmul.f32 v63, v13  }
0x2bc: {  	v13 =	vand.u32 $0xFFFFF000, v9;
	v4 =	vld.idx.msk [tilespmem:v4+s8+$0x0], $0xffff  }
0x2bd: {  	v2 =	vadd.f32 v3, v2;
	v3 =	vmul.f32 v13, v6  }
0x2be: {  	v14 =	vand.u32 $0xFFFFF000, v10  }
0x2bf: {  	v2 =	vadd.f32 v3, v2;
	v3 =	vmul.f32 v14, v12  }
0x2c0: {  	v63 =	vand.u32 $0xFFFFF000, v11  }
0x2c1: {  	v2 =	vadd.f32 v3, v2;
	v3 =	vmul.f32 v63, v4;
	_ =	sdelay $0x1  }
0x2c2: {  	v2 =	vadd.f32 v3, v2;
	_ =	sdelay $0x1  }
0x2c3: {  	v2 =	vmul.f32 $1.250000000e-01, v2  }
0x2c4: {  	p0 =	sne.s32 s6, $0x1  }
.Ltmp0:
0x2c5: {  	[tilespmem:$0xC0F0] =	vst v2;
	(pc) =	sbr.rel @p0 .LBB2_1-.Ltmp0, $4  }
0x2c6: {  	[hbm4b:s5+s2] =	stream.linear.scatter [tilespmem:s9], [sflag:$0x1], $0x100, $0x38;
	[tilespmem:$0xC100] =	vst v63  }
0x2c7: {  	_ =	swait.ge [sflag:s7], $0x100  }
0x2c8: {  	[sflag:s7] =	ssyncset.done $0x0  }
0x2c9: {  	s6 =	sadd.s32 $0xFFFFFFFF, s6;
	[sflag:s7] =	ssyncadd.s32 $0xFFFFFF00  }
0x2ca: {  	_ =	sfence.sel $0x180000  }
0x2cb: {  	[bflag:$0x0] =	sbarrier.arrive $0xFFFF  }
0x2cc: {  	p0 =	sne.s32 s1, $0x0;
	_ =	strace $0x90000047  }
0x2cd: {  	s0 =	sadd.s32 @!p0 $0x100000, s0;
	[bflag:$0x2] =	sbarrier.arrive $0xFFFF  }
0x2ce: {  	[sflag:s0] =	ssyncadd.tile.s32 @!p0 $0x1;
	_ =	shalt  }
.Lfunc_end2:
_tile_overlayer_lowered:
.L_overlay_start_2:
0x2cf: {  	(tag) =	ssettag $0x2  }
0x2d0: {  	s0 =	rddreg [dreg:$0x0];
	s2 =	stileid.u32  }
0x2d1: {  	s1 =	rddreg [dreg:$0x1];
	p0 =	sne.s32 s2, $0x0  }
0x2d2: {  	s3 =	rddreg [dreg:$0x2];
	[bflag:$0x3] =	sbarrier.arrive $0xFFFF;
	s2 =	simm.s32 @!p0 $0x1C01  }
0x2d3: {  	[timem:s3], [sflag:s2] =	dma.local @!p0 [hbm:s0], s1  }
0x2d4: {  	s0 =	simm.s32 @!p0 $0x1  }
0x2d5: {  	_ =	swait.ge @!p0 [sflag:s0], s1  }
0x2d6: {  	s1 =	ssub.s32 @!p0 $0x0, s1;
	[sflag:s0] =	ssyncset.done @!p0 $0x0  }
0x2d7: {  	[sflag:s0] =	ssyncadd.s32 @!p0 s1  }
0x2d8: {  	[bflag:$0x3] =	sbarrier.arrive $0xFFFF  }
0x2d9: {  	_ =	shalt  }

</sc_bundles>
